<compile_context>
chip_gen: v7x
topology: tpu7x:2x2x1
jax: 0.10.2.dev20260603
libtpu: 0.0.44.dev20260713+nightly
codegen_flags: <defaults>
</compile_context>

<pallas_src>
import functools
import jax
import jax.numpy as jnp
from jax import lax
from jax.experimental import pallas as pl
from jax.experimental.pallas import tpu as pltpu
from jax.experimental.pallas import tpu_sc as plsc

N_NODES = 10000
N_PAD = 10240
E_TOTAL = 320000
NC, NS = 2, 16
NW = NC * NS
L = 16



def _pack_body(e_ref, p_ref):
    p_ref[...] = e_ref[0:1, :] * 32768 + e_ref[1:2, :]


def _pack_edges(edge_index):
    E = edge_index.shape[1]
    blk = 2560
    return pl.pallas_call(
        _pack_body,
        grid=(E // blk,),
        in_specs=[pl.BlockSpec((2, blk), lambda i: (0, i))],
        out_specs=pl.BlockSpec((1, blk), lambda i: (0, i)),
        out_shape=jax.ShapeDtypeStruct((1, E), jnp.int32),
    )(edge_index)


def _proj1_body(xT_ref, wT_ref, alT_ref, arT_ref, fT_ref, elT_ref, erT_ref):
    fT = jnp.dot(wT_ref[...], xT_ref[...], preferred_element_type=jnp.float32)
    fT_ref[...] = fT
    elT_ref[...] = jnp.dot(alT_ref[...], fT, preferred_element_type=jnp.float32)
    erT_ref[...] = jnp.dot(arT_ref[...], fT, preferred_element_type=jnp.float32)


def _tc_proj1(xT, W1T, AL1T, AR1T):
    blk = 512
    g = N_PAD // blk
    return pl.pallas_call(
        _proj1_body,
        grid=(g,),
        in_specs=[
            pl.BlockSpec((128, blk), lambda i: (0, i)),
            pl.BlockSpec((256, 128), lambda i: (0, 0)),
            pl.BlockSpec((4, 256), lambda i: (0, 0)),
            pl.BlockSpec((4, 256), lambda i: (0, 0)),
        ],
        out_specs=[
            pl.BlockSpec((256, blk), lambda i: (0, i)),
            pl.BlockSpec((4, blk), lambda i: (0, i)),
            pl.BlockSpec((4, blk), lambda i: (0, i)),
        ],
        out_shape=[
            jax.ShapeDtypeStruct((256, N_PAD), jnp.float32),
            jax.ShapeDtypeStruct((4, N_PAD), jnp.float32),
            jax.ShapeDtypeStruct((4, N_PAD), jnp.float32),
        ],
    )(xT, W1T, AL1T, AR1T)


def _mid_body(o1T_ref, dP_ref, w2T_ref, al2T_ref, ar2T_ref, b1_ref,
              f2T_ref, el2T_ref, er2T_ref):
    den = jnp.sum(dP_ref[...].reshape(4, 8, o1T_ref.shape[1]), axis=1)
    x = o1T_ref[...].reshape(4, 64, o1T_ref.shape[1]) / (den[:, None, :] + 1e-16)
    x = x.reshape(256, o1T_ref.shape[1]) + b1_ref[...]
    h1T = jnp.where(x > 0, x, jnp.exp(x) - 1.0)
    f2T = jnp.dot(w2T_ref[...], h1T, preferred_element_type=jnp.float32)
    f2T_ref[...] = f2T
    el2T_ref[...] = jnp.dot(al2T_ref[...], f2T, preferred_element_type=jnp.float32)
    er2T_ref[...] = jnp.dot(ar2T_ref[...], f2T, preferred_element_type=jnp.float32)


def _tc_mid(out1T, denP1, W2T, AL2T, AR2T, b1col):
    blk = 512
    g = N_PAD // blk
    return pl.pallas_call(
        _mid_body,
        grid=(g,),
        in_specs=[
            pl.BlockSpec((256, blk), lambda i: (0, i)),
            pl.BlockSpec((32, blk), lambda i: (0, i)),
            pl.BlockSpec((48, 256), lambda i: (0, 0)),
            pl.BlockSpec((1, 48), lambda i: (0, 0)),
            pl.BlockSpec((1, 48), lambda i: (0, 0)),
            pl.BlockSpec((256, 1), lambda i: (0, 0)),
        ],
        out_specs=[
            pl.BlockSpec((48, blk), lambda i: (0, i)),
            pl.BlockSpec((1, blk), lambda i: (0, i)),
            pl.BlockSpec((1, blk), lambda i: (0, i)),
        ],
        out_shape=[
            jax.ShapeDtypeStruct((48, N_PAD), jnp.float32),
            jax.ShapeDtypeStruct((1, N_PAD), jnp.float32),
            jax.ShapeDtypeStruct((1, N_PAD), jnp.float32),
        ],
    )(out1T, denP1, W2T, AL2T, AR2T, b1col)


def _final_body(o2T_ref, dP_ref, b2_ref, out_ref):
    den = jnp.sum(dP_ref[...], axis=0, keepdims=True)
    out_ref[...] = o2T_ref[...] / (den + 1e-16) + b2_ref[...]


def _tc_final(out2T, denP2, b2col):
    blk = 512
    g = N_PAD // blk
    return pl.pallas_call(
        _final_body,
        grid=(g,),
        in_specs=[
            pl.BlockSpec((48, blk), lambda i: (0, i)),
            pl.BlockSpec((32, blk), lambda i: (0, i)),
            pl.BlockSpec((48, 1), lambda i: (0, 0)),
        ],
        out_specs=pl.BlockSpec((48, blk), lambda i: (0, i)),
        out_shape=jax.ShapeDtypeStruct((48, N_PAD), jnp.float32),
    )(out2T, denP2, b2col)



@functools.lru_cache(maxsize=None)
def _mesh():
    return plsc.VectorSubcoreMesh(
        core_axis_name="c", subcore_axis_name="s",
        num_cores=NC, num_subcores=NS)


def _worker_id():
    return lax.axis_index("s") * NC + lax.axis_index("c")


def _zero_vmem(ref, n):
    z = jnp.zeros((L,), jnp.float32)

    def zb(i, _):
        ref[pl.ds(i * L, L)] = z
        return 0

    lax.fori_loop(0, n // L, zb, 0)


def _make_sc_stage1(H, NJ, CH):
    EPW = E_TOTAL // NJ

    @functools.partial(
        pl.kernel,
        mesh=_mesh(),
        compiler_params=pltpu.CompilerParams(needs_layout_passes=False),
        out_type=[
            jax.ShapeDtypeStruct((H * E_TOTAL,), jnp.float32),
            jax.ShapeDtypeStruct((H * NJ, N_PAD), jnp.float32),
        ],
        scratch_types=[
            pltpu.VMEM((N_PAD,), jnp.float32),
            pltpu.VMEM((N_PAD,), jnp.float32),
            pltpu.VMEM((N_PAD,), jnp.float32),
            pltpu.VMEM((CH,), jnp.int32),
            pltpu.VMEM((CH,), jnp.float32),
        ],
    )
    def stage1(packed, elT, erT, ee_out, denP, el_v, er_v, den_v, pk_v, ee_v):
        wid = _worker_id()
        h = wid // NJ
        j = wid % NJ
        pltpu.sync_copy(elT.at[h], el_v)
        pltpu.sync_copy(erT.at[h], er_v)
        _zero_vmem(den_v, N_PAD)
        base = j * EPW

        def chunk_body(ci, _):
            off = base + ci * CH
            pltpu.sync_copy(packed.at[pl.ds(off, CH)], pk_v)

            @plsc.parallel_loop(0, CH // L, 1, unroll=4)
            def ib(k):
                pk = pk_v[pl.ds(k * L, L)]
                s = pk >> 15
                d = pk & 32767
                e = plsc.load_gather(el_v, [s]) + plsc.load_gather(er_v, [d])
                e = jnp.where(e > 0, e, 0.2 * e)
                ex = jnp.exp(e)
                ee_v[pl.ds(k * L, L)] = ex
                plsc.addupdate_scatter(den_v, [d], ex)
            pltpu.sync_copy(ee_v, ee_out.at[pl.ds(h * E_TOTAL + off, CH)])
            return 0

        lax.fori_loop(0, EPW // CH, chunk_body, 0)
        pltpu.sync_copy(den_v, denP.at[h * NJ + j])

    return stage1


def _make_sc_stage2(C, CPW, NCHUNK, CPH, CH):

    NCH = E_TOTAL // CH
    assert NCH % 2 == 0
    assert CPW % 2 == 0
    NPR = CPW // 2

    @functools.partial(
        pl.kernel,
        mesh=_mesh(),
        compiler_params=pltpu.CompilerParams(needs_layout_passes=False),
        out_type=jax.ShapeDtypeStruct((C, N_PAD), jnp.float32),
        scratch_types=[
            pltpu.VMEM((2 * N_PAD,), jnp.float32),
            pltpu.VMEM((NPR * N_PAD,), jnp.int32),
            pltpu.VMEM((CPW * N_PAD,), jnp.float32),
            pltpu.VMEM((CH,), jnp.int32),
            pltpu.VMEM((CH,), jnp.int32),
            pltpu.VMEM((CH,), jnp.float32),
            pltpu.VMEM((CH,), jnp.float32),
            pltpu.SemaphoreType.DMA,
            pltpu.SemaphoreType.DMA,
            pltpu.SemaphoreType.DMA,
            pltpu.SemaphoreType.DMA,
        ],
    )
    def stage2(packed, featT, ee_hbm, outT, stg, ptbl, acc,
               pk0, pk1, ee0, ee1, sp0, sp1, se0, se1):
        wid = _worker_id()
        pk_bufs = (pk0, pk1)
        ee_bufs = (ee0, ee1)
        sp_sems = (sp0, sp1)
        se_sems = (se0, se1)

        def do_chunk(chunk):
            c0 = chunk * CPW
            h = chunk // CPH
            ee_base = h * E_TOTAL
            for pr in range(NPR):
                pltpu.sync_copy(featT.at[c0 + 2 * pr],
                                stg.at[pl.ds(0, N_PAD)])
                pltpu.sync_copy(featT.at[c0 + 2 * pr + 1],
                                stg.at[pl.ds(N_PAD, N_PAD)])

                @plsc.parallel_loop(0, N_PAD // L, 1, unroll=4)
                def pack_body(n):
                    a = stg[pl.ds(n * L, L)]
                    b = stg[pl.ds(N_PAD + n * L, L)]
                    w = plsc.bitcast(
                        plsc.pack(a, b, format=plsc.PackFormat.INTERLEAVED),
                        jnp.int32)
                    ptbl[pl.ds(pr * N_PAD + n * L, L)] = w

            _zero_vmem(acc, CPW * N_PAD)

            pltpu.make_async_copy(packed.at[pl.ds(0, CH)], pk0, sp0).start()
            pltpu.make_async_copy(ee_hbm.at[pl.ds(ee_base, CH)], ee0, se0).start()

            def pair_body(cp, _):
                for b in range(2):
                    ci = cp * 2 + b
                    pk_v, ee_v = pk_bufs[b], ee_bufs[b]
                    npk, nee = pk_bufs[1 - b], ee_bufs[1 - b]
                    pltpu.make_async_copy(
                        packed.at[pl.ds(ci * CH, CH)], pk_v, sp_sems[b]).wait()
                    pltpu.make_async_copy(
                        ee_hbm.at[pl.ds(ee_base + ci * CH, CH)], ee_v,
                        se_sems[b]).wait()

                    @pl.when(ci + 1 < NCH)
                    def _():
                        off2 = (ci + 1) * CH
                        pltpu.make_async_copy(
                            packed.at[pl.ds(off2, CH)], npk,
                            sp_sems[1 - b]).start()
                        pltpu.make_async_copy(
                            ee_hbm.at[pl.ds(ee_base + off2, CH)], nee,
                            se_sems[1 - b]).start()

                    @plsc.parallel_loop(0, CH // L, 1, unroll=4)
                    def ib(k):
                        pk = pk_v[pl.ds(k * L, L)]
                        s = pk >> 15
                        d = pk & 32767
                        ex = ee_v[pl.ds(k * L, L)]
                        for pr in range(NPR):
                            g = plsc.load_gather(ptbl, [s + (pr * N_PAD)])
                            a, b = plsc.unpack(
                                plsc.bitcast(g, jnp.bfloat16),
                                format=plsc.PackFormat.INTERLEAVED,
                                preferred_element_type=jnp.float32)
                            plsc.addupdate_scatter(
                                acc, [d + (2 * pr) * N_PAD], a * ex)
                            plsc.addupdate_scatter(
                                acc, [d + (2 * pr + 1) * N_PAD], b * ex)

                return 0

            lax.fori_loop(0, NCH // 2, pair_body, 0)
            for c in range(CPW):
                pltpu.sync_copy(acc.at[pl.ds(c * N_PAD, N_PAD)], outT.at[c0 + c])

        npass = (NCHUNK + NW - 1) // NW
        for p in range(npass):
            if (p + 1) * NW <= NCHUNK:
                do_chunk(wid + p * NW)
            else:
                @pl.when(wid < NCHUNK - p * NW)
                def _():
                    do_chunk(wid + p * NW)

    return stage2


_make_sc_stage1 = functools.lru_cache(maxsize=None)(_make_sc_stage1)
_make_sc_stage2 = functools.lru_cache(maxsize=None)(_make_sc_stage2)



def _head_proj_mat(a):
    H, D = a.shape
    return (jnp.eye(H, dtype=a.dtype)[:, :, None] * a[None, :, :]).reshape(H, H * D)


def kernel(edge_index, x, W1, al1, ar1, b1, W2, al2, ar2, b2):
    packed = _pack_edges(edge_index).reshape(E_TOTAL)

    xT = jnp.pad(x.T, ((0, 0), (0, N_PAD - N_NODES)))
    W1T = W1.T
    AL1T = _head_proj_mat(al1)
    AR1T = _head_proj_mat(ar1)
    feat1T, el1T, er1T = _tc_proj1(xT, W1T, AL1T, AR1T)

    ee1, denP1 = _make_sc_stage1(H=4, NJ=8, CH=4000)(packed, el1T, er1T)
    out1T = _make_sc_stage2(C=256, CPW=4, NCHUNK=64, CPH=16, CH=8000)(
        packed, feat1T, ee1)

    W2T = jnp.pad(W2.T, ((0, 1), (0, 0)))
    AL2T = jnp.pad(al2, ((0, 0), (0, 1)))
    AR2T = jnp.pad(ar2, ((0, 0), (0, 1)))
    b1col = b1[:, None]
    feat2T, el2T, er2T = _tc_mid(out1T, denP1, W2T, AL2T, AR2T, b1col)

    ee2, denP2 = _make_sc_stage1(H=1, NJ=32, CH=2000)(packed, el2T, er2T)
    out2T = _make_sc_stage2(C=48, CPW=2, NCHUNK=24, CPH=24, CH=16000)(
        packed, feat2T, ee2)

    b2col = jnp.pad(b2, (0, 1))[:, None]
    res = _tc_final(out2T, denP2, b2col)
    return res[:47, :N_NODES].T

# --- scband reference (transcript-rebuilt; emitter-appended) ---
"""Pipeline reference for scband-dist-gat-13348758356518 (READ-ONLY COPY).

The authoritative reference and input builder live on the scoring server;
editing this copy changes nothing except your own understanding.
"""

import jax, jax.numpy as jnp
import numpy as np

N_NODES = 10000
N_EDGES = 320000
IN_FEATS = 128
N_HIDDEN = 64
HEADS0 = 4
HEADS1 = 1
N_CLASSES = 47


def setup_inputs(seed: int = 0) -> dict:
    key = jax.random.key(seed)
    ks = jax.random.split(key, 10)
    edge_index = jax.random.randint(ks[0], (2, N_EDGES), 0, N_NODES, dtype=jnp.int32)
    x = jax.random.normal(ks[1], (N_NODES, IN_FEATS), dtype=jnp.float32)
    W1 = jax.random.normal(ks[2], (IN_FEATS, HEADS0 * N_HIDDEN), dtype=jnp.float32) * (1.0 / np.sqrt(IN_FEATS))
    al1 = jax.random.normal(ks[3], (HEADS0, N_HIDDEN), dtype=jnp.float32) * 0.1
    ar1 = jax.random.normal(ks[4], (HEADS0, N_HIDDEN), dtype=jnp.float32) * 0.1
    b1 = jnp.zeros((HEADS0 * N_HIDDEN,), dtype=jnp.float32)
    W2 = jax.random.normal(ks[5], (HEADS0 * N_HIDDEN, HEADS1 * N_CLASSES), dtype=jnp.float32) * (1.0 / np.sqrt(HEADS0 * N_HIDDEN))
    al2 = jax.random.normal(ks[6], (HEADS1, N_CLASSES), dtype=jnp.float32) * 0.1
    ar2 = jax.random.normal(ks[7], (HEADS1, N_CLASSES), dtype=jnp.float32) * 0.1
    b2 = jnp.zeros((HEADS1 * N_CLASSES,), dtype=jnp.float32)
    return {"edge_index": edge_index, "x": x, "W1": W1, "al1": al1, "ar1": ar1, "b1": b1,
            "W2": W2, "al2": al2, "ar2": ar2, "b2": b2}


def _gat_layer(h, src, dst, W, al, ar, b):
    # DGL GATConv (eval mode, dropout disabled): linear proj -> per-head
    # attention logits el/er -> leaky_relu(el[src]+er[dst]) -> edge softmax
    # over incoming edges of each dst node -> weighted scatter-add -> bias.
    N = h.shape[0]
    H, D = al.shape
    feat = (h @ W).reshape(N, H, D)
    el = jnp.sum(feat * al[None, :, :], axis=-1)  # [N, H]
    er = jnp.sum(feat * ar[None, :, :], axis=-1)  # [N, H]
    e = el[src] + er[dst]                         # gather: [E, H]
    e = jnp.where(e > 0, e, 0.2 * e)              # leaky_relu(0.2)
    emax = jax.ops.segment_max(e, dst, num_segments=N)
    emax = jnp.where(jnp.isfinite(emax), emax, 0.0)
    ee = jnp.exp(e - emax[dst])
    denom = jax.ops.segment_sum(ee, dst, num_segments=N)
    alpha = ee / (denom[dst] + 1e-16)             # [E, H]
    msg = feat[src] * alpha[:, :, None]           # gather + weight: [E, H, D]
    out = jax.ops.segment_sum(msg, dst, num_segments=N)  # scatter-add: [N, H, D]
    return out + b.reshape(1, H, D)


def reference(edge_index, x, W1, al1, ar1, b1, W2, al2, ar2, b2):
    src = edge_index[0]
    dst = edge_index[1]
    # layer 0: GATConv(in_feats -> n_hidden, heads0) + ELU, then flatten heads
    h = _gat_layer(x, src, dst, W1, al1, ar1, b1)
    h = jax.nn.elu(h)
    h = h.reshape(h.shape[0], -1)                 # [N, heads0*n_hidden]
    # layer 1 (l == 1): GATConv(heads0*n_hidden -> n_classes, heads1), mean over heads
    h = _gat_layer(h, src, dst, W2, al2, ar2, b2)  # [N, heads1, n_classes]
    return jnp.mean(h, axis=1)                    # [N, n_classes]

if __name__ == "__main__":
    import jax
    _d = setup_inputs()
    print(jax.jit(kernel)(*tuple(_d.values())))

</pallas_src>

<mosaic_0001>
#map = affine_map<(d0, d1) -> (0)>
#map1 = affine_map<(d0, d1) -> (0, 0)>
module attributes {stable_mosaic.version = 14 : i64} {
  func.func @stage1(%arg0: i32, %arg1: i32, %arg2: memref<320000xi32, #tpu.memory_space<hbm>>, %arg3: memref<1x10240xf32, #tpu.memory_space<hbm>>, %arg4: memref<1x10240xf32, #tpu.memory_space<hbm>>, %arg5: memref<320000xf32, #tpu.memory_space<hbm>>, %arg6: memref<32x10240xf32, #tpu.memory_space<hbm>>, %arg7: memref<10240xf32, #tpu.memory_space<vmem>>, %arg8: memref<10240xf32, #tpu.memory_space<vmem>>, %arg9: memref<10240xf32, #tpu.memory_space<vmem>>, %arg10: memref<2000xi32, #tpu.memory_space<vmem>>, %arg11: memref<2000xf32, #tpu.memory_space<vmem>>) attributes {dimension_semantics = [#tpu.dimension_semantics<core_parallel>, #tpu.dimension_semantics<subcore_parallel>], iteration_bounds = array<i64: 2, 16>, scalar_prefetch = 0 : i64, scratch_operands = 5 : i64, tpu.core_type = #tpu.core_type<sc_vector_subcore>, window_params = [{transform_indices = #map}, {transform_indices = #map1}, {transform_indices = #map1}, {transform_indices = #map}, {transform_indices = #map1}]} {
    %mul3A = arith.constant 2 : i32
    %mul3A_0 = arith.muli %arg1, %mul3A : i32
    %add3A = arith.addi %mul3A_0, %arg0 : i32
    %jit3A = arith.constant 32 : i32
    %div3A = arith.divsi %add3A, %jit3A : i32
    %sign3A = arith.constant 0 : i32
    %sign3A_1 = arith.cmpi sgt, %add3A, %sign3A : i32
    %sign3A_2 = arith.extui %sign3A_1 : i1 to i32
    %sign3A_3 = arith.constant 0 : i32
    %sign3A_4 = arith.cmpi slt, %add3A, %sign3A_3 : i32
    %sign3A_5 = arith.extui %sign3A_4 : i1 to i32
    %sign3A_6 = arith.subi %sign3A_2, %sign3A_5 : i32
    %sign3A_7 = arith.constant 0 : i32
    %sign3A_8 = arith.cmpi sgt, %jit3A, %sign3A_7 : i32
    %sign3A_9 = arith.extui %sign3A_8 : i1 to i32
    %sign3A_10 = arith.constant 0 : i32
    %sign3A_11 = arith.cmpi slt, %jit3A, %sign3A_10 : i32
    %sign3A_12 = arith.extui %sign3A_11 : i1 to i32
    %sign3A_13 = arith.subi %sign3A_9, %sign3A_12 : i32
    %ne3A = arith.cmpi ne, %sign3A_6, %sign3A_13 : i32
    %rem3A = arith.remsi %add3A, %jit3A : i32
    %ne3A_14 = arith.constant 0 : i32
    %ne3A_15 = arith.cmpi ne, %rem3A, %ne3A_14 : i32
    %and3A = arith.andi %ne3A, %ne3A_15 : i1
    %sub3A = arith.constant 1 : i32
    %sub3A_16 = arith.subi %div3A, %sub3A : i32
    %select_n3A = arith.select %and3A, %sub3A_16, %div3A : i32
    %jit3A_17 = arith.constant 32 : i32
    %eq3A = arith.constant 0 : i32
    %eq3A_18 = arith.cmpi eq, %jit3A_17, %eq3A : i32
    %jit3A_19 = arith.constant 1 : i32
    %select_n3A_20 = arith.select %eq3A_18, %jit3A_19, %jit3A_17 : i32
    %rem3A_21 = arith.remsi %add3A, %select_n3A_20 : i32
    %ne3A_22 = arith.constant 0 : i32
    %ne3A_23 = arith.cmpi ne, %rem3A_21, %ne3A_22 : i32
    %lt3A = arith.constant 0 : i32
    %lt3A_24 = arith.cmpi slt, %rem3A_21, %lt3A : i32
    %lt3A_25 = arith.constant 0 : i32
    %lt3A_26 = arith.cmpi slt, %select_n3A_20, %lt3A_25 : i32
    %ne3A_27 = arith.xori %lt3A_24, %lt3A_26 : i1
    %and3A_28 = arith.andi %ne3A_27, %ne3A_23 : i1
    %add3A_29 = arith.addi %rem3A_21, %select_n3A_20 : i32
    %select_n3A_30 = arith.select %and3A_28, %add3A_29, %rem3A_21 : i32
    "tpu.region"() ({
      %run_scoped3A = tpu.sem_alloc : memref<!tpu.dma_semaphore, #tpu.memory_space<semaphore_mem>>
      %dma_start3A = arith.constant 0 : i32
      %dma_start3A_50 = tpu.memref_slice %arg3[%select_n3A, %dma_start3A] : memref<1x10240xf32, #tpu.memory_space<hbm>> -> memref<1x10240xf32, #tpu.memory_space<hbm>>
      %dma_start3A_51 = tpu.memref_squeeze %dma_start3A_50 : memref<1x10240xf32, #tpu.memory_space<hbm>> -> memref<10240xf32, #tpu.memory_space<hbm>>
      %dma_start3A_52 = arith.constant 0 : i32
      %dma_start3A_53 = tpu.memref_slice %arg3[%select_n3A, %dma_start3A_52] : memref<1x10240xf32, #tpu.memory_space<hbm>> -> memref<1x10240xf32, #tpu.memory_space<hbm>>
      %dma_start3A_54 = tpu.memref_squeeze %dma_start3A_53 : memref<1x10240xf32, #tpu.memory_space<hbm>> -> memref<10240xf32, #tpu.memory_space<hbm>>
      tpu.enqueue_dma source(%dma_start3A_54 : memref<10240xf32, #tpu.memory_space<hbm>>) target(%arg7 : memref<10240xf32, #tpu.memory_space<vmem>>) target_semaphore(%run_scoped3A : memref<!tpu.dma_semaphore, #tpu.memory_space<semaphore_mem>>)
      %dma_wait3A = arith.constant 0 : i32
      %dma_wait3A_55 = tpu.memref_slice %arg3[%select_n3A, %dma_wait3A] : memref<1x10240xf32, #tpu.memory_space<hbm>> -> memref<1x10240xf32, #tpu.memory_space<hbm>>
      %dma_wait3A_56 = tpu.memref_squeeze %dma_wait3A_55 : memref<1x10240xf32, #tpu.memory_space<hbm>> -> memref<10240xf32, #tpu.memory_space<hbm>>
      %dma_wait3A_57 = arith.constant 0 : i32
      %dma_wait3A_58 = tpu.memref_slice %arg3[%select_n3A, %dma_wait3A_57] : memref<1x10240xf32, #tpu.memory_space<hbm>> -> memref<1x10240xf32, #tpu.memory_space<hbm>>
      %dma_wait3A_59 = tpu.memref_squeeze %dma_wait3A_58 : memref<1x10240xf32, #tpu.memory_space<hbm>> -> memref<10240xf32, #tpu.memory_space<hbm>>
      tpu.wait_dma2 semaphore(%run_scoped3A : memref<!tpu.dma_semaphore, #tpu.memory_space<semaphore_mem>>) src(%dma_wait3A_59 : memref<10240xf32, #tpu.memory_space<hbm>>) dst(%arg7 : memref<10240xf32, #tpu.memory_space<vmem>>)
      tpu.yield
    }) : () -> ()
    "tpu.region"() ({
      %run_scoped3A = tpu.sem_alloc : memref<!tpu.dma_semaphore, #tpu.memory_space<semaphore_mem>>
      %dma_start3A = arith.constant 0 : i32
      %dma_start3A_50 = tpu.memref_slice %arg4[%select_n3A, %dma_start3A] : memref<1x10240xf32, #tpu.memory_space<hbm>> -> memref<1x10240xf32, #tpu.memory_space<hbm>>
      %dma_start3A_51 = tpu.memref_squeeze %dma_start3A_50 : memref<1x10240xf32, #tpu.memory_space<hbm>> -> memref<10240xf32, #tpu.memory_space<hbm>>
      %dma_start3A_52 = arith.constant 0 : i32
      %dma_start3A_53 = tpu.memref_slice %arg4[%select_n3A, %dma_start3A_52] : memref<1x10240xf32, #tpu.memory_space<hbm>> -> memref<1x10240xf32, #tpu.memory_space<hbm>>
      %dma_start3A_54 = tpu.memref_squeeze %dma_start3A_53 : memref<1x10240xf32, #tpu.memory_space<hbm>> -> memref<10240xf32, #tpu.memory_space<hbm>>
      tpu.enqueue_dma source(%dma_start3A_54 : memref<10240xf32, #tpu.memory_space<hbm>>) target(%arg8 : memref<10240xf32, #tpu.memory_space<vmem>>) target_semaphore(%run_scoped3A : memref<!tpu.dma_semaphore, #tpu.memory_space<semaphore_mem>>)
      %dma_wait3A = arith.constant 0 : i32
      %dma_wait3A_55 = tpu.memref_slice %arg4[%select_n3A, %dma_wait3A] : memref<1x10240xf32, #tpu.memory_space<hbm>> -> memref<1x10240xf32, #tpu.memory_space<hbm>>
      %dma_wait3A_56 = tpu.memref_squeeze %dma_wait3A_55 : memref<1x10240xf32, #tpu.memory_space<hbm>> -> memref<10240xf32, #tpu.memory_space<hbm>>
      %dma_wait3A_57 = arith.constant 0 : i32
      %dma_wait3A_58 = tpu.memref_slice %arg4[%select_n3A, %dma_wait3A_57] : memref<1x10240xf32, #tpu.memory_space<hbm>> -> memref<1x10240xf32, #tpu.memory_space<hbm>>
      %dma_wait3A_59 = tpu.memref_squeeze %dma_wait3A_58 : memref<1x10240xf32, #tpu.memory_space<hbm>> -> memref<10240xf32, #tpu.memory_space<hbm>>
      tpu.wait_dma2 semaphore(%run_scoped3A : memref<!tpu.dma_semaphore, #tpu.memory_space<semaphore_mem>>) src(%dma_wait3A_59 : memref<10240xf32, #tpu.memory_space<hbm>>) dst(%arg8 : memref<10240xf32, #tpu.memory_space<vmem>>)
      tpu.yield
    }) : () -> ()
    %broadcast_in_dim3A = arith.constant 0.000000e+00 : f32
    %broadcast_in_dim3A_31 = vector.broadcast %broadcast_in_dim3A : f32 to vector<16xf32>
    %scan3A = arith.constant 0 : i32
    %scan3A_32 = arith.constant 0 : i32
    %scan3A_33 = arith.constant 640 : i32
    %scan3A_34 = arith.addi %scan3A_32, %scan3A_33 : i32
    %scan3A_35 = arith.constant 1 : i32
    %scan3A_36 = scf.for %scan3A_50 = %scan3A_32 to %scan3A_34 step %scan3A_35 iter_args(%scan3A_51 = %scan3A) -> (i32)  : i32 {
      %mul3A_52 = arith.constant 16 : i32
      %mul3A_53 = arith.muli %scan3A_50, %mul3A_52 : i32
      %swap3A = arith.index_cast %mul3A_53 : i32 to index
      %swap3A_54 = tpu.vector_load %arg9[%swap3A] {strides = array<i32>} : memref<10240xf32, #tpu.memory_space<vmem>>, vector<16xf32>,
      tpu.vector_store %arg9[%swap3A], %broadcast_in_dim3A_31 {strides = array<i32>} : memref<10240xf32, #tpu.memory_space<vmem>>, vector<16xf32>,
      %scan3A_55 = arith.constant 0 : i32
      scf.yield %scan3A_55 : i32
    }
    %scan3A_37 = arith.constant 640 : i32
    %mul3A_38 = arith.constant 10000 : i32
    %mul3A_39 = arith.muli %select_n3A_30, %mul3A_38 : i32
    %scan3A_40 = arith.constant 0 : i32
    %scan3A_41 = arith.constant 0 : i32
    %scan3A_42 = arith.constant 5 : i32
    %scan3A_43 = arith.addi %scan3A_41, %scan3A_42 : i32
    %scan3A_44 = arith.constant 1 : i32
    %scan3A_45 = scf.for %scan3A_50 = %scan3A_41 to %scan3A_43 step %scan3A_44 iter_args(%scan3A_51 = %scan3A_40) -> (i32)  : i32 {
      %mul3A_52 = arith.constant 2000 : i32
      %mul3A_53 = arith.muli %scan3A_50, %mul3A_52 : i32
      %add3A_54 = arith.addi %mul3A_39, %mul3A_53 : i32
      "tpu.region"() ({
        %run_scoped3A = tpu.sem_alloc : memref<!tpu.dma_semaphore, #tpu.memory_space<semaphore_mem>>
        %dma_start3A = tpu.memref_slice %arg2[%add3A_54] : memref<320000xi32, #tpu.memory_space<hbm>> -> memref<2000xi32, #tpu.memory_space<hbm>>
        %dma_start3A_61 = tpu.memref_slice %arg2[%add3A_54] : memref<320000xi32, #tpu.memory_space<hbm>> -> memref<2000xi32, #tpu.memory_space<hbm>>
        tpu.enqueue_dma source(%dma_start3A_61 : memref<2000xi32, #tpu.memory_space<hbm>>) target(%arg10 : memref<2000xi32, #tpu.memory_space<vmem>>) target_semaphore(%run_scoped3A : memref<!tpu.dma_semaphore, #tpu.memory_space<semaphore_mem>>)
        %dma_wait3A = tpu.memref_slice %arg2[%add3A_54] : memref<320000xi32, #tpu.memory_space<hbm>> -> memref<2000xi32, #tpu.memory_space<hbm>>
        %dma_wait3A_62 = tpu.memref_slice %arg2[%add3A_54] : memref<320000xi32, #tpu.memory_space<hbm>> -> memref<2000xi32, #tpu.memory_space<hbm>>
        tpu.wait_dma2 semaphore(%run_scoped3A : memref<!tpu.dma_semaphore, #tpu.memory_space<semaphore_mem>>) src(%dma_wait3A_62 : memref<2000xi32, #tpu.memory_space<hbm>>) dst(%arg10 : memref<2000xi32, #tpu.memory_space<vmem>>)
        tpu.yield
      }) : () -> ()
      %parallel_loop3A = arith.constant 0 : i32
      %parallel_loop3A_55 = arith.constant 125 : i32
      %parallel_loop3A_56 = arith.constant 1 : i32
      scf.for %parallel_loop3A_61 = %parallel_loop3A to %parallel_loop3A_55 step %parallel_loop3A_56  : i32 {
        %parallel_loop3A_62 = arith.constant 16 : i32
        %parallel_loop3A_63 = arith.muli %parallel_loop3A_61, %parallel_loop3A_62 : i32
        %parallel_loop3A_64 = arith.index_cast %parallel_loop3A_63 : i32 to index
        %parallel_loop3A_65 = tpu.vector_load %arg10[%parallel_loop3A_64] {strides = array<i32>} : memref<2000xi32, #tpu.memory_space<vmem>>, vector<16xi32>,
        %parallel_loop3A_66 = arith.constant 15 : i32
        %parallel_loop3A_67 = vector.broadcast %parallel_loop3A_66 : i32 to vector<16xi32>
        %parallel_loop3A_68 = arith.shrsi %parallel_loop3A_65, %parallel_loop3A_67 : vector<16xi32>
        %parallel_loop3A_69 = arith.constant 32767 : i32
        %parallel_loop3A_70 = vector.broadcast %parallel_loop3A_69 : i32 to vector<16xi32>
        %parallel_loop3A_71 = arith.andi %parallel_loop3A_65, %parallel_loop3A_70 : vector<16xi32>
        %parallel_loop3A_72 = tpu.vector_load_idx %arg7[%parallel_loop3A_68] : memref<10240xf32, #tpu.memory_space<vmem>>[vector<16xi32>], vector<16xf32>,
        %parallel_loop3A_73 = tpu.vector_load_idx %arg8[%parallel_loop3A_71] : memref<10240xf32, #tpu.memory_space<vmem>>[vector<16xi32>], vector<16xf32>,
        %parallel_loop3A_74 = arith.addf %parallel_loop3A_72, %parallel_loop3A_73 : vector<16xf32>
        %parallel_loop3A_75 = arith.constant 0.000000e+00 : f32
        %parallel_loop3A_76 = vector.broadcast %parallel_loop3A_75 : f32 to vector<16xf32>
        %parallel_loop3A_77 = arith.cmpf ogt, %parallel_loop3A_74, %parallel_loop3A_76 : vector<16xf32>
        %parallel_loop3A_78 = arith.constant 2.000000e-01 : f32
        %parallel_loop3A_79 = vector.broadcast %parallel_loop3A_78 : f32 to vector<16xf32>
        %parallel_loop3A_80 = arith.mulf %parallel_loop3A_79, %parallel_loop3A_74 : vector<16xf32>
        %parallel_loop3A_81 = arith.select %parallel_loop3A_77, %parallel_loop3A_74, %parallel_loop3A_80 : vector<16xi1>, vector<16xf32>
        %parallel_loop3A_82 = math.exp %parallel_loop3A_81 : vector<16xf32>
        %parallel_loop3A_83 = arith.constant 16 : i32
        %parallel_loop3A_84 = arith.muli %parallel_loop3A_61, %parallel_loop3A_83 : i32
        %parallel_loop3A_85 = arith.index_cast %parallel_loop3A_84 : i32 to index
        %parallel_loop3A_86 = tpu.vector_load %arg11[%parallel_loop3A_85] {strides = array<i32>} : memref<2000xf32, #tpu.memory_space<vmem>>, vector<16xf32>,
        tpu.vector_store %arg11[%parallel_loop3A_85], %parallel_loop3A_82 {strides = array<i32>} : memref<2000xf32, #tpu.memory_space<vmem>>, vector<16xf32>,
        tpu.vector_store_idx %arg9[%parallel_loop3A_71], %parallel_loop3A_82 {add = true} : memref<10240xf32, #tpu.memory_space<vmem>>[vector<16xi32>], vector<16xf32>,
      } {sc.loop_unroll_factor = 4 : i64, sc.parallel_access}
      %mul3A_57 = arith.constant 320000 : i32
      %mul3A_58 = arith.muli %select_n3A, %mul3A_57 : i32
      %add3A_59 = arith.addi %mul3A_58, %add3A_54 : i32
      "tpu.region"() ({
        %run_scoped3A = tpu.sem_alloc : memref<!tpu.dma_semaphore, #tpu.memory_space<semaphore_mem>>
        %dma_start3A = tpu.memref_slice %arg5[%add3A_59] : memref<320000xf32, #tpu.memory_space<hbm>> -> memref<2000xf32, #tpu.memory_space<hbm>>
        %dma_start3A_61 = tpu.memref_slice %arg5[%add3A_59] : memref<320000xf32, #tpu.memory_space<hbm>> -> memref<2000xf32, #tpu.memory_space<hbm>>
        tpu.enqueue_dma source(%arg11 : memref<2000xf32, #tpu.memory_space<vmem>>) target(%dma_start3A_61 : memref<2000xf32, #tpu.memory_space<hbm>>) target_semaphore(%run_scoped3A : memref<!tpu.dma_semaphore, #tpu.memory_space<semaphore_mem>>)
        %dma_wait3A = tpu.memref_slice %arg5[%add3A_59] : memref<320000xf32, #tpu.memory_space<hbm>> -> memref<2000xf32, #tpu.memory_space<hbm>>
        %dma_wait3A_62 = tpu.memref_slice %arg5[%add3A_59] : memref<320000xf32, #tpu.memory_space<hbm>> -> memref<2000xf32, #tpu.memory_space<hbm>>
        tpu.wait_dma2 semaphore(%run_scoped3A : memref<!tpu.dma_semaphore, #tpu.memory_space<semaphore_mem>>) src(%arg11 : memref<2000xf32, #tpu.memory_space<vmem>>) dst(%dma_wait3A_62 : memref<2000xf32, #tpu.memory_space<hbm>>)
        tpu.yield
      }) : () -> ()
      %scan3A_60 = arith.constant 0 : i32
      scf.yield %scan3A_60 : i32
    }
    %scan3A_46 = arith.constant 5 : i32
    %mul3A_47 = arith.constant 32 : i32
    %mul3A_48 = arith.muli %select_n3A, %mul3A_47 : i32
    %add3A_49 = arith.addi %mul3A_48, %select_n3A_30 : i32
    "tpu.region"() ({
      %run_scoped3A = tpu.sem_alloc : memref<!tpu.dma_semaphore, #tpu.memory_space<semaphore_mem>>
      %dma_start3A = arith.constant 0 : i32
      %dma_start3A_50 = tpu.memref_slice %arg6[%add3A_49, %dma_start3A] : memref<32x10240xf32, #tpu.memory_space<hbm>> -> memref<1x10240xf32, #tpu.memory_space<hbm>>
      %dma_start3A_51 = tpu.memref_squeeze %dma_start3A_50 : memref<1x10240xf32, #tpu.memory_space<hbm>> -> memref<10240xf32, #tpu.memory_space<hbm>>
      %dma_start3A_52 = arith.constant 0 : i32
      %dma_start3A_53 = tpu.memref_slice %arg6[%add3A_49, %dma_start3A_52] : memref<32x10240xf32, #tpu.memory_space<hbm>> -> memref<1x10240xf32, #tpu.memory_space<hbm>>
      %dma_start3A_54 = tpu.memref_squeeze %dma_start3A_53 : memref<1x10240xf32, #tpu.memory_space<hbm>> -> memref<10240xf32, #tpu.memory_space<hbm>>
      tpu.enqueue_dma source(%arg9 : memref<10240xf32, #tpu.memory_space<vmem>>) target(%dma_start3A_54 : memref<10240xf32, #tpu.memory_space<hbm>>) target_semaphore(%run_scoped3A : memref<!tpu.dma_semaphore, #tpu.memory_space<semaphore_mem>>)
      %dma_wait3A = arith.constant 0 : i32
      %dma_wait3A_55 = tpu.memref_slice %arg6[%add3A_49, %dma_wait3A] : memref<32x10240xf32, #tpu.memory_space<hbm>> -> memref<1x10240xf32, #tpu.memory_space<hbm>>
      %dma_wait3A_56 = tpu.memref_squeeze %dma_wait3A_55 : memref<1x10240xf32, #tpu.memory_space<hbm>> -> memref<10240xf32, #tpu.memory_space<hbm>>
      %dma_wait3A_57 = arith.constant 0 : i32
      %dma_wait3A_58 = tpu.memref_slice %arg6[%add3A_49, %dma_wait3A_57] : memref<32x10240xf32, #tpu.memory_space<hbm>> -> memref<1x10240xf32, #tpu.memory_space<hbm>>
      %dma_wait3A_59 = tpu.memref_squeeze %dma_wait3A_58 : memref<1x10240xf32, #tpu.memory_space<hbm>> -> memref<10240xf32, #tpu.memory_space<hbm>>
      tpu.wait_dma2 semaphore(%run_scoped3A : memref<!tpu.dma_semaphore, #tpu.memory_space<semaphore_mem>>) src(%arg9 : memref<10240xf32, #tpu.memory_space<vmem>>) dst(%dma_wait3A_59 : memref<10240xf32, #tpu.memory_space<hbm>>)
      tpu.yield
    }) : () -> ()
    return
  }
}

#map = affine_map<(d0, d1) -> (0)>
#map1 = affine_map<(d0, d1) -> (0, 0)>
module attributes {stable_mosaic.version = 14 : i64} {
  func.func @stage1(%arg0: i32, %arg1: i32, %arg2: memref<320000xi32, #tpu.memory_space<hbm>>, %arg3: memref<4x10240xf32, #tpu.memory_space<hbm>>, %arg4: memref<4x10240xf32, #tpu.memory_space<hbm>>, %arg5: memref<1280000xf32, #tpu.memory_space<hbm>>, %arg6: memref<32x10240xf32, #tpu.memory_space<hbm>>, %arg7: memref<10240xf32, #tpu.memory_space<vmem>>, %arg8: memref<10240xf32, #tpu.memory_space<vmem>>, %arg9: memref<10240xf32, #tpu.memory_space<vmem>>, %arg10: memref<4000xi32, #tpu.memory_space<vmem>>, %arg11: memref<4000xf32, #tpu.memory_space<vmem>>) attributes {dimension_semantics = [#tpu.dimension_semantics<core_parallel>, #tpu.dimension_semantics<subcore_parallel>], iteration_bounds = array<i64: 2, 16>, scalar_prefetch = 0 : i64, scratch_operands = 5 : i64, tpu.core_type = #tpu.core_type<sc_vector_subcore>, window_params = [{transform_indices = #map}, {transform_indices = #map1}, {transform_indices = #map1}, {transform_indices = #map}, {transform_indices = #map1}]} {
    %mul3A = arith.constant 2 : i32
    %mul3A_0 = arith.muli %arg1, %mul3A : i32
    %add3A = arith.addi %mul3A_0, %arg0 : i32
    %jit3A = arith.constant 8 : i32
    %div3A = arith.divsi %add3A, %jit3A : i32
    %sign3A = arith.constant 0 : i32
    %sign3A_1 = arith.cmpi sgt, %add3A, %sign3A : i32
    %sign3A_2 = arith.extui %sign3A_1 : i1 to i32
    %sign3A_3 = arith.constant 0 : i32
    %sign3A_4 = arith.cmpi slt, %add3A, %sign3A_3 : i32
    %sign3A_5 = arith.extui %sign3A_4 : i1 to i32
    %sign3A_6 = arith.subi %sign3A_2, %sign3A_5 : i32
    %sign3A_7 = arith.constant 0 : i32
    %sign3A_8 = arith.cmpi sgt, %jit3A, %sign3A_7 : i32
    %sign3A_9 = arith.extui %sign3A_8 : i1 to i32
    %sign3A_10 = arith.constant 0 : i32
    %sign3A_11 = arith.cmpi slt, %jit3A, %sign3A_10 : i32
    %sign3A_12 = arith.extui %sign3A_11 : i1 to i32
    %sign3A_13 = arith.subi %sign3A_9, %sign3A_12 : i32
    %ne3A = arith.cmpi ne, %sign3A_6, %sign3A_13 : i32
    %rem3A = arith.remsi %add3A, %jit3A : i32
    %ne3A_14 = arith.constant 0 : i32
    %ne3A_15 = arith.cmpi ne, %rem3A, %ne3A_14 : i32
    %and3A = arith.andi %ne3A, %ne3A_15 : i1
    %sub3A = arith.constant 1 : i32
    %sub3A_16 = arith.subi %div3A, %sub3A : i32
    %select_n3A = arith.select %and3A, %sub3A_16, %div3A : i32
    %jit3A_17 = arith.constant 8 : i32
    %eq3A = arith.constant 0 : i32
    %eq3A_18 = arith.cmpi eq, %jit3A_17, %eq3A : i32
    %jit3A_19 = arith.constant 1 : i32
    %select_n3A_20 = arith.select %eq3A_18, %jit3A_19, %jit3A_17 : i32
    %rem3A_21 = arith.remsi %add3A, %select_n3A_20 : i32
    %ne3A_22 = arith.constant 0 : i32
    %ne3A_23 = arith.cmpi ne, %rem3A_21, %ne3A_22 : i32
    %lt3A = arith.constant 0 : i32
    %lt3A_24 = arith.cmpi slt, %rem3A_21, %lt3A : i32
    %lt3A_25 = arith.constant 0 : i32
    %lt3A_26 = arith.cmpi slt, %select_n3A_20, %lt3A_25 : i32
    %ne3A_27 = arith.xori %lt3A_24, %lt3A_26 : i1
    %and3A_28 = arith.andi %ne3A_27, %ne3A_23 : i1
    %add3A_29 = arith.addi %rem3A_21, %select_n3A_20 : i32
    %select_n3A_30 = arith.select %and3A_28, %add3A_29, %rem3A_21 : i32
    "tpu.region"() ({
      %run_scoped3A = tpu.sem_alloc : memref<!tpu.dma_semaphore, #tpu.memory_space<semaphore_mem>>
      %dma_start3A = arith.constant 0 : i32
      %dma_start3A_50 = tpu.memref_slice %arg3[%select_n3A, %dma_start3A] : memref<4x10240xf32, #tpu.memory_space<hbm>> -> memref<1x10240xf32, #tpu.memory_space<hbm>>
      %dma_start3A_51 = tpu.memref_squeeze %dma_start3A_50 : memref<1x10240xf32, #tpu.memory_space<hbm>> -> memref<10240xf32, #tpu.memory_space<hbm>>
      %dma_start3A_52 = arith.constant 0 : i32
      %dma_start3A_53 = tpu.memref_slice %arg3[%select_n3A, %dma_start3A_52] : memref<4x10240xf32, #tpu.memory_space<hbm>> -> memref<1x10240xf32, #tpu.memory_space<hbm>>
      %dma_start3A_54 = tpu.memref_squeeze %dma_start3A_53 : memref<1x10240xf32, #tpu.memory_space<hbm>> -> memref<10240xf32, #tpu.memory_space<hbm>>
      tpu.enqueue_dma source(%dma_start3A_54 : memref<10240xf32, #tpu.memory_space<hbm>>) target(%arg7 : memref<10240xf32, #tpu.memory_space<vmem>>) target_semaphore(%run_scoped3A : memref<!tpu.dma_semaphore, #tpu.memory_space<semaphore_mem>>)
      %dma_wait3A = arith.constant 0 : i32
      %dma_wait3A_55 = tpu.memref_slice %arg3[%select_n3A, %dma_wait3A] : memref<4x10240xf32, #tpu.memory_space<hbm>> -> memref<1x10240xf32, #tpu.memory_space<hbm>>
      %dma_wait3A_56 = tpu.memref_squeeze %dma_wait3A_55 : memref<1x10240xf32, #tpu.memory_space<hbm>> -> memref<10240xf32, #tpu.memory_space<hbm>>
      %dma_wait3A_57 = arith.constant 0 : i32
      %dma_wait3A_58 = tpu.memref_slice %arg3[%select_n3A, %dma_wait3A_57] : memref<4x10240xf32, #tpu.memory_space<hbm>> -> memref<1x10240xf32, #tpu.memory_space<hbm>>
      %dma_wait3A_59 = tpu.memref_squeeze %dma_wait3A_58 : memref<1x10240xf32, #tpu.memory_space<hbm>> -> memref<10240xf32, #tpu.memory_space<hbm>>
      tpu.wait_dma2 semaphore(%run_scoped3A : memref<!tpu.dma_semaphore, #tpu.memory_space<semaphore_mem>>) src(%dma_wait3A_59 : memref<10240xf32, #tpu.memory_space<hbm>>) dst(%arg7 : memref<10240xf32, #tpu.memory_space<vmem>>)
      tpu.yield
    }) : () -> ()
    "tpu.region"() ({
      %run_scoped3A = tpu.sem_alloc : memref<!tpu.dma_semaphore, #tpu.memory_space<semaphore_mem>>
      %dma_start3A = arith.constant 0 : i32
      %dma_start3A_50 = tpu.memref_slice %arg4[%select_n3A, %dma_start3A] : memref<4x10240xf32, #tpu.memory_space<hbm>> -> memref<1x10240xf32, #tpu.memory_space<hbm>>
      %dma_start3A_51 = tpu.memref_squeeze %dma_start3A_50 : memref<1x10240xf32, #tpu.memory_space<hbm>> -> memref<10240xf32, #tpu.memory_space<hbm>>
      %dma_start3A_52 = arith.constant 0 : i32
      %dma_start3A_53 = tpu.memref_slice %arg4[%select_n3A, %dma_start3A_52] : memref<4x10240xf32, #tpu.memory_space<hbm>> -> memref<1x10240xf32, #tpu.memory_space<hbm>>
      %dma_start3A_54 = tpu.memref_squeeze %dma_start3A_53 : memref<1x10240xf32, #tpu.memory_space<hbm>> -> memref<10240xf32, #tpu.memory_space<hbm>>
      tpu.enqueue_dma source(%dma_start3A_54 : memref<10240xf32, #tpu.memory_space<hbm>>) target(%arg8 : memref<10240xf32, #tpu.memory_space<vmem>>) target_semaphore(%run_scoped3A : memref<!tpu.dma_semaphore, #tpu.memory_space<semaphore_mem>>)
      %dma_wait3A = arith.constant 0 : i32
      %dma_wait3A_55 = tpu.memref_slice %arg4[%select_n3A, %dma_wait3A] : memref<4x10240xf32, #tpu.memory_space<hbm>> -> memref<1x10240xf32, #tpu.memory_space<hbm>>
      %dma_wait3A_56 = tpu.memref_squeeze %dma_wait3A_55 : memref<1x10240xf32, #tpu.memory_space<hbm>> -> memref<10240xf32, #tpu.memory_space<hbm>>
      %dma_wait3A_57 = arith.constant 0 : i32
      %dma_wait3A_58 = tpu.memref_slice %arg4[%select_n3A, %dma_wait3A_57] : memref<4x10240xf32, #tpu.memory_space<hbm>> -> memref<1x10240xf32, #tpu.memory_space<hbm>>
      %dma_wait3A_59 = tpu.memref_squeeze %dma_wait3A_58 : memref<1x10240xf32, #tpu.memory_space<hbm>> -> memref<10240xf32, #tpu.memory_space<hbm>>
      tpu.wait_dma2 semaphore(%run_scoped3A : memref<!tpu.dma_semaphore, #tpu.memory_space<semaphore_mem>>) src(%dma_wait3A_59 : memref<10240xf32, #tpu.memory_space<hbm>>) dst(%arg8 : memref<10240xf32, #tpu.memory_space<vmem>>)
      tpu.yield
    }) : () -> ()
    %broadcast_in_dim3A = arith.constant 0.000000e+00 : f32
    %broadcast_in_dim3A_31 = vector.broadcast %broadcast_in_dim3A : f32 to vector<16xf32>
    %scan3A = arith.constant 0 : i32
    %scan3A_32 = arith.constant 0 : i32
    %scan3A_33 = arith.constant 640 : i32
    %scan3A_34 = arith.addi %scan3A_32, %scan3A_33 : i32
    %scan3A_35 = arith.constant 1 : i32
    %scan3A_36 = scf.for %scan3A_50 = %scan3A_32 to %scan3A_34 step %scan3A_35 iter_args(%scan3A_51 = %scan3A) -> (i32)  : i32 {
      %mul3A_52 = arith.constant 16 : i32
      %mul3A_53 = arith.muli %scan3A_50, %mul3A_52 : i32
      %swap3A = arith.index_cast %mul3A_53 : i32 to index
      %swap3A_54 = tpu.vector_load %arg9[%swap3A] {strides = array<i32>} : memref<10240xf32, #tpu.memory_space<vmem>>, vector<16xf32>,
      tpu.vector_store %arg9[%swap3A], %broadcast_in_dim3A_31 {strides = array<i32>} : memref<10240xf32, #tpu.memory_space<vmem>>, vector<16xf32>,
      %scan3A_55 = arith.constant 0 : i32
      scf.yield %scan3A_55 : i32
    }
    %scan3A_37 = arith.constant 640 : i32
    %mul3A_38 = arith.constant 40000 : i32
    %mul3A_39 = arith.muli %select_n3A_30, %mul3A_38 : i32
    %scan3A_40 = arith.constant 0 : i32
    %scan3A_41 = arith.constant 0 : i32
    %scan3A_42 = arith.constant 10 : i32
    %scan3A_43 = arith.addi %scan3A_41, %scan3A_42 : i32
    %scan3A_44 = arith.constant 1 : i32
    %scan3A_45 = scf.for %scan3A_50 = %scan3A_41 to %scan3A_43 step %scan3A_44 iter_args(%scan3A_51 = %scan3A_40) -> (i32)  : i32 {
      %mul3A_52 = arith.constant 4000 : i32
      %mul3A_53 = arith.muli %scan3A_50, %mul3A_52 : i32
      %add3A_54 = arith.addi %mul3A_39, %mul3A_53 : i32
      "tpu.region"() ({
        %run_scoped3A = tpu.sem_alloc : memref<!tpu.dma_semaphore, #tpu.memory_space<semaphore_mem>>
        %dma_start3A = tpu.memref_slice %arg2[%add3A_54] : memref<320000xi32, #tpu.memory_space<hbm>> -> memref<4000xi32, #tpu.memory_space<hbm>>
        %dma_start3A_61 = tpu.memref_slice %arg2[%add3A_54] : memref<320000xi32, #tpu.memory_space<hbm>> -> memref<4000xi32, #tpu.memory_space<hbm>>
        tpu.enqueue_dma source(%dma_start3A_61 : memref<4000xi32, #tpu.memory_space<hbm>>) target(%arg10 : memref<4000xi32, #tpu.memory_space<vmem>>) target_semaphore(%run_scoped3A : memref<!tpu.dma_semaphore, #tpu.memory_space<semaphore_mem>>)
        %dma_wait3A = tpu.memref_slice %arg2[%add3A_54] : memref<320000xi32, #tpu.memory_space<hbm>> -> memref<4000xi32, #tpu.memory_space<hbm>>
        %dma_wait3A_62 = tpu.memref_slice %arg2[%add3A_54] : memref<320000xi32, #tpu.memory_space<hbm>> -> memref<4000xi32, #tpu.memory_space<hbm>>
        tpu.wait_dma2 semaphore(%run_scoped3A : memref<!tpu.dma_semaphore, #tpu.memory_space<semaphore_mem>>) src(%dma_wait3A_62 : memref<4000xi32, #tpu.memory_space<hbm>>) dst(%arg10 : memref<4000xi32, #tpu.memory_space<vmem>>)
        tpu.yield
      }) : () -> ()
      %parallel_loop3A = arith.constant 0 : i32
      %parallel_loop3A_55 = arith.constant 250 : i32
      %parallel_loop3A_56 = arith.constant 1 : i32
      scf.for %parallel_loop3A_61 = %parallel_loop3A to %parallel_loop3A_55 step %parallel_loop3A_56  : i32 {
        %parallel_loop3A_62 = arith.constant 16 : i32
        %parallel_loop3A_63 = arith.muli %parallel_loop3A_61, %parallel_loop3A_62 : i32
        %parallel_loop3A_64 = arith.index_cast %parallel_loop3A_63 : i32 to index
        %parallel_loop3A_65 = tpu.vector_load %arg10[%parallel_loop3A_64] {strides = array<i32>} : memref<4000xi32, #tpu.memory_space<vmem>>, vector<16xi32>,
        %parallel_loop3A_66 = arith.constant 15 : i32
        %parallel_loop3A_67 = vector.broadcast %parallel_loop3A_66 : i32 to vector<16xi32>
        %parallel_loop3A_68 = arith.shrsi %parallel_loop3A_65, %parallel_loop3A_67 : vector<16xi32>
        %parallel_loop3A_69 = arith.constant 32767 : i32
        %parallel_loop3A_70 = vector.broadcast %parallel_loop3A_69 : i32 to vector<16xi32>
        %parallel_loop3A_71 = arith.andi %parallel_loop3A_65, %parallel_loop3A_70 : vector<16xi32>
        %parallel_loop3A_72 = tpu.vector_load_idx %arg7[%parallel_loop3A_68] : memref<10240xf32, #tpu.memory_space<vmem>>[vector<16xi32>], vector<16xf32>,
        %parallel_loop3A_73 = tpu.vector_load_idx %arg8[%parallel_loop3A_71] : memref<10240xf32, #tpu.memory_space<vmem>>[vector<16xi32>], vector<16xf32>,
        %parallel_loop3A_74 = arith.addf %parallel_loop3A_72, %parallel_loop3A_73 : vector<16xf32>
        %parallel_loop3A_75 = arith.constant 0.000000e+00 : f32
        %parallel_loop3A_76 = vector.broadcast %parallel_loop3A_75 : f32 to vector<16xf32>
        %parallel_loop3A_77 = arith.cmpf ogt, %parallel_loop3A_74, %parallel_loop3A_76 : vector<16xf32>
        %parallel_loop3A_78 = arith.constant 2.000000e-01 : f32
        %parallel_loop3A_79 = vector.broadcast %parallel_loop3A_78 : f32 to vector<16xf32>
        %parallel_loop3A_80 = arith.mulf %parallel_loop3A_79, %parallel_loop3A_74 : vector<16xf32>
        %parallel_loop3A_81 = arith.select %parallel_loop3A_77, %parallel_loop3A_74, %parallel_loop3A_80 : vector<16xi1>, vector<16xf32>
        %parallel_loop3A_82 = math.exp %parallel_loop3A_81 : vector<16xf32>
        %parallel_loop3A_83 = arith.constant 16 : i32
        %parallel_loop3A_84 = arith.muli %parallel_loop3A_61, %parallel_loop3A_83 : i32
        %parallel_loop3A_85 = arith.index_cast %parallel_loop3A_84 : i32 to index
        %parallel_loop3A_86 = tpu.vector_load %arg11[%parallel_loop3A_85] {strides = array<i32>} : memref<4000xf32, #tpu.memory_space<vmem>>, vector<16xf32>,
        tpu.vector_store %arg11[%parallel_loop3A_85], %parallel_loop3A_82 {strides = array<i32>} : memref<4000xf32, #tpu.memory_space<vmem>>, vector<16xf32>,
        tpu.vector_store_idx %arg9[%parallel_loop3A_71], %parallel_loop3A_82 {add = true} : memref<10240xf32, #tpu.memory_space<vmem>>[vector<16xi32>], vector<16xf32>,
      } {sc.loop_unroll_factor = 4 : i64, sc.parallel_access}
      %mul3A_57 = arith.constant 320000 : i32
      %mul3A_58 = arith.muli %select_n3A, %mul3A_57 : i32
      %add3A_59 = arith.addi %mul3A_58, %add3A_54 : i32
      "tpu.region"() ({
        %run_scoped3A = tpu.sem_alloc : memref<!tpu.dma_semaphore, #tpu.memory_space<semaphore_mem>>
        %dma_start3A = tpu.memref_slice %arg5[%add3A_59] : memref<1280000xf32, #tpu.memory_space<hbm>> -> memref<4000xf32, #tpu.memory_space<hbm>>
        %dma_start3A_61 = tpu.memref_slice %arg5[%add3A_59] : memref<1280000xf32, #tpu.memory_space<hbm>> -> memref<4000xf32, #tpu.memory_space<hbm>>
        tpu.enqueue_dma source(%arg11 : memref<4000xf32, #tpu.memory_space<vmem>>) target(%dma_start3A_61 : memref<4000xf32, #tpu.memory_space<hbm>>) target_semaphore(%run_scoped3A : memref<!tpu.dma_semaphore, #tpu.memory_space<semaphore_mem>>)
        %dma_wait3A = tpu.memref_slice %arg5[%add3A_59] : memref<1280000xf32, #tpu.memory_space<hbm>> -> memref<4000xf32, #tpu.memory_space<hbm>>
        %dma_wait3A_62 = tpu.memref_slice %arg5[%add3A_59] : memref<1280000xf32, #tpu.memory_space<hbm>> -> memref<4000xf32, #tpu.memory_space<hbm>>
        tpu.wait_dma2 semaphore(%run_scoped3A : memref<!tpu.dma_semaphore, #tpu.memory_space<semaphore_mem>>) src(%arg11 : memref<4000xf32, #tpu.memory_space<vmem>>) dst(%dma_wait3A_62 : memref<4000xf32, #tpu.memory_space<hbm>>)
        tpu.yield
      }) : () -> ()
      %scan3A_60 = arith.constant 0 : i32
      scf.yield %scan3A_60 : i32
    }
    %scan3A_46 = arith.constant 10 : i32
    %mul3A_47 = arith.constant 8 : i32
    %mul3A_48 = arith.muli %select_n3A, %mul3A_47 : i32
    %add3A_49 = arith.addi %mul3A_48, %select_n3A_30 : i32
    "tpu.region"() ({
      %run_scoped3A = tpu.sem_alloc : memref<!tpu.dma_semaphore, #tpu.memory_space<semaphore_mem>>
      %dma_start3A = arith.constant 0 : i32
      %dma_start3A_50 = tpu.memref_slice %arg6[%add3A_49, %dma_start3A] : memref<32x10240xf32, #tpu.memory_space<hbm>> -> memref<1x10240xf32, #tpu.memory_space<hbm>>
      %dma_start3A_51 = tpu.memref_squeeze %dma_start3A_50 : memref<1x10240xf32, #tpu.memory_space<hbm>> -> memref<10240xf32, #tpu.memory_space<hbm>>
      %dma_start3A_52 = arith.constant 0 : i32
      %dma_start3A_53 = tpu.memref_slice %arg6[%add3A_49, %dma_start3A_52] : memref<32x10240xf32, #tpu.memory_space<hbm>> -> memref<1x10240xf32, #tpu.memory_space<hbm>>
      %dma_start3A_54 = tpu.memref_squeeze %dma_start3A_53 : memref<1x10240xf32, #tpu.memory_space<hbm>> -> memref<10240xf32, #tpu.memory_space<hbm>>
      tpu.enqueue_dma source(%arg9 : memref<10240xf32, #tpu.memory_space<vmem>>) target(%dma_start3A_54 : memref<10240xf32, #tpu.memory_space<hbm>>) target_semaphore(%run_scoped3A : memref<!tpu.dma_semaphore, #tpu.memory_space<semaphore_mem>>)
      %dma_wait3A = arith.constant 0 : i32
      %dma_wait3A_55 = tpu.memref_slice %arg6[%add3A_49, %dma_wait3A] : memref<32x10240xf32, #tpu.memory_space<hbm>> -> memref<1x10240xf32, #tpu.memory_space<hbm>>
      %dma_wait3A_56 = tpu.memref_squeeze %dma_wait3A_55 : memref<1x10240xf32, #tpu.memory_space<hbm>> -> memref<10240xf32, #tpu.memory_space<hbm>>
      %dma_wait3A_57 = arith.constant 0 : i32
      %dma_wait3A_58 = tpu.memref_slice %arg6[%add3A_49, %dma_wait3A_57] : memref<32x10240xf32, #tpu.memory_space<hbm>> -> memref<1x10240xf32, #tpu.memory_space<hbm>>
      %dma_wait3A_59 = tpu.memref_squeeze %dma_wait3A_58 : memref<1x10240xf32, #tpu.memory_space<hbm>> -> memref<10240xf32, #tpu.memory_space<hbm>>
      tpu.wait_dma2 semaphore(%run_scoped3A : memref<!tpu.dma_semaphore, #tpu.memory_space<semaphore_mem>>) src(%arg9 : memref<10240xf32, #tpu.memory_space<vmem>>) dst(%dma_wait3A_59 : memref<10240xf32, #tpu.memory_space<hbm>>)
      tpu.yield
    }) : () -> ()
    return
  }
}

#map = affine_map<(d0, d1) -> (0)>
#map1 = affine_map<(d0, d1) -> (0, 0)>
module attributes {stable_mosaic.version = 14 : i64} {
  func.func @stage2(%arg0: i32, %arg1: i32, %arg2: memref<320000xi32, #tpu.memory_space<hbm>>, %arg3: memref<48x10240xf32, #tpu.memory_space<hbm>>, %arg4: memref<320000xf32, #tpu.memory_space<hbm>>, %arg5: memref<48x10240xf32, #tpu.memory_space<hbm>>, %arg6: memref<20480xf32, #tpu.memory_space<vmem>>, %arg7: memref<10240xi32, #tpu.memory_space<vmem>>, %arg8: memref<20480xf32, #tpu.memory_space<vmem>>, %arg9: memref<16000xi32, #tpu.memory_space<vmem>>, %arg10: memref<16000xi32, #tpu.memory_space<vmem>>, %arg11: memref<16000xf32, #tpu.memory_space<vmem>>, %arg12: memref<16000xf32, #tpu.memory_space<vmem>>, %arg13: memref<!tpu.dma_semaphore, #tpu.memory_space<semaphore_mem>>, %arg14: memref<!tpu.dma_semaphore, #tpu.memory_space<semaphore_mem>>, %arg15: memref<!tpu.dma_semaphore, #tpu.memory_space<semaphore_mem>>, %arg16: memref<!tpu.dma_semaphore, #tpu.memory_space<semaphore_mem>>) attributes {dimension_semantics = [#tpu.dimension_semantics<core_parallel>, #tpu.dimension_semantics<subcore_parallel>], iteration_bounds = array<i64: 2, 16>, scalar_prefetch = 0 : i64, scratch_operands = 11 : i64, tpu.core_type = #tpu.core_type<sc_vector_subcore>, window_params = [{transform_indices = #map}, {transform_indices = #map1}, {transform_indices = #map}, {transform_indices = #map1}]} {
    %mul3A = arith.constant 2 : i32
    %mul3A_0 = arith.muli %arg1, %mul3A : i32
    %add3A = arith.addi %mul3A_0, %arg0 : i32
    %lt3A = arith.constant 24 : i32
    %lt3A_1 = arith.cmpi slt, %add3A, %lt3A : i32
    %convert_element_type3A = arith.extui %lt3A_1 : i1 to i32
    %cond3A = arith.constant 0 : i32
    %cond3A_2 = arith.cmpi ne, %convert_element_type3A, %cond3A : i32
    scf.if %cond3A_2 {
      %add3A_3 = arith.constant 0 : i32
      %add3A_4 = arith.addi %add3A, %add3A_3 : i32
      %mul3A_5 = arith.constant 2 : i32
      %mul3A_6 = arith.muli %add3A_4, %mul3A_5 : i32
      %jit3A = arith.constant 24 : i32
      %div3A = arith.divsi %add3A_4, %jit3A : i32
      %sign3A = arith.constant 0 : i32
      %sign3A_7 = arith.cmpi sgt, %add3A_4, %sign3A : i32
      %sign3A_8 = arith.extui %sign3A_7 : i1 to i32
      %sign3A_9 = arith.constant 0 : i32
      %sign3A_10 = arith.cmpi slt, %add3A_4, %sign3A_9 : i32
      %sign3A_11 = arith.extui %sign3A_10 : i1 to i32
      %sign3A_12 = arith.subi %sign3A_8, %sign3A_11 : i32
      %sign3A_13 = arith.constant 0 : i32
      %sign3A_14 = arith.cmpi sgt, %jit3A, %sign3A_13 : i32
      %sign3A_15 = arith.extui %sign3A_14 : i1 to i32
      %sign3A_16 = arith.constant 0 : i32
      %sign3A_17 = arith.cmpi slt, %jit3A, %sign3A_16 : i32
      %sign3A_18 = arith.extui %sign3A_17 : i1 to i32
      %sign3A_19 = arith.subi %sign3A_15, %sign3A_18 : i32
      %ne3A = arith.cmpi ne, %sign3A_12, %sign3A_19 : i32
      %rem3A = arith.remsi %add3A_4, %jit3A : i32
      %ne3A_20 = arith.constant 0 : i32
      %ne3A_21 = arith.cmpi ne, %rem3A, %ne3A_20 : i32
      %and3A = arith.andi %ne3A, %ne3A_21 : i1
      %sub3A = arith.constant 1 : i32
      %sub3A_22 = arith.subi %div3A, %sub3A : i32
      %select_n3A = arith.select %and3A, %sub3A_22, %div3A : i32
      %mul3A_23 = arith.constant 320000 : i32
      %mul3A_24 = arith.muli %select_n3A, %mul3A_23 : i32
      %add3A_25 = arith.constant 0 : i32
      %add3A_26 = arith.addi %mul3A_6, %add3A_25 : i32
      "tpu.region"() ({
        %run_scoped3A = tpu.sem_alloc : memref<!tpu.dma_semaphore, #tpu.memory_space<semaphore_mem>>
        %dma_start3A_56 = arith.constant 0 : i32
        %dma_start3A_57 = tpu.memref_slice %arg6[%dma_start3A_56] : memref<20480xf32, #tpu.memory_space<vmem>> -> memref<10240xf32, #tpu.memory_space<vmem>>
        %dma_start3A_58 = arith.constant 0 : i32
        %dma_start3A_59 = tpu.memref_slice %arg3[%add3A_26, %dma_start3A_58] : memref<48x10240xf32, #tpu.memory_space<hbm>> -> memref<1x10240xf32, #tpu.memory_space<hbm>>
        %dma_start3A_60 = tpu.memref_squeeze %dma_start3A_59 : memref<1x10240xf32, #tpu.memory_space<hbm>> -> memref<10240xf32, #tpu.memory_space<hbm>>
        %dma_start3A_61 = arith.constant 0 : i32
        %dma_start3A_62 = tpu.memref_slice %arg6[%dma_start3A_61] : memref<20480xf32, #tpu.memory_space<vmem>> -> memref<10240xf32, #tpu.memory_space<vmem>>
        %dma_start3A_63 = arith.constant 0 : i32
        %dma_start3A_64 = tpu.memref_slice %arg3[%add3A_26, %dma_start3A_63] : memref<48x10240xf32, #tpu.memory_space<hbm>> -> memref<1x10240xf32, #tpu.memory_space<hbm>>
        %dma_start3A_65 = tpu.memref_squeeze %dma_start3A_64 : memref<1x10240xf32, #tpu.memory_space<hbm>> -> memref<10240xf32, #tpu.memory_space<hbm>>
        tpu.enqueue_dma source(%dma_start3A_65 : memref<10240xf32, #tpu.memory_space<hbm>>) target(%dma_start3A_62 : memref<10240xf32, #tpu.memory_space<vmem>>) target_semaphore(%run_scoped3A : memref<!tpu.dma_semaphore, #tpu.memory_space<semaphore_mem>>)
        %dma_wait3A = arith.constant 0 : i32
        %dma_wait3A_66 = tpu.memref_slice %arg6[%dma_wait3A] : memref<20480xf32, #tpu.memory_space<vmem>> -> memref<10240xf32, #tpu.memory_space<vmem>>
        %dma_wait3A_67 = arith.constant 0 : i32
        %dma_wait3A_68 = tpu.memref_slice %arg3[%add3A_26, %dma_wait3A_67] : memref<48x10240xf32, #tpu.memory_space<hbm>> -> memref<1x10240xf32, #tpu.memory_space<hbm>>
        %dma_wait3A_69 = tpu.memref_squeeze %dma_wait3A_68 : memref<1x10240xf32, #tpu.memory_space<hbm>> -> memref<10240xf32, #tpu.memory_space<hbm>>
        %dma_wait3A_70 = arith.constant 0 : i32
        %dma_wait3A_71 = tpu.memref_slice %arg6[%dma_wait3A_70] : memref<20480xf32, #tpu.memory_space<vmem>> -> memref<10240xf32, #tpu.memory_space<vmem>>
        %dma_wait3A_72 = arith.constant 0 : i32
        %dma_wait3A_73 = tpu.memref_slice %arg3[%add3A_26, %dma_wait3A_72] : memref<48x10240xf32, #tpu.memory_space<hbm>> -> memref<1x10240xf32, #tpu.memory_space<hbm>>
        %dma_wait3A_74 = tpu.memref_squeeze %dma_wait3A_73 : memref<1x10240xf32, #tpu.memory_space<hbm>> -> memref<10240xf32, #tpu.memory_space<hbm>>
        tpu.wait_dma2 semaphore(%run_scoped3A : memref<!tpu.dma_semaphore, #tpu.memory_space<semaphore_mem>>) src(%dma_wait3A_74 : memref<10240xf32, #tpu.memory_space<hbm>>) dst(%dma_wait3A_71 : memref<10240xf32, #tpu.memory_space<vmem>>)
        tpu.yield
      }) : () -> ()
      %add3A_27 = arith.constant 0 : i32
      %add3A_28 = arith.addi %mul3A_6, %add3A_27 : i32
      %add3A_29 = arith.constant 1 : i32
      %add3A_30 = arith.addi %add3A_28, %add3A_29 : i32
      "tpu.region"() ({
        %run_scoped3A = tpu.sem_alloc : memref<!tpu.dma_semaphore, #tpu.memory_space<semaphore_mem>>
        %dma_start3A_56 = arith.constant 10240 : i32
        %dma_start3A_57 = tpu.memref_slice %arg6[%dma_start3A_56] : memref<20480xf32, #tpu.memory_space<vmem>> -> memref<10240xf32, #tpu.memory_space<vmem>>
        %dma_start3A_58 = arith.constant 0 : i32
        %dma_start3A_59 = tpu.memref_slice %arg3[%add3A_30, %dma_start3A_58] : memref<48x10240xf32, #tpu.memory_space<hbm>> -> memref<1x10240xf32, #tpu.memory_space<hbm>>
        %dma_start3A_60 = tpu.memref_squeeze %dma_start3A_59 : memref<1x10240xf32, #tpu.memory_space<hbm>> -> memref<10240xf32, #tpu.memory_space<hbm>>
        %dma_start3A_61 = arith.constant 10240 : i32
        %dma_start3A_62 = tpu.memref_slice %arg6[%dma_start3A_61] : memref<20480xf32, #tpu.memory_space<vmem>> -> memref<10240xf32, #tpu.memory_space<vmem>>
        %dma_start3A_63 = arith.constant 0 : i32
        %dma_start3A_64 = tpu.memref_slice %arg3[%add3A_30, %dma_start3A_63] : memref<48x10240xf32, #tpu.memory_space<hbm>> -> memref<1x10240xf32, #tpu.memory_space<hbm>>
        %dma_start3A_65 = tpu.memref_squeeze %dma_start3A_64 : memref<1x10240xf32, #tpu.memory_space<hbm>> -> memref<10240xf32, #tpu.memory_space<hbm>>
        tpu.enqueue_dma source(%dma_start3A_65 : memref<10240xf32, #tpu.memory_space<hbm>>) target(%dma_start3A_62 : memref<10240xf32, #tpu.memory_space<vmem>>) target_semaphore(%run_scoped3A : memref<!tpu.dma_semaphore, #tpu.memory_space<semaphore_mem>>)
        %dma_wait3A = arith.constant 10240 : i32
        %dma_wait3A_66 = tpu.memref_slice %arg6[%dma_wait3A] : memref<20480xf32, #tpu.memory_space<vmem>> -> memref<10240xf32, #tpu.memory_space<vmem>>
        %dma_wait3A_67 = arith.constant 0 : i32
        %dma_wait3A_68 = tpu.memref_slice %arg3[%add3A_30, %dma_wait3A_67] : memref<48x10240xf32, #tpu.memory_space<hbm>> -> memref<1x10240xf32, #tpu.memory_space<hbm>>
        %dma_wait3A_69 = tpu.memref_squeeze %dma_wait3A_68 : memref<1x10240xf32, #tpu.memory_space<hbm>> -> memref<10240xf32, #tpu.memory_space<hbm>>
        %dma_wait3A_70 = arith.constant 10240 : i32
        %dma_wait3A_71 = tpu.memref_slice %arg6[%dma_wait3A_70] : memref<20480xf32, #tpu.memory_space<vmem>> -> memref<10240xf32, #tpu.memory_space<vmem>>
        %dma_wait3A_72 = arith.constant 0 : i32
        %dma_wait3A_73 = tpu.memref_slice %arg3[%add3A_30, %dma_wait3A_72] : memref<48x10240xf32, #tpu.memory_space<hbm>> -> memref<1x10240xf32, #tpu.memory_space<hbm>>
        %dma_wait3A_74 = tpu.memref_squeeze %dma_wait3A_73 : memref<1x10240xf32, #tpu.memory_space<hbm>> -> memref<10240xf32, #tpu.memory_space<hbm>>
        tpu.wait_dma2 semaphore(%run_scoped3A : memref<!tpu.dma_semaphore, #tpu.memory_space<semaphore_mem>>) src(%dma_wait3A_74 : memref<10240xf32, #tpu.memory_space<hbm>>) dst(%dma_wait3A_71 : memref<10240xf32, #tpu.memory_space<vmem>>)
        tpu.yield
      }) : () -> ()
      %parallel_loop3A = arith.constant 0 : i32
      %parallel_loop3A_31 = arith.constant 640 : i32
      %parallel_loop3A_32 = arith.constant 1 : i32
      scf.for %parallel_loop3A_56 = %parallel_loop3A to %parallel_loop3A_31 step %parallel_loop3A_32  : i32 {
        %parallel_loop3A_57 = arith.constant 16 : i32
        %parallel_loop3A_58 = arith.muli %parallel_loop3A_56, %parallel_loop3A_57 : i32
        %parallel_loop3A_59 = arith.index_cast %parallel_loop3A_58 : i32 to index
        %parallel_loop3A_60 = tpu.vector_load %arg6[%parallel_loop3A_59] {strides = array<i32>} : memref<20480xf32, #tpu.memory_space<vmem>>, vector<16xf32>,
        %parallel_loop3A_61 = arith.constant 16 : i32
        %parallel_loop3A_62 = arith.muli %parallel_loop3A_56, %parallel_loop3A_61 : i32
        %parallel_loop3A_63 = arith.constant 10240 : i32
        %parallel_loop3A_64 = arith.addi %parallel_loop3A_63, %parallel_loop3A_62 : i32
        %parallel_loop3A_65 = arith.index_cast %parallel_loop3A_64 : i32 to index
        %parallel_loop3A_66 = tpu.vector_load %arg6[%parallel_loop3A_65] {strides = array<i32>} : memref<20480xf32, #tpu.memory_space<vmem>>, vector<16xf32>,
        %parallel_loop3A_67 = tpu.pack_subelements %parallel_loop3A_60, %parallel_loop3A_66 {pack_format = #tpu.pack_format<interleaved>, positions = array<i32: 0, 1>} : vector<16xf32>, vector<16xf32> -> vector<32xbf16>
        %parallel_loop3A_68 = vector.bitcast %parallel_loop3A_67 : vector<32xbf16> to vector<16xi32>
        %parallel_loop3A_69 = arith.constant 16 : i32
        %parallel_loop3A_70 = arith.muli %parallel_loop3A_56, %parallel_loop3A_69 : i32
        %parallel_loop3A_71 = arith.constant 0 : i32
        %parallel_loop3A_72 = arith.addi %parallel_loop3A_71, %parallel_loop3A_70 : i32
        %parallel_loop3A_73 = arith.index_cast %parallel_loop3A_72 : i32 to index
        %parallel_loop3A_74 = tpu.vector_load %arg7[%parallel_loop3A_73] {strides = array<i32>} : memref<10240xi32, #tpu.memory_space<vmem>>, vector<16xi32>,
        tpu.vector_store %arg7[%parallel_loop3A_73], %parallel_loop3A_68 {strides = array<i32>} : memref<10240xi32, #tpu.memory_space<vmem>>, vector<16xi32>,
      } {sc.loop_unroll_factor = 4 : i64, sc.parallel_access}
      %broadcast_in_dim3A = arith.constant 0.000000e+00 : f32
      %broadcast_in_dim3A_33 = vector.broadcast %broadcast_in_dim3A : f32 to vector<16xf32>
      %scan3A = arith.constant 0 : i32
      %scan3A_34 = arith.constant 0 : i32
      %scan3A_35 = arith.constant 1280 : i32
      %scan3A_36 = arith.addi %scan3A_34, %scan3A_35 : i32
      %scan3A_37 = arith.constant 1 : i32
      %scan3A_38 = scf.for %scan3A_56 = %scan3A_34 to %scan3A_36 step %scan3A_37 iter_args(%scan3A_57 = %scan3A) -> (i32)  : i32 {
        %mul3A_58 = arith.constant 16 : i32
        %mul3A_59 = arith.muli %scan3A_56, %mul3A_58 : i32
        %swap3A = arith.index_cast %mul3A_59 : i32 to index
        %swap3A_60 = tpu.vector_load %arg8[%swap3A] {strides = array<i32>} : memref<20480xf32, #tpu.memory_space<vmem>>, vector<16xf32>,
        tpu.vector_store %arg8[%swap3A], %broadcast_in_dim3A_33 {strides = array<i32>} : memref<20480xf32, #tpu.memory_space<vmem>>, vector<16xf32>,
        %scan3A_61 = arith.constant 0 : i32
        scf.yield %scan3A_61 : i32
      }
      %scan3A_39 = arith.constant 1280 : i32
      %dma_start3A = arith.constant 0 : i32
      %dma_start3A_40 = tpu.memref_slice %arg2[%dma_start3A] : memref<320000xi32, #tpu.memory_space<hbm>> -> memref<16000xi32, #tpu.memory_space<hbm>>
      %dma_start3A_41 = arith.constant 0 : i32
      %dma_start3A_42 = tpu.memref_slice %arg2[%dma_start3A_41] : memref<320000xi32, #tpu.memory_space<hbm>> -> memref<16000xi32, #tpu.memory_space<hbm>>
      tpu.enqueue_dma source(%dma_start3A_42 : memref<16000xi32, #tpu.memory_space<hbm>>) target(%arg9 : memref<16000xi32, #tpu.memory_space<vmem>>) target_semaphore(%arg13 : memref<!tpu.dma_semaphore, #tpu.memory_space<semaphore_mem>>)
      %dma_start3A_43 = tpu.memref_slice %arg4[%mul3A_24] : memref<320000xf32, #tpu.memory_space<hbm>> -> memref<16000xf32, #tpu.memory_space<hbm>>
      %dma_start3A_44 = tpu.memref_slice %arg4[%mul3A_24] : memref<320000xf32, #tpu.memory_space<hbm>> -> memref<16000xf32, #tpu.memory_space<hbm>>
      tpu.enqueue_dma source(%dma_start3A_44 : memref<16000xf32, #tpu.memory_space<hbm>>) target(%arg11 : memref<16000xf32, #tpu.memory_space<vmem>>) target_semaphore(%arg15 : memref<!tpu.dma_semaphore, #tpu.memory_space<semaphore_mem>>)
      %scan3A_45 = arith.constant 0 : i32
      %scan3A_46 = arith.constant 0 : i32
      %scan3A_47 = arith.constant 10 : i32
      %scan3A_48 = arith.addi %scan3A_46, %scan3A_47 : i32
      %scan3A_49 = arith.constant 1 : i32
      %scan3A_50 = scf.for %scan3A_56 = %scan3A_46 to %scan3A_48 step %scan3A_49 iter_args(%scan3A_57 = %scan3A_45) -> (i32)  : i32 {
        %mul3A_58 = arith.constant 2 : i32
        %mul3A_59 = arith.muli %scan3A_56, %mul3A_58 : i32
        %add3A_60 = arith.constant 0 : i32
        %add3A_61 = arith.addi %mul3A_59, %add3A_60 : i32
        %mul3A_62 = arith.constant 16000 : i32
        %mul3A_63 = arith.muli %add3A_61, %mul3A_62 : i32
        %dma_wait3A = tpu.memref_slice %arg2[%mul3A_63] : memref<320000xi32, #tpu.memory_space<hbm>> -> memref<16000xi32, #tpu.memory_space<hbm>>
        %dma_wait3A_64 = tpu.memref_slice %arg2[%mul3A_63] : memref<320000xi32, #tpu.memory_space<hbm>> -> memref<16000xi32, #tpu.memory_space<hbm>>
        tpu.wait_dma2 semaphore(%arg13 : memref<!tpu.dma_semaphore, #tpu.memory_space<semaphore_mem>>) src(%dma_wait3A_64 : memref<16000xi32, #tpu.memory_space<hbm>>) dst(%arg9 : memref<16000xi32, #tpu.memory_space<vmem>>)
        %mul3A_65 = arith.constant 16000 : i32
        %mul3A_66 = arith.muli %add3A_61, %mul3A_65 : i32
        %add3A_67 = arith.addi %mul3A_24, %mul3A_66 : i32
        %dma_wait3A_68 = tpu.memref_slice %arg4[%add3A_67] : memref<320000xf32, #tpu.memory_space<hbm>> -> memref<16000xf32, #tpu.memory_space<hbm>>
        %dma_wait3A_69 = tpu.memref_slice %arg4[%add3A_67] : memref<320000xf32, #tpu.memory_space<hbm>> -> memref<16000xf32, #tpu.memory_space<hbm>>
        tpu.wait_dma2 semaphore(%arg15 : memref<!tpu.dma_semaphore, #tpu.memory_space<semaphore_mem>>) src(%dma_wait3A_69 : memref<16000xf32, #tpu.memory_space<hbm>>) dst(%arg11 : memref<16000xf32, #tpu.memory_space<vmem>>)
        %add3A_70 = arith.constant 1 : i32
        %add3A_71 = arith.addi %add3A_61, %add3A_70 : i32
        %lt3A_72 = arith.constant 20 : i32
        %lt3A_73 = arith.cmpi slt, %add3A_71, %lt3A_72 : i32
        %convert_element_type3A_74 = arith.extui %lt3A_73 : i1 to i32
        %cond3A_75 = arith.constant 0 : i32
        %cond3A_76 = arith.cmpi ne, %convert_element_type3A_74, %cond3A_75 : i32
        scf.if %cond3A_76 {
          %add3A_104 = arith.constant 1 : i32
          %add3A_105 = arith.addi %add3A_61, %add3A_104 : i32
          %mul3A_106 = arith.constant 16000 : i32
          %mul3A_107 = arith.muli %add3A_105, %mul3A_106 : i32
          %dma_start3A_108 = tpu.memref_slice %arg2[%mul3A_107] : memref<320000xi32, #tpu.memory_space<hbm>> -> memref<16000xi32, #tpu.memory_space<hbm>>
          %dma_start3A_109 = tpu.memref_slice %arg2[%mul3A_107] : memref<320000xi32, #tpu.memory_space<hbm>> -> memref<16000xi32, #tpu.memory_space<hbm>>
          tpu.enqueue_dma source(%dma_start3A_109 : memref<16000xi32, #tpu.memory_space<hbm>>) target(%arg10 : memref<16000xi32, #tpu.memory_space<vmem>>) target_semaphore(%arg14 : memref<!tpu.dma_semaphore, #tpu.memory_space<semaphore_mem>>)
          %add3A_110 = arith.addi %mul3A_24, %mul3A_107 : i32
          %dma_start3A_111 = tpu.memref_slice %arg4[%add3A_110] : memref<320000xf32, #tpu.memory_space<hbm>> -> memref<16000xf32, #tpu.memory_space<hbm>>
          %dma_start3A_112 = tpu.memref_slice %arg4[%add3A_110] : memref<320000xf32, #tpu.memory_space<hbm>> -> memref<16000xf32, #tpu.memory_space<hbm>>
          tpu.enqueue_dma source(%dma_start3A_112 : memref<16000xf32, #tpu.memory_space<hbm>>) target(%arg12 : memref<16000xf32, #tpu.memory_space<vmem>>) target_semaphore(%arg16 : memref<!tpu.dma_semaphore, #tpu.memory_space<semaphore_mem>>)
        } else {
        }
        %parallel_loop3A_77 = arith.constant 0 : i32
        %parallel_loop3A_78 = arith.constant 1000 : i32
        %parallel_loop3A_79 = arith.constant 1 : i32
        scf.for %parallel_loop3A_104 = %parallel_loop3A_77 to %parallel_loop3A_78 step %parallel_loop3A_79  : i32 {
          %parallel_loop3A_105 = arith.constant 16 : i32
          %parallel_loop3A_106 = arith.muli %parallel_loop3A_104, %parallel_loop3A_105 : i32
          %parallel_loop3A_107 = arith.index_cast %parallel_loop3A_106 : i32 to index
          %parallel_loop3A_108 = tpu.vector_load %arg9[%parallel_loop3A_107] {strides = array<i32>} : memref<16000xi32, #tpu.memory_space<vmem>>, vector<16xi32>,
          %parallel_loop3A_109 = arith.constant 15 : i32
          %parallel_loop3A_110 = vector.broadcast %parallel_loop3A_109 : i32 to vector<16xi32>
          %parallel_loop3A_111 = arith.shrsi %parallel_loop3A_108, %parallel_loop3A_110 : vector<16xi32>
          %parallel_loop3A_112 = arith.constant 32767 : i32
          %parallel_loop3A_113 = vector.broadcast %parallel_loop3A_112 : i32 to vector<16xi32>
          %parallel_loop3A_114 = arith.andi %parallel_loop3A_108, %parallel_loop3A_113 : vector<16xi32>
          %parallel_loop3A_115 = arith.constant 16 : i32
          %parallel_loop3A_116 = arith.muli %parallel_loop3A_104, %parallel_loop3A_115 : i32
          %parallel_loop3A_117 = arith.index_cast %parallel_loop3A_116 : i32 to index
          %parallel_loop3A_118 = tpu.vector_load %arg11[%parallel_loop3A_117] {strides = array<i32>} : memref<16000xf32, #tpu.memory_space<vmem>>, vector<16xf32>,
          %parallel_loop3A_119 = arith.constant 0 : i32
          %parallel_loop3A_120 = vector.broadcast %parallel_loop3A_119 : i32 to vector<16xi32>
          %parallel_loop3A_121 = arith.addi %parallel_loop3A_111, %parallel_loop3A_120 : vector<16xi32>
          %parallel_loop3A_122 = tpu.vector_load_idx %arg7[%parallel_loop3A_121] : memref<10240xi32, #tpu.memory_space<vmem>>[vector<16xi32>], vector<16xi32>,
          %parallel_loop3A_123 = vector.bitcast %parallel_loop3A_122 : vector<16xi32> to vector<32xbf16>
          %parallel_loop3A_124 = tpu.unpack_subelements %parallel_loop3A_123, 0 {pack_format = #tpu.pack_format<interleaved>} : vector<32xbf16> -> vector<16xf32>
          %parallel_loop3A_125 = tpu.unpack_subelements %parallel_loop3A_123, 1 {pack_format = #tpu.pack_format<interleaved>} : vector<32xbf16> -> vector<16xf32>
          %parallel_loop3A_126 = arith.constant 0 : i32
          %parallel_loop3A_127 = vector.broadcast %parallel_loop3A_126 : i32 to vector<16xi32>
          %parallel_loop3A_128 = arith.addi %parallel_loop3A_114, %parallel_loop3A_127 : vector<16xi32>
          %parallel_loop3A_129 = arith.mulf %parallel_loop3A_124, %parallel_loop3A_118 : vector<16xf32>
          tpu.vector_store_idx %arg8[%parallel_loop3A_128], %parallel_loop3A_129 {add = true} : memref<20480xf32, #tpu.memory_space<vmem>>[vector<16xi32>], vector<16xf32>,
          %parallel_loop3A_130 = arith.constant 10240 : i32
          %parallel_loop3A_131 = vector.broadcast %parallel_loop3A_130 : i32 to vector<16xi32>
          %parallel_loop3A_132 = arith.addi %parallel_loop3A_114, %parallel_loop3A_131 : vector<16xi32>
          %parallel_loop3A_133 = arith.mulf %parallel_loop3A_125, %parallel_loop3A_118 : vector<16xf32>
          tpu.vector_store_idx %arg8[%parallel_loop3A_132], %parallel_loop3A_133 {add = true} : memref<20480xf32, #tpu.memory_space<vmem>>[vector<16xi32>], vector<16xf32>,
        } {sc.loop_unroll_factor = 4 : i64, sc.parallel_access}
        %mul3A_80 = arith.constant 2 : i32
        %mul3A_81 = arith.muli %scan3A_56, %mul3A_80 : i32
        %add3A_82 = arith.constant 1 : i32
        %add3A_83 = arith.addi %mul3A_81, %add3A_82 : i32
        %mul3A_84 = arith.constant 16000 : i32
        %mul3A_85 = arith.muli %add3A_83, %mul3A_84 : i32
        %dma_wait3A_86 = tpu.memref_slice %arg2[%mul3A_85] : memref<320000xi32, #tpu.memory_space<hbm>> -> memref<16000xi32, #tpu.memory_space<hbm>>
        %dma_wait3A_87 = tpu.memref_slice %arg2[%mul3A_85] : memref<320000xi32, #tpu.memory_space<hbm>> -> memref<16000xi32, #tpu.memory_space<hbm>>
        tpu.wait_dma2 semaphore(%arg14 : memref<!tpu.dma_semaphore, #tpu.memory_space<semaphore_mem>>) src(%dma_wait3A_87 : memref<16000xi32, #tpu.memory_space<hbm>>) dst(%arg10 : memref<16000xi32, #tpu.memory_space<vmem>>)
        %mul3A_88 = arith.constant 16000 : i32
        %mul3A_89 = arith.muli %add3A_83, %mul3A_88 : i32
        %add3A_90 = arith.addi %mul3A_24, %mul3A_89 : i32
        %dma_wait3A_91 = tpu.memref_slice %arg4[%add3A_90] : memref<320000xf32, #tpu.memory_space<hbm>> -> memref<16000xf32, #tpu.memory_space<hbm>>
        %dma_wait3A_92 = tpu.memref_slice %arg4[%add3A_90] : memref<320000xf32, #tpu.memory_space<hbm>> -> memref<16000xf32, #tpu.memory_space<hbm>>
        tpu.wait_dma2 semaphore(%arg16 : memref<!tpu.dma_semaphore, #tpu.memory_space<semaphore_mem>>) src(%dma_wait3A_92 : memref<16000xf32, #tpu.memory_space<hbm>>) dst(%arg12 : memref<16000xf32, #tpu.memory_space<vmem>>)
        %add3A_93 = arith.constant 1 : i32
        %add3A_94 = arith.addi %add3A_83, %add3A_93 : i32
        %lt3A_95 = arith.constant 20 : i32
        %lt3A_96 = arith.cmpi slt, %add3A_94, %lt3A_95 : i32
        %convert_element_type3A_97 = arith.extui %lt3A_96 : i1 to i32
        %cond3A_98 = arith.constant 0 : i32
        %cond3A_99 = arith.cmpi ne, %convert_element_type3A_97, %cond3A_98 : i32
        scf.if %cond3A_99 {
          %add3A_104 = arith.constant 1 : i32
          %add3A_105 = arith.addi %add3A_83, %add3A_104 : i32
          %mul3A_106 = arith.constant 16000 : i32
          %mul3A_107 = arith.muli %add3A_105, %mul3A_106 : i32
          %dma_start3A_108 = tpu.memref_slice %arg2[%mul3A_107] : memref<320000xi32, #tpu.memory_space<hbm>> -> memref<16000xi32, #tpu.memory_space<hbm>>
          %dma_start3A_109 = tpu.memref_slice %arg2[%mul3A_107] : memref<320000xi32, #tpu.memory_space<hbm>> -> memref<16000xi32, #tpu.memory_space<hbm>>
          tpu.enqueue_dma source(%dma_start3A_109 : memref<16000xi32, #tpu.memory_space<hbm>>) target(%arg9 : memref<16000xi32, #tpu.memory_space<vmem>>) target_semaphore(%arg13 : memref<!tpu.dma_semaphore, #tpu.memory_space<semaphore_mem>>)
          %add3A_110 = arith.addi %mul3A_24, %mul3A_107 : i32
          %dma_start3A_111 = tpu.memref_slice %arg4[%add3A_110] : memref<320000xf32, #tpu.memory_space<hbm>> -> memref<16000xf32, #tpu.memory_space<hbm>>
          %dma_start3A_112 = tpu.memref_slice %arg4[%add3A_110] : memref<320000xf32, #tpu.memory_space<hbm>> -> memref<16000xf32, #tpu.memory_space<hbm>>
          tpu.enqueue_dma source(%dma_start3A_112 : memref<16000xf32, #tpu.memory_space<hbm>>) target(%arg11 : memref<16000xf32, #tpu.memory_space<vmem>>) target_semaphore(%arg15 : memref<!tpu.dma_semaphore, #tpu.memory_space<semaphore_mem>>)
        } else {
        }
        %parallel_loop3A_100 = arith.constant 0 : i32
        %parallel_loop3A_101 = arith.constant 1000 : i32
        %parallel_loop3A_102 = arith.constant 1 : i32
        scf.for %parallel_loop3A_104 = %parallel_loop3A_100 to %parallel_loop3A_101 step %parallel_loop3A_102  : i32 {
          %parallel_loop3A_105 = arith.constant 16 : i32
          %parallel_loop3A_106 = arith.muli %parallel_loop3A_104, %parallel_loop3A_105 : i32
          %parallel_loop3A_107 = arith.index_cast %parallel_loop3A_106 : i32 to index
          %parallel_loop3A_108 = tpu.vector_load %arg10[%parallel_loop3A_107] {strides = array<i32>} : memref<16000xi32, #tpu.memory_space<vmem>>, vector<16xi32>,
          %parallel_loop3A_109 = arith.constant 15 : i32
          %parallel_loop3A_110 = vector.broadcast %parallel_loop3A_109 : i32 to vector<16xi32>
          %parallel_loop3A_111 = arith.shrsi %parallel_loop3A_108, %parallel_loop3A_110 : vector<16xi32>
          %parallel_loop3A_112 = arith.constant 32767 : i32
          %parallel_loop3A_113 = vector.broadcast %parallel_loop3A_112 : i32 to vector<16xi32>
          %parallel_loop3A_114 = arith.andi %parallel_loop3A_108, %parallel_loop3A_113 : vector<16xi32>
          %parallel_loop3A_115 = arith.constant 16 : i32
          %parallel_loop3A_116 = arith.muli %parallel_loop3A_104, %parallel_loop3A_115 : i32
          %parallel_loop3A_117 = arith.index_cast %parallel_loop3A_116 : i32 to index
          %parallel_loop3A_118 = tpu.vector_load %arg12[%parallel_loop3A_117] {strides = array<i32>} : memref<16000xf32, #tpu.memory_space<vmem>>, vector<16xf32>,
          %parallel_loop3A_119 = arith.constant 0 : i32
          %parallel_loop3A_120 = vector.broadcast %parallel_loop3A_119 : i32 to vector<16xi32>
          %parallel_loop3A_121 = arith.addi %parallel_loop3A_111, %parallel_loop3A_120 : vector<16xi32>
          %parallel_loop3A_122 = tpu.vector_load_idx %arg7[%parallel_loop3A_121] : memref<10240xi32, #tpu.memory_space<vmem>>[vector<16xi32>], vector<16xi32>,
          %parallel_loop3A_123 = vector.bitcast %parallel_loop3A_122 : vector<16xi32> to vector<32xbf16>
          %parallel_loop3A_124 = tpu.unpack_subelements %parallel_loop3A_123, 0 {pack_format = #tpu.pack_format<interleaved>} : vector<32xbf16> -> vector<16xf32>
          %parallel_loop3A_125 = tpu.unpack_subelements %parallel_loop3A_123, 1 {pack_format = #tpu.pack_format<interleaved>} : vector<32xbf16> -> vector<16xf32>
          %parallel_loop3A_126 = arith.constant 0 : i32
          %parallel_loop3A_127 = vector.broadcast %parallel_loop3A_126 : i32 to vector<16xi32>
          %parallel_loop3A_128 = arith.addi %parallel_loop3A_114, %parallel_loop3A_127 : vector<16xi32>
          %parallel_loop3A_129 = arith.mulf %parallel_loop3A_124, %parallel_loop3A_118 : vector<16xf32>
          tpu.vector_store_idx %arg8[%parallel_loop3A_128], %parallel_loop3A_129 {add = true} : memref<20480xf32, #tpu.memory_space<vmem>>[vector<16xi32>], vector<16xf32>,
          %parallel_loop3A_130 = arith.constant 10240 : i32
          %parallel_loop3A_131 = vector.broadcast %parallel_loop3A_130 : i32 to vector<16xi32>
          %parallel_loop3A_132 = arith.addi %parallel_loop3A_114, %parallel_loop3A_131 : vector<16xi32>
          %parallel_loop3A_133 = arith.mulf %parallel_loop3A_125, %parallel_loop3A_118 : vector<16xf32>
          tpu.vector_store_idx %arg8[%parallel_loop3A_132], %parallel_loop3A_133 {add = true} : memref<20480xf32, #tpu.memory_space<vmem>>[vector<16xi32>], vector<16xf32>,
        } {sc.loop_unroll_factor = 4 : i64, sc.parallel_access}
        %scan3A_103 = arith.constant 0 : i32
        scf.yield %scan3A_103 : i32
      }
      %scan3A_51 = arith.constant 10 : i32
      %add3A_52 = arith.constant 0 : i32
      %add3A_53 = arith.addi %mul3A_6, %add3A_52 : i32
      "tpu.region"() ({
        %run_scoped3A = tpu.sem_alloc : memref<!tpu.dma_semaphore, #tpu.memory_space<semaphore_mem>>
        %dma_start3A_56 = arith.constant 0 : i32
        %dma_start3A_57 = tpu.memref_slice %arg8[%dma_start3A_56] : memref<20480xf32, #tpu.memory_space<vmem>> -> memref<10240xf32, #tpu.memory_space<vmem>>
        %dma_start3A_58 = arith.constant 0 : i32
        %dma_start3A_59 = tpu.memref_slice %arg5[%add3A_53, %dma_start3A_58] : memref<48x10240xf32, #tpu.memory_space<hbm>> -> memref<1x10240xf32, #tpu.memory_space<hbm>>
        %dma_start3A_60 = tpu.memref_squeeze %dma_start3A_59 : memref<1x10240xf32, #tpu.memory_space<hbm>> -> memref<10240xf32, #tpu.memory_space<hbm>>
        %dma_start3A_61 = arith.constant 0 : i32
        %dma_start3A_62 = tpu.memref_slice %arg5[%add3A_53, %dma_start3A_61] : memref<48x10240xf32, #tpu.memory_space<hbm>> -> memref<1x10240xf32, #tpu.memory_space<hbm>>
        %dma_start3A_63 = tpu.memref_squeeze %dma_start3A_62 : memref<1x10240xf32, #tpu.memory_space<hbm>> -> memref<10240xf32, #tpu.memory_space<hbm>>
        %dma_start3A_64 = arith.constant 0 : i32
        %dma_start3A_65 = tpu.memref_slice %arg8[%dma_start3A_64] : memref<20480xf32, #tpu.memory_space<vmem>> -> memref<10240xf32, #tpu.memory_space<vmem>>
        tpu.enqueue_dma source(%dma_start3A_65 : memref<10240xf32, #tpu.memory_space<vmem>>) target(%dma_start3A_63 : memref<10240xf32, #tpu.memory_space<hbm>>) target_semaphore(%run_scoped3A : memref<!tpu.dma_semaphore, #tpu.memory_space<semaphore_mem>>)
        %dma_wait3A = arith.constant 0 : i32
        %dma_wait3A_66 = tpu.memref_slice %arg8[%dma_wait3A] : memref<20480xf32, #tpu.memory_space<vmem>> -> memref<10240xf32, #tpu.memory_space<vmem>>
        %dma_wait3A_67 = arith.constant 0 : i32
        %dma_wait3A_68 = tpu.memref_slice %arg5[%add3A_53, %dma_wait3A_67] : memref<48x10240xf32, #tpu.memory_space<hbm>> -> memref<1x10240xf32, #tpu.memory_space<hbm>>
        %dma_wait3A_69 = tpu.memref_squeeze %dma_wait3A_68 : memref<1x10240xf32, #tpu.memory_space<hbm>> -> memref<10240xf32, #tpu.memory_space<hbm>>
        %dma_wait3A_70 = arith.constant 0 : i32
        %dma_wait3A_71 = tpu.memref_slice %arg5[%add3A_53, %dma_wait3A_70] : memref<48x10240xf32, #tpu.memory_space<hbm>> -> memref<1x10240xf32, #tpu.memory_space<hbm>>
        %dma_wait3A_72 = tpu.memref_squeeze %dma_wait3A_71 : memref<1x10240xf32, #tpu.memory_space<hbm>> -> memref<10240xf32, #tpu.memory_space<hbm>>
        %dma_wait3A_73 = arith.constant 0 : i32
        %dma_wait3A_74 = tpu.memref_slice %arg8[%dma_wait3A_73] : memref<20480xf32, #tpu.memory_space<vmem>> -> memref<10240xf32, #tpu.memory_space<vmem>>
        tpu.wait_dma2 semaphore(%run_scoped3A : memref<!tpu.dma_semaphore, #tpu.memory_space<semaphore_mem>>) src(%dma_wait3A_74 : memref<10240xf32, #tpu.memory_space<vmem>>) dst(%dma_wait3A_72 : memref<10240xf32, #tpu.memory_space<hbm>>)
        tpu.yield
      }) : () -> ()
      %add3A_54 = arith.constant 1 : i32
      %add3A_55 = arith.addi %mul3A_6, %add3A_54 : i32
      "tpu.region"() ({
        %run_scoped3A = tpu.sem_alloc : memref<!tpu.dma_semaphore, #tpu.memory_space<semaphore_mem>>
        %dma_start3A_56 = arith.constant 10240 : i32
        %dma_start3A_57 = tpu.memref_slice %arg8[%dma_start3A_56] : memref<20480xf32, #tpu.memory_space<vmem>> -> memref<10240xf32, #tpu.memory_space<vmem>>
        %dma_start3A_58 = arith.constant 0 : i32
        %dma_start3A_59 = tpu.memref_slice %arg5[%add3A_55, %dma_start3A_58] : memref<48x10240xf32, #tpu.memory_space<hbm>> -> memref<1x10240xf32, #tpu.memory_space<hbm>>
        %dma_start3A_60 = tpu.memref_squeeze %dma_start3A_59 : memref<1x10240xf32, #tpu.memory_space<hbm>> -> memref<10240xf32, #tpu.memory_space<hbm>>
        %dma_start3A_61 = arith.constant 0 : i32
        %dma_start3A_62 = tpu.memref_slice %arg5[%add3A_55, %dma_start3A_61] : memref<48x10240xf32, #tpu.memory_space<hbm>> -> memref<1x10240xf32, #tpu.memory_space<hbm>>
        %dma_start3A_63 = tpu.memref_squeeze %dma_start3A_62 : memref<1x10240xf32, #tpu.memory_space<hbm>> -> memref<10240xf32, #tpu.memory_space<hbm>>
        %dma_start3A_64 = arith.constant 10240 : i32
        %dma_start3A_65 = tpu.memref_slice %arg8[%dma_start3A_64] : memref<20480xf32, #tpu.memory_space<vmem>> -> memref<10240xf32, #tpu.memory_space<vmem>>
        tpu.enqueue_dma source(%dma_start3A_65 : memref<10240xf32, #tpu.memory_space<vmem>>) target(%dma_start3A_63 : memref<10240xf32, #tpu.memory_space<hbm>>) target_semaphore(%run_scoped3A : memref<!tpu.dma_semaphore, #tpu.memory_space<semaphore_mem>>)
        %dma_wait3A = arith.constant 10240 : i32
        %dma_wait3A_66 = tpu.memref_slice %arg8[%dma_wait3A] : memref<20480xf32, #tpu.memory_space<vmem>> -> memref<10240xf32, #tpu.memory_space<vmem>>
        %dma_wait3A_67 = arith.constant 0 : i32
        %dma_wait3A_68 = tpu.memref_slice %arg5[%add3A_55, %dma_wait3A_67] : memref<48x10240xf32, #tpu.memory_space<hbm>> -> memref<1x10240xf32, #tpu.memory_space<hbm>>
        %dma_wait3A_69 = tpu.memref_squeeze %dma_wait3A_68 : memref<1x10240xf32, #tpu.memory_space<hbm>> -> memref<10240xf32, #tpu.memory_space<hbm>>
        %dma_wait3A_70 = arith.constant 0 : i32
        %dma_wait3A_71 = tpu.memref_slice %arg5[%add3A_55, %dma_wait3A_70] : memref<48x10240xf32, #tpu.memory_space<hbm>> -> memref<1x10240xf32, #tpu.memory_space<hbm>>
        %dma_wait3A_72 = tpu.memref_squeeze %dma_wait3A_71 : memref<1x10240xf32, #tpu.memory_space<hbm>> -> memref<10240xf32, #tpu.memory_space<hbm>>
        %dma_wait3A_73 = arith.constant 10240 : i32
        %dma_wait3A_74 = tpu.memref_slice %arg8[%dma_wait3A_73] : memref<20480xf32, #tpu.memory_space<vmem>> -> memref<10240xf32, #tpu.memory_space<vmem>>
        tpu.wait_dma2 semaphore(%run_scoped3A : memref<!tpu.dma_semaphore, #tpu.memory_space<semaphore_mem>>) src(%dma_wait3A_74 : memref<10240xf32, #tpu.memory_space<vmem>>) dst(%dma_wait3A_72 : memref<10240xf32, #tpu.memory_space<hbm>>)
        tpu.yield
      }) : () -> ()
    } else {
    }
    return
  }
}

#map = affine_map<(d0, d1) -> (0)>
#map1 = affine_map<(d0, d1) -> (0, 0)>
module attributes {stable_mosaic.version = 14 : i64} {
  func.func @stage2(%arg0: i32, %arg1: i32, %arg2: memref<320000xi32, #tpu.memory_space<hbm>>, %arg3: memref<256x10240xf32, #tpu.memory_space<hbm>>, %arg4: memref<1280000xf32, #tpu.memory_space<hbm>>, %arg5: memref<256x10240xf32, #tpu.memory_space<hbm>>, %arg6: memref<20480xf32, #tpu.memory_space<vmem>>, %arg7: memref<20480xi32, #tpu.memory_space<vmem>>, %arg8: memref<40960xf32, #tpu.memory_space<vmem>>, %arg9: memref<8000xi32, #tpu.memory_space<vmem>>, %arg10: memref<8000xi32, #tpu.memory_space<vmem>>, %arg11: memref<8000xf32, #tpu.memory_space<vmem>>, %arg12: memref<8000xf32, #tpu.memory_space<vmem>>, %arg13: memref<!tpu.dma_semaphore, #tpu.memory_space<semaphore_mem>>, %arg14: memref<!tpu.dma_semaphore, #tpu.memory_space<semaphore_mem>>, %arg15: memref<!tpu.dma_semaphore, #tpu.memory_space<semaphore_mem>>, %arg16: memref<!tpu.dma_semaphore, #tpu.memory_space<semaphore_mem>>) attributes {dimension_semantics = [#tpu.dimension_semantics<core_parallel>, #tpu.dimension_semantics<subcore_parallel>], iteration_bounds = array<i64: 2, 16>, scalar_prefetch = 0 : i64, scratch_operands = 11 : i64, tpu.core_type = #tpu.core_type<sc_vector_subcore>, window_params = [{transform_indices = #map}, {transform_indices = #map1}, {transform_indices = #map}, {transform_indices = #map1}]} {
    %mul3A = arith.constant 2 : i32
    %mul3A_0 = arith.muli %arg1, %mul3A : i32
    %add3A = arith.addi %mul3A_0, %arg0 : i32
    %add3A_1 = arith.constant 0 : i32
    %add3A_2 = arith.addi %add3A, %add3A_1 : i32
    %mul3A_3 = arith.constant 4 : i32
    %mul3A_4 = arith.muli %add3A_2, %mul3A_3 : i32
    %jit3A = arith.constant 16 : i32
    %div3A = arith.divsi %add3A_2, %jit3A : i32
    %sign3A = arith.constant 0 : i32
    %sign3A_5 = arith.cmpi sgt, %add3A_2, %sign3A : i32
    %sign3A_6 = arith.extui %sign3A_5 : i1 to i32
    %sign3A_7 = arith.constant 0 : i32
    %sign3A_8 = arith.cmpi slt, %add3A_2, %sign3A_7 : i32
    %sign3A_9 = arith.extui %sign3A_8 : i1 to i32
    %sign3A_10 = arith.subi %sign3A_6, %sign3A_9 : i32
    %sign3A_11 = arith.constant 0 : i32
    %sign3A_12 = arith.cmpi sgt, %jit3A, %sign3A_11 : i32
    %sign3A_13 = arith.extui %sign3A_12 : i1 to i32
    %sign3A_14 = arith.constant 0 : i32
    %sign3A_15 = arith.cmpi slt, %jit3A, %sign3A_14 : i32
    %sign3A_16 = arith.extui %sign3A_15 : i1 to i32
    %sign3A_17 = arith.subi %sign3A_13, %sign3A_16 : i32
    %ne3A = arith.cmpi ne, %sign3A_10, %sign3A_17 : i32
    %rem3A = arith.remsi %add3A_2, %jit3A : i32
    %ne3A_18 = arith.constant 0 : i32
    %ne3A_19 = arith.cmpi ne, %rem3A, %ne3A_18 : i32
    %and3A = arith.andi %ne3A, %ne3A_19 : i1
    %sub3A = arith.constant 1 : i32
    %sub3A_20 = arith.subi %div3A, %sub3A : i32
    %select_n3A = arith.select %and3A, %sub3A_20, %div3A : i32
    %mul3A_21 = arith.constant 320000 : i32
    %mul3A_22 = arith.muli %select_n3A, %mul3A_21 : i32
    %add3A_23 = arith.constant 0 : i32
    %add3A_24 = arith.addi %mul3A_4, %add3A_23 : i32
    "tpu.region"() ({
      %run_scoped3A = tpu.sem_alloc : memref<!tpu.dma_semaphore, #tpu.memory_space<semaphore_mem>>
      %dma_start3A_145 = arith.constant 0 : i32
      %dma_start3A_146 = tpu.memref_slice %arg6[%dma_start3A_145] : memref<20480xf32, #tpu.memory_space<vmem>> -> memref<10240xf32, #tpu.memory_space<vmem>>
      %dma_start3A_147 = arith.constant 0 : i32
      %dma_start3A_148 = tpu.memref_slice %arg3[%add3A_24, %dma_start3A_147] : memref<256x10240xf32, #tpu.memory_space<hbm>> -> memref<1x10240xf32, #tpu.memory_space<hbm>>
      %dma_start3A_149 = tpu.memref_squeeze %dma_start3A_148 : memref<1x10240xf32, #tpu.memory_space<hbm>> -> memref<10240xf32, #tpu.memory_space<hbm>>
      %dma_start3A_150 = arith.constant 0 : i32
      %dma_start3A_151 = tpu.memref_slice %arg6[%dma_start3A_150] : memref<20480xf32, #tpu.memory_space<vmem>> -> memref<10240xf32, #tpu.memory_space<vmem>>
      %dma_start3A_152 = arith.constant 0 : i32
      %dma_start3A_153 = tpu.memref_slice %arg3[%add3A_24, %dma_start3A_152] : memref<256x10240xf32, #tpu.memory_space<hbm>> -> memref<1x10240xf32, #tpu.memory_space<hbm>>
      %dma_start3A_154 = tpu.memref_squeeze %dma_start3A_153 : memref<1x10240xf32, #tpu.memory_space<hbm>> -> memref<10240xf32, #tpu.memory_space<hbm>>
      tpu.enqueue_dma source(%dma_start3A_154 : memref<10240xf32, #tpu.memory_space<hbm>>) target(%dma_start3A_151 : memref<10240xf32, #tpu.memory_space<vmem>>) target_semaphore(%run_scoped3A : memref<!tpu.dma_semaphore, #tpu.memory_space<semaphore_mem>>)
      %dma_wait3A = arith.constant 0 : i32
      %dma_wait3A_155 = tpu.memref_slice %arg6[%dma_wait3A] : memref<20480xf32, #tpu.memory_space<vmem>> -> memref<10240xf32, #tpu.memory_space<vmem>>
      %dma_wait3A_156 = arith.constant 0 : i32
      %dma_wait3A_157 = tpu.memref_slice %arg3[%add3A_24, %dma_wait3A_156] : memref<256x10240xf32, #tpu.memory_space<hbm>> -> memref<1x10240xf32, #tpu.memory_space<hbm>>
      %dma_wait3A_158 = tpu.memref_squeeze %dma_wait3A_157 : memref<1x10240xf32, #tpu.memory_space<hbm>> -> memref<10240xf32, #tpu.memory_space<hbm>>
      %dma_wait3A_159 = arith.constant 0 : i32
      %dma_wait3A_160 = tpu.memref_slice %arg6[%dma_wait3A_159] : memref<20480xf32, #tpu.memory_space<vmem>> -> memref<10240xf32, #tpu.memory_space<vmem>>
      %dma_wait3A_161 = arith.constant 0 : i32
      %dma_wait3A_162 = tpu.memref_slice %arg3[%add3A_24, %dma_wait3A_161] : memref<256x10240xf32, #tpu.memory_space<hbm>> -> memref<1x10240xf32, #tpu.memory_space<hbm>>
      %dma_wait3A_163 = tpu.memref_squeeze %dma_wait3A_162 : memref<1x10240xf32, #tpu.memory_space<hbm>> -> memref<10240xf32, #tpu.memory_space<hbm>>
      tpu.wait_dma2 semaphore(%run_scoped3A : memref<!tpu.dma_semaphore, #tpu.memory_space<semaphore_mem>>) src(%dma_wait3A_163 : memref<10240xf32, #tpu.memory_space<hbm>>) dst(%dma_wait3A_160 : memref<10240xf32, #tpu.memory_space<vmem>>)
      tpu.yield
    }) : () -> ()
    %add3A_25 = arith.constant 0 : i32
    %add3A_26 = arith.addi %mul3A_4, %add3A_25 : i32
    %add3A_27 = arith.constant 1 : i32
    %add3A_28 = arith.addi %add3A_26, %add3A_27 : i32
    "tpu.region"() ({
      %run_scoped3A = tpu.sem_alloc : memref<!tpu.dma_semaphore, #tpu.memory_space<semaphore_mem>>
      %dma_start3A_145 = arith.constant 10240 : i32
      %dma_start3A_146 = tpu.memref_slice %arg6[%dma_start3A_145] : memref<20480xf32, #tpu.memory_space<vmem>> -> memref<10240xf32, #tpu.memory_space<vmem>>
      %dma_start3A_147 = arith.constant 0 : i32
      %dma_start3A_148 = tpu.memref_slice %arg3[%add3A_28, %dma_start3A_147] : memref<256x10240xf32, #tpu.memory_space<hbm>> -> memref<1x10240xf32, #tpu.memory_space<hbm>>
      %dma_start3A_149 = tpu.memref_squeeze %dma_start3A_148 : memref<1x10240xf32, #tpu.memory_space<hbm>> -> memref<10240xf32, #tpu.memory_space<hbm>>
      %dma_start3A_150 = arith.constant 10240 : i32
      %dma_start3A_151 = tpu.memref_slice %arg6[%dma_start3A_150] : memref<20480xf32, #tpu.memory_space<vmem>> -> memref<10240xf32, #tpu.memory_space<vmem>>
      %dma_start3A_152 = arith.constant 0 : i32
      %dma_start3A_153 = tpu.memref_slice %arg3[%add3A_28, %dma_start3A_152] : memref<256x10240xf32, #tpu.memory_space<hbm>> -> memref<1x10240xf32, #tpu.memory_space<hbm>>
      %dma_start3A_154 = tpu.memref_squeeze %dma_start3A_153 : memref<1x10240xf32, #tpu.memory_space<hbm>> -> memref<10240xf32, #tpu.memory_space<hbm>>
      tpu.enqueue_dma source(%dma_start3A_154 : memref<10240xf32, #tpu.memory_space<hbm>>) target(%dma_start3A_151 : memref<10240xf32, #tpu.memory_space<vmem>>) target_semaphore(%run_scoped3A : memref<!tpu.dma_semaphore, #tpu.memory_space<semaphore_mem>>)
      %dma_wait3A = arith.constant 10240 : i32
      %dma_wait3A_155 = tpu.memref_slice %arg6[%dma_wait3A] : memref<20480xf32, #tpu.memory_space<vmem>> -> memref<10240xf32, #tpu.memory_space<vmem>>
      %dma_wait3A_156 = arith.constant 0 : i32
      %dma_wait3A_157 = tpu.memref_slice %arg3[%add3A_28, %dma_wait3A_156] : memref<256x10240xf32, #tpu.memory_space<hbm>> -> memref<1x10240xf32, #tpu.memory_space<hbm>>
      %dma_wait3A_158 = tpu.memref_squeeze %dma_wait3A_157 : memref<1x10240xf32, #tpu.memory_space<hbm>> -> memref<10240xf32, #tpu.memory_space<hbm>>
      %dma_wait3A_159 = arith.constant 10240 : i32
      %dma_wait3A_160 = tpu.memref_slice %arg6[%dma_wait3A_159] : memref<20480xf32, #tpu.memory_space<vmem>> -> memref<10240xf32, #tpu.memory_space<vmem>>
      %dma_wait3A_161 = arith.constant 0 : i32
      %dma_wait3A_162 = tpu.memref_slice %arg3[%add3A_28, %dma_wait3A_161] : memref<256x10240xf32, #tpu.memory_space<hbm>> -> memref<1x10240xf32, #tpu.memory_space<hbm>>
      %dma_wait3A_163 = tpu.memref_squeeze %dma_wait3A_162 : memref<1x10240xf32, #tpu.memory_space<hbm>> -> memref<10240xf32, #tpu.memory_space<hbm>>
      tpu.wait_dma2 semaphore(%run_scoped3A : memref<!tpu.dma_semaphore, #tpu.memory_space<semaphore_mem>>) src(%dma_wait3A_163 : memref<10240xf32, #tpu.memory_space<hbm>>) dst(%dma_wait3A_160 : memref<10240xf32, #tpu.memory_space<vmem>>)
      tpu.yield
    }) : () -> ()
    %parallel_loop3A = arith.constant 0 : i32
    %parallel_loop3A_29 = arith.constant 640 : i32
    %parallel_loop3A_30 = arith.constant 1 : i32
    scf.for %parallel_loop3A_145 = %parallel_loop3A to %parallel_loop3A_29 step %parallel_loop3A_30  : i32 {
      %parallel_loop3A_146 = arith.constant 16 : i32
      %parallel_loop3A_147 = arith.muli %parallel_loop3A_145, %parallel_loop3A_146 : i32
      %parallel_loop3A_148 = arith.index_cast %parallel_loop3A_147 : i32 to index
      %parallel_loop3A_149 = tpu.vector_load %arg6[%parallel_loop3A_148] {strides = array<i32>} : memref<20480xf32, #tpu.memory_space<vmem>>, vector<16xf32>,
      %parallel_loop3A_150 = arith.constant 16 : i32
      %parallel_loop3A_151 = arith.muli %parallel_loop3A_145, %parallel_loop3A_150 : i32
      %parallel_loop3A_152 = arith.constant 10240 : i32
      %parallel_loop3A_153 = arith.addi %parallel_loop3A_152, %parallel_loop3A_151 : i32
      %parallel_loop3A_154 = arith.index_cast %parallel_loop3A_153 : i32 to index
      %parallel_loop3A_155 = tpu.vector_load %arg6[%parallel_loop3A_154] {strides = array<i32>} : memref<20480xf32, #tpu.memory_space<vmem>>, vector<16xf32>,
      %parallel_loop3A_156 = tpu.pack_subelements %parallel_loop3A_149, %parallel_loop3A_155 {pack_format = #tpu.pack_format<interleaved>, positions = array<i32: 0, 1>} : vector<16xf32>, vector<16xf32> -> vector<32xbf16>
      %parallel_loop3A_157 = vector.bitcast %parallel_loop3A_156 : vector<32xbf16> to vector<16xi32>
      %parallel_loop3A_158 = arith.constant 16 : i32
      %parallel_loop3A_159 = arith.muli %parallel_loop3A_145, %parallel_loop3A_158 : i32
      %parallel_loop3A_160 = arith.constant 0 : i32
      %parallel_loop3A_161 = arith.addi %parallel_loop3A_160, %parallel_loop3A_159 : i32
      %parallel_loop3A_162 = arith.index_cast %parallel_loop3A_161 : i32 to index
      %parallel_loop3A_163 = tpu.vector_load %arg7[%parallel_loop3A_162] {strides = array<i32>} : memref<20480xi32, #tpu.memory_space<vmem>>, vector<16xi32>,
      tpu.vector_store %arg7[%parallel_loop3A_162], %parallel_loop3A_157 {strides = array<i32>} : memref<20480xi32, #tpu.memory_space<vmem>>, vector<16xi32>,
    } {sc.loop_unroll_factor = 4 : i64, sc.parallel_access}
    %add3A_31 = arith.constant 2 : i32
    %add3A_32 = arith.addi %mul3A_4, %add3A_31 : i32
    "tpu.region"() ({
      %run_scoped3A = tpu.sem_alloc : memref<!tpu.dma_semaphore, #tpu.memory_space<semaphore_mem>>
      %dma_start3A_145 = arith.constant 0 : i32
      %dma_start3A_146 = tpu.memref_slice %arg6[%dma_start3A_145] : memref<20480xf32, #tpu.memory_space<vmem>> -> memref<10240xf32, #tpu.memory_space<vmem>>
      %dma_start3A_147 = arith.constant 0 : i32
      %dma_start3A_148 = tpu.memref_slice %arg3[%add3A_32, %dma_start3A_147] : memref<256x10240xf32, #tpu.memory_space<hbm>> -> memref<1x10240xf32, #tpu.memory_space<hbm>>
      %dma_start3A_149 = tpu.memref_squeeze %dma_start3A_148 : memref<1x10240xf32, #tpu.memory_space<hbm>> -> memref<10240xf32, #tpu.memory_space<hbm>>
      %dma_start3A_150 = arith.constant 0 : i32
      %dma_start3A_151 = tpu.memref_slice %arg6[%dma_start3A_150] : memref<20480xf32, #tpu.memory_space<vmem>> -> memref<10240xf32, #tpu.memory_space<vmem>>
      %dma_start3A_152 = arith.constant 0 : i32
      %dma_start3A_153 = tpu.memref_slice %arg3[%add3A_32, %dma_start3A_152] : memref<256x10240xf32, #tpu.memory_space<hbm>> -> memref<1x10240xf32, #tpu.memory_space<hbm>>
      %dma_start3A_154 = tpu.memref_squeeze %dma_start3A_153 : memref<1x10240xf32, #tpu.memory_space<hbm>> -> memref<10240xf32, #tpu.memory_space<hbm>>
      tpu.enqueue_dma source(%dma_start3A_154 : memref<10240xf32, #tpu.memory_space<hbm>>) target(%dma_start3A_151 : memref<10240xf32, #tpu.memory_space<vmem>>) target_semaphore(%run_scoped3A : memref<!tpu.dma_semaphore, #tpu.memory_space<semaphore_mem>>)
      %dma_wait3A = arith.constant 0 : i32
      %dma_wait3A_155 = tpu.memref_slice %arg6[%dma_wait3A] : memref<20480xf32, #tpu.memory_space<vmem>> -> memref<10240xf32, #tpu.memory_space<vmem>>
      %dma_wait3A_156 = arith.constant 0 : i32
      %dma_wait3A_157 = tpu.memref_slice %arg3[%add3A_32, %dma_wait3A_156] : memref<256x10240xf32, #tpu.memory_space<hbm>> -> memref<1x10240xf32, #tpu.memory_space<hbm>>
      %dma_wait3A_158 = tpu.memref_squeeze %dma_wait3A_157 : memref<1x10240xf32, #tpu.memory_space<hbm>> -> memref<10240xf32, #tpu.memory_space<hbm>>
      %dma_wait3A_159 = arith.constant 0 : i32
      %dma_wait3A_160 = tpu.memref_slice %arg6[%dma_wait3A_159] : memref<20480xf32, #tpu.memory_space<vmem>> -> memref<10240xf32, #tpu.memory_space<vmem>>
      %dma_wait3A_161 = arith.constant 0 : i32
      %dma_wait3A_162 = tpu.memref_slice %arg3[%add3A_32, %dma_wait3A_161] : memref<256x10240xf32, #tpu.memory_space<hbm>> -> memref<1x10240xf32, #tpu.memory_space<hbm>>
      %dma_wait3A_163 = tpu.memref_squeeze %dma_wait3A_162 : memref<1x10240xf32, #tpu.memory_space<hbm>> -> memref<10240xf32, #tpu.memory_space<hbm>>
      tpu.wait_dma2 semaphore(%run_scoped3A : memref<!tpu.dma_semaphore, #tpu.memory_space<semaphore_mem>>) src(%dma_wait3A_163 : memref<10240xf32, #tpu.memory_space<hbm>>) dst(%dma_wait3A_160 : memref<10240xf32, #tpu.memory_space<vmem>>)
      tpu.yield
    }) : () -> ()
    %add3A_33 = arith.constant 2 : i32
    %add3A_34 = arith.addi %mul3A_4, %add3A_33 : i32
    %add3A_35 = arith.constant 1 : i32
    %add3A_36 = arith.addi %add3A_34, %add3A_35 : i32
    "tpu.region"() ({
      %run_scoped3A = tpu.sem_alloc : memref<!tpu.dma_semaphore, #tpu.memory_space<semaphore_mem>>
      %dma_start3A_145 = arith.constant 10240 : i32
      %dma_start3A_146 = tpu.memref_slice %arg6[%dma_start3A_145] : memref<20480xf32, #tpu.memory_space<vmem>> -> memref<10240xf32, #tpu.memory_space<vmem>>
      %dma_start3A_147 = arith.constant 0 : i32
      %dma_start3A_148 = tpu.memref_slice %arg3[%add3A_36, %dma_start3A_147] : memref<256x10240xf32, #tpu.memory_space<hbm>> -> memref<1x10240xf32, #tpu.memory_space<hbm>>
      %dma_start3A_149 = tpu.memref_squeeze %dma_start3A_148 : memref<1x10240xf32, #tpu.memory_space<hbm>> -> memref<10240xf32, #tpu.memory_space<hbm>>
      %dma_start3A_150 = arith.constant 10240 : i32
      %dma_start3A_151 = tpu.memref_slice %arg6[%dma_start3A_150] : memref<20480xf32, #tpu.memory_space<vmem>> -> memref<10240xf32, #tpu.memory_space<vmem>>
      %dma_start3A_152 = arith.constant 0 : i32
      %dma_start3A_153 = tpu.memref_slice %arg3[%add3A_36, %dma_start3A_152] : memref<256x10240xf32, #tpu.memory_space<hbm>> -> memref<1x10240xf32, #tpu.memory_space<hbm>>
      %dma_start3A_154 = tpu.memref_squeeze %dma_start3A_153 : memref<1x10240xf32, #tpu.memory_space<hbm>> -> memref<10240xf32, #tpu.memory_space<hbm>>
      tpu.enqueue_dma source(%dma_start3A_154 : memref<10240xf32, #tpu.memory_space<hbm>>) target(%dma_start3A_151 : memref<10240xf32, #tpu.memory_space<vmem>>) target_semaphore(%run_scoped3A : memref<!tpu.dma_semaphore, #tpu.memory_space<semaphore_mem>>)
      %dma_wait3A = arith.constant 10240 : i32
      %dma_wait3A_155 = tpu.memref_slice %arg6[%dma_wait3A] : memref<20480xf32, #tpu.memory_space<vmem>> -> memref<10240xf32, #tpu.memory_space<vmem>>
      %dma_wait3A_156 = arith.constant 0 : i32
      %dma_wait3A_157 = tpu.memref_slice %arg3[%add3A_36, %dma_wait3A_156] : memref<256x10240xf32, #tpu.memory_space<hbm>> -> memref<1x10240xf32, #tpu.memory_space<hbm>>
      %dma_wait3A_158 = tpu.memref_squeeze %dma_wait3A_157 : memref<1x10240xf32, #tpu.memory_space<hbm>> -> memref<10240xf32, #tpu.memory_space<hbm>>
      %dma_wait3A_159 = arith.constant 10240 : i32
      %dma_wait3A_160 = tpu.memref_slice %arg6[%dma_wait3A_159] : memref<20480xf32, #tpu.memory_space<vmem>> -> memref<10240xf32, #tpu.memory_space<vmem>>
      %dma_wait3A_161 = arith.constant 0 : i32
      %dma_wait3A_162 = tpu.memref_slice %arg3[%add3A_36, %dma_wait3A_161] : memref<256x10240xf32, #tpu.memory_space<hbm>> -> memref<1x10240xf32, #tpu.memory_space<hbm>>
      %dma_wait3A_163 = tpu.memref_squeeze %dma_wait3A_162 : memref<1x10240xf32, #tpu.memory_space<hbm>> -> memref<10240xf32, #tpu.memory_space<hbm>>
      tpu.wait_dma2 semaphore(%run_scoped3A : memref<!tpu.dma_semaphore, #tpu.memory_space<semaphore_mem>>) src(%dma_wait3A_163 : memref<10240xf32, #tpu.memory_space<hbm>>) dst(%dma_wait3A_160 : memref<10240xf32, #tpu.memory_space<vmem>>)
      tpu.yield
    }) : () -> ()
    %parallel_loop3A_37 = arith.constant 0 : i32
    %parallel_loop3A_38 = arith.constant 640 : i32
    %parallel_loop3A_39 = arith.constant 1 : i32
    scf.for %parallel_loop3A_145 = %parallel_loop3A_37 to %parallel_loop3A_38 step %parallel_loop3A_39  : i32 {
      %parallel_loop3A_146 = arith.constant 16 : i32
      %parallel_loop3A_147 = arith.muli %parallel_loop3A_145, %parallel_loop3A_146 : i32
      %parallel_loop3A_148 = arith.index_cast %parallel_loop3A_147 : i32 to index
      %parallel_loop3A_149 = tpu.vector_load %arg6[%parallel_loop3A_148] {strides = array<i32>} : memref<20480xf32, #tpu.memory_space<vmem>>, vector<16xf32>,
      %parallel_loop3A_150 = arith.constant 16 : i32
      %parallel_loop3A_151 = arith.muli %parallel_loop3A_145, %parallel_loop3A_150 : i32
      %parallel_loop3A_152 = arith.constant 10240 : i32
      %parallel_loop3A_153 = arith.addi %parallel_loop3A_152, %parallel_loop3A_151 : i32
      %parallel_loop3A_154 = arith.index_cast %parallel_loop3A_153 : i32 to index
      %parallel_loop3A_155 = tpu.vector_load %arg6[%parallel_loop3A_154] {strides = array<i32>} : memref<20480xf32, #tpu.memory_space<vmem>>, vector<16xf32>,
      %parallel_loop3A_156 = tpu.pack_subelements %parallel_loop3A_149, %parallel_loop3A_155 {pack_format = #tpu.pack_format<interleaved>, positions = array<i32: 0, 1>} : vector<16xf32>, vector<16xf32> -> vector<32xbf16>
      %parallel_loop3A_157 = vector.bitcast %parallel_loop3A_156 : vector<32xbf16> to vector<16xi32>
      %parallel_loop3A_158 = arith.constant 16 : i32
      %parallel_loop3A_159 = arith.muli %parallel_loop3A_145, %parallel_loop3A_158 : i32
      %parallel_loop3A_160 = arith.constant 10240 : i32
      %parallel_loop3A_161 = arith.addi %parallel_loop3A_160, %parallel_loop3A_159 : i32
      %parallel_loop3A_162 = arith.index_cast %parallel_loop3A_161 : i32 to index
      %parallel_loop3A_163 = tpu.vector_load %arg7[%parallel_loop3A_162] {strides = array<i32>} : memref<20480xi32, #tpu.memory_space<vmem>>, vector<16xi32>,
      tpu.vector_store %arg7[%parallel_loop3A_162], %parallel_loop3A_157 {strides = array<i32>} : memref<20480xi32, #tpu.memory_space<vmem>>, vector<16xi32>,
    } {sc.loop_unroll_factor = 4 : i64, sc.parallel_access}
    %broadcast_in_dim3A = arith.constant 0.000000e+00 : f32
    %broadcast_in_dim3A_40 = vector.broadcast %broadcast_in_dim3A : f32 to vector<16xf32>
    %scan3A = arith.constant 0 : i32
    %scan3A_41 = arith.constant 0 : i32
    %scan3A_42 = arith.constant 2560 : i32
    %scan3A_43 = arith.addi %scan3A_41, %scan3A_42 : i32
    %scan3A_44 = arith.constant 1 : i32
    %scan3A_45 = scf.for %scan3A_145 = %scan3A_41 to %scan3A_43 step %scan3A_44 iter_args(%scan3A_146 = %scan3A) -> (i32)  : i32 {
      %mul3A_147 = arith.constant 16 : i32
      %mul3A_148 = arith.muli %scan3A_145, %mul3A_147 : i32
      %swap3A = arith.index_cast %mul3A_148 : i32 to index
      %swap3A_149 = tpu.vector_load %arg8[%swap3A] {strides = array<i32>} : memref<40960xf32, #tpu.memory_space<vmem>>, vector<16xf32>,
      tpu.vector_store %arg8[%swap3A], %broadcast_in_dim3A_40 {strides = array<i32>} : memref<40960xf32, #tpu.memory_space<vmem>>, vector<16xf32>,
      %scan3A_150 = arith.constant 0 : i32
      scf.yield %scan3A_150 : i32
    }
    %scan3A_46 = arith.constant 2560 : i32
    %dma_start3A = arith.constant 0 : i32
    %dma_start3A_47 = tpu.memref_slice %arg2[%dma_start3A] : memref<320000xi32, #tpu.memory_space<hbm>> -> memref<8000xi32, #tpu.memory_space<hbm>>
    %dma_start3A_48 = arith.constant 0 : i32
    %dma_start3A_49 = tpu.memref_slice %arg2[%dma_start3A_48] : memref<320000xi32, #tpu.memory_space<hbm>> -> memref<8000xi32, #tpu.memory_space<hbm>>
    tpu.enqueue_dma source(%dma_start3A_49 : memref<8000xi32, #tpu.memory_space<hbm>>) target(%arg9 : memref<8000xi32, #tpu.memory_space<vmem>>) target_semaphore(%arg13 : memref<!tpu.dma_semaphore, #tpu.memory_space<semaphore_mem>>)
    %dma_start3A_50 = tpu.memref_slice %arg4[%mul3A_22] : memref<1280000xf32, #tpu.memory_space<hbm>> -> memref<8000xf32, #tpu.memory_space<hbm>>
    %dma_start3A_51 = tpu.memref_slice %arg4[%mul3A_22] : memref<1280000xf32, #tpu.memory_space<hbm>> -> memref<8000xf32, #tpu.memory_space<hbm>>
    tpu.enqueue_dma source(%dma_start3A_51 : memref<8000xf32, #tpu.memory_space<hbm>>) target(%arg11 : memref<8000xf32, #tpu.memory_space<vmem>>) target_semaphore(%arg15 : memref<!tpu.dma_semaphore, #tpu.memory_space<semaphore_mem>>)
    %scan3A_52 = arith.constant 0 : i32
    %scan3A_53 = arith.constant 0 : i32
    %scan3A_54 = arith.constant 20 : i32
    %scan3A_55 = arith.addi %scan3A_53, %scan3A_54 : i32
    %scan3A_56 = arith.constant 1 : i32
    %scan3A_57 = scf.for %scan3A_145 = %scan3A_53 to %scan3A_55 step %scan3A_56 iter_args(%scan3A_146 = %scan3A_52) -> (i32)  : i32 {
      %mul3A_147 = arith.constant 2 : i32
      %mul3A_148 = arith.muli %scan3A_145, %mul3A_147 : i32
      %add3A_149 = arith.constant 0 : i32
      %add3A_150 = arith.addi %mul3A_148, %add3A_149 : i32
      %mul3A_151 = arith.constant 8000 : i32
      %mul3A_152 = arith.muli %add3A_150, %mul3A_151 : i32
      %dma_wait3A = tpu.memref_slice %arg2[%mul3A_152] : memref<320000xi32, #tpu.memory_space<hbm>> -> memref<8000xi32, #tpu.memory_space<hbm>>
      %dma_wait3A_153 = tpu.memref_slice %arg2[%mul3A_152] : memref<320000xi32, #tpu.memory_space<hbm>> -> memref<8000xi32, #tpu.memory_space<hbm>>
      tpu.wait_dma2 semaphore(%arg13 : memref<!tpu.dma_semaphore, #tpu.memory_space<semaphore_mem>>) src(%dma_wait3A_153 : memref<8000xi32, #tpu.memory_space<hbm>>) dst(%arg9 : memref<8000xi32, #tpu.memory_space<vmem>>)
      %mul3A_154 = arith.constant 8000 : i32
      %mul3A_155 = arith.muli %add3A_150, %mul3A_154 : i32
      %add3A_156 = arith.addi %mul3A_22, %mul3A_155 : i32
      %dma_wait3A_157 = tpu.memref_slice %arg4[%add3A_156] : memref<1280000xf32, #tpu.memory_space<hbm>> -> memref<8000xf32, #tpu.memory_space<hbm>>
      %dma_wait3A_158 = tpu.memref_slice %arg4[%add3A_156] : memref<1280000xf32, #tpu.memory_space<hbm>> -> memref<8000xf32, #tpu.memory_space<hbm>>
      tpu.wait_dma2 semaphore(%arg15 : memref<!tpu.dma_semaphore, #tpu.memory_space<semaphore_mem>>) src(%dma_wait3A_158 : memref<8000xf32, #tpu.memory_space<hbm>>) dst(%arg11 : memref<8000xf32, #tpu.memory_space<vmem>>)
      %add3A_159 = arith.constant 1 : i32
      %add3A_160 = arith.addi %add3A_150, %add3A_159 : i32
      %lt3A = arith.constant 40 : i32
      %lt3A_161 = arith.cmpi slt, %add3A_160, %lt3A : i32
      %convert_element_type3A = arith.extui %lt3A_161 : i1 to i32
      %cond3A = arith.constant 0 : i32
      %cond3A_162 = arith.cmpi ne, %convert_element_type3A, %cond3A : i32
      scf.if %cond3A_162 {
        %add3A_190 = arith.constant 1 : i32
        %add3A_191 = arith.addi %add3A_150, %add3A_190 : i32
        %mul3A_192 = arith.constant 8000 : i32
        %mul3A_193 = arith.muli %add3A_191, %mul3A_192 : i32
        %dma_start3A_194 = tpu.memref_slice %arg2[%mul3A_193] : memref<320000xi32, #tpu.memory_space<hbm>> -> memref<8000xi32, #tpu.memory_space<hbm>>
        %dma_start3A_195 = tpu.memref_slice %arg2[%mul3A_193] : memref<320000xi32, #tpu.memory_space<hbm>> -> memref<8000xi32, #tpu.memory_space<hbm>>
        tpu.enqueue_dma source(%dma_start3A_195 : memref<8000xi32, #tpu.memory_space<hbm>>) target(%arg10 : memref<8000xi32, #tpu.memory_space<vmem>>) target_semaphore(%arg14 : memref<!tpu.dma_semaphore, #tpu.memory_space<semaphore_mem>>)
        %add3A_196 = arith.addi %mul3A_22, %mul3A_193 : i32
        %dma_start3A_197 = tpu.memref_slice %arg4[%add3A_196] : memref<1280000xf32, #tpu.memory_space<hbm>> -> memref<8000xf32, #tpu.memory_space<hbm>>
        %dma_start3A_198 = tpu.memref_slice %arg4[%add3A_196] : memref<1280000xf32, #tpu.memory_space<hbm>> -> memref<8000xf32, #tpu.memory_space<hbm>>
        tpu.enqueue_dma source(%dma_start3A_198 : memref<8000xf32, #tpu.memory_space<hbm>>) target(%arg12 : memref<8000xf32, #tpu.memory_space<vmem>>) target_semaphore(%arg16 : memref<!tpu.dma_semaphore, #tpu.memory_space<semaphore_mem>>)
      } else {
      }
      %parallel_loop3A_163 = arith.constant 0 : i32
      %parallel_loop3A_164 = arith.constant 500 : i32
      %parallel_loop3A_165 = arith.constant 1 : i32
      scf.for %parallel_loop3A_190 = %parallel_loop3A_163 to %parallel_loop3A_164 step %parallel_loop3A_165  : i32 {
        %parallel_loop3A_191 = arith.constant 16 : i32
        %parallel_loop3A_192 = arith.muli %parallel_loop3A_190, %parallel_loop3A_191 : i32
        %parallel_loop3A_193 = arith.index_cast %parallel_loop3A_192 : i32 to index
        %parallel_loop3A_194 = tpu.vector_load %arg9[%parallel_loop3A_193] {strides = array<i32>} : memref<8000xi32, #tpu.memory_space<vmem>>, vector<16xi32>,
        %parallel_loop3A_195 = arith.constant 15 : i32
        %parallel_loop3A_196 = vector.broadcast %parallel_loop3A_195 : i32 to vector<16xi32>
        %parallel_loop3A_197 = arith.shrsi %parallel_loop3A_194, %parallel_loop3A_196 : vector<16xi32>
        %parallel_loop3A_198 = arith.constant 32767 : i32
        %parallel_loop3A_199 = vector.broadcast %parallel_loop3A_198 : i32 to vector<16xi32>
        %parallel_loop3A_200 = arith.andi %parallel_loop3A_194, %parallel_loop3A_199 : vector<16xi32>
        %parallel_loop3A_201 = arith.constant 16 : i32
        %parallel_loop3A_202 = arith.muli %parallel_loop3A_190, %parallel_loop3A_201 : i32
        %parallel_loop3A_203 = arith.index_cast %parallel_loop3A_202 : i32 to index
        %parallel_loop3A_204 = tpu.vector_load %arg11[%parallel_loop3A_203] {strides = array<i32>} : memref<8000xf32, #tpu.memory_space<vmem>>, vector<16xf32>,
        %parallel_loop3A_205 = arith.constant 0 : i32
        %parallel_loop3A_206 = vector.broadcast %parallel_loop3A_205 : i32 to vector<16xi32>
        %parallel_loop3A_207 = arith.addi %parallel_loop3A_197, %parallel_loop3A_206 : vector<16xi32>
        %parallel_loop3A_208 = tpu.vector_load_idx %arg7[%parallel_loop3A_207] : memref<20480xi32, #tpu.memory_space<vmem>>[vector<16xi32>], vector<16xi32>,
        %parallel_loop3A_209 = vector.bitcast %parallel_loop3A_208 : vector<16xi32> to vector<32xbf16>
        %parallel_loop3A_210 = tpu.unpack_subelements %parallel_loop3A_209, 0 {pack_format = #tpu.pack_format<interleaved>} : vector<32xbf16> -> vector<16xf32>
        %parallel_loop3A_211 = tpu.unpack_subelements %parallel_loop3A_209, 1 {pack_format = #tpu.pack_format<interleaved>} : vector<32xbf16> -> vector<16xf32>
        %parallel_loop3A_212 = arith.constant 0 : i32
        %parallel_loop3A_213 = vector.broadcast %parallel_loop3A_212 : i32 to vector<16xi32>
        %parallel_loop3A_214 = arith.addi %parallel_loop3A_200, %parallel_loop3A_213 : vector<16xi32>
        %parallel_loop3A_215 = arith.mulf %parallel_loop3A_210, %parallel_loop3A_204 : vector<16xf32>
        tpu.vector_store_idx %arg8[%parallel_loop3A_214], %parallel_loop3A_215 {add = true} : memref<40960xf32, #tpu.memory_space<vmem>>[vector<16xi32>], vector<16xf32>,
        %parallel_loop3A_216 = arith.constant 10240 : i32
        %parallel_loop3A_217 = vector.broadcast %parallel_loop3A_216 : i32 to vector<16xi32>
        %parallel_loop3A_218 = arith.addi %parallel_loop3A_200, %parallel_loop3A_217 : vector<16xi32>
        %parallel_loop3A_219 = arith.mulf %parallel_loop3A_211, %parallel_loop3A_204 : vector<16xf32>
        tpu.vector_store_idx %arg8[%parallel_loop3A_218], %parallel_loop3A_219 {add = true} : memref<40960xf32, #tpu.memory_space<vmem>>[vector<16xi32>], vector<16xf32>,
        %parallel_loop3A_220 = arith.constant 10240 : i32
        %parallel_loop3A_221 = vector.broadcast %parallel_loop3A_220 : i32 to vector<16xi32>
        %parallel_loop3A_222 = arith.addi %parallel_loop3A_197, %parallel_loop3A_221 : vector<16xi32>
        %parallel_loop3A_223 = tpu.vector_load_idx %arg7[%parallel_loop3A_222] : memref<20480xi32, #tpu.memory_space<vmem>>[vector<16xi32>], vector<16xi32>,
        %parallel_loop3A_224 = vector.bitcast %parallel_loop3A_223 : vector<16xi32> to vector<32xbf16>
        %parallel_loop3A_225 = tpu.unpack_subelements %parallel_loop3A_224, 0 {pack_format = #tpu.pack_format<interleaved>} : vector<32xbf16> -> vector<16xf32>
        %parallel_loop3A_226 = tpu.unpack_subelements %parallel_loop3A_224, 1 {pack_format = #tpu.pack_format<interleaved>} : vector<32xbf16> -> vector<16xf32>
        %parallel_loop3A_227 = arith.constant 20480 : i32
        %parallel_loop3A_228 = vector.broadcast %parallel_loop3A_227 : i32 to vector<16xi32>
        %parallel_loop3A_229 = arith.addi %parallel_loop3A_200, %parallel_loop3A_228 : vector<16xi32>
        %parallel_loop3A_230 = arith.mulf %parallel_loop3A_225, %parallel_loop3A_204 : vector<16xf32>
        tpu.vector_store_idx %arg8[%parallel_loop3A_229], %parallel_loop3A_230 {add = true} : memref<40960xf32, #tpu.memory_space<vmem>>[vector<16xi32>], vector<16xf32>,
        %parallel_loop3A_231 = arith.constant 30720 : i32
        %parallel_loop3A_232 = vector.broadcast %parallel_loop3A_231 : i32 to vector<16xi32>
        %parallel_loop3A_233 = arith.addi %parallel_loop3A_200, %parallel_loop3A_232 : vector<16xi32>
        %parallel_loop3A_234 = arith.mulf %parallel_loop3A_226, %parallel_loop3A_204 : vector<16xf32>
        tpu.vector_store_idx %arg8[%parallel_loop3A_233], %parallel_loop3A_234 {add = true} : memref<40960xf32, #tpu.memory_space<vmem>>[vector<16xi32>], vector<16xf32>,
      } {sc.loop_unroll_factor = 4 : i64, sc.parallel_access}
      %mul3A_166 = arith.constant 2 : i32
      %mul3A_167 = arith.muli %scan3A_145, %mul3A_166 : i32
      %add3A_168 = arith.constant 1 : i32
      %add3A_169 = arith.addi %mul3A_167, %add3A_168 : i32
      %mul3A_170 = arith.constant 8000 : i32
      %mul3A_171 = arith.muli %add3A_169, %mul3A_170 : i32
      %dma_wait3A_172 = tpu.memref_slice %arg2[%mul3A_171] : memref<320000xi32, #tpu.memory_space<hbm>> -> memref<8000xi32, #tpu.memory_space<hbm>>
      %dma_wait3A_173 = tpu.memref_slice %arg2[%mul3A_171] : memref<320000xi32, #tpu.memory_space<hbm>> -> memref<8000xi32, #tpu.memory_space<hbm>>
      tpu.wait_dma2 semaphore(%arg14 : memref<!tpu.dma_semaphore, #tpu.memory_space<semaphore_mem>>) src(%dma_wait3A_173 : memref<8000xi32, #tpu.memory_space<hbm>>) dst(%arg10 : memref<8000xi32, #tpu.memory_space<vmem>>)
      %mul3A_174 = arith.constant 8000 : i32
      %mul3A_175 = arith.muli %add3A_169, %mul3A_174 : i32
      %add3A_176 = arith.addi %mul3A_22, %mul3A_175 : i32
      %dma_wait3A_177 = tpu.memref_slice %arg4[%add3A_176] : memref<1280000xf32, #tpu.memory_space<hbm>> -> memref<8000xf32, #tpu.memory_space<hbm>>
      %dma_wait3A_178 = tpu.memref_slice %arg4[%add3A_176] : memref<1280000xf32, #tpu.memory_space<hbm>> -> memref<8000xf32, #tpu.memory_space<hbm>>
      tpu.wait_dma2 semaphore(%arg16 : memref<!tpu.dma_semaphore, #tpu.memory_space<semaphore_mem>>) src(%dma_wait3A_178 : memref<8000xf32, #tpu.memory_space<hbm>>) dst(%arg12 : memref<8000xf32, #tpu.memory_space<vmem>>)
      %add3A_179 = arith.constant 1 : i32
      %add3A_180 = arith.addi %add3A_169, %add3A_179 : i32
      %lt3A_181 = arith.constant 40 : i32
      %lt3A_182 = arith.cmpi slt, %add3A_180, %lt3A_181 : i32
      %convert_element_type3A_183 = arith.extui %lt3A_182 : i1 to i32
      %cond3A_184 = arith.constant 0 : i32
      %cond3A_185 = arith.cmpi ne, %convert_element_type3A_183, %cond3A_184 : i32
      scf.if %cond3A_185 {
        %add3A_190 = arith.constant 1 : i32
        %add3A_191 = arith.addi %add3A_169, %add3A_190 : i32
        %mul3A_192 = arith.constant 8000 : i32
        %mul3A_193 = arith.muli %add3A_191, %mul3A_192 : i32
        %dma_start3A_194 = tpu.memref_slice %arg2[%mul3A_193] : memref<320000xi32, #tpu.memory_space<hbm>> -> memref<8000xi32, #tpu.memory_space<hbm>>
        %dma_start3A_195 = tpu.memref_slice %arg2[%mul3A_193] : memref<320000xi32, #tpu.memory_space<hbm>> -> memref<8000xi32, #tpu.memory_space<hbm>>
        tpu.enqueue_dma source(%dma_start3A_195 : memref<8000xi32, #tpu.memory_space<hbm>>) target(%arg9 : memref<8000xi32, #tpu.memory_space<vmem>>) target_semaphore(%arg13 : memref<!tpu.dma_semaphore, #tpu.memory_space<semaphore_mem>>)
        %add3A_196 = arith.addi %mul3A_22, %mul3A_193 : i32
        %dma_start3A_197 = tpu.memref_slice %arg4[%add3A_196] : memref<1280000xf32, #tpu.memory_space<hbm>> -> memref<8000xf32, #tpu.memory_space<hbm>>
        %dma_start3A_198 = tpu.memref_slice %arg4[%add3A_196] : memref<1280000xf32, #tpu.memory_space<hbm>> -> memref<8000xf32, #tpu.memory_space<hbm>>
        tpu.enqueue_dma source(%dma_start3A_198 : memref<8000xf32, #tpu.memory_space<hbm>>) target(%arg11 : memref<8000xf32, #tpu.memory_space<vmem>>) target_semaphore(%arg15 : memref<!tpu.dma_semaphore, #tpu.memory_space<semaphore_mem>>)
      } else {
      }
      %parallel_loop3A_186 = arith.constant 0 : i32
      %parallel_loop3A_187 = arith.constant 500 : i32
      %parallel_loop3A_188 = arith.constant 1 : i32
      scf.for %parallel_loop3A_190 = %parallel_loop3A_186 to %parallel_loop3A_187 step %parallel_loop3A_188  : i32 {
        %parallel_loop3A_191 = arith.constant 16 : i32
        %parallel_loop3A_192 = arith.muli %parallel_loop3A_190, %parallel_loop3A_191 : i32
        %parallel_loop3A_193 = arith.index_cast %parallel_loop3A_192 : i32 to index
        %parallel_loop3A_194 = tpu.vector_load %arg10[%parallel_loop3A_193] {strides = array<i32>} : memref<8000xi32, #tpu.memory_space<vmem>>, vector<16xi32>,
        %parallel_loop3A_195 = arith.constant 15 : i32
        %parallel_loop3A_196 = vector.broadcast %parallel_loop3A_195 : i32 to vector<16xi32>
        %parallel_loop3A_197 = arith.shrsi %parallel_loop3A_194, %parallel_loop3A_196 : vector<16xi32>
        %parallel_loop3A_198 = arith.constant 32767 : i32
        %parallel_loop3A_199 = vector.broadcast %parallel_loop3A_198 : i32 to vector<16xi32>
        %parallel_loop3A_200 = arith.andi %parallel_loop3A_194, %parallel_loop3A_199 : vector<16xi32>
        %parallel_loop3A_201 = arith.constant 16 : i32
        %parallel_loop3A_202 = arith.muli %parallel_loop3A_190, %parallel_loop3A_201 : i32
        %parallel_loop3A_203 = arith.index_cast %parallel_loop3A_202 : i32 to index
        %parallel_loop3A_204 = tpu.vector_load %arg12[%parallel_loop3A_203] {strides = array<i32>} : memref<8000xf32, #tpu.memory_space<vmem>>, vector<16xf32>,
        %parallel_loop3A_205 = arith.constant 0 : i32
        %parallel_loop3A_206 = vector.broadcast %parallel_loop3A_205 : i32 to vector<16xi32>
        %parallel_loop3A_207 = arith.addi %parallel_loop3A_197, %parallel_loop3A_206 : vector<16xi32>
        %parallel_loop3A_208 = tpu.vector_load_idx %arg7[%parallel_loop3A_207] : memref<20480xi32, #tpu.memory_space<vmem>>[vector<16xi32>], vector<16xi32>,
        %parallel_loop3A_209 = vector.bitcast %parallel_loop3A_208 : vector<16xi32> to vector<32xbf16>
        %parallel_loop3A_210 = tpu.unpack_subelements %parallel_loop3A_209, 0 {pack_format = #tpu.pack_format<interleaved>} : vector<32xbf16> -> vector<16xf32>
        %parallel_loop3A_211 = tpu.unpack_subelements %parallel_loop3A_209, 1 {pack_format = #tpu.pack_format<interleaved>} : vector<32xbf16> -> vector<16xf32>
        %parallel_loop3A_212 = arith.constant 0 : i32
        %parallel_loop3A_213 = vector.broadcast %parallel_loop3A_212 : i32 to vector<16xi32>
        %parallel_loop3A_214 = arith.addi %parallel_loop3A_200, %parallel_loop3A_213 : vector<16xi32>
        %parallel_loop3A_215 = arith.mulf %parallel_loop3A_210, %parallel_loop3A_204 : vector<16xf32>
        tpu.vector_store_idx %arg8[%parallel_loop3A_214], %parallel_loop3A_215 {add = true} : memref<40960xf32, #tpu.memory_space<vmem>>[vector<16xi32>], vector<16xf32>,
        %parallel_loop3A_216 = arith.constant 10240 : i32
        %parallel_loop3A_217 = vector.broadcast %parallel_loop3A_216 : i32 to vector<16xi32>
        %parallel_loop3A_218 = arith.addi %parallel_loop3A_200, %parallel_loop3A_217 : vector<16xi32>
        %parallel_loop3A_219 = arith.mulf %parallel_loop3A_211, %parallel_loop3A_204 : vector<16xf32>
        tpu.vector_store_idx %arg8[%parallel_loop3A_218], %parallel_loop3A_219 {add = true} : memref<40960xf32, #tpu.memory_space<vmem>>[vector<16xi32>], vector<16xf32>,
        %parallel_loop3A_220 = arith.constant 10240 : i32
        %parallel_loop3A_221 = vector.broadcast %parallel_loop3A_220 : i32 to vector<16xi32>
        %parallel_loop3A_222 = arith.addi %parallel_loop3A_197, %parallel_loop3A_221 : vector<16xi32>
        %parallel_loop3A_223 = tpu.vector_load_idx %arg7[%parallel_loop3A_222] : memref<20480xi32, #tpu.memory_space<vmem>>[vector<16xi32>], vector<16xi32>,
        %parallel_loop3A_224 = vector.bitcast %parallel_loop3A_223 : vector<16xi32> to vector<32xbf16>
        %parallel_loop3A_225 = tpu.unpack_subelements %parallel_loop3A_224, 0 {pack_format = #tpu.pack_format<interleaved>} : vector<32xbf16> -> vector<16xf32>
        %parallel_loop3A_226 = tpu.unpack_subelements %parallel_loop3A_224, 1 {pack_format = #tpu.pack_format<interleaved>} : vector<32xbf16> -> vector<16xf32>
        %parallel_loop3A_227 = arith.constant 20480 : i32
        %parallel_loop3A_228 = vector.broadcast %parallel_loop3A_227 : i32 to vector<16xi32>
        %parallel_loop3A_229 = arith.addi %parallel_loop3A_200, %parallel_loop3A_228 : vector<16xi32>
        %parallel_loop3A_230 = arith.mulf %parallel_loop3A_225, %parallel_loop3A_204 : vector<16xf32>
        tpu.vector_store_idx %arg8[%parallel_loop3A_229], %parallel_loop3A_230 {add = true} : memref<40960xf32, #tpu.memory_space<vmem>>[vector<16xi32>], vector<16xf32>,
        %parallel_loop3A_231 = arith.constant 30720 : i32
        %parallel_loop3A_232 = vector.broadcast %parallel_loop3A_231 : i32 to vector<16xi32>
        %parallel_loop3A_233 = arith.addi %parallel_loop3A_200, %parallel_loop3A_232 : vector<16xi32>
        %parallel_loop3A_234 = arith.mulf %parallel_loop3A_226, %parallel_loop3A_204 : vector<16xf32>
        tpu.vector_store_idx %arg8[%parallel_loop3A_233], %parallel_loop3A_234 {add = true} : memref<40960xf32, #tpu.memory_space<vmem>>[vector<16xi32>], vector<16xf32>,
      } {sc.loop_unroll_factor = 4 : i64, sc.parallel_access}
      %scan3A_189 = arith.constant 0 : i32
      scf.yield %scan3A_189 : i32
    }
    %scan3A_58 = arith.constant 20 : i32
    %add3A_59 = arith.constant 0 : i32
    %add3A_60 = arith.addi %mul3A_4, %add3A_59 : i32
    "tpu.region"() ({
      %run_scoped3A = tpu.sem_alloc : memref<!tpu.dma_semaphore, #tpu.memory_space<semaphore_mem>>
      %dma_start3A_145 = arith.constant 0 : i32
      %dma_start3A_146 = tpu.memref_slice %arg8[%dma_start3A_145] : memref<40960xf32, #tpu.memory_space<vmem>> -> memref<10240xf32, #tpu.memory_space<vmem>>
      %dma_start3A_147 = arith.constant 0 : i32
      %dma_start3A_148 = tpu.memref_slice %arg5[%add3A_60, %dma_start3A_147] : memref<256x10240xf32, #tpu.memory_space<hbm>> -> memref<1x10240xf32, #tpu.memory_space<hbm>>
      %dma_start3A_149 = tpu.memref_squeeze %dma_start3A_148 : memref<1x10240xf32, #tpu.memory_space<hbm>> -> memref<10240xf32, #tpu.memory_space<hbm>>
      %dma_start3A_150 = arith.constant 0 : i32
      %dma_start3A_151 = tpu.memref_slice %arg5[%add3A_60, %dma_start3A_150] : memref<256x10240xf32, #tpu.memory_space<hbm>> -> memref<1x10240xf32, #tpu.memory_space<hbm>>
      %dma_start3A_152 = tpu.memref_squeeze %dma_start3A_151 : memref<1x10240xf32, #tpu.memory_space<hbm>> -> memref<10240xf32, #tpu.memory_space<hbm>>
      %dma_start3A_153 = arith.constant 0 : i32
      %dma_start3A_154 = tpu.memref_slice %arg8[%dma_start3A_153] : memref<40960xf32, #tpu.memory_space<vmem>> -> memref<10240xf32, #tpu.memory_space<vmem>>
      tpu.enqueue_dma source(%dma_start3A_154 : memref<10240xf32, #tpu.memory_space<vmem>>) target(%dma_start3A_152 : memref<10240xf32, #tpu.memory_space<hbm>>) target_semaphore(%run_scoped3A : memref<!tpu.dma_semaphore, #tpu.memory_space<semaphore_mem>>)
      %dma_wait3A = arith.constant 0 : i32
      %dma_wait3A_155 = tpu.memref_slice %arg8[%dma_wait3A] : memref<40960xf32, #tpu.memory_space<vmem>> -> memref<10240xf32, #tpu.memory_space<vmem>>
      %dma_wait3A_156 = arith.constant 0 : i32
      %dma_wait3A_157 = tpu.memref_slice %arg5[%add3A_60, %dma_wait3A_156] : memref<256x10240xf32, #tpu.memory_space<hbm>> -> memref<1x10240xf32, #tpu.memory_space<hbm>>
      %dma_wait3A_158 = tpu.memref_squeeze %dma_wait3A_157 : memref<1x10240xf32, #tpu.memory_space<hbm>> -> memref<10240xf32, #tpu.memory_space<hbm>>
      %dma_wait3A_159 = arith.constant 0 : i32
      %dma_wait3A_160 = tpu.memref_slice %arg5[%add3A_60, %dma_wait3A_159] : memref<256x10240xf32, #tpu.memory_space<hbm>> -> memref<1x10240xf32, #tpu.memory_space<hbm>>
      %dma_wait3A_161 = tpu.memref_squeeze %dma_wait3A_160 : memref<1x10240xf32, #tpu.memory_space<hbm>> -> memref<10240xf32, #tpu.memory_space<hbm>>
      %dma_wait3A_162 = arith.constant 0 : i32
      %dma_wait3A_163 = tpu.memref_slice %arg8[%dma_wait3A_162] : memref<40960xf32, #tpu.memory_space<vmem>> -> memref<10240xf32, #tpu.memory_space<vmem>>
      tpu.wait_dma2 semaphore(%run_scoped3A : memref<!tpu.dma_semaphore, #tpu.memory_space<semaphore_mem>>) src(%dma_wait3A_163 : memref<10240xf32, #tpu.memory_space<vmem>>) dst(%dma_wait3A_161 : memref<10240xf32, #tpu.memory_space<hbm>>)
      tpu.yield
    }) : () -> ()
    %add3A_61 = arith.constant 1 : i32
    %add3A_62 = arith.addi %mul3A_4, %add3A_61 : i32
    "tpu.region"() ({
      %run_scoped3A = tpu.sem_alloc : memref<!tpu.dma_semaphore, #tpu.memory_space<semaphore_mem>>
      %dma_start3A_145 = arith.constant 10240 : i32
      %dma_start3A_146 = tpu.memref_slice %arg8[%dma_start3A_145] : memref<40960xf32, #tpu.memory_space<vmem>> -> memref<10240xf32, #tpu.memory_space<vmem>>
      %dma_start3A_147 = arith.constant 0 : i32
      %dma_start3A_148 = tpu.memref_slice %arg5[%add3A_62, %dma_start3A_147] : memref<256x10240xf32, #tpu.memory_space<hbm>> -> memref<1x10240xf32, #tpu.memory_space<hbm>>
      %dma_start3A_149 = tpu.memref_squeeze %dma_start3A_148 : memref<1x10240xf32, #tpu.memory_space<hbm>> -> memref<10240xf32, #tpu.memory_space<hbm>>
      %dma_start3A_150 = arith.constant 0 : i32
      %dma_start3A_151 = tpu.memref_slice %arg5[%add3A_62, %dma_start3A_150] : memref<256x10240xf32, #tpu.memory_space<hbm>> -> memref<1x10240xf32, #tpu.memory_space<hbm>>
      %dma_start3A_152 = tpu.memref_squeeze %dma_start3A_151 : memref<1x10240xf32, #tpu.memory_space<hbm>> -> memref<10240xf32, #tpu.memory_space<hbm>>
      %dma_start3A_153 = arith.constant 10240 : i32
      %dma_start3A_154 = tpu.memref_slice %arg8[%dma_start3A_153] : memref<40960xf32, #tpu.memory_space<vmem>> -> memref<10240xf32, #tpu.memory_space<vmem>>
      tpu.enqueue_dma source(%dma_start3A_154 : memref<10240xf32, #tpu.memory_space<vmem>>) target(%dma_start3A_152 : memref<10240xf32, #tpu.memory_space<hbm>>) target_semaphore(%run_scoped3A : memref<!tpu.dma_semaphore, #tpu.memory_space<semaphore_mem>>)
      %dma_wait3A = arith.constant 10240 : i32
      %dma_wait3A_155 = tpu.memref_slice %arg8[%dma_wait3A] : memref<40960xf32, #tpu.memory_space<vmem>> -> memref<10240xf32, #tpu.memory_space<vmem>>
      %dma_wait3A_156 = arith.constant 0 : i32
      %dma_wait3A_157 = tpu.memref_slice %arg5[%add3A_62, %dma_wait3A_156] : memref<256x10240xf32, #tpu.memory_space<hbm>> -> memref<1x10240xf32, #tpu.memory_space<hbm>>
      %dma_wait3A_158 = tpu.memref_squeeze %dma_wait3A_157 : memref<1x10240xf32, #tpu.memory_space<hbm>> -> memref<10240xf32, #tpu.memory_space<hbm>>
      %dma_wait3A_159 = arith.constant 0 : i32
      %dma_wait3A_160 = tpu.memref_slice %arg5[%add3A_62, %dma_wait3A_159] : memref<256x10240xf32, #tpu.memory_space<hbm>> -> memref<1x10240xf32, #tpu.memory_space<hbm>>
      %dma_wait3A_161 = tpu.memref_squeeze %dma_wait3A_160 : memref<1x10240xf32, #tpu.memory_space<hbm>> -> memref<10240xf32, #tpu.memory_space<hbm>>
      %dma_wait3A_162 = arith.constant 10240 : i32
      %dma_wait3A_163 = tpu.memref_slice %arg8[%dma_wait3A_162] : memref<40960xf32, #tpu.memory_space<vmem>> -> memref<10240xf32, #tpu.memory_space<vmem>>
      tpu.wait_dma2 semaphore(%run_scoped3A : memref<!tpu.dma_semaphore, #tpu.memory_space<semaphore_mem>>) src(%dma_wait3A_163 : memref<10240xf32, #tpu.memory_space<vmem>>) dst(%dma_wait3A_161 : memref<10240xf32, #tpu.memory_space<hbm>>)
      tpu.yield
    }) : () -> ()
    %add3A_63 = arith.constant 2 : i32
    %add3A_64 = arith.addi %mul3A_4, %add3A_63 : i32
    "tpu.region"() ({
      %run_scoped3A = tpu.sem_alloc : memref<!tpu.dma_semaphore, #tpu.memory_space<semaphore_mem>>
      %dma_start3A_145 = arith.constant 20480 : i32
      %dma_start3A_146 = tpu.memref_slice %arg8[%dma_start3A_145] : memref<40960xf32, #tpu.memory_space<vmem>> -> memref<10240xf32, #tpu.memory_space<vmem>>
      %dma_start3A_147 = arith.constant 0 : i32
      %dma_start3A_148 = tpu.memref_slice %arg5[%add3A_64, %dma_start3A_147] : memref<256x10240xf32, #tpu.memory_space<hbm>> -> memref<1x10240xf32, #tpu.memory_space<hbm>>
      %dma_start3A_149 = tpu.memref_squeeze %dma_start3A_148 : memref<1x10240xf32, #tpu.memory_space<hbm>> -> memref<10240xf32, #tpu.memory_space<hbm>>
      %dma_start3A_150 = arith.constant 0 : i32
      %dma_start3A_151 = tpu.memref_slice %arg5[%add3A_64, %dma_start3A_150] : memref<256x10240xf32, #tpu.memory_space<hbm>> -> memref<1x10240xf32, #tpu.memory_space<hbm>>
      %dma_start3A_152 = tpu.memref_squeeze %dma_start3A_151 : memref<1x10240xf32, #tpu.memory_space<hbm>> -> memref<10240xf32, #tpu.memory_space<hbm>>
      %dma_start3A_153 = arith.constant 20480 : i32
      %dma_start3A_154 = tpu.memref_slice %arg8[%dma_start3A_153] : memref<40960xf32, #tpu.memory_space<vmem>> -> memref<10240xf32, #tpu.memory_space<vmem>>
      tpu.enqueue_dma source(%dma_start3A_154 : memref<10240xf32, #tpu.memory_space<vmem>>) target(%dma_start3A_152 : memref<10240xf32, #tpu.memory_space<hbm>>) target_semaphore(%run_scoped3A : memref<!tpu.dma_semaphore, #tpu.memory_space<semaphore_mem>>)
      %dma_wait3A = arith.constant 20480 : i32
      %dma_wait3A_155 = tpu.memref_slice %arg8[%dma_wait3A] : memref<40960xf32, #tpu.memory_space<vmem>> -> memref<10240xf32, #tpu.memory_space<vmem>>
      %dma_wait3A_156 = arith.constant 0 : i32
      %dma_wait3A_157 = tpu.memref_slice %arg5[%add3A_64, %dma_wait3A_156] : memref<256x10240xf32, #tpu.memory_space<hbm>> -> memref<1x10240xf32, #tpu.memory_space<hbm>>
      %dma_wait3A_158 = tpu.memref_squeeze %dma_wait3A_157 : memref<1x10240xf32, #tpu.memory_space<hbm>> -> memref<10240xf32, #tpu.memory_space<hbm>>
      %dma_wait3A_159 = arith.constant 0 : i32
      %dma_wait3A_160 = tpu.memref_slice %arg5[%add3A_64, %dma_wait3A_159] : memref<256x10240xf32, #tpu.memory_space<hbm>> -> memref<1x10240xf32, #tpu.memory_space<hbm>>
      %dma_wait3A_161 = tpu.memref_squeeze %dma_wait3A_160 : memref<1x10240xf32, #tpu.memory_space<hbm>> -> memref<10240xf32, #tpu.memory_space<hbm>>
      %dma_wait3A_162 = arith.constant 20480 : i32
      %dma_wait3A_163 = tpu.memref_slice %arg8[%dma_wait3A_162] : memref<40960xf32, #tpu.memory_space<vmem>> -> memref<10240xf32, #tpu.memory_space<vmem>>
      tpu.wait_dma2 semaphore(%run_scoped3A : memref<!tpu.dma_semaphore, #tpu.memory_space<semaphore_mem>>) src(%dma_wait3A_163 : memref<10240xf32, #tpu.memory_space<vmem>>) dst(%dma_wait3A_161 : memref<10240xf32, #tpu.memory_space<hbm>>)
      tpu.yield
    }) : () -> ()
    %add3A_65 = arith.constant 3 : i32
    %add3A_66 = arith.addi %mul3A_4, %add3A_65 : i32
    "tpu.region"() ({
      %run_scoped3A = tpu.sem_alloc : memref<!tpu.dma_semaphore, #tpu.memory_space<semaphore_mem>>
      %dma_start3A_145 = arith.constant 30720 : i32
      %dma_start3A_146 = tpu.memref_slice %arg8[%dma_start3A_145] : memref<40960xf32, #tpu.memory_space<vmem>> -> memref<10240xf32, #tpu.memory_space<vmem>>
      %dma_start3A_147 = arith.constant 0 : i32
      %dma_start3A_148 = tpu.memref_slice %arg5[%add3A_66, %dma_start3A_147] : memref<256x10240xf32, #tpu.memory_space<hbm>> -> memref<1x10240xf32, #tpu.memory_space<hbm>>
      %dma_start3A_149 = tpu.memref_squeeze %dma_start3A_148 : memref<1x10240xf32, #tpu.memory_space<hbm>> -> memref<10240xf32, #tpu.memory_space<hbm>>
      %dma_start3A_150 = arith.constant 0 : i32
      %dma_start3A_151 = tpu.memref_slice %arg5[%add3A_66, %dma_start3A_150] : memref<256x10240xf32, #tpu.memory_space<hbm>> -> memref<1x10240xf32, #tpu.memory_space<hbm>>
      %dma_start3A_152 = tpu.memref_squeeze %dma_start3A_151 : memref<1x10240xf32, #tpu.memory_space<hbm>> -> memref<10240xf32, #tpu.memory_space<hbm>>
      %dma_start3A_153 = arith.constant 30720 : i32
      %dma_start3A_154 = tpu.memref_slice %arg8[%dma_start3A_153] : memref<40960xf32, #tpu.memory_space<vmem>> -> memref<10240xf32, #tpu.memory_space<vmem>>
      tpu.enqueue_dma source(%dma_start3A_154 : memref<10240xf32, #tpu.memory_space<vmem>>) target(%dma_start3A_152 : memref<10240xf32, #tpu.memory_space<hbm>>) target_semaphore(%run_scoped3A : memref<!tpu.dma_semaphore, #tpu.memory_space<semaphore_mem>>)
      %dma_wait3A = arith.constant 30720 : i32
      %dma_wait3A_155 = tpu.memref_slice %arg8[%dma_wait3A] : memref<40960xf32, #tpu.memory_space<vmem>> -> memref<10240xf32, #tpu.memory_space<vmem>>
      %dma_wait3A_156 = arith.constant 0 : i32
      %dma_wait3A_157 = tpu.memref_slice %arg5[%add3A_66, %dma_wait3A_156] : memref<256x10240xf32, #tpu.memory_space<hbm>> -> memref<1x10240xf32, #tpu.memory_space<hbm>>
      %dma_wait3A_158 = tpu.memref_squeeze %dma_wait3A_157 : memref<1x10240xf32, #tpu.memory_space<hbm>> -> memref<10240xf32, #tpu.memory_space<hbm>>
      %dma_wait3A_159 = arith.constant 0 : i32
      %dma_wait3A_160 = tpu.memref_slice %arg5[%add3A_66, %dma_wait3A_159] : memref<256x10240xf32, #tpu.memory_space<hbm>> -> memref<1x10240xf32, #tpu.memory_space<hbm>>
      %dma_wait3A_161 = tpu.memref_squeeze %dma_wait3A_160 : memref<1x10240xf32, #tpu.memory_space<hbm>> -> memref<10240xf32, #tpu.memory_space<hbm>>
      %dma_wait3A_162 = arith.constant 30720 : i32
      %dma_wait3A_163 = tpu.memref_slice %arg8[%dma_wait3A_162] : memref<40960xf32, #tpu.memory_space<vmem>> -> memref<10240xf32, #tpu.memory_space<vmem>>
      tpu.wait_dma2 semaphore(%run_scoped3A : memref<!tpu.dma_semaphore, #tpu.memory_space<semaphore_mem>>) src(%dma_wait3A_163 : memref<10240xf32, #tpu.memory_space<vmem>>) dst(%dma_wait3A_161 : memref<10240xf32, #tpu.memory_space<hbm>>)
      tpu.yield
    }) : () -> ()
    %add3A_67 = arith.constant 32 : i32
    %add3A_68 = arith.addi %add3A, %add3A_67 : i32
    %mul3A_69 = arith.constant 4 : i32
    %mul3A_70 = arith.muli %add3A_68, %mul3A_69 : i32
    %jit3A_71 = arith.constant 16 : i32
    %div3A_72 = arith.divsi %add3A_68, %jit3A_71 : i32
    %sign3A_73 = arith.constant 0 : i32
    %sign3A_74 = arith.cmpi sgt, %add3A_68, %sign3A_73 : i32
    %sign3A_75 = arith.extui %sign3A_74 : i1 to i32
    %sign3A_76 = arith.constant 0 : i32
    %sign3A_77 = arith.cmpi slt, %add3A_68, %sign3A_76 : i32
    %sign3A_78 = arith.extui %sign3A_77 : i1 to i32
    %sign3A_79 = arith.subi %sign3A_75, %sign3A_78 : i32
    %sign3A_80 = arith.constant 0 : i32
    %sign3A_81 = arith.cmpi sgt, %jit3A_71, %sign3A_80 : i32
    %sign3A_82 = arith.extui %sign3A_81 : i1 to i32
    %sign3A_83 = arith.constant 0 : i32
    %sign3A_84 = arith.cmpi slt, %jit3A_71, %sign3A_83 : i32
    %sign3A_85 = arith.extui %sign3A_84 : i1 to i32
    %sign3A_86 = arith.subi %sign3A_82, %sign3A_85 : i32
    %ne3A_87 = arith.cmpi ne, %sign3A_79, %sign3A_86 : i32
    %rem3A_88 = arith.remsi %add3A_68, %jit3A_71 : i32
    %ne3A_89 = arith.constant 0 : i32
    %ne3A_90 = arith.cmpi ne, %rem3A_88, %ne3A_89 : i32
    %and3A_91 = arith.andi %ne3A_87, %ne3A_90 : i1
    %sub3A_92 = arith.constant 1 : i32
    %sub3A_93 = arith.subi %div3A_72, %sub3A_92 : i32
    %select_n3A_94 = arith.select %and3A_91, %sub3A_93, %div3A_72 : i32
    %mul3A_95 = arith.constant 320000 : i32
    %mul3A_96 = arith.muli %select_n3A_94, %mul3A_95 : i32
    %add3A_97 = arith.constant 0 : i32
    %add3A_98 = arith.addi %mul3A_70, %add3A_97 : i32
    "tpu.region"() ({
      %run_scoped3A = tpu.sem_alloc : memref<!tpu.dma_semaphore, #tpu.memory_space<semaphore_mem>>
      %dma_start3A_145 = arith.constant 0 : i32
      %dma_start3A_146 = tpu.memref_slice %arg6[%dma_start3A_145] : memref<20480xf32, #tpu.memory_space<vmem>> -> memref<10240xf32, #tpu.memory_space<vmem>>
      %dma_start3A_147 = arith.constant 0 : i32
      %dma_start3A_148 = tpu.memref_slice %arg3[%add3A_98, %dma_start3A_147] : memref<256x10240xf32, #tpu.memory_space<hbm>> -> memref<1x10240xf32, #tpu.memory_space<hbm>>
      %dma_start3A_149 = tpu.memref_squeeze %dma_start3A_148 : memref<1x10240xf32, #tpu.memory_space<hbm>> -> memref<10240xf32, #tpu.memory_space<hbm>>
      %dma_start3A_150 = arith.constant 0 : i32
      %dma_start3A_151 = tpu.memref_slice %arg6[%dma_start3A_150] : memref<20480xf32, #tpu.memory_space<vmem>> -> memref<10240xf32, #tpu.memory_space<vmem>>
      %dma_start3A_152 = arith.constant 0 : i32
      %dma_start3A_153 = tpu.memref_slice %arg3[%add3A_98, %dma_start3A_152] : memref<256x10240xf32, #tpu.memory_space<hbm>> -> memref<1x10240xf32, #tpu.memory_space<hbm>>
      %dma_start3A_154 = tpu.memref_squeeze %dma_start3A_153 : memref<1x10240xf32, #tpu.memory_space<hbm>> -> memref<10240xf32, #tpu.memory_space<hbm>>
      tpu.enqueue_dma source(%dma_start3A_154 : memref<10240xf32, #tpu.memory_space<hbm>>) target(%dma_start3A_151 : memref<10240xf32, #tpu.memory_space<vmem>>) target_semaphore(%run_scoped3A : memref<!tpu.dma_semaphore, #tpu.memory_space<semaphore_mem>>)
      %dma_wait3A = arith.constant 0 : i32
      %dma_wait3A_155 = tpu.memref_slice %arg6[%dma_wait3A] : memref<20480xf32, #tpu.memory_space<vmem>> -> memref<10240xf32, #tpu.memory_space<vmem>>
      %dma_wait3A_156 = arith.constant 0 : i32
      %dma_wait3A_157 = tpu.memref_slice %arg3[%add3A_98, %dma_wait3A_156] : memref<256x10240xf32, #tpu.memory_space<hbm>> -> memref<1x10240xf32, #tpu.memory_space<hbm>>
      %dma_wait3A_158 = tpu.memref_squeeze %dma_wait3A_157 : memref<1x10240xf32, #tpu.memory_space<hbm>> -> memref<10240xf32, #tpu.memory_space<hbm>>
      %dma_wait3A_159 = arith.constant 0 : i32
      %dma_wait3A_160 = tpu.memref_slice %arg6[%dma_wait3A_159] : memref<20480xf32, #tpu.memory_space<vmem>> -> memref<10240xf32, #tpu.memory_space<vmem>>
      %dma_wait3A_161 = arith.constant 0 : i32
      %dma_wait3A_162 = tpu.memref_slice %arg3[%add3A_98, %dma_wait3A_161] : memref<256x10240xf32, #tpu.memory_space<hbm>> -> memref<1x10240xf32, #tpu.memory_space<hbm>>
      %dma_wait3A_163 = tpu.memref_squeeze %dma_wait3A_162 : memref<1x10240xf32, #tpu.memory_space<hbm>> -> memref<10240xf32, #tpu.memory_space<hbm>>
      tpu.wait_dma2 semaphore(%run_scoped3A : memref<!tpu.dma_semaphore, #tpu.memory_space<semaphore_mem>>) src(%dma_wait3A_163 : memref<10240xf32, #tpu.memory_space<hbm>>) dst(%dma_wait3A_160 : memref<10240xf32, #tpu.memory_space<vmem>>)
      tpu.yield
    }) : () -> ()
    %add3A_99 = arith.constant 0 : i32
    %add3A_100 = arith.addi %mul3A_70, %add3A_99 : i32
    %add3A_101 = arith.constant 1 : i32
    %add3A_102 = arith.addi %add3A_100, %add3A_101 : i32
    "tpu.region"() ({
      %run_scoped3A = tpu.sem_alloc : memref<!tpu.dma_semaphore, #tpu.memory_space<semaphore_mem>>
      %dma_start3A_145 = arith.constant 10240 : i32
      %dma_start3A_146 = tpu.memref_slice %arg6[%dma_start3A_145] : memref<20480xf32, #tpu.memory_space<vmem>> -> memref<10240xf32, #tpu.memory_space<vmem>>
      %dma_start3A_147 = arith.constant 0 : i32
      %dma_start3A_148 = tpu.memref_slice %arg3[%add3A_102, %dma_start3A_147] : memref<256x10240xf32, #tpu.memory_space<hbm>> -> memref<1x10240xf32, #tpu.memory_space<hbm>>
      %dma_start3A_149 = tpu.memref_squeeze %dma_start3A_148 : memref<1x10240xf32, #tpu.memory_space<hbm>> -> memref<10240xf32, #tpu.memory_space<hbm>>
      %dma_start3A_150 = arith.constant 10240 : i32
      %dma_start3A_151 = tpu.memref_slice %arg6[%dma_start3A_150] : memref<20480xf32, #tpu.memory_space<vmem>> -> memref<10240xf32, #tpu.memory_space<vmem>>
      %dma_start3A_152 = arith.constant 0 : i32
      %dma_start3A_153 = tpu.memref_slice %arg3[%add3A_102, %dma_start3A_152] : memref<256x10240xf32, #tpu.memory_space<hbm>> -> memref<1x10240xf32, #tpu.memory_space<hbm>>
      %dma_start3A_154 = tpu.memref_squeeze %dma_start3A_153 : memref<1x10240xf32, #tpu.memory_space<hbm>> -> memref<10240xf32, #tpu.memory_space<hbm>>
      tpu.enqueue_dma source(%dma_start3A_154 : memref<10240xf32, #tpu.memory_space<hbm>>) target(%dma_start3A_151 : memref<10240xf32, #tpu.memory_space<vmem>>) target_semaphore(%run_scoped3A : memref<!tpu.dma_semaphore, #tpu.memory_space<semaphore_mem>>)
      %dma_wait3A = arith.constant 10240 : i32
      %dma_wait3A_155 = tpu.memref_slice %arg6[%dma_wait3A] : memref<20480xf32, #tpu.memory_space<vmem>> -> memref<10240xf32, #tpu.memory_space<vmem>>
      %dma_wait3A_156 = arith.constant 0 : i32
      %dma_wait3A_157 = tpu.memref_slice %arg3[%add3A_102, %dma_wait3A_156] : memref<256x10240xf32, #tpu.memory_space<hbm>> -> memref<1x10240xf32, #tpu.memory_space<hbm>>
      %dma_wait3A_158 = tpu.memref_squeeze %dma_wait3A_157 : memref<1x10240xf32, #tpu.memory_space<hbm>> -> memref<10240xf32, #tpu.memory_space<hbm>>
      %dma_wait3A_159 = arith.constant 10240 : i32
      %dma_wait3A_160 = tpu.memref_slice %arg6[%dma_wait3A_159] : memref<20480xf32, #tpu.memory_space<vmem>> -> memref<10240xf32, #tpu.memory_space<vmem>>
      %dma_wait3A_161 = arith.constant 0 : i32
      %dma_wait3A_162 = tpu.memref_slice %arg3[%add3A_102, %dma_wait3A_161] : memref<256x10240xf32, #tpu.memory_space<hbm>> -> memref<1x10240xf32, #tpu.memory_space<hbm>>
      %dma_wait3A_163 = tpu.memref_squeeze %dma_wait3A_162 : memref<1x10240xf32, #tpu.memory_space<hbm>> -> memref<10240xf32, #tpu.memory_space<hbm>>
      tpu.wait_dma2 semaphore(%run_scoped3A : memref<!tpu.dma_semaphore, #tpu.memory_space<semaphore_mem>>) src(%dma_wait3A_163 : memref<10240xf32, #tpu.memory_space<hbm>>) dst(%dma_wait3A_160 : memref<10240xf32, #tpu.memory_space<vmem>>)
      tpu.yield
    }) : () -> ()
    %parallel_loop3A_103 = arith.constant 0 : i32
    %parallel_loop3A_104 = arith.constant 640 : i32
    %parallel_loop3A_105 = arith.constant 1 : i32
    scf.for %parallel_loop3A_145 = %parallel_loop3A_103 to %parallel_loop3A_104 step %parallel_loop3A_105  : i32 {
      %parallel_loop3A_146 = arith.constant 16 : i32
      %parallel_loop3A_147 = arith.muli %parallel_loop3A_145, %parallel_loop3A_146 : i32
      %parallel_loop3A_148 = arith.index_cast %parallel_loop3A_147 : i32 to index
      %parallel_loop3A_149 = tpu.vector_load %arg6[%parallel_loop3A_148] {strides = array<i32>} : memref<20480xf32, #tpu.memory_space<vmem>>, vector<16xf32>,
      %parallel_loop3A_150 = arith.constant 16 : i32
      %parallel_loop3A_151 = arith.muli %parallel_loop3A_145, %parallel_loop3A_150 : i32
      %parallel_loop3A_152 = arith.constant 10240 : i32
      %parallel_loop3A_153 = arith.addi %parallel_loop3A_152, %parallel_loop3A_151 : i32
      %parallel_loop3A_154 = arith.index_cast %parallel_loop3A_153 : i32 to index
      %parallel_loop3A_155 = tpu.vector_load %arg6[%parallel_loop3A_154] {strides = array<i32>} : memref<20480xf32, #tpu.memory_space<vmem>>, vector<16xf32>,
      %parallel_loop3A_156 = tpu.pack_subelements %parallel_loop3A_149, %parallel_loop3A_155 {pack_format = #tpu.pack_format<interleaved>, positions = array<i32: 0, 1>} : vector<16xf32>, vector<16xf32> -> vector<32xbf16>
      %parallel_loop3A_157 = vector.bitcast %parallel_loop3A_156 : vector<32xbf16> to vector<16xi32>
      %parallel_loop3A_158 = arith.constant 16 : i32
      %parallel_loop3A_159 = arith.muli %parallel_loop3A_145, %parallel_loop3A_158 : i32
      %parallel_loop3A_160 = arith.constant 0 : i32
      %parallel_loop3A_161 = arith.addi %parallel_loop3A_160, %parallel_loop3A_159 : i32
      %parallel_loop3A_162 = arith.index_cast %parallel_loop3A_161 : i32 to index
      %parallel_loop3A_163 = tpu.vector_load %arg7[%parallel_loop3A_162] {strides = array<i32>} : memref<20480xi32, #tpu.memory_space<vmem>>, vector<16xi32>,
      tpu.vector_store %arg7[%parallel_loop3A_162], %parallel_loop3A_157 {strides = array<i32>} : memref<20480xi32, #tpu.memory_space<vmem>>, vector<16xi32>,
    } {sc.loop_unroll_factor = 4 : i64, sc.parallel_access}
    %add3A_106 = arith.constant 2 : i32
    %add3A_107 = arith.addi %mul3A_70, %add3A_106 : i32
    "tpu.region"() ({
      %run_scoped3A = tpu.sem_alloc : memref<!tpu.dma_semaphore, #tpu.memory_space<semaphore_mem>>
      %dma_start3A_145 = arith.constant 0 : i32
      %dma_start3A_146 = tpu.memref_slice %arg6[%dma_start3A_145] : memref<20480xf32, #tpu.memory_space<vmem>> -> memref<10240xf32, #tpu.memory_space<vmem>>
      %dma_start3A_147 = arith.constant 0 : i32
      %dma_start3A_148 = tpu.memref_slice %arg3[%add3A_107, %dma_start3A_147] : memref<256x10240xf32, #tpu.memory_space<hbm>> -> memref<1x10240xf32, #tpu.memory_space<hbm>>
      %dma_start3A_149 = tpu.memref_squeeze %dma_start3A_148 : memref<1x10240xf32, #tpu.memory_space<hbm>> -> memref<10240xf32, #tpu.memory_space<hbm>>
      %dma_start3A_150 = arith.constant 0 : i32
      %dma_start3A_151 = tpu.memref_slice %arg6[%dma_start3A_150] : memref<20480xf32, #tpu.memory_space<vmem>> -> memref<10240xf32, #tpu.memory_space<vmem>>
      %dma_start3A_152 = arith.constant 0 : i32
      %dma_start3A_153 = tpu.memref_slice %arg3[%add3A_107, %dma_start3A_152] : memref<256x10240xf32, #tpu.memory_space<hbm>> -> memref<1x10240xf32, #tpu.memory_space<hbm>>
      %dma_start3A_154 = tpu.memref_squeeze %dma_start3A_153 : memref<1x10240xf32, #tpu.memory_space<hbm>> -> memref<10240xf32, #tpu.memory_space<hbm>>
      tpu.enqueue_dma source(%dma_start3A_154 : memref<10240xf32, #tpu.memory_space<hbm>>) target(%dma_start3A_151 : memref<10240xf32, #tpu.memory_space<vmem>>) target_semaphore(%run_scoped3A : memref<!tpu.dma_semaphore, #tpu.memory_space<semaphore_mem>>)
      %dma_wait3A = arith.constant 0 : i32
      %dma_wait3A_155 = tpu.memref_slice %arg6[%dma_wait3A] : memref<20480xf32, #tpu.memory_space<vmem>> -> memref<10240xf32, #tpu.memory_space<vmem>>
      %dma_wait3A_156 = arith.constant 0 : i32
      %dma_wait3A_157 = tpu.memref_slice %arg3[%add3A_107, %dma_wait3A_156] : memref<256x10240xf32, #tpu.memory_space<hbm>> -> memref<1x10240xf32, #tpu.memory_space<hbm>>
      %dma_wait3A_158 = tpu.memref_squeeze %dma_wait3A_157 : memref<1x10240xf32, #tpu.memory_space<hbm>> -> memref<10240xf32, #tpu.memory_space<hbm>>
      %dma_wait3A_159 = arith.constant 0 : i32
      %dma_wait3A_160 = tpu.memref_slice %arg6[%dma_wait3A_159] : memref<20480xf32, #tpu.memory_space<vmem>> -> memref<10240xf32, #tpu.memory_space<vmem>>
      %dma_wait3A_161 = arith.constant 0 : i32
      %dma_wait3A_162 = tpu.memref_slice %arg3[%add3A_107, %dma_wait3A_161] : memref<256x10240xf32, #tpu.memory_space<hbm>> -> memref<1x10240xf32, #tpu.memory_space<hbm>>
      %dma_wait3A_163 = tpu.memref_squeeze %dma_wait3A_162 : memref<1x10240xf32, #tpu.memory_space<hbm>> -> memref<10240xf32, #tpu.memory_space<hbm>>
      tpu.wait_dma2 semaphore(%run_scoped3A : memref<!tpu.dma_semaphore, #tpu.memory_space<semaphore_mem>>) src(%dma_wait3A_163 : memref<10240xf32, #tpu.memory_space<hbm>>) dst(%dma_wait3A_160 : memref<10240xf32, #tpu.memory_space<vmem>>)
      tpu.yield
    }) : () -> ()
    %add3A_108 = arith.constant 2 : i32
    %add3A_109 = arith.addi %mul3A_70, %add3A_108 : i32
    %add3A_110 = arith.constant 1 : i32
    %add3A_111 = arith.addi %add3A_109, %add3A_110 : i32
    "tpu.region"() ({
      %run_scoped3A = tpu.sem_alloc : memref<!tpu.dma_semaphore, #tpu.memory_space<semaphore_mem>>
      %dma_start3A_145 = arith.constant 10240 : i32
      %dma_start3A_146 = tpu.memref_slice %arg6[%dma_start3A_145] : memref<20480xf32, #tpu.memory_space<vmem>> -> memref<10240xf32, #tpu.memory_space<vmem>>
      %dma_start3A_147 = arith.constant 0 : i32
      %dma_start3A_148 = tpu.memref_slice %arg3[%add3A_111, %dma_start3A_147] : memref<256x10240xf32, #tpu.memory_space<hbm>> -> memref<1x10240xf32, #tpu.memory_space<hbm>>
      %dma_start3A_149 = tpu.memref_squeeze %dma_start3A_148 : memref<1x10240xf32, #tpu.memory_space<hbm>> -> memref<10240xf32, #tpu.memory_space<hbm>>
      %dma_start3A_150 = arith.constant 10240 : i32
      %dma_start3A_151 = tpu.memref_slice %arg6[%dma_start3A_150] : memref<20480xf32, #tpu.memory_space<vmem>> -> memref<10240xf32, #tpu.memory_space<vmem>>
      %dma_start3A_152 = arith.constant 0 : i32
      %dma_start3A_153 = tpu.memref_slice %arg3[%add3A_111, %dma_start3A_152] : memref<256x10240xf32, #tpu.memory_space<hbm>> -> memref<1x10240xf32, #tpu.memory_space<hbm>>
      %dma_start3A_154 = tpu.memref_squeeze %dma_start3A_153 : memref<1x10240xf32, #tpu.memory_space<hbm>> -> memref<10240xf32, #tpu.memory_space<hbm>>
      tpu.enqueue_dma source(%dma_start3A_154 : memref<10240xf32, #tpu.memory_space<hbm>>) target(%dma_start3A_151 : memref<10240xf32, #tpu.memory_space<vmem>>) target_semaphore(%run_scoped3A : memref<!tpu.dma_semaphore, #tpu.memory_space<semaphore_mem>>)
      %dma_wait3A = arith.constant 10240 : i32
      %dma_wait3A_155 = tpu.memref_slice %arg6[%dma_wait3A] : memref<20480xf32, #tpu.memory_space<vmem>> -> memref<10240xf32, #tpu.memory_space<vmem>>
      %dma_wait3A_156 = arith.constant 0 : i32
      %dma_wait3A_157 = tpu.memref_slice %arg3[%add3A_111, %dma_wait3A_156] : memref<256x10240xf32, #tpu.memory_space<hbm>> -> memref<1x10240xf32, #tpu.memory_space<hbm>>
      %dma_wait3A_158 = tpu.memref_squeeze %dma_wait3A_157 : memref<1x10240xf32, #tpu.memory_space<hbm>> -> memref<10240xf32, #tpu.memory_space<hbm>>
      %dma_wait3A_159 = arith.constant 10240 : i32
      %dma_wait3A_160 = tpu.memref_slice %arg6[%dma_wait3A_159] : memref<20480xf32, #tpu.memory_space<vmem>> -> memref<10240xf32, #tpu.memory_space<vmem>>
      %dma_wait3A_161 = arith.constant 0 : i32
      %dma_wait3A_162 = tpu.memref_slice %arg3[%add3A_111, %dma_wait3A_161] : memref<256x10240xf32, #tpu.memory_space<hbm>> -> memref<1x10240xf32, #tpu.memory_space<hbm>>
      %dma_wait3A_163 = tpu.memref_squeeze %dma_wait3A_162 : memref<1x10240xf32, #tpu.memory_space<hbm>> -> memref<10240xf32, #tpu.memory_space<hbm>>
      tpu.wait_dma2 semaphore(%run_scoped3A : memref<!tpu.dma_semaphore, #tpu.memory_space<semaphore_mem>>) src(%dma_wait3A_163 : memref<10240xf32, #tpu.memory_space<hbm>>) dst(%dma_wait3A_160 : memref<10240xf32, #tpu.memory_space<vmem>>)
      tpu.yield
    }) : () -> ()
    %parallel_loop3A_112 = arith.constant 0 : i32
    %parallel_loop3A_113 = arith.constant 640 : i32
    %parallel_loop3A_114 = arith.constant 1 : i32
    scf.for %parallel_loop3A_145 = %parallel_loop3A_112 to %parallel_loop3A_113 step %parallel_loop3A_114  : i32 {
      %parallel_loop3A_146 = arith.constant 16 : i32
      %parallel_loop3A_147 = arith.muli %parallel_loop3A_145, %parallel_loop3A_146 : i32
      %parallel_loop3A_148 = arith.index_cast %parallel_loop3A_147 : i32 to index
      %parallel_loop3A_149 = tpu.vector_load %arg6[%parallel_loop3A_148] {strides = array<i32>} : memref<20480xf32, #tpu.memory_space<vmem>>, vector<16xf32>,
      %parallel_loop3A_150 = arith.constant 16 : i32
      %parallel_loop3A_151 = arith.muli %parallel_loop3A_145, %parallel_loop3A_150 : i32
      %parallel_loop3A_152 = arith.constant 10240 : i32
      %parallel_loop3A_153 = arith.addi %parallel_loop3A_152, %parallel_loop3A_151 : i32
      %parallel_loop3A_154 = arith.index_cast %parallel_loop3A_153 : i32 to index
      %parallel_loop3A_155 = tpu.vector_load %arg6[%parallel_loop3A_154] {strides = array<i32>} : memref<20480xf32, #tpu.memory_space<vmem>>, vector<16xf32>,
      %parallel_loop3A_156 = tpu.pack_subelements %parallel_loop3A_149, %parallel_loop3A_155 {pack_format = #tpu.pack_format<interleaved>, positions = array<i32: 0, 1>} : vector<16xf32>, vector<16xf32> -> vector<32xbf16>
      %parallel_loop3A_157 = vector.bitcast %parallel_loop3A_156 : vector<32xbf16> to vector<16xi32>
      %parallel_loop3A_158 = arith.constant 16 : i32
      %parallel_loop3A_159 = arith.muli %parallel_loop3A_145, %parallel_loop3A_158 : i32
      %parallel_loop3A_160 = arith.constant 10240 : i32
      %parallel_loop3A_161 = arith.addi %parallel_loop3A_160, %parallel_loop3A_159 : i32
      %parallel_loop3A_162 = arith.index_cast %parallel_loop3A_161 : i32 to index
      %parallel_loop3A_163 = tpu.vector_load %arg7[%parallel_loop3A_162] {strides = array<i32>} : memref<20480xi32, #tpu.memory_space<vmem>>, vector<16xi32>,
      tpu.vector_store %arg7[%parallel_loop3A_162], %parallel_loop3A_157 {strides = array<i32>} : memref<20480xi32, #tpu.memory_space<vmem>>, vector<16xi32>,
    } {sc.loop_unroll_factor = 4 : i64, sc.parallel_access}
    %broadcast_in_dim3A_115 = arith.constant 0.000000e+00 : f32
    %broadcast_in_dim3A_116 = vector.broadcast %broadcast_in_dim3A_115 : f32 to vector<16xf32>
    %scan3A_117 = arith.constant 0 : i32
    %scan3A_118 = arith.constant 0 : i32
    %scan3A_119 = arith.constant 2560 : i32
    %scan3A_120 = arith.addi %scan3A_118, %scan3A_119 : i32
    %scan3A_121 = arith.constant 1 : i32
    %scan3A_122 = scf.for %scan3A_145 = %scan3A_118 to %scan3A_120 step %scan3A_121 iter_args(%scan3A_146 = %scan3A_117) -> (i32)  : i32 {
      %mul3A_147 = arith.constant 16 : i32
      %mul3A_148 = arith.muli %scan3A_145, %mul3A_147 : i32
      %swap3A = arith.index_cast %mul3A_148 : i32 to index
      %swap3A_149 = tpu.vector_load %arg8[%swap3A] {strides = array<i32>} : memref<40960xf32, #tpu.memory_space<vmem>>, vector<16xf32>,
      tpu.vector_store %arg8[%swap3A], %broadcast_in_dim3A_116 {strides = array<i32>} : memref<40960xf32, #tpu.memory_space<vmem>>, vector<16xf32>,
      %scan3A_150 = arith.constant 0 : i32
      scf.yield %scan3A_150 : i32
    }
    %scan3A_123 = arith.constant 2560 : i32
    %dma_start3A_124 = arith.constant 0 : i32
    %dma_start3A_125 = tpu.memref_slice %arg2[%dma_start3A_124] : memref<320000xi32, #tpu.memory_space<hbm>> -> memref<8000xi32, #tpu.memory_space<hbm>>
    %dma_start3A_126 = arith.constant 0 : i32
    %dma_start3A_127 = tpu.memref_slice %arg2[%dma_start3A_126] : memref<320000xi32, #tpu.memory_space<hbm>> -> memref<8000xi32, #tpu.memory_space<hbm>>
    tpu.enqueue_dma source(%dma_start3A_127 : memref<8000xi32, #tpu.memory_space<hbm>>) target(%arg9 : memref<8000xi32, #tpu.memory_space<vmem>>) target_semaphore(%arg13 : memref<!tpu.dma_semaphore, #tpu.memory_space<semaphore_mem>>)
    %dma_start3A_128 = tpu.memref_slice %arg4[%mul3A_96] : memref<1280000xf32, #tpu.memory_space<hbm>> -> memref<8000xf32, #tpu.memory_space<hbm>>
    %dma_start3A_129 = tpu.memref_slice %arg4[%mul3A_96] : memref<1280000xf32, #tpu.memory_space<hbm>> -> memref<8000xf32, #tpu.memory_space<hbm>>
    tpu.enqueue_dma source(%dma_start3A_129 : memref<8000xf32, #tpu.memory_space<hbm>>) target(%arg11 : memref<8000xf32, #tpu.memory_space<vmem>>) target_semaphore(%arg15 : memref<!tpu.dma_semaphore, #tpu.memory_space<semaphore_mem>>)
    %scan3A_130 = arith.constant 0 : i32
    %scan3A_131 = arith.constant 0 : i32
    %scan3A_132 = arith.constant 20 : i32
    %scan3A_133 = arith.addi %scan3A_131, %scan3A_132 : i32
    %scan3A_134 = arith.constant 1 : i32
    %scan3A_135 = scf.for %scan3A_145 = %scan3A_131 to %scan3A_133 step %scan3A_134 iter_args(%scan3A_146 = %scan3A_130) -> (i32)  : i32 {
      %mul3A_147 = arith.constant 2 : i32
      %mul3A_148 = arith.muli %scan3A_145, %mul3A_147 : i32
      %add3A_149 = arith.constant 0 : i32
      %add3A_150 = arith.addi %mul3A_148, %add3A_149 : i32
      %mul3A_151 = arith.constant 8000 : i32
      %mul3A_152 = arith.muli %add3A_150, %mul3A_151 : i32
      %dma_wait3A = tpu.memref_slice %arg2[%mul3A_152] : memref<320000xi32, #tpu.memory_space<hbm>> -> memref<8000xi32, #tpu.memory_space<hbm>>
      %dma_wait3A_153 = tpu.memref_slice %arg2[%mul3A_152] : memref<320000xi32, #tpu.memory_space<hbm>> -> memref<8000xi32, #tpu.memory_space<hbm>>
      tpu.wait_dma2 semaphore(%arg13 : memref<!tpu.dma_semaphore, #tpu.memory_space<semaphore_mem>>) src(%dma_wait3A_153 : memref<8000xi32, #tpu.memory_space<hbm>>) dst(%arg9 : memref<8000xi32, #tpu.memory_space<vmem>>)
      %mul3A_154 = arith.constant 8000 : i32
      %mul3A_155 = arith.muli %add3A_150, %mul3A_154 : i32
      %add3A_156 = arith.addi %mul3A_96, %mul3A_155 : i32
      %dma_wait3A_157 = tpu.memref_slice %arg4[%add3A_156] : memref<1280000xf32, #tpu.memory_space<hbm>> -> memref<8000xf32, #tpu.memory_space<hbm>>
      %dma_wait3A_158 = tpu.memref_slice %arg4[%add3A_156] : memref<1280000xf32, #tpu.memory_space<hbm>> -> memref<8000xf32, #tpu.memory_space<hbm>>
      tpu.wait_dma2 semaphore(%arg15 : memref<!tpu.dma_semaphore, #tpu.memory_space<semaphore_mem>>) src(%dma_wait3A_158 : memref<8000xf32, #tpu.memory_space<hbm>>) dst(%arg11 : memref<8000xf32, #tpu.memory_space<vmem>>)
      %add3A_159 = arith.constant 1 : i32
      %add3A_160 = arith.addi %add3A_150, %add3A_159 : i32
      %lt3A = arith.constant 40 : i32
      %lt3A_161 = arith.cmpi slt, %add3A_160, %lt3A : i32
      %convert_element_type3A = arith.extui %lt3A_161 : i1 to i32
      %cond3A = arith.constant 0 : i32
      %cond3A_162 = arith.cmpi ne, %convert_element_type3A, %cond3A : i32
      scf.if %cond3A_162 {
        %add3A_190 = arith.constant 1 : i32
        %add3A_191 = arith.addi %add3A_150, %add3A_190 : i32
        %mul3A_192 = arith.constant 8000 : i32
        %mul3A_193 = arith.muli %add3A_191, %mul3A_192 : i32
        %dma_start3A_194 = tpu.memref_slice %arg2[%mul3A_193] : memref<320000xi32, #tpu.memory_space<hbm>> -> memref<8000xi32, #tpu.memory_space<hbm>>
        %dma_start3A_195 = tpu.memref_slice %arg2[%mul3A_193] : memref<320000xi32, #tpu.memory_space<hbm>> -> memref<8000xi32, #tpu.memory_space<hbm>>
        tpu.enqueue_dma source(%dma_start3A_195 : memref<8000xi32, #tpu.memory_space<hbm>>) target(%arg10 : memref<8000xi32, #tpu.memory_space<vmem>>) target_semaphore(%arg14 : memref<!tpu.dma_semaphore, #tpu.memory_space<semaphore_mem>>)
        %add3A_196 = arith.addi %mul3A_96, %mul3A_193 : i32
        %dma_start3A_197 = tpu.memref_slice %arg4[%add3A_196] : memref<1280000xf32, #tpu.memory_space<hbm>> -> memref<8000xf32, #tpu.memory_space<hbm>>
        %dma_start3A_198 = tpu.memref_slice %arg4[%add3A_196] : memref<1280000xf32, #tpu.memory_space<hbm>> -> memref<8000xf32, #tpu.memory_space<hbm>>
        tpu.enqueue_dma source(%dma_start3A_198 : memref<8000xf32, #tpu.memory_space<hbm>>) target(%arg12 : memref<8000xf32, #tpu.memory_space<vmem>>) target_semaphore(%arg16 : memref<!tpu.dma_semaphore, #tpu.memory_space<semaphore_mem>>)
      } else {
      }
      %parallel_loop3A_163 = arith.constant 0 : i32
      %parallel_loop3A_164 = arith.constant 500 : i32
      %parallel_loop3A_165 = arith.constant 1 : i32
      scf.for %parallel_loop3A_190 = %parallel_loop3A_163 to %parallel_loop3A_164 step %parallel_loop3A_165  : i32 {
        %parallel_loop3A_191 = arith.constant 16 : i32
        %parallel_loop3A_192 = arith.muli %parallel_loop3A_190, %parallel_loop3A_191 : i32
        %parallel_loop3A_193 = arith.index_cast %parallel_loop3A_192 : i32 to index
        %parallel_loop3A_194 = tpu.vector_load %arg9[%parallel_loop3A_193] {strides = array<i32>} : memref<8000xi32, #tpu.memory_space<vmem>>, vector<16xi32>,
        %parallel_loop3A_195 = arith.constant 15 : i32
        %parallel_loop3A_196 = vector.broadcast %parallel_loop3A_195 : i32 to vector<16xi32>
        %parallel_loop3A_197 = arith.shrsi %parallel_loop3A_194, %parallel_loop3A_196 : vector<16xi32>
        %parallel_loop3A_198 = arith.constant 32767 : i32
        %parallel_loop3A_199 = vector.broadcast %parallel_loop3A_198 : i32 to vector<16xi32>
        %parallel_loop3A_200 = arith.andi %parallel_loop3A_194, %parallel_loop3A_199 : vector<16xi32>
        %parallel_loop3A_201 = arith.constant 16 : i32
        %parallel_loop3A_202 = arith.muli %parallel_loop3A_190, %parallel_loop3A_201 : i32
        %parallel_loop3A_203 = arith.index_cast %parallel_loop3A_202 : i32 to index
        %parallel_loop3A_204 = tpu.vector_load %arg11[%parallel_loop3A_203] {strides = array<i32>} : memref<8000xf32, #tpu.memory_space<vmem>>, vector<16xf32>,
        %parallel_loop3A_205 = arith.constant 0 : i32
        %parallel_loop3A_206 = vector.broadcast %parallel_loop3A_205 : i32 to vector<16xi32>
        %parallel_loop3A_207 = arith.addi %parallel_loop3A_197, %parallel_loop3A_206 : vector<16xi32>
        %parallel_loop3A_208 = tpu.vector_load_idx %arg7[%parallel_loop3A_207] : memref<20480xi32, #tpu.memory_space<vmem>>[vector<16xi32>], vector<16xi32>,
        %parallel_loop3A_209 = vector.bitcast %parallel_loop3A_208 : vector<16xi32> to vector<32xbf16>
        %parallel_loop3A_210 = tpu.unpack_subelements %parallel_loop3A_209, 0 {pack_format = #tpu.pack_format<interleaved>} : vector<32xbf16> -> vector<16xf32>
        %parallel_loop3A_211 = tpu.unpack_subelements %parallel_loop3A_209, 1 {pack_format = #tpu.pack_format<interleaved>} : vector<32xbf16> -> vector<16xf32>
        %parallel_loop3A_212 = arith.constant 0 : i32
        %parallel_loop3A_213 = vector.broadcast %parallel_loop3A_212 : i32 to vector<16xi32>
        %parallel_loop3A_214 = arith.addi %parallel_loop3A_200, %parallel_loop3A_213 : vector<16xi32>
        %parallel_loop3A_215 = arith.mulf %parallel_loop3A_210, %parallel_loop3A_204 : vector<16xf32>
        tpu.vector_store_idx %arg8[%parallel_loop3A_214], %parallel_loop3A_215 {add = true} : memref<40960xf32, #tpu.memory_space<vmem>>[vector<16xi32>], vector<16xf32>,
        %parallel_loop3A_216 = arith.constant 10240 : i32
        %parallel_loop3A_217 = vector.broadcast %parallel_loop3A_216 : i32 to vector<16xi32>
        %parallel_loop3A_218 = arith.addi %parallel_loop3A_200, %parallel_loop3A_217 : vector<16xi32>
        %parallel_loop3A_219 = arith.mulf %parallel_loop3A_211, %parallel_loop3A_204 : vector<16xf32>
        tpu.vector_store_idx %arg8[%parallel_loop3A_218], %parallel_loop3A_219 {add = true} : memref<40960xf32, #tpu.memory_space<vmem>>[vector<16xi32>], vector<16xf32>,
        %parallel_loop3A_220 = arith.constant 10240 : i32
        %parallel_loop3A_221 = vector.broadcast %parallel_loop3A_220 : i32 to vector<16xi32>
        %parallel_loop3A_222 = arith.addi %parallel_loop3A_197, %parallel_loop3A_221 : vector<16xi32>
        %parallel_loop3A_223 = tpu.vector_load_idx %arg7[%parallel_loop3A_222] : memref<20480xi32, #tpu.memory_space<vmem>>[vector<16xi32>], vector<16xi32>,
        %parallel_loop3A_224 = vector.bitcast %parallel_loop3A_223 : vector<16xi32> to vector<32xbf16>
        %parallel_loop3A_225 = tpu.unpack_subelements %parallel_loop3A_224, 0 {pack_format = #tpu.pack_format<interleaved>} : vector<32xbf16> -> vector<16xf32>
        %parallel_loop3A_226 = tpu.unpack_subelements %parallel_loop3A_224, 1 {pack_format = #tpu.pack_format<interleaved>} : vector<32xbf16> -> vector<16xf32>
        %parallel_loop3A_227 = arith.constant 20480 : i32
        %parallel_loop3A_228 = vector.broadcast %parallel_loop3A_227 : i32 to vector<16xi32>
        %parallel_loop3A_229 = arith.addi %parallel_loop3A_200, %parallel_loop3A_228 : vector<16xi32>
        %parallel_loop3A_230 = arith.mulf %parallel_loop3A_225, %parallel_loop3A_204 : vector<16xf32>
        tpu.vector_store_idx %arg8[%parallel_loop3A_229], %parallel_loop3A_230 {add = true} : memref<40960xf32, #tpu.memory_space<vmem>>[vector<16xi32>], vector<16xf32>,
        %parallel_loop3A_231 = arith.constant 30720 : i32
        %parallel_loop3A_232 = vector.broadcast %parallel_loop3A_231 : i32 to vector<16xi32>
        %parallel_loop3A_233 = arith.addi %parallel_loop3A_200, %parallel_loop3A_232 : vector<16xi32>
        %parallel_loop3A_234 = arith.mulf %parallel_loop3A_226, %parallel_loop3A_204 : vector<16xf32>
        tpu.vector_store_idx %arg8[%parallel_loop3A_233], %parallel_loop3A_234 {add = true} : memref<40960xf32, #tpu.memory_space<vmem>>[vector<16xi32>], vector<16xf32>,
      } {sc.loop_unroll_factor = 4 : i64, sc.parallel_access}
      %mul3A_166 = arith.constant 2 : i32
      %mul3A_167 = arith.muli %scan3A_145, %mul3A_166 : i32
      %add3A_168 = arith.constant 1 : i32
      %add3A_169 = arith.addi %mul3A_167, %add3A_168 : i32
      %mul3A_170 = arith.constant 8000 : i32
      %mul3A_171 = arith.muli %add3A_169, %mul3A_170 : i32
      %dma_wait3A_172 = tpu.memref_slice %arg2[%mul3A_171] : memref<320000xi32, #tpu.memory_space<hbm>> -> memref<8000xi32, #tpu.memory_space<hbm>>
      %dma_wait3A_173 = tpu.memref_slice %arg2[%mul3A_171] : memref<320000xi32, #tpu.memory_space<hbm>> -> memref<8000xi32, #tpu.memory_space<hbm>>
      tpu.wait_dma2 semaphore(%arg14 : memref<!tpu.dma_semaphore, #tpu.memory_space<semaphore_mem>>) src(%dma_wait3A_173 : memref<8000xi32, #tpu.memory_space<hbm>>) dst(%arg10 : memref<8000xi32, #tpu.memory_space<vmem>>)
      %mul3A_174 = arith.constant 8000 : i32
      %mul3A_175 = arith.muli %add3A_169, %mul3A_174 : i32
      %add3A_176 = arith.addi %mul3A_96, %mul3A_175 : i32
      %dma_wait3A_177 = tpu.memref_slice %arg4[%add3A_176] : memref<1280000xf32, #tpu.memory_space<hbm>> -> memref<8000xf32, #tpu.memory_space<hbm>>
      %dma_wait3A_178 = tpu.memref_slice %arg4[%add3A_176] : memref<1280000xf32, #tpu.memory_space<hbm>> -> memref<8000xf32, #tpu.memory_space<hbm>>
      tpu.wait_dma2 semaphore(%arg16 : memref<!tpu.dma_semaphore, #tpu.memory_space<semaphore_mem>>) src(%dma_wait3A_178 : memref<8000xf32, #tpu.memory_space<hbm>>) dst(%arg12 : memref<8000xf32, #tpu.memory_space<vmem>>)
      %add3A_179 = arith.constant 1 : i32
      %add3A_180 = arith.addi %add3A_169, %add3A_179 : i32
      %lt3A_181 = arith.constant 40 : i32
      %lt3A_182 = arith.cmpi slt, %add3A_180, %lt3A_181 : i32
      %convert_element_type3A_183 = arith.extui %lt3A_182 : i1 to i32
      %cond3A_184 = arith.constant 0 : i32
      %cond3A_185 = arith.cmpi ne, %convert_element_type3A_183, %cond3A_184 : i32
      scf.if %cond3A_185 {
        %add3A_190 = arith.constant 1 : i32
        %add3A_191 = arith.addi %add3A_169, %add3A_190 : i32
        %mul3A_192 = arith.constant 8000 : i32
        %mul3A_193 = arith.muli %add3A_191, %mul3A_192 : i32
        %dma_start3A_194 = tpu.memref_slice %arg2[%mul3A_193] : memref<320000xi32, #tpu.memory_space<hbm>> -> memref<8000xi32, #tpu.memory_space<hbm>>
        %dma_start3A_195 = tpu.memref_slice %arg2[%mul3A_193] : memref<320000xi32, #tpu.memory_space<hbm>> -> memref<8000xi32, #tpu.memory_space<hbm>>
        tpu.enqueue_dma source(%dma_start3A_195 : memref<8000xi32, #tpu.memory_space<hbm>>) target(%arg9 : memref<8000xi32, #tpu.memory_space<vmem>>) target_semaphore(%arg13 : memref<!tpu.dma_semaphore, #tpu.memory_space<semaphore_mem>>)
        %add3A_196 = arith.addi %mul3A_96, %mul3A_193 : i32
        %dma_start3A_197 = tpu.memref_slice %arg4[%add3A_196] : memref<1280000xf32, #tpu.memory_space<hbm>> -> memref<8000xf32, #tpu.memory_space<hbm>>
        %dma_start3A_198 = tpu.memref_slice %arg4[%add3A_196] : memref<1280000xf32, #tpu.memory_space<hbm>> -> memref<8000xf32, #tpu.memory_space<hbm>>
        tpu.enqueue_dma source(%dma_start3A_198 : memref<8000xf32, #tpu.memory_space<hbm>>) target(%arg11 : memref<8000xf32, #tpu.memory_space<vmem>>) target_semaphore(%arg15 : memref<!tpu.dma_semaphore, #tpu.memory_space<semaphore_mem>>)
      } else {
      }
      %parallel_loop3A_186 = arith.constant 0 : i32
      %parallel_loop3A_187 = arith.constant 500 : i32
      %parallel_loop3A_188 = arith.constant 1 : i32
      scf.for %parallel_loop3A_190 = %parallel_loop3A_186 to %parallel_loop3A_187 step %parallel_loop3A_188  : i32 {
        %parallel_loop3A_191 = arith.constant 16 : i32
        %parallel_loop3A_192 = arith.muli %parallel_loop3A_190, %parallel_loop3A_191 : i32
        %parallel_loop3A_193 = arith.index_cast %parallel_loop3A_192 : i32 to index
        %parallel_loop3A_194 = tpu.vector_load %arg10[%parallel_loop3A_193] {strides = array<i32>} : memref<8000xi32, #tpu.memory_space<vmem>>, vector<16xi32>,
        %parallel_loop3A_195 = arith.constant 15 : i32
        %parallel_loop3A_196 = vector.broadcast %parallel_loop3A_195 : i32 to vector<16xi32>
        %parallel_loop3A_197 = arith.shrsi %parallel_loop3A_194, %parallel_loop3A_196 : vector<16xi32>
        %parallel_loop3A_198 = arith.constant 32767 : i32
        %parallel_loop3A_199 = vector.broadcast %parallel_loop3A_198 : i32 to vector<16xi32>
        %parallel_loop3A_200 = arith.andi %parallel_loop3A_194, %parallel_loop3A_199 : vector<16xi32>
        %parallel_loop3A_201 = arith.constant 16 : i32
        %parallel_loop3A_202 = arith.muli %parallel_loop3A_190, %parallel_loop3A_201 : i32
        %parallel_loop3A_203 = arith.index_cast %parallel_loop3A_202 : i32 to index
        %parallel_loop3A_204 = tpu.vector_load %arg12[%parallel_loop3A_203] {strides = array<i32>} : memref<8000xf32, #tpu.memory_space<vmem>>, vector<16xf32>,
        %parallel_loop3A_205 = arith.constant 0 : i32
        %parallel_loop3A_206 = vector.broadcast %parallel_loop3A_205 : i32 to vector<16xi32>
        %parallel_loop3A_207 = arith.addi %parallel_loop3A_197, %parallel_loop3A_206 : vector<16xi32>
        %parallel_loop3A_208 = tpu.vector_load_idx %arg7[%parallel_loop3A_207] : memref<20480xi32, #tpu.memory_space<vmem>>[vector<16xi32>], vector<16xi32>,
        %parallel_loop3A_209 = vector.bitcast %parallel_loop3A_208 : vector<16xi32> to vector<32xbf16>
        %parallel_loop3A_210 = tpu.unpack_subelements %parallel_loop3A_209, 0 {pack_format = #tpu.pack_format<interleaved>} : vector<32xbf16> -> vector<16xf32>
        %parallel_loop3A_211 = tpu.unpack_subelements %parallel_loop3A_209, 1 {pack_format = #tpu.pack_format<interleaved>} : vector<32xbf16> -> vector<16xf32>
        %parallel_loop3A_212 = arith.constant 0 : i32
        %parallel_loop3A_213 = vector.broadcast %parallel_loop3A_212 : i32 to vector<16xi32>
        %parallel_loop3A_214 = arith.addi %parallel_loop3A_200, %parallel_loop3A_213 : vector<16xi32>
        %parallel_loop3A_215 = arith.mulf %parallel_loop3A_210, %parallel_loop3A_204 : vector<16xf32>
        tpu.vector_store_idx %arg8[%parallel_loop3A_214], %parallel_loop3A_215 {add = true} : memref<40960xf32, #tpu.memory_space<vmem>>[vector<16xi32>], vector<16xf32>,
        %parallel_loop3A_216 = arith.constant 10240 : i32
        %parallel_loop3A_217 = vector.broadcast %parallel_loop3A_216 : i32 to vector<16xi32>
        %parallel_loop3A_218 = arith.addi %parallel_loop3A_200, %parallel_loop3A_217 : vector<16xi32>
        %parallel_loop3A_219 = arith.mulf %parallel_loop3A_211, %parallel_loop3A_204 : vector<16xf32>
        tpu.vector_store_idx %arg8[%parallel_loop3A_218], %parallel_loop3A_219 {add = true} : memref<40960xf32, #tpu.memory_space<vmem>>[vector<16xi32>], vector<16xf32>,
        %parallel_loop3A_220 = arith.constant 10240 : i32
        %parallel_loop3A_221 = vector.broadcast %parallel_loop3A_220 : i32 to vector<16xi32>
        %parallel_loop3A_222 = arith.addi %parallel_loop3A_197, %parallel_loop3A_221 : vector<16xi32>
        %parallel_loop3A_223 = tpu.vector_load_idx %arg7[%parallel_loop3A_222] : memref<20480xi32, #tpu.memory_space<vmem>>[vector<16xi32>], vector<16xi32>,
        %parallel_loop3A_224 = vector.bitcast %parallel_loop3A_223 : vector<16xi32> to vector<32xbf16>
        %parallel_loop3A_225 = tpu.unpack_subelements %parallel_loop3A_224, 0 {pack_format = #tpu.pack_format<interleaved>} : vector<32xbf16> -> vector<16xf32>
        %parallel_loop3A_226 = tpu.unpack_subelements %parallel_loop3A_224, 1 {pack_format = #tpu.pack_format<interleaved>} : vector<32xbf16> -> vector<16xf32>
        %parallel_loop3A_227 = arith.constant 20480 : i32
        %parallel_loop3A_228 = vector.broadcast %parallel_loop3A_227 : i32 to vector<16xi32>
        %parallel_loop3A_229 = arith.addi %parallel_loop3A_200, %parallel_loop3A_228 : vector<16xi32>
        %parallel_loop3A_230 = arith.mulf %parallel_loop3A_225, %parallel_loop3A_204 : vector<16xf32>
        tpu.vector_store_idx %arg8[%parallel_loop3A_229], %parallel_loop3A_230 {add = true} : memref<40960xf32, #tpu.memory_space<vmem>>[vector<16xi32>], vector<16xf32>,
        %parallel_loop3A_231 = arith.constant 30720 : i32
        %parallel_loop3A_232 = vector.broadcast %parallel_loop3A_231 : i32 to vector<16xi32>
        %parallel_loop3A_233 = arith.addi %parallel_loop3A_200, %parallel_loop3A_232 : vector<16xi32>
        %parallel_loop3A_234 = arith.mulf %parallel_loop3A_226, %parallel_loop3A_204 : vector<16xf32>
        tpu.vector_store_idx %arg8[%parallel_loop3A_233], %parallel_loop3A_234 {add = true} : memref<40960xf32, #tpu.memory_space<vmem>>[vector<16xi32>], vector<16xf32>,
      } {sc.loop_unroll_factor = 4 : i64, sc.parallel_access}
      %scan3A_189 = arith.constant 0 : i32
      scf.yield %scan3A_189 : i32
    }
    %scan3A_136 = arith.constant 20 : i32
    %add3A_137 = arith.constant 0 : i32
    %add3A_138 = arith.addi %mul3A_70, %add3A_137 : i32
    "tpu.region"() ({
      %run_scoped3A = tpu.sem_alloc : memref<!tpu.dma_semaphore, #tpu.memory_space<semaphore_mem>>
      %dma_start3A_145 = arith.constant 0 : i32
      %dma_start3A_146 = tpu.memref_slice %arg8[%dma_start3A_145] : memref<40960xf32, #tpu.memory_space<vmem>> -> memref<10240xf32, #tpu.memory_space<vmem>>
      %dma_start3A_147 = arith.constant 0 : i32
      %dma_start3A_148 = tpu.memref_slice %arg5[%add3A_138, %dma_start3A_147] : memref<256x10240xf32, #tpu.memory_space<hbm>> -> memref<1x10240xf32, #tpu.memory_space<hbm>>
      %dma_start3A_149 = tpu.memref_squeeze %dma_start3A_148 : memref<1x10240xf32, #tpu.memory_space<hbm>> -> memref<10240xf32, #tpu.memory_space<hbm>>
      %dma_start3A_150 = arith.constant 0 : i32
      %dma_start3A_151 = tpu.memref_slice %arg5[%add3A_138, %dma_start3A_150] : memref<256x10240xf32, #tpu.memory_space<hbm>> -> memref<1x10240xf32, #tpu.memory_space<hbm>>
      %dma_start3A_152 = tpu.memref_squeeze %dma_start3A_151 : memref<1x10240xf32, #tpu.memory_space<hbm>> -> memref<10240xf32, #tpu.memory_space<hbm>>
      %dma_start3A_153 = arith.constant 0 : i32
      %dma_start3A_154 = tpu.memref_slice %arg8[%dma_start3A_153] : memref<40960xf32, #tpu.memory_space<vmem>> -> memref<10240xf32, #tpu.memory_space<vmem>>
      tpu.enqueue_dma source(%dma_start3A_154 : memref<10240xf32, #tpu.memory_space<vmem>>) target(%dma_start3A_152 : memref<10240xf32, #tpu.memory_space<hbm>>) target_semaphore(%run_scoped3A : memref<!tpu.dma_semaphore, #tpu.memory_space<semaphore_mem>>)
      %dma_wait3A = arith.constant 0 : i32
      %dma_wait3A_155 = tpu.memref_slice %arg8[%dma_wait3A] : memref<40960xf32, #tpu.memory_space<vmem>> -> memref<10240xf32, #tpu.memory_space<vmem>>
      %dma_wait3A_156 = arith.constant 0 : i32
      %dma_wait3A_157 = tpu.memref_slice %arg5[%add3A_138, %dma_wait3A_156] : memref<256x10240xf32, #tpu.memory_space<hbm>> -> memref<1x10240xf32, #tpu.memory_space<hbm>>
      %dma_wait3A_158 = tpu.memref_squeeze %dma_wait3A_157 : memref<1x10240xf32, #tpu.memory_space<hbm>> -> memref<10240xf32, #tpu.memory_space<hbm>>
      %dma_wait3A_159 = arith.constant 0 : i32
      %dma_wait3A_160 = tpu.memref_slice %arg5[%add3A_138, %dma_wait3A_159] : memref<256x10240xf32, #tpu.memory_space<hbm>> -> memref<1x10240xf32, #tpu.memory_space<hbm>>
      %dma_wait3A_161 = tpu.memref_squeeze %dma_wait3A_160 : memref<1x10240xf32, #tpu.memory_space<hbm>> -> memref<10240xf32, #tpu.memory_space<hbm>>
      %dma_wait3A_162 = arith.constant 0 : i32
      %dma_wait3A_163 = tpu.memref_slice %arg8[%dma_wait3A_162] : memref<40960xf32, #tpu.memory_space<vmem>> -> memref<10240xf32, #tpu.memory_space<vmem>>
      tpu.wait_dma2 semaphore(%run_scoped3A : memref<!tpu.dma_semaphore, #tpu.memory_space<semaphore_mem>>) src(%dma_wait3A_163 : memref<10240xf32, #tpu.memory_space<vmem>>) dst(%dma_wait3A_161 : memref<10240xf32, #tpu.memory_space<hbm>>)
      tpu.yield
    }) : () -> ()
    %add3A_139 = arith.constant 1 : i32
    %add3A_140 = arith.addi %mul3A_70, %add3A_139 : i32
    "tpu.region"() ({
      %run_scoped3A = tpu.sem_alloc : memref<!tpu.dma_semaphore, #tpu.memory_space<semaphore_mem>>
      %dma_start3A_145 = arith.constant 10240 : i32
      %dma_start3A_146 = tpu.memref_slice %arg8[%dma_start3A_145] : memref<40960xf32, #tpu.memory_space<vmem>> -> memref<10240xf32, #tpu.memory_space<vmem>>
      %dma_start3A_147 = arith.constant 0 : i32
      %dma_start3A_148 = tpu.memref_slice %arg5[%add3A_140, %dma_start3A_147] : memref<256x10240xf32, #tpu.memory_space<hbm>> -> memref<1x10240xf32, #tpu.memory_space<hbm>>
      %dma_start3A_149 = tpu.memref_squeeze %dma_start3A_148 : memref<1x10240xf32, #tpu.memory_space<hbm>> -> memref<10240xf32, #tpu.memory_space<hbm>>
      %dma_start3A_150 = arith.constant 0 : i32
      %dma_start3A_151 = tpu.memref_slice %arg5[%add3A_140, %dma_start3A_150] : memref<256x10240xf32, #tpu.memory_space<hbm>> -> memref<1x10240xf32, #tpu.memory_space<hbm>>
      %dma_start3A_152 = tpu.memref_squeeze %dma_start3A_151 : memref<1x10240xf32, #tpu.memory_space<hbm>> -> memref<10240xf32, #tpu.memory_space<hbm>>
      %dma_start3A_153 = arith.constant 10240 : i32
      %dma_start3A_154 = tpu.memref_slice %arg8[%dma_start3A_153] : memref<40960xf32, #tpu.memory_space<vmem>> -> memref<10240xf32, #tpu.memory_space<vmem>>
      tpu.enqueue_dma source(%dma_start3A_154 : memref<10240xf32, #tpu.memory_space<vmem>>) target(%dma_start3A_152 : memref<10240xf32, #tpu.memory_space<hbm>>) target_semaphore(%run_scoped3A : memref<!tpu.dma_semaphore, #tpu.memory_space<semaphore_mem>>)
      %dma_wait3A = arith.constant 10240 : i32
      %dma_wait3A_155 = tpu.memref_slice %arg8[%dma_wait3A] : memref<40960xf32, #tpu.memory_space<vmem>> -> memref<10240xf32, #tpu.memory_space<vmem>>
      %dma_wait3A_156 = arith.constant 0 : i32
      %dma_wait3A_157 = tpu.memref_slice %arg5[%add3A_140, %dma_wait3A_156] : memref<256x10240xf32, #tpu.memory_space<hbm>> -> memref<1x10240xf32, #tpu.memory_space<hbm>>
      %dma_wait3A_158 = tpu.memref_squeeze %dma_wait3A_157 : memref<1x10240xf32, #tpu.memory_space<hbm>> -> memref<10240xf32, #tpu.memory_space<hbm>>
      %dma_wait3A_159 = arith.constant 0 : i32
      %dma_wait3A_160 = tpu.memref_slice %arg5[%add3A_140, %dma_wait3A_159] : memref<256x10240xf32, #tpu.memory_space<hbm>> -> memref<1x10240xf32, #tpu.memory_space<hbm>>
      %dma_wait3A_161 = tpu.memref_squeeze %dma_wait3A_160 : memref<1x10240xf32, #tpu.memory_space<hbm>> -> memref<10240xf32, #tpu.memory_space<hbm>>
      %dma_wait3A_162 = arith.constant 10240 : i32
      %dma_wait3A_163 = tpu.memref_slice %arg8[%dma_wait3A_162] : memref<40960xf32, #tpu.memory_space<vmem>> -> memref<10240xf32, #tpu.memory_space<vmem>>
      tpu.wait_dma2 semaphore(%run_scoped3A : memref<!tpu.dma_semaphore, #tpu.memory_space<semaphore_mem>>) src(%dma_wait3A_163 : memref<10240xf32, #tpu.memory_space<vmem>>) dst(%dma_wait3A_161 : memref<10240xf32, #tpu.memory_space<hbm>>)
      tpu.yield
    }) : () -> ()
    %add3A_141 = arith.constant 2 : i32
    %add3A_142 = arith.addi %mul3A_70, %add3A_141 : i32
    "tpu.region"() ({
      %run_scoped3A = tpu.sem_alloc : memref<!tpu.dma_semaphore, #tpu.memory_space<semaphore_mem>>
      %dma_start3A_145 = arith.constant 20480 : i32
      %dma_start3A_146 = tpu.memref_slice %arg8[%dma_start3A_145] : memref<40960xf32, #tpu.memory_space<vmem>> -> memref<10240xf32, #tpu.memory_space<vmem>>
      %dma_start3A_147 = arith.constant 0 : i32
      %dma_start3A_148 = tpu.memref_slice %arg5[%add3A_142, %dma_start3A_147] : memref<256x10240xf32, #tpu.memory_space<hbm>> -> memref<1x10240xf32, #tpu.memory_space<hbm>>
      %dma_start3A_149 = tpu.memref_squeeze %dma_start3A_148 : memref<1x10240xf32, #tpu.memory_space<hbm>> -> memref<10240xf32, #tpu.memory_space<hbm>>
      %dma_start3A_150 = arith.constant 0 : i32
      %dma_start3A_151 = tpu.memref_slice %arg5[%add3A_142, %dma_start3A_150] : memref<256x10240xf32, #tpu.memory_space<hbm>> -> memref<1x10240xf32, #tpu.memory_space<hbm>>
      %dma_start3A_152 = tpu.memref_squeeze %dma_start3A_151 : memref<1x10240xf32, #tpu.memory_space<hbm>> -> memref<10240xf32, #tpu.memory_space<hbm>>
      %dma_start3A_153 = arith.constant 20480 : i32
      %dma_start3A_154 = tpu.memref_slice %arg8[%dma_start3A_153] : memref<40960xf32, #tpu.memory_space<vmem>> -> memref<10240xf32, #tpu.memory_space<vmem>>
      tpu.enqueue_dma source(%dma_start3A_154 : memref<10240xf32, #tpu.memory_space<vmem>>) target(%dma_start3A_152 : memref<10240xf32, #tpu.memory_space<hbm>>) target_semaphore(%run_scoped3A : memref<!tpu.dma_semaphore, #tpu.memory_space<semaphore_mem>>)
      %dma_wait3A = arith.constant 20480 : i32
      %dma_wait3A_155 = tpu.memref_slice %arg8[%dma_wait3A] : memref<40960xf32, #tpu.memory_space<vmem>> -> memref<10240xf32, #tpu.memory_space<vmem>>
      %dma_wait3A_156 = arith.constant 0 : i32
      %dma_wait3A_157 = tpu.memref_slice %arg5[%add3A_142, %dma_wait3A_156] : memref<256x10240xf32, #tpu.memory_space<hbm>> -> memref<1x10240xf32, #tpu.memory_space<hbm>>
      %dma_wait3A_158 = tpu.memref_squeeze %dma_wait3A_157 : memref<1x10240xf32, #tpu.memory_space<hbm>> -> memref<10240xf32, #tpu.memory_space<hbm>>
      %dma_wait3A_159 = arith.constant 0 : i32
      %dma_wait3A_160 = tpu.memref_slice %arg5[%add3A_142, %dma_wait3A_159] : memref<256x10240xf32, #tpu.memory_space<hbm>> -> memref<1x10240xf32, #tpu.memory_space<hbm>>
      %dma_wait3A_161 = tpu.memref_squeeze %dma_wait3A_160 : memref<1x10240xf32, #tpu.memory_space<hbm>> -> memref<10240xf32, #tpu.memory_space<hbm>>
      %dma_wait3A_162 = arith.constant 20480 : i32
      %dma_wait3A_163 = tpu.memref_slice %arg8[%dma_wait3A_162] : memref<40960xf32, #tpu.memory_space<vmem>> -> memref<10240xf32, #tpu.memory_space<vmem>>
      tpu.wait_dma2 semaphore(%run_scoped3A : memref<!tpu.dma_semaphore, #tpu.memory_space<semaphore_mem>>) src(%dma_wait3A_163 : memref<10240xf32, #tpu.memory_space<vmem>>) dst(%dma_wait3A_161 : memref<10240xf32, #tpu.memory_space<hbm>>)
      tpu.yield
    }) : () -> ()
    %add3A_143 = arith.constant 3 : i32
    %add3A_144 = arith.addi %mul3A_70, %add3A_143 : i32
    "tpu.region"() ({
      %run_scoped3A = tpu.sem_alloc : memref<!tpu.dma_semaphore, #tpu.memory_space<semaphore_mem>>
      %dma_start3A_145 = arith.constant 30720 : i32
      %dma_start3A_146 = tpu.memref_slice %arg8[%dma_start3A_145] : memref<40960xf32, #tpu.memory_space<vmem>> -> memref<10240xf32, #tpu.memory_space<vmem>>
      %dma_start3A_147 = arith.constant 0 : i32
      %dma_start3A_148 = tpu.memref_slice %arg5[%add3A_144, %dma_start3A_147] : memref<256x10240xf32, #tpu.memory_space<hbm>> -> memref<1x10240xf32, #tpu.memory_space<hbm>>
      %dma_start3A_149 = tpu.memref_squeeze %dma_start3A_148 : memref<1x10240xf32, #tpu.memory_space<hbm>> -> memref<10240xf32, #tpu.memory_space<hbm>>
      %dma_start3A_150 = arith.constant 0 : i32
      %dma_start3A_151 = tpu.memref_slice %arg5[%add3A_144, %dma_start3A_150] : memref<256x10240xf32, #tpu.memory_space<hbm>> -> memref<1x10240xf32, #tpu.memory_space<hbm>>
      %dma_start3A_152 = tpu.memref_squeeze %dma_start3A_151 : memref<1x10240xf32, #tpu.memory_space<hbm>> -> memref<10240xf32, #tpu.memory_space<hbm>>
      %dma_start3A_153 = arith.constant 30720 : i32
      %dma_start3A_154 = tpu.memref_slice %arg8[%dma_start3A_153] : memref<40960xf32, #tpu.memory_space<vmem>> -> memref<10240xf32, #tpu.memory_space<vmem>>
      tpu.enqueue_dma source(%dma_start3A_154 : memref<10240xf32, #tpu.memory_space<vmem>>) target(%dma_start3A_152 : memref<10240xf32, #tpu.memory_space<hbm>>) target_semaphore(%run_scoped3A : memref<!tpu.dma_semaphore, #tpu.memory_space<semaphore_mem>>)
      %dma_wait3A = arith.constant 30720 : i32
      %dma_wait3A_155 = tpu.memref_slice %arg8[%dma_wait3A] : memref<40960xf32, #tpu.memory_space<vmem>> -> memref<10240xf32, #tpu.memory_space<vmem>>
      %dma_wait3A_156 = arith.constant 0 : i32
      %dma_wait3A_157 = tpu.memref_slice %arg5[%add3A_144, %dma_wait3A_156] : memref<256x10240xf32, #tpu.memory_space<hbm>> -> memref<1x10240xf32, #tpu.memory_space<hbm>>
      %dma_wait3A_158 = tpu.memref_squeeze %dma_wait3A_157 : memref<1x10240xf32, #tpu.memory_space<hbm>> -> memref<10240xf32, #tpu.memory_space<hbm>>
      %dma_wait3A_159 = arith.constant 0 : i32
      %dma_wait3A_160 = tpu.memref_slice %arg5[%add3A_144, %dma_wait3A_159] : memref<256x10240xf32, #tpu.memory_space<hbm>> -> memref<1x10240xf32, #tpu.memory_space<hbm>>
      %dma_wait3A_161 = tpu.memref_squeeze %dma_wait3A_160 : memref<1x10240xf32, #tpu.memory_space<hbm>> -> memref<10240xf32, #tpu.memory_space<hbm>>
      %dma_wait3A_162 = arith.constant 30720 : i32
      %dma_wait3A_163 = tpu.memref_slice %arg8[%dma_wait3A_162] : memref<40960xf32, #tpu.memory_space<vmem>> -> memref<10240xf32, #tpu.memory_space<vmem>>
      tpu.wait_dma2 semaphore(%run_scoped3A : memref<!tpu.dma_semaphore, #tpu.memory_space<semaphore_mem>>) src(%dma_wait3A_163 : memref<10240xf32, #tpu.memory_space<vmem>>) dst(%dma_wait3A_161 : memref<10240xf32, #tpu.memory_space<hbm>>)
      tpu.yield
    }) : () -> ()
    return
  }
}

module attributes {stable_mosaic.version = 14 : i64} {
  func.func @_pack_body(%arg0: i32, %arg1: memref<2x2560xi32, #tpu.memory_space<vmem>>, %arg2: memref<1x2560xi32, #tpu.memory_space<vmem>>) attributes {dimension_semantics = [#tpu.dimension_semantics<arbitrary>], iteration_bounds = array<i64: 125>, scalar_prefetch = 0 : i64, scratch_operands = 0 : i64, tpu.core_type = #tpu.core_type<tc>, window_params = [{transform_indices = @transform_0, window_bounds = array<i64: 2, 2560>}, {transform_indices = @transform_1, window_bounds = array<i64: 1, 2560>}]} {
    %get3A = arith.constant 0 : index
    %get3A_0 = arith.constant 0 : index
    %get3A_1 = vector.load %arg1[%get3A, %get3A_0] : memref<2x2560xi32, #tpu.memory_space<vmem>>, vector<1x2560xi32>
    %mul3A = arith.constant 32768 : i32
    %mul3A_2 = vector.broadcast %mul3A : i32 to vector<1x2560xi32>
    %mul3A_3 = arith.muli %get3A_1, %mul3A_2 : vector<1x2560xi32>
    %get3A_4 = arith.constant 1 : index
    %get3A_5 = arith.constant 0 : index
    %get3A_6 = vector.load %arg1[%get3A_4, %get3A_5] : memref<2x2560xi32, #tpu.memory_space<vmem>>, vector<1x2560xi32>
    %add3A = arith.addi %mul3A_3, %get3A_6 : vector<1x2560xi32>
    %swap3A = arith.constant 0 : index
    %swap3A_7 = arith.constant 0 : index
    %swap3A_8 = vector.load %arg2[%swap3A, %swap3A_7] : memref<1x2560xi32, #tpu.memory_space<vmem>>, vector<1x2560xi32>
    tpu.vector_store %arg2[%swap3A, %swap3A_7], %add3A {strides = array<i32>} : memref<1x2560xi32, #tpu.memory_space<vmem>>, vector<1x2560xi32>,
    return
  }
  func.func @transform_0(%arg0: i32) -> (i32, i32) {
    %c0_i32 = arith.constant 0 : i32
    %c0_i32_0 = arith.constant 0 : i32
    return %c0_i32, %arg0 : i32, i32
  }
  func.func @transform_1(%arg0: i32) -> (i32, i32) {
    %c0_i32 = arith.constant 0 : i32
    %c0_i32_0 = arith.constant 0 : i32
    return %c0_i32, %arg0 : i32, i32
  }
}

module attributes {stable_mosaic.version = 14 : i64} {
  func.func @_proj1_body(%arg0: i32, %arg1: memref<128x512xf32, #tpu.memory_space<vmem>>, %arg2: memref<256x128xf32, #tpu.memory_space<vmem>>, %arg3: memref<4x256xf32, #tpu.memory_space<vmem>>, %arg4: memref<4x256xf32, #tpu.memory_space<vmem>>, %arg5: memref<256x512xf32, #tpu.memory_space<vmem>>, %arg6: memref<4x512xf32, #tpu.memory_space<vmem>>, %arg7: memref<4x512xf32, #tpu.memory_space<vmem>>) attributes {dimension_semantics = [#tpu.dimension_semantics<arbitrary>], iteration_bounds = array<i64: 20>, scalar_prefetch = 0 : i64, scratch_operands = 0 : i64, tpu.core_type = #tpu.core_type<tc>, window_params = [{transform_indices = @transform_0, window_bounds = array<i64: 128, 512>}, {pipeline_mode = #tpu.pipeline_mode<synchronous>, transform_indices = @transform_1, window_bounds = array<i64: 256, 128>}, {pipeline_mode = #tpu.pipeline_mode<synchronous>, transform_indices = @transform_2, window_bounds = array<i64: 4, 256>}, {pipeline_mode = #tpu.pipeline_mode<synchronous>, transform_indices = @transform_3, window_bounds = array<i64: 4, 256>}, {transform_indices = @transform_4, window_bounds = array<i64: 256, 512>}, {transform_indices = @transform_5, window_bounds = array<i64: 4, 512>}, {transform_indices = @transform_6, window_bounds = array<i64: 4, 512>}]} {
    %get3A = arith.constant 0 : index
    %get3A_0 = arith.constant 0 : index
    %get3A_1 = vector.load %arg2[%get3A, %get3A_0] : memref<256x128xf32, #tpu.memory_space<vmem>>, vector<256x128xf32>
    %get3A_2 = arith.constant 0 : index
    %get3A_3 = arith.constant 0 : index
    %get3A_4 = vector.load %arg1[%get3A_2, %get3A_3] : memref<128x512xf32, #tpu.memory_space<vmem>>, vector<128x512xf32>
    %dot_general3A = arith.constant dense<0.000000e+00> : vector<256x512xf32>
    %dot_general3A_5 = tpu.matmul %get3A_1, %get3A_4, %dot_general3A {dimension_numbers = #tpu.dot_dimension_numbers<[1], [0], [0], [1], [0, 0, 1, 1], [], []>, transpose_lhs_hint = false} : vector<256x128xf32>, vector<128x512xf32>, vector<256x512xf32> -> vector<256x512xf32>
    %swap3A = arith.constant 0 : index
    %swap3A_6 = arith.constant 0 : index
    %swap3A_7 = vector.load %arg5[%swap3A, %swap3A_6] : memref<256x512xf32, #tpu.memory_space<vmem>>, vector<256x512xf32>
    tpu.vector_store %arg5[%swap3A, %swap3A_6], %dot_general3A_5 {strides = array<i32>} : memref<256x512xf32, #tpu.memory_space<vmem>>, vector<256x512xf32>,
    %get3A_8 = arith.constant 0 : index
    %get3A_9 = arith.constant 0 : index
    %get3A_10 = vector.load %arg3[%get3A_8, %get3A_9] : memref<4x256xf32, #tpu.memory_space<vmem>>, vector<4x256xf32>
    %dot_general3A_11 = arith.constant dense<0.000000e+00> : vector<4x512xf32>
    %dot_general3A_12 = tpu.matmul %get3A_10, %dot_general3A_5, %dot_general3A_11 {dimension_numbers = #tpu.dot_dimension_numbers<[1], [0], [0], [1], [0, 0, 1, 1], [], []>, transpose_lhs_hint = false} : vector<4x256xf32>, vector<256x512xf32>, vector<4x512xf32> -> vector<4x512xf32>
    %swap3A_13 = arith.constant 0 : index
    %swap3A_14 = arith.constant 0 : index
    %swap3A_15 = vector.load %arg6[%swap3A_13, %swap3A_14] : memref<4x512xf32, #tpu.memory_space<vmem>>, vector<4x512xf32>
    tpu.vector_store %arg6[%swap3A_13, %swap3A_14], %dot_general3A_12 {strides = array<i32>} : memref<4x512xf32, #tpu.memory_space<vmem>>, vector<4x512xf32>,
    %get3A_16 = arith.constant 0 : index
    %get3A_17 = arith.constant 0 : index
    %get3A_18 = vector.load %arg4[%get3A_16, %get3A_17] : memref<4x256xf32, #tpu.memory_space<vmem>>, vector<4x256xf32>
    %dot_general3A_19 = arith.constant dense<0.000000e+00> : vector<4x512xf32>
    %dot_general3A_20 = tpu.matmul %get3A_18, %dot_general3A_5, %dot_general3A_19 {dimension_numbers = #tpu.dot_dimension_numbers<[1], [0], [0], [1], [0, 0, 1, 1], [], []>, transpose_lhs_hint = false} : vector<4x256xf32>, vector<256x512xf32>, vector<4x512xf32> -> vector<4x512xf32>
    %swap3A_21 = arith.constant 0 : index
    %swap3A_22 = arith.constant 0 : index
    %swap3A_23 = vector.load %arg7[%swap3A_21, %swap3A_22] : memref<4x512xf32, #tpu.memory_space<vmem>>, vector<4x512xf32>
    tpu.vector_store %arg7[%swap3A_21, %swap3A_22], %dot_general3A_20 {strides = array<i32>} : memref<4x512xf32, #tpu.memory_space<vmem>>, vector<4x512xf32>,
    return
  }
  func.func @transform_0(%arg0: i32) -> (i32, i32) {
    %c0_i32 = arith.constant 0 : i32
    %c0_i32_0 = arith.constant 0 : i32
    return %c0_i32, %arg0 : i32, i32
  }
  func.func @transform_1(%arg0: i32) -> (i32, i32) {
    %c0_i32 = arith.constant 0 : i32
    %c0_i32_0 = arith.constant 0 : i32
    %c0_i32_1 = arith.constant 0 : i32
    return %c0_i32, %c0_i32_0 : i32, i32
  }
  func.func @transform_2(%arg0: i32) -> (i32, i32) {
    %c0_i32 = arith.constant 0 : i32
    %c0_i32_0 = arith.constant 0 : i32
    %c0_i32_1 = arith.constant 0 : i32
    return %c0_i32, %c0_i32_0 : i32, i32
  }
  func.func @transform_3(%arg0: i32) -> (i32, i32) {
    %c0_i32 = arith.constant 0 : i32
    %c0_i32_0 = arith.constant 0 : i32
    %c0_i32_1 = arith.constant 0 : i32
    return %c0_i32, %c0_i32_0 : i32, i32
  }
  func.func @transform_4(%arg0: i32) -> (i32, i32) {
    %c0_i32 = arith.constant 0 : i32
    %c0_i32_0 = arith.constant 0 : i32
    return %c0_i32, %arg0 : i32, i32
  }
  func.func @transform_5(%arg0: i32) -> (i32, i32) {
    %c0_i32 = arith.constant 0 : i32
    %c0_i32_0 = arith.constant 0 : i32
    return %c0_i32, %arg0 : i32, i32
  }
  func.func @transform_6(%arg0: i32) -> (i32, i32) {
    %c0_i32 = arith.constant 0 : i32
    %c0_i32_0 = arith.constant 0 : i32
    return %c0_i32, %arg0 : i32, i32
  }
}

module attributes {stable_mosaic.version = 14 : i64} {
  func.func @_mid_body(%arg0: i32, %arg1: memref<256x512xf32, #tpu.memory_space<vmem>>, %arg2: memref<32x512xf32, #tpu.memory_space<vmem>>, %arg3: memref<48x256xf32, #tpu.memory_space<vmem>>, %arg4: memref<1x48xf32, #tpu.memory_space<vmem>>, %arg5: memref<1x48xf32, #tpu.memory_space<vmem>>, %arg6: memref<256x1xf32, #tpu.memory_space<vmem>>, %arg7: memref<48x512xf32, #tpu.memory_space<vmem>>, %arg8: memref<1x512xf32, #tpu.memory_space<vmem>>, %arg9: memref<1x512xf32, #tpu.memory_space<vmem>>) attributes {dimension_semantics = [#tpu.dimension_semantics<arbitrary>], iteration_bounds = array<i64: 20>, scalar_prefetch = 0 : i64, scratch_operands = 0 : i64, tpu.core_type = #tpu.core_type<tc>, window_params = [{transform_indices = @transform_0, window_bounds = array<i64: 256, 512>}, {transform_indices = @transform_1, window_bounds = array<i64: 32, 512>}, {pipeline_mode = #tpu.pipeline_mode<synchronous>, transform_indices = @transform_2, window_bounds = array<i64: 48, 256>}, {pipeline_mode = #tpu.pipeline_mode<synchronous>, transform_indices = @transform_3, window_bounds = array<i64: 1, 48>}, {pipeline_mode = #tpu.pipeline_mode<synchronous>, transform_indices = @transform_4, window_bounds = array<i64: 1, 48>}, {pipeline_mode = #tpu.pipeline_mode<synchronous>, transform_indices = @transform_5, window_bounds = array<i64: 256, 1>}, {transform_indices = @transform_6, window_bounds = array<i64: 48, 512>}, {transform_indices = @transform_7, window_bounds = array<i64: 1, 512>}, {transform_indices = @transform_8, window_bounds = array<i64: 1, 512>}]} {
    %get3A = arith.constant 0 : index
    %get3A_0 = arith.constant 0 : index
    %get3A_1 = vector.load %arg2[%get3A, %get3A_0] : memref<32x512xf32, #tpu.memory_space<vmem>>, vector<32x512xf32>
    %reshape3A = vector.shape_cast %get3A_1 : vector<32x512xf32> to vector<4x8x512xf32>
    %reduce_sum3A = arith.constant dense<0.000000e+00> : vector<4x512xf32>
    %reduce_sum3A_2 = vector.multi_reduction <add>, %reshape3A, %reduce_sum3A [1] : vector<4x8x512xf32> to vector<4x512xf32>
    %get3A_3 = arith.constant 0 : index
    %get3A_4 = arith.constant 0 : index
    %get3A_5 = vector.load %arg1[%get3A_3, %get3A_4] : memref<256x512xf32, #tpu.memory_space<vmem>>, vector<256x512xf32>
    %reshape3A_6 = vector.shape_cast %get3A_5 : vector<256x512xf32> to vector<4x64x512xf32>
    %broadcast_in_dim3A = vector.shape_cast %reduce_sum3A_2 : vector<4x512xf32> to vector<4x1x512xf32>
    %add3A = arith.constant 1.000000e-16 : f32
    %add3A_7 = vector.broadcast %add3A : f32 to vector<4x1x512xf32>
    %add3A_8 = arith.addf %broadcast_in_dim3A, %add3A_7 : vector<4x1x512xf32>
    %div3A = vector.broadcast %add3A_8 : vector<4x1x512xf32> to vector<4x64x512xf32>
    %div3A_9 = arith.divf %reshape3A_6, %div3A : vector<4x64x512xf32>
    %reshape3A_10 = vector.shape_cast %div3A_9 : vector<4x64x512xf32> to vector<256x512xf32>
    %get3A_11 = arith.constant 0 : index
    %get3A_12 = arith.constant 0 : index
    %get3A_13 = vector.load %arg6[%get3A_11, %get3A_12] : memref<256x1xf32, #tpu.memory_space<vmem>>, vector<256x1xf32>
    %add3A_14 = vector.broadcast %get3A_13 : vector<256x1xf32> to vector<256x512xf32>
    %add3A_15 = arith.addf %reshape3A_10, %add3A_14 : vector<256x512xf32>
    %gt3A = arith.constant 0.000000e+00 : f32
    %gt3A_16 = vector.broadcast %gt3A : f32 to vector<256x512xf32>
    %gt3A_17 = arith.cmpf ogt, %add3A_15, %gt3A_16 : vector<256x512xf32>
    %exp3A = math.exp %add3A_15 : vector<256x512xf32>
    %sub3A = arith.constant 1.000000e+00 : f32
    %sub3A_18 = vector.broadcast %sub3A : f32 to vector<256x512xf32>
    %sub3A_19 = arith.subf %exp3A, %sub3A_18 : vector<256x512xf32>
    %select_n3A = arith.select %gt3A_17, %add3A_15, %sub3A_19 : vector<256x512xi1>, vector<256x512xf32>
    %get3A_20 = arith.constant 0 : index
    %get3A_21 = arith.constant 0 : index
    %get3A_22 = vector.load %arg3[%get3A_20, %get3A_21] : memref<48x256xf32, #tpu.memory_space<vmem>>, vector<48x256xf32>
    %dot_general3A = arith.constant dense<0.000000e+00> : vector<48x512xf32>
    %dot_general3A_23 = tpu.matmul %get3A_22, %select_n3A, %dot_general3A {dimension_numbers = #tpu.dot_dimension_numbers<[1], [0], [0], [1], [0, 0, 1, 1], [], []>, transpose_lhs_hint = false} : vector<48x256xf32>, vector<256x512xf32>, vector<48x512xf32> -> vector<48x512xf32>
    %swap3A = arith.constant 0 : index
    %swap3A_24 = arith.constant 0 : index
    %swap3A_25 = vector.load %arg7[%swap3A, %swap3A_24] : memref<48x512xf32, #tpu.memory_space<vmem>>, vector<48x512xf32>
    tpu.vector_store %arg7[%swap3A, %swap3A_24], %dot_general3A_23 {strides = array<i32>} : memref<48x512xf32, #tpu.memory_space<vmem>>, vector<48x512xf32>,
    %get3A_26 = arith.constant 0 : index
    %get3A_27 = arith.constant 0 : index
    %get3A_28 = vector.load %arg4[%get3A_26, %get3A_27] : memref<1x48xf32, #tpu.memory_space<vmem>>, vector<1x48xf32>
    %dot_general3A_29 = arith.constant dense<0.000000e+00> : vector<1x512xf32>
    %dot_general3A_30 = tpu.matmul %get3A_28, %dot_general3A_23, %dot_general3A_29 {dimension_numbers = #tpu.dot_dimension_numbers<[1], [0], [0], [1], [0, 0, 1, 1], [], []>, transpose_lhs_hint = false} : vector<1x48xf32>, vector<48x512xf32>, vector<1x512xf32> -> vector<1x512xf32>
    %swap3A_31 = arith.constant 0 : index
    %swap3A_32 = arith.constant 0 : index
    %swap3A_33 = vector.load %arg8[%swap3A_31, %swap3A_32] : memref<1x512xf32, #tpu.memory_space<vmem>>, vector<1x512xf32>
    tpu.vector_store %arg8[%swap3A_31, %swap3A_32], %dot_general3A_30 {strides = array<i32>} : memref<1x512xf32, #tpu.memory_space<vmem>>, vector<1x512xf32>,
    %get3A_34 = arith.constant 0 : index
    %get3A_35 = arith.constant 0 : index
    %get3A_36 = vector.load %arg5[%get3A_34, %get3A_35] : memref<1x48xf32, #tpu.memory_space<vmem>>, vector<1x48xf32>
    %dot_general3A_37 = arith.constant dense<0.000000e+00> : vector<1x512xf32>
    %dot_general3A_38 = tpu.matmul %get3A_36, %dot_general3A_23, %dot_general3A_37 {dimension_numbers = #tpu.dot_dimension_numbers<[1], [0], [0], [1], [0, 0, 1, 1], [], []>, transpose_lhs_hint = false} : vector<1x48xf32>, vector<48x512xf32>, vector<1x512xf32> -> vector<1x512xf32>
    %swap3A_39 = arith.constant 0 : index
    %swap3A_40 = arith.constant 0 : index
    %swap3A_41 = vector.load %arg9[%swap3A_39, %swap3A_40] : memref<1x512xf32, #tpu.memory_space<vmem>>, vector<1x512xf32>
    tpu.vector_store %arg9[%swap3A_39, %swap3A_40], %dot_general3A_38 {strides = array<i32>} : memref<1x512xf32, #tpu.memory_space<vmem>>, vector<1x512xf32>,
    return
  }
  func.func @transform_0(%arg0: i32) -> (i32, i32) {
    %c0_i32 = arith.constant 0 : i32
    %c0_i32_0 = arith.constant 0 : i32
    return %c0_i32, %arg0 : i32, i32
  }
  func.func @transform_1(%arg0: i32) -> (i32, i32) {
    %c0_i32 = arith.constant 0 : i32
    %c0_i32_0 = arith.constant 0 : i32
    return %c0_i32, %arg0 : i32, i32
  }
  func.func @transform_2(%arg0: i32) -> (i32, i32) {
    %c0_i32 = arith.constant 0 : i32
    %c0_i32_0 = arith.constant 0 : i32
    %c0_i32_1 = arith.constant 0 : i32
    return %c0_i32, %c0_i32_0 : i32, i32
  }
  func.func @transform_3(%arg0: i32) -> (i32, i32) {
    %c0_i32 = arith.constant 0 : i32
    %c0_i32_0 = arith.constant 0 : i32
    %c0_i32_1 = arith.constant 0 : i32
    return %c0_i32, %c0_i32_0 : i32, i32
  }
  func.func @transform_4(%arg0: i32) -> (i32, i32) {
    %c0_i32 = arith.constant 0 : i32
    %c0_i32_0 = arith.constant 0 : i32
    %c0_i32_1 = arith.constant 0 : i32
    return %c0_i32, %c0_i32_0 : i32, i32
  }
  func.func @transform_5(%arg0: i32) -> (i32, i32) {
    %c0_i32 = arith.constant 0 : i32
    %c0_i32_0 = arith.constant 0 : i32
    %c0_i32_1 = arith.constant 0 : i32
    return %c0_i32, %c0_i32_0 : i32, i32
  }
  func.func @transform_6(%arg0: i32) -> (i32, i32) {
    %c0_i32 = arith.constant 0 : i32
    %c0_i32_0 = arith.constant 0 : i32
    return %c0_i32, %arg0 : i32, i32
  }
  func.func @transform_7(%arg0: i32) -> (i32, i32) {
    %c0_i32 = arith.constant 0 : i32
    %c0_i32_0 = arith.constant 0 : i32
    return %c0_i32, %arg0 : i32, i32
  }
  func.func @transform_8(%arg0: i32) -> (i32, i32) {
    %c0_i32 = arith.constant 0 : i32
    %c0_i32_0 = arith.constant 0 : i32
    return %c0_i32, %arg0 : i32, i32
  }
}

module attributes {stable_mosaic.version = 14 : i64} {
  func.func @_final_body(%arg0: i32, %arg1: memref<48x512xf32, #tpu.memory_space<vmem>>, %arg2: memref<32x512xf32, #tpu.memory_space<vmem>>, %arg3: memref<48x1xf32, #tpu.memory_space<vmem>>, %arg4: memref<48x512xf32, #tpu.memory_space<vmem>>) attributes {dimension_semantics = [#tpu.dimension_semantics<arbitrary>], iteration_bounds = array<i64: 20>, scalar_prefetch = 0 : i64, scratch_operands = 0 : i64, tpu.core_type = #tpu.core_type<tc>, window_params = [{transform_indices = @transform_0, window_bounds = array<i64: 48, 512>}, {transform_indices = @transform_1, window_bounds = array<i64: 32, 512>}, {pipeline_mode = #tpu.pipeline_mode<synchronous>, transform_indices = @transform_2, window_bounds = array<i64: 48, 1>}, {transform_indices = @transform_3, window_bounds = array<i64: 48, 512>}]} {
    %get3A = arith.constant 0 : index
    %get3A_0 = arith.constant 0 : index
    %get3A_1 = vector.load %arg2[%get3A, %get3A_0] : memref<32x512xf32, #tpu.memory_space<vmem>>, vector<32x512xf32>
    %reduce_sum3A = arith.constant dense<0.000000e+00> : vector<512xf32>
    %reduce_sum3A_2 = vector.multi_reduction <add>, %get3A_1, %reduce_sum3A [0] : vector<32x512xf32> to vector<512xf32>
    %broadcast_in_dim3A = vector.shape_cast %reduce_sum3A_2 : vector<512xf32> to vector<1x512xf32>
    %get3A_3 = arith.constant 0 : index
    %get3A_4 = arith.constant 0 : index
    %get3A_5 = vector.load %arg1[%get3A_3, %get3A_4] : memref<48x512xf32, #tpu.memory_space<vmem>>, vector<48x512xf32>
    %add3A = arith.constant 1.000000e-16 : f32
    %add3A_6 = vector.broadcast %add3A : f32 to vector<1x512xf32>
    %add3A_7 = arith.addf %broadcast_in_dim3A, %add3A_6 : vector<1x512xf32>
    %div3A = vector.broadcast %add3A_7 : vector<1x512xf32> to vector<48x512xf32>
    %div3A_8 = arith.divf %get3A_5, %div3A : vector<48x512xf32>
    %get3A_9 = arith.constant 0 : index
    %get3A_10 = arith.constant 0 : index
    %get3A_11 = vector.load %arg3[%get3A_9, %get3A_10] : memref<48x1xf32, #tpu.memory_space<vmem>>, vector<48x1xf32>
    %add3A_12 = vector.broadcast %get3A_11 : vector<48x1xf32> to vector<48x512xf32>
    %add3A_13 = arith.addf %div3A_8, %add3A_12 : vector<48x512xf32>
    %swap3A = arith.constant 0 : index
    %swap3A_14 = arith.constant 0 : index
    %swap3A_15 = vector.load %arg4[%swap3A, %swap3A_14] : memref<48x512xf32, #tpu.memory_space<vmem>>, vector<48x512xf32>
    tpu.vector_store %arg4[%swap3A, %swap3A_14], %add3A_13 {strides = array<i32>} : memref<48x512xf32, #tpu.memory_space<vmem>>, vector<48x512xf32>,
    return
  }
  func.func @transform_0(%arg0: i32) -> (i32, i32) {
    %c0_i32 = arith.constant 0 : i32
    %c0_i32_0 = arith.constant 0 : i32
    return %c0_i32, %arg0 : i32, i32
  }
  func.func @transform_1(%arg0: i32) -> (i32, i32) {
    %c0_i32 = arith.constant 0 : i32
    %c0_i32_0 = arith.constant 0 : i32
    return %c0_i32, %arg0 : i32, i32
  }
  func.func @transform_2(%arg0: i32) -> (i32, i32) {
    %c0_i32 = arith.constant 0 : i32
    %c0_i32_0 = arith.constant 0 : i32
    %c0_i32_1 = arith.constant 0 : i32
    return %c0_i32, %c0_i32_0 : i32, i32
  }
  func.func @transform_3(%arg0: i32) -> (i32, i32) {
    %c0_i32 = arith.constant 0 : i32
    %c0_i32_0 = arith.constant 0 : i32
    return %c0_i32, %arg0 : i32, i32
  }
}

</mosaic_0001>

<sc_bundles>
// kernel: kernel.10.cloned.1.call-start
scs
__scs_entry_jumppad:
0x0: {  	(pc) =	sbr.rel $0x88, $3  }
0x1: {  	(tag) =	ssettag $0x0;
	lr =	simm.s32 $0x1  }
0x2: {  	[smem:$0x3F97] =	sst lr;
	_ =	strace $0xD0000000  }
0x3: {  	_ = 	snop  }
0x4: {  	_ = 	snop  }
0x5: {  	_ = 	snop  }
0x6: {  	_ = 	snop  }
0x7: {  	_ = 	snop  }
__scs_overlays_trampoline_lowered:
0x8: {  	[smem:$0x3FA6] =	sst s0  }
0x9: {  	[smem:$0x3FA7] =	sst s1  }
0xa: {  	[smem:$0x3FA8] =	sst s2  }
0xb: {  	[smem:$0x3FA9] =	sst s3  }
0xc: {  	[smem:$0x3FAA] =	sst s4  }
0xd: {  	[smem:$0x3FAB] =	sst s5  }
0xe: {  	[smem:$0x3FAC] =	sst s6  }
0xf: {  	[smem:$0x3FAD] =	sst s7  }
0x10: {  	[smem:$0x3FAE] =	sst s8  }
0x11: {  	[smem:$0x3FAF] =	sst s9;
	s0 =	simm.s32 @!p0 $0x0  }
0x12: {  	s1 =	sld [smem:$0x3F95];
	s0 =	simm.s32 @p0 $0x1  }
0x13: {  	[smem:$0x3FB0] =	sst s0;
	s0 =	simm.s32 @!p1 $0x0  }
0x14: {  	s2 =	sld [smem:$0x3F94];
	s0 =	simm.s32 @p1 $0x1  }
0x15: {  	[smem:$0x3FB1] =	sst s0;
	s0 =	simm.s32 @!p2 $0x0  }
0x16: {  	s3 =	sld [smem:$0x3FDB];
	s0 =	simm.s32 @p2 $0x1  }
0x17: {  	s4 =	simm.s32 $0x1BF5;
	[smem:$0x3FB3] =	sst s0  }
0x18: {  	s0 =	sld [smem:$0x3F96];
	_ =	swait.ge [sflag:s4], $0x0  }
0x19: {  	s7 =	sld [smem:$0x3F97]  }
0x1a: {  	s8 =	sadd.s32 $0xFFFFE003, lr  }
0x1b: {  	s9 =	sadd.s32 $0xFFFFFEF7, lr;
	s5 =	simm.s32 $0xFFFFFFFF;
	p2 =	slt.u32 s8, $0xFFFFF086  }
0x1c: {  	p1 =	slt.u32 s9, $0xF7A;
	s5 =	simm.s32 @!p2 $0x0  }
0x1d: {  	s5 =	simm.s32 @p1 $0x1;
	p0 =	seq.s32 s7, s2  }
0x1e: {  	s7 =	smul.u32 @!p0 $0xF7A, s2;
	p2 =	seq.s32 @!p0 s5, $0x0  }
0x1f: {  	s9 =	smul.u32 $0xF7A, s1;
	s8 =	simm.s32 @!p0 $0x1BF5;
	p2 =	por !p2, p0  }
0x20: {  	[sflag:s8] =	ssyncset.s32 @!p0 $0xFFFFF086;
	s6 =	sadd.s32 @!p0 s3, s7;
	s7 =	simm.s32 @!p0 $0x108  }
0x21: {  	s3 =	sadd.s32 s3, s9;
	s6 =	sadd.s32 @!p0 $0x88, s6;
	s7 =	simm.s32 @p2 $0x1082  }
0x22: {  	[simem:s7], [sflag:s8] =	dma.local @!p0 [hbm:s6], $0xF7A  }
0x23: {  	s9 =	sor.u32 $0xD0000000, s2;
	s6 =	simm.s32 $0x108;
	_ =	swait.ge @!p0 [sflag:s8], $0x0  }
0x24: {  	s3 =	sadd.s32 $0x88, s3;
	s6 =	simm.s32 @!p1 $0x1082;
	[sflag:s4] =	ssyncset.s32 $0xFFFFF086  }
0x25: {  	[simem:s6], [sflag:s4] =	dma.local [hbm:s3], $0xF7A  }
0x26: {  	[smem:$0x3F97] =	sst s1;
	(tag) =	ssettag s2;
	_ =	strace s9  }
0x27: {  	s1 =	sld [smem:$0x3FA7]  }
0x28: {  	s2 =	sld [smem:$0x3FA8]  }
0x29: {  	s4 =	sld [smem:$0x3FAA]  }
0x2a: {  	p0 =	seq.s32 s5, $0x0;
	s5 =	sld [smem:$0x3FAB]  }
0x2b: {  	s6 =	sld [smem:$0x3FAC]  }
0x2c: {  	s7 =	sld [smem:$0x3FAD]  }
0x2d: {  	s3 =	simm.s32 $0x108;
	s8 =	sld [smem:$0x3FAE]  }
0x2e: {  	s3 =	simm.s32 @!p0 $0x1082;
	s9 =	sld [smem:$0x3FAF]  }
0x2f: {  	lr =	sadd.s32 s0, s3;
	s0 =	sld [smem:$0x3FA6]  }
0x30: {  	s3 =	sld [smem:$0x3FA9]  }
0x31: {  	[smem:$0x3FB2] =	sst s10  }
0x32: {  	s10 =	sld [smem:$0x3FB0];
	_ =	sdelay $0x3  }
0x33: {  	p0 =	seq.s32 s10, $0x1;
	s10 =	sld [smem:$0x3FB2];
	_ =	sdelay $0x3  }
0x34: {  	[smem:$0x3FB2] =	sst s10  }
0x35: {  	s10 =	sld [smem:$0x3FB1];
	_ =	sdelay $0x3  }
0x36: {  	p1 =	seq.s32 s10, $0x1;
	s10 =	sld [smem:$0x3FB2];
	_ =	sdelay $0x3  }
0x37: {  	[smem:$0x3FB2] =	sst s10  }
0x38: {  	s10 =	sld [smem:$0x3FB3]  }
0x39: {  	_ = 	snop;
	(pc) =	sbr.ind lr, $3  }
0x3a: {  	_ = 	snop  }
0x3b: {  	_ = 	snop  }
0x3c: {  	p2 =	seq.s32 s10, $0x1;
	s10 =	sld [smem:$0x3FB2]  }
0x3d: {  	_ =	shalt  }
0x3e: {  	_ =	shalt  }
0x3f: {  	_ =	shalt  }
0x40: {  	_ =	shalt  }
0x41: {  	_ =	shalt  }
0x42: {  	_ =	shalt  }
0x43: {  	_ =	shalt  }
0x44: {  	_ =	shalt  }
0x45: {  	_ =	shalt  }
0x46: {  	_ =	shalt  }
0x47: {  	_ =	shalt  }
0x48: {  	_ =	shalt  }
0x49: {  	_ =	shalt  }
0x4a: {  	_ =	shalt  }
0x4b: {  	_ =	shalt  }
0x4c: {  	_ =	shalt  }
0x4d: {  	_ =	shalt  }
0x4e: {  	_ =	shalt  }
0x4f: {  	_ =	shalt  }
0x50: {  	_ =	shalt  }
0x51: {  	_ =	shalt  }
0x52: {  	_ =	shalt  }
0x53: {  	_ =	shalt  }
0x54: {  	_ =	shalt  }
0x55: {  	_ =	shalt  }
0x56: {  	_ =	shalt  }
0x57: {  	_ =	shalt  }
0x58: {  	_ =	shalt  }
0x59: {  	_ =	shalt  }
0x5a: {  	_ =	shalt  }
0x5b: {  	_ =	shalt  }
0x5c: {  	_ =	shalt  }
0x5d: {  	_ =	shalt  }
0x5e: {  	_ =	shalt  }
0x5f: {  	_ =	shalt  }
0x60: {  	_ =	shalt  }
0x61: {  	_ =	shalt  }
0x62: {  	_ =	shalt  }
0x63: {  	_ =	shalt  }
0x64: {  	_ =	shalt  }
0x65: {  	_ =	shalt  }
0x66: {  	_ =	shalt  }
0x67: {  	_ =	shalt  }
0x68: {  	_ =	shalt  }
0x69: {  	_ =	shalt  }
0x6a: {  	_ =	shalt  }
0x6b: {  	_ =	shalt  }
0x6c: {  	_ =	shalt  }
0x6d: {  	_ =	shalt  }
0x6e: {  	_ =	shalt  }
0x6f: {  	_ =	shalt  }
0x70: {  	_ =	shalt  }
0x71: {  	_ =	shalt  }
0x72: {  	_ =	shalt  }
0x73: {  	_ =	shalt  }
0x74: {  	_ =	shalt  }
0x75: {  	_ =	shalt  }
0x76: {  	_ =	shalt  }
0x77: {  	_ =	shalt  }
0x78: {  	_ =	shalt  }
0x79: {  	_ =	shalt  }
0x7a: {  	_ =	shalt  }
0x7b: {  	_ =	shalt  }
0x7c: {  	_ =	shalt  }
0x7d: {  	_ =	shalt  }
0x7e: {  	_ =	shalt  }
0x7f: {  	_ =	shalt  }
0x80: {  	_ =	shalt  }
0x81: {  	_ =	shalt  }
0x82: {  	_ =	shalt  }
0x83: {  	_ =	shalt  }
0x84: {  	_ =	shalt  }
0x85: {  	_ =	shalt  }
0x86: {  	_ =	shalt  }
0x87: {  	_ =	shalt  }
.Lfunc_end0:
.L_simem_size_0:
called_computation_lowered:
.L_overlay_start_0:
0x88: {  	s2 =	sld [smem:$0x3FD9]  }
0x89: {  	s3 =	sld [smem:$0x3FFE];
	_ =	sdelay $0x1  }
0x8a: {  	s1 =	srdreg.scid  }
0x8b: {  	s0 =	sand.u32 $0x1, s1  }
0x8c: {  	s17 =	sshll.u32 s0, $0xA;
	s2 =	sadd.s32 s3, s2  }
0x8d: {  	s2 =	sadd.s32 s2, s17  }
0x8e: {  	[smem:$0x3FBE] =	sst s2  }
0x8f: {  	_ = 	snop  }
0x90: {  	s2 =	sld [smem:$0x3FD0];
	(tm) =	ssettm $0x1  }
0x91: {  	s18 =	sld [smem:$0x3FFB];
	_ =	sdelay $0x3  }
0x92: {  	_ =	strace s18  }
0x93: {  	s3 =	sld [smem:$0x3FFC];
	_ =	sdelay $0x3  }
0x94: {  	_ =	strace s3  }
0x95: {  	s3 =	sld [smem:$0x3FFD];
	_ =	sdelay $0x3  }
0x96: {  	_ =	strace s3  }
0x97: {  	_ =	strace $0x8FFFFFFF  }
0x98: {  	s19 =	sld [smem:$0x3FDB];
	_ =	sdelay $0x1  }
0x99: {  	s4 =	simm.s32 $_scs_section_size  }
0x9a: {  	s5 =	simm.s32 $_size__tile_overlayer_lowered;
	s6 =	simm.s32 $_tile_overlayer_lowered  }
0x9b: {  	s22 =	simm.s32 $0x1BFF;
	s21 =	sshll.u32 s6, $0x1;
	s3 =	sadd.s32 s4, s19  }
0x9c: {  	s7 =	simm.s32 $0x0;
	s20 =	sshll.u32 s5, $0x1;
	s5 =	sadd.s32 s21, s3  }
0x9d: {  	[timem:s7], [sflag:s22] =	dma.local [hbm:s5], s20  }
0x9e: {  	_ =	swait.ge [sflag:s22], s20  }
0x9f: {  	s4 =	ssub.s32 $0x0, s20;
	[sflag:s22] =	ssyncset.done $0x0  }
0xa0: {  	[sflag:s22] =	ssyncadd.s32 s4;
	_ =	sdelay $0x1  }
0xa1: {  	s23 =	simm.s32 $0x1B8B  }
0xa2: {  	_ =	swait.ge [sflag:s23], $0x1  }
0xa3: {  	[sflag:s23] =	ssyncset.done $0x0  }
0xa4: {  	s25 =	simm.s32 $0x1B8E;
	s24 =	sld [smem:$0x3FFE];
	[sflag:s23] =	ssyncadd.s32 $0xFFFFFFFF  }
0xa5: {  	s26 =	simm.s32 $execute0_lowered;
	[smem:$0x3FD2] =	sst s25  }
0xa6: {  	s5 =	sshll.u32 s26, $0x1;
	_ =	strace $0x80000046;
	[dreg:$0x1] =	wrdreg $0xFFFFFFFF  }
0xa7: {  	s28 =	simm.s32 $_size_execute0_lowered;
	s3 =	sadd.s32 s3, s5;
	[dreg:$0x0] =	wrdreg $0x0  }
0xa8: {  	s5 =	sshll.u32 s28, $0x1;
	[dreg:$0x2] =	wrdreg s3  }
0xa9: {  	[dreg:$0x3] =	wrdreg s5  }
0xaa: {  	[dreg:$0x4] =	wrdreg $0xC0  }
0xab: {  	_ =	task [dreg:s7], $0x5FFFF  }
0xac: {  	[dreg:$0x1] =	wrdreg $0xFFFFFFFF  }
0xad: {  	[dreg:$0x0] =	wrdreg $0x60  }
0xae: {  	[dreg:$0x2] =	wrdreg s24  }
0xaf: {  	[dreg:$0x3] =	wrdreg s2  }
0xb0: {  	[dreg:$0x4] =	wrdreg $0x9  }
0xb1: {  	_ =	task.clear_ibuf [dreg:s7], $0x5FFFF;
	_ =	strace $0x90000046  }
0xb2: {  	s29 =	simm.s32 $0x9;
	_ =	strace $0x80000048  }
0xb3: {  	_ =	swait.ge [sflag:s29], $0x1  }
0xb4: {  	[sflag:s29] =	ssyncadd.s32 $0xFFFFFFFF  }
0xb5: {  	_ =	strace $0x90000048  }
0xb6: {  	_ =	sfence  }
0xb7: {  	s30 =	sld [smem:$0x0];
	_ =	sdelay $0x2  }
0xb8: {  	s31 =	sshll.u32 s1, $0xD;
	s1 =	sshrl.u32 s1, $0x2  }
0xb9: {  	s3 =	sand.u32 $0x4000, s31;
	s1 =	sadd.s32 s1, s30  }
0xba: {  	s0 =	sor.u32 s3, s0;
	s1 =	sshll.u32 s1, $0x11  }
0xbb: {  	s0 =	sor.u32 s1, s0  }
0xbc: {  	s0 =	sadd.s32 $0x8F2B, s0  }
0xbd: {  	[sflag:s0] =	ssyncadd.remote.s32 $0x1  }
0xbe: {  	_ =	sfence.sel $0xFFFF  }
0xbf: {  	[dreg:$0x0] =	wrdreg $0xFFFFFFFF;
	(pc) =	sbr.abs _section_cstart, $3  }
0xc0: {  	[dreg:$0x1] =	wrdreg $0xFFFFFFFF  }
0xc1: {  	_ =	task.clear_ibuf [dreg:s7], $0x2FFFF;
	_ =	strace $0x9FFFFFFF  }
0xc2: {  	(tm) =	ssettm $0x7FFFFFFF  }
0xc3: {  	_ =	shalt  }
tec
execute0_lowered:
.L_overlay_start_1:
0x0: {  	(tag) =	ssettag $0x1  }
0x1: {  	s4 =	rddreg [dreg:$0x0]  }
0x2: {  	s9 =	rddreg [dreg:$0x1]  }
0x3: {  	s0 =	rddreg [dreg:$0x2]  }
0x4: {  	s2 =	simm.s32 $0x0;
	s1 =	stileid.u32;
	s6 =	srdreg.scid  }
0x5: {  	s14 =	simm.s32 $0x2800;
	s15 =	simm.s32 $0x7800;
	s16 =	simm.s32 $0x5000  }
0x6: {  	s17 =	simm.s32 $0x8800;
	s18 =	simm.s32 $0x400;
	s19 =	simm.s32 $0x0  }
0x7: {  	[smem:$0x7FF] =	sst s2;
	s3 =	sadd.s32 $0x3C00, s4;
	s8 =	sshrl.u32 s1, $0x2  }
0x8: {  	s7 =	sshll.u32 s1, $0x1;
	s25 =	sand.u32 $0x1, s6;
	_ =	strace $0x80000047  }
0x9: {  	s5 =	sshll.u32 s8, $0x4;
	s26 =	sand.u32 $0x6, s7;
	s29 =	smul.u32 $0x14000, s8  }
0xa: {  	s28 =	ssub.s32 $0x2, s25;
	s8 =	smul.u32 $0x4E200, s8;
	s10 =	sadd.s32 s5, s4  }
0xb: {  	s11 =	sor.u32 s25, s26;
	s4 =	sadd.s32 $0x60200, s4;
	s30 =	sshrl.u32 s28, $0x1  }
0xc: {  	s12 =	sshll.u32 s11, $0x7;
	s13 =	ssub.s32 s28, s30;
	s5 =	sadd.s32 $0x5DA00, s10  }
0xd: {  	s6 =	sadd.s32 $0x5EE00, s10;
	s7 =	smul.u32 $0x9C40, s11;
	s12 =	sor.u32 s29, s12  }
0xe: {  	s11 =	simm.s32 $0x80;
	s10 =	smax.u32 s13, $0x1;
	s31 =	sshrl.u32 s12, $0x3  }
0xf: {  	v0 =	vimm.f32 $0.0e+00;
	s13 =	simm.s32 $0x1;
	s12 =	simm.s32 $0x200;
	s9 =	sadd.s32 s9, s31  }
.LBB2_1:
0x10: {  	[tilespmem:s2], [sflag:$0x1] =	stream.strided.gather [hbm4b:s5+s11], $0x2800, s12, s11, $0x38;
	[tilespmem:$0x9800] =	vst v63  }
0x11: {  	_ =	swait.ge [sflag:s13], $0x2800  }
0x12: {  	[sflag:s13] =	ssyncset.done $0x0  }
0x13: {  	[sflag:s13] =	ssyncadd.s32 $0xFFFFD800  }
0x14: {  	[tilespmem:s14], [sflag:$0x1] =	stream.strided.gather [hbm4b:s6+s11], $0x2800, s12, s11, $0x38;
	[tilespmem:$0x9800] =	vst v63  }
0x15: {  	_ =	swait.ge [sflag:s13], $0x2800  }
0x16: {  	[sflag:s13] =	ssyncset.done $0x0  }
0x17: {  	s20 =	simm.s32 $0x0;
	[sflag:s13] =	ssyncadd.s32 $0xFFFFD800  }
.LBB2_2:
0x18: {  	p0 =	sne.s32 s20, $0x9FC0  }
.Ltmp0:
0x19: {  	_ = 	snop;
	(pc) =	sbr.rel @p0 .LBB2_2-.Ltmp0, $3  }
0x1a: {  	_ =	sdelay $0x1  }
0x1b: {  	s21 =	sshra.s32 s20, $0x2  }
0x1c: {  	s20 =	sadd.s32 $0x40, s20;
	[tilespmem:s21+$0x5000] =	vst v0  }
0x1d: {  	s20 =	simm.s32 $0x0;
	s21 =	simm.s32 $0x0  }
.LBB2_4:
0x1e: {  	s22 =	smul.u32 $0xFA0, s21;
	_ =	sdelay $0x1  }
0x1f: {  	s22 =	sadd.s32 s7, s22  }
0x20: {  	s23 =	sshrl.u32 s22, $0x3  }
0x21: {  	s23 =	sadd.s32 s3, s23  }
0x22: {  	[tilespmem:s15], [sflag:$0x1] =	stream.linear.gather [hbm4b:s23+s2], $0xFA0, $0x38;
	[tilespmem:$0x9800] =	vst v63  }
0x23: {  	_ =	swait.ge [sflag:s13], $0xFA0  }
0x24: {  	[sflag:s13] =	ssyncset.done $0x0  }
0x25: {  	s30 =	simm.s32 $0x7820;
	[sflag:s13] =	ssyncadd.s32 $0xFFFFF060  }
0x26: {  	v1 =	vld [tilespmem:s30+$0xFFFFFFE0];
	_ =	sdelay $0x3  }
0x27: {  	v2 =	vld [tilespmem:s30+$0x10]  }
0x28: {  	v4 =	vld [tilespmem:s30+$0x0];
	v3 =	vshra.s32 v1, $0xF  }
0x29: {  	v8 =	vand.u32 $0x7FFF, v1;
	_ =	sdelay $0x1  }
0x2a: {  	s31 =	simm.s32 $0x7860;
	v5 =	vld [tilespmem:s30+$0xFFFFFFF0]  }
0x2b: {  	v9 =	vshra.s32 v2, $0xF;
	v6 =	vand.u32 $0x7FFF, v2;
	v2 =	vld [tilespmem:s31+$0xFFFFFFE0]  }
0x2c: {  	v11 =	vshra.s32 v4, $0xF;
	v3 =	vld.idx.msk [tilespmem:v3+s20+$0x0], $0xffff  }
0x2d: {  	v10 =	vld.idx.msk [tilespmem:v8+s14+$0x0], $0xffff  }
0x2e: {  	v12 =	vld [tilespmem:s31+$0x0];
	v1 =	vand.u32 $0x7FFF, v4  }
0x2f: {  	v13 =	vld [tilespmem:s31+$0x10];
	v4 =	vshra.s32 v5, $0xF  }
0x30: {  	v7 =	vand.u32 $0x7FFF, v5;
	v5 =	vld.idx.msk [tilespmem:v9+s20+$0x0], $0xffff  }
0x31: {  	v9 =	vld.idx.msk [tilespmem:v11+s20+$0x0], $0xffff  }
0x32: {  	v11 =	vld.idx.msk [tilespmem:v6+s14+$0x0], $0xffff;
	v3 =	vadd.f32 v10, v3;
	v10 =	vshra.s32 v2, $0xF  }
0x33: {  	v14 =	vld.idx.msk [tilespmem:v1+s14+$0x0], $0xffff;
	v2 =	vand.u32 $0x7FFF, v2  }
0x34: {  	v16 =	vld.idx.msk [tilespmem:v4+s20+$0x0], $0xffff;
	v15 =	vmul.f32 $2.000000030e-01, v3  }
0x35: {  	v17 =	vld.idx.msk [tilespmem:v7+s14+$0x0], $0xffff;
	vm0 =	vgt.f32 v3, $0.0e+00  }
0x36: {  	v3 =	vsel vm0, v3, v15;
	v15 =	vld [tilespmem:s31+$0xFFFFFFF0]  }
0x37: {  	v20 =	vadd.f32 v11, v5;
	v10 =	vld.idx.msk [tilespmem:v10+s20+$0x0], $0xffff  }
0x38: {  	v19 =	vshra.s32 v13, $0xF;
	v3 =	vmul.f32 $1.442695020e+00, v3;
	v18 =	vld.idx.msk [tilespmem:v2+s14+$0x0], $0xffff  }
0x39: {  	v21 =	vshra.s32 v12, $0xF;
	v4 =	vand.u32 $0x7FFF, v13;
	v13 =	vmul.f32 $2.000000030e-01, v20  }
0x3a: {  	v16 =	vadd.f32 v17, v16;
	vm13 =	vgt.f32 v20, $0.0e+00;
	(erf) = vpow2.f32 v3  }
0x3b: {  	s26 =	simm.s32 $0x78A0;
	v3 =	vand.u32 $0x7FFF, v12;
	v12 =	vadd.f32 v14, v9;
	v14 =	vsel vm13, v20, v13  }
0x3c: {  	v22 =	vld [tilespmem:s26+$0xFFFFFFE0];
	v20 =	vmul.f32 $1.442695020e+00, v14;
	v23 =	vshra.s32 v15, $0xF  }
0x3d: {  	v11 =	vld [tilespmem:s26+$0x10];
	v5 =	vand.u32 $0x7FFF, v15;
	v15 =	vmul.f32 $2.000000030e-01, v16;
	v10 =	vadd.f32 v18, v10  }
0x3e: {  	vm14 =	vgt.f32 v16, $0.0e+00;
	v9 =	vld [tilespmem:s26+$0x0];
	vm1 =	vgt.f32 v12, $0.0e+00;
	v17 =	vmul.f32 $2.000000030e-01, v12  }
0x3f: {  	v14 =	vld.idx.msk [tilespmem:v21+s20+$0x0], $0xffff;
	(erf) = vpow2.f32 v20;
	v15 =	vsel vm14, v16, v15;
	v21 =	vmul.f32 $2.000000030e-01, v10  }
0x40: {  	v13 =	vld.idx.msk [tilespmem:v19+s20+$0x0], $0xffff;
	v12 =	vsel vm1, v12, v17;
	vm15 =	vgt.f32 v10, $0.0e+00;
	v17 =	vmul.f32 $1.442695020e+00, v15  }
0x41: {  	v19 =	vld.idx.msk [tilespmem:v4+s14+$0x0], $0xffff;
	v16 =	vshra.s32 v22, $0xF;
	v20 =	vmul.f32 $1.442695020e+00, v12;
	v10 =	vsel vm15, v10, v21  }
0x42: {  	v18 =	vld.idx.msk [tilespmem:v3+s14+$0x0], $0xffff;
	(erf) = vpow2.f32 v17;
	v21 =	vmul.f32 $1.442695020e+00, v10;
	v10 =	vand.u32 $0x7FFF, v22  }
0x43: {  	v15 =	vld.idx.msk [tilespmem:v23+s20+$0x0], $0xffff;
	(erf) = vpow2.f32 v20  }
0x44: {  	v17 =	vld.idx.msk [tilespmem:v5+s14+$0x0], $0xffff;
	v12 =	vpop (erf);
	(erf) = vpow2.f32 v21  }
0x45: {  	s24 =	simm.s32 $0x8820;
	v20 =	vld [tilespmem:s26+$0xFFFFFFF0]  }
0x46: {  	s28 =	simm.s32 $0x8;
	s25 =	simm.s32 $0x8820;
	s23 =	simm.s32 $0x0;
	v16 =	vld.idx.msk [tilespmem:v16+s20+$0x0], $0xffff;
	[tilespmem:s24+$0xFFFFFFE0] =	vst v12  }
.LBB2_5:
0x47: {  	s28 =	sadd.s32 $0x4, s28;
	v21 =	vld.idx.msk [tilespmem:v10+s14+$0x0], $0xffff;
	s24 =	sadd.s32 $0x40, s24  }
0x48: {  	v22 =	vshra.s32 v11, $0xF;
	v11 =	vand.u32 $0x7FFF, v11;
	s26 =	sadd.s32 $0x40, s26;
	v13 =	vadd.f32 v19, v13;
	p0 =	slt.u32 s28, $0xF4;
	[tilespmem:v8+s16+$0x0] =	vst.idx.add.f32.msk $0xffff, v12;
	v12 =	vpop (erf)  }
0x49: {  	v19 =	vshra.s32 v9, $0xF;
	v24 =	vand.u32 $0x7FFF, v9;
	v14 =	vadd.f32 v18, v14;
	v8 =	vmovc v2;
	v2 =	vmovc v10;
	v23 =	vld [tilespmem:s26+$0xFFFFFFE0];
	[tilespmem:s25+$0x10] =	vst v12  }
0x4a: {  	v26 =	vmul.f32 $2.000000030e-01, v13;
	v25 =	vshra.s32 v20, $0xF;
	v10 =	vand.u32 $0x7FFF, v20;
	[tilespmem:v6+s16+$0x0] =	vst.idx.add.f32.msk $0xffff, v12;
	v6 =	vmovc v4;
	v4 =	vmovc v11  }
0x4b: {  	v15 =	vadd.f32 v17, v15;
	vm0 =	vgt.f32 v13, $0.0e+00;
	v9 =	vld [tilespmem:s26+$0x0];
	v17 =	vpop (erf)  }
0x4c: {  	vm1 =	vgt.f32 v14, $0.0e+00;
	v20 =	vmul.f32 $2.000000030e-01, v14;
	v13 =	vsel vm0, v13, v26;
	v11 =	vld [tilespmem:s26+$0x10];
	[tilespmem:s25+$0xFFFFFFF0] =	vst v17;
	v18 =	vpop (erf)  }
0x4d: {  	v16 =	vadd.f32 v21, v16;
	v21 =	vmul.f32 $2.000000030e-01, v15;
	v26 =	vmul.f32 $1.442695020e+00, v13;
	v12 =	vpop (erf);
	[tilespmem:v7+s16+$0x0] =	vst.idx.add.f32.msk $0xffff, v17  }
0x4e: {  	vm0 =	vgt.f32 v15, $0.0e+00;
	v17 =	vsel vm1, v14, v20;
	v7 =	vmovc v5;
	v5 =	vmov v10;
	v13 =	vld.idx.msk [tilespmem:v22+s23+$0x0], $0xffff;
	[tilespmem:s24+$0xFFFFFFE0] =	vst v12  }
0x4f: {  	v10 =	vmul.f32 $2.000000030e-01, v16;
	v15 =	vsel vm0, v15, v21;
	v14 =	vld.idx.msk [tilespmem:v19+s23+$0x0], $0xffff;
	(erf) = vpow2.f32 v26;
	[tilespmem:s25+$0x0] =	vst v18;
	s25 =	smov.u32 s24  }
0x50: {  	vm0 =	vgt.f32 v16, $0.0e+00;
	v15 =	vmul.f32 $1.442695020e+00, v15;
	[tilespmem:v1+s16+$0x0] =	vst.idx.add.f32.msk $0xffff, v18;
	v1 =	vmovc v3;
	v3 =	vmov v24  }
0x51: {  	v21 =	vshra.s32 v23, $0xF;
	v17 =	vmul.f32 $1.442695020e+00, v17;
	v16 =	vsel vm0, v16, v10;
	v19 =	vld.idx.msk [tilespmem:v4+s14+$0x0], $0xffff  }
.Ltmp1:
0x52: {  	v10 =	vand.u32 $0x7FFF, v23;
	v16 =	vmul.f32 $1.442695020e+00, v16;
	v18 =	vld.idx.msk [tilespmem:v24+s14+$0x0], $0xffff;
	(erf) = vpow2.f32 v15;
	(pc) =	sbr.rel @p0 .LBB2_5-.Ltmp1, $4  }
0x53: {  	v15 =	vld.idx.msk [tilespmem:v25+s23+$0x0], $0xffff;
	(erf) = vpow2.f32 v17  }
0x54: {  	v17 =	vld.idx.msk [tilespmem:v5+s14+$0x0], $0xffff;
	(erf) = vpow2.f32 v16  }
0x55: {  	s23 =	simm.s32 $0x0;
	v20 =	vld [tilespmem:s26+$0xFFFFFFF0]  }
0x56: {  	v16 =	vld.idx.msk [tilespmem:v21+s23+$0x0], $0xffff  }
0x57: {  	_ = 	snop  }
0x58: {  	v21 =	vshra.s32 v11, $0xF  }
0x59: {  	v39 =	vand.u32 $0x7FFF, v11  }
0x5a: {  	v23 =	vshra.s32 v20, $0xF  }
0x5b: {  	v22 =	vld.idx.msk [tilespmem:v10+s14+$0x0], $0xffff;
	v40 =	vand.u32 $0x7FFF, v20  }
0x5c: {  	v13 =	vadd.f32 v19, v13;
	v41 =	vshra.s32 v9, $0xF  }
0x5d: {  	v14 =	vadd.f32 v18, v14;
	v42 =	vand.u32 $0x7FFF, v9;
	v44 =	vld.idx.msk [tilespmem:v21+s23+$0x0], $0xffff  }
0x5e: {  	v43 =	vmul.f32 $2.000000030e-01, v13;
	v15 =	vadd.f32 v17, v15;
	v24 =	vld.idx.msk [tilespmem:v39+s14+$0x0], $0xffff  }
0x5f: {  	vm0 =	vgt.f32 v13, $0.0e+00;
	v45 =	vmul.f32 $2.000000030e-01, v14;
	v47 =	vld.idx.msk [tilespmem:v23+s23+$0x0], $0xffff  }
0x60: {  	v13 =	vsel vm0, v13, v43;
	v46 =	vmul.f32 $2.000000030e-01, v15;
	v16 =	vadd.f32 v22, v16;
	v48 =	vld.idx.msk [tilespmem:v40+s14+$0x0], $0xffff  }
0x61: {  	vm11 =	vgt.f32 v14, $0.0e+00;
	vm1 =	vgt.f32 v15, $0.0e+00;
	v13 =	vmul.f32 $1.442695020e+00, v13;
	v20 =	vld.idx.msk [tilespmem:v41+s23+$0x0], $0xffff  }
0x62: {  	v14 =	vsel vm11, v14, v45;
	v51 =	vld.idx.msk [tilespmem:v42+s14+$0x0], $0xffff;
	v15 =	vsel vm1, v15, v46;
	v49 =	vmul.f32 $2.000000030e-01, v16  }
0x63: {  	(erf) = vpow2.f32 v13;
	vm12 =	vgt.f32 v16, $0.0e+00;
	v50 =	vmul.f32 $1.442695020e+00, v15  }
0x64: {  	[tilespmem:v8+s16+$0x0] =	vst.idx.add.f32.msk $0xffff, v12;
	v52 =	vpop (erf);
	v14 =	vmul.f32 $1.442695020e+00, v14;
	v53 =	vsel vm12, v16, v49;
	v54 =	vadd.f32 v24, v44  }
0x65: {  	[tilespmem:s25+$0x10] =	vst v52;
	(erf) = vpow2.f32 v50;
	v12 =	vmul.f32 $1.442695020e+00, v53;
	v57 =	vadd.f32 v48, v47  }
0x66: {  	[tilespmem:v6+s16+$0x0] =	vst.idx.add.f32.msk $0xffff, v52;
	v55 =	vpop (erf);
	(erf) = vpow2.f32 v14;
	v56 =	vmul.f32 $2.000000030e-01, v54  }
0x67: {  	[tilespmem:s25+$0xFFFFFFF0] =	vst v55;
	v60 =	vadd.f32 v51, v20;
	vm13 =	vgt.f32 v54, $0.0e+00;
	v62 =	vmul.f32 $2.000000030e-01, v57  }
0x68: {  	v58 =	vpop (erf);
	[tilespmem:v7+s16+$0x0] =	vst.idx.add.f32.msk $0xffff, v55;
	(erf) = vpow2.f32 v12;
	v61 =	vsel vm13, v54, v56;
	vm14 =	vgt.f32 v57, $0.0e+00  }
0x69: {  	[tilespmem:s25+$0x0] =	vst v58;
	v7 =	vmul.f32 $1.442695020e+00, v61;
	v8 =	vsel vm14, v57, v62  }
0x6a: {  	s24 =	sadd.s32 $0x40, s24;
	v59 =	vpop (erf);
	[tilespmem:v1+s16+$0x0] =	vst.idx.add.f32.msk $0xffff, v58;
	v15 =	vmul.f32 $2.000000030e-01, v60;
	v1 =	vmul.f32 $1.442695020e+00, v8  }
0x6b: {  	[tilespmem:s24+$0xFFFFFFE0] =	vst v59;
	vm15 =	vgt.f32 v60, $0.0e+00;
	(erf) = vpow2.f32 v7  }
0x6c: {  	[tilespmem:v2+s16+$0x0] =	vst.idx.add.f32.msk $0xffff, v59;
	v6 =	vsel vm15, v60, v15;
	v2 =	vpop (erf)  }
0x6d: {  	v6 =	vmul.f32 $1.442695020e+00, v6;
	[tilespmem:s24+$0x10] =	vst v2;
	(erf) = vpow2.f32 v1  }
0x6e: {  	[tilespmem:v4+s16+$0x0] =	vst.idx.add.f32.msk $0xffff, v2;
	v1 =	vpop (erf)  }
0x6f: {  	[tilespmem:s24+$0xFFFFFFF0] =	vst v1;
	v2 =	vpop (erf);
	(erf) = vpow2.f32 v6  }
0x70: {  	[tilespmem:v5+s16+$0x0] =	vst.idx.add.f32.msk $0xffff, v1  }
0x71: {  	s31 =	sadd.s32 $0x40, s24;
	v63 =	vpop (erf);
	[tilespmem:s24+$0x0] =	vst v2  }
0x72: {  	[tilespmem:s31+$0xFFFFFFE0] =	vst v63  }
0x73: {  	[tilespmem:v3+s16+$0x0] =	vst.idx.add.f32.msk $0xffff, v2  }
0x74: {  	[tilespmem:v10+s16+$0x0] =	vst.idx.add.f32.msk $0xffff, v63;
	v1 =	vpop (erf)  }
0x75: {  	[tilespmem:s31+$0x10] =	vst v1  }
0x76: {  	[tilespmem:v39+s16+$0x0] =	vst.idx.add.f32.msk $0xffff, v1;
	v1 =	vpop (erf)  }
0x77: {  	[tilespmem:s31+$0xFFFFFFF0] =	vst v1  }
0x78: {  	[tilespmem:v40+s16+$0x0] =	vst.idx.add.f32.msk $0xffff, v1;
	v2 =	vpop (erf)  }
0x79: {  	[tilespmem:s31+$0x0] =	vst v2  }
0x7a: {  	[tilespmem:v42+s16+$0x0] =	vst.idx.add.f32.msk $0xffff, v2  }
.LBB2_7:
0x7b: {  	s24 =	sshra.s32 s23, $0x2  }
0x7c: {  	v1 =	vld [tilespmem:s24+$0x8780];
	_ =	sdelay $0x4  }
0x7d: {  	v2 =	vshra.s32 v1, $0xF  }
0x7e: {  	v1 =	vand.u32 $0x7FFF, v1;
	_ =	sdelay $0x3  }
0x7f: {  	v2 =	vld.idx.msk [tilespmem:v2+s2+$0x0], $0xffff  }
0x80: {  	v3 =	vld.idx.msk [tilespmem:v1+s14+$0x0], $0xffff;
	_ =	sdelay $0x4  }
0x81: {  	v2 =	vadd.f32 v3, v2;
	_ =	sdelay $0x1  }
0x82: {  	v3 =	vmul.f32 $2.000000030e-01, v2  }
0x83: {  	vm0 =	vgt.f32 v2, $0.0e+00  }
0x84: {  	v2 =	vsel vm0, v2, v3  }
0x85: {  	v2 =	vmul.f32 $1.442695020e+00, v2;
	_ =	sdelay $0x1  }
0x86: {  	(erf) = vpow2.f32 v2;
	_ =	sdelay $0x5  }
0x87: {  	p0 =	sne.s32 s23, $0x40  }
.Ltmp2:
0x88: {  	_ = 	snop;
	(pc) =	sbr.rel @p0 .LBB2_7-.Ltmp2, $4  }
0x89: {  	_ = 	snop  }
0x8a: {  	v2 =	vpop (erf)  }
0x8b: {  	[tilespmem:s24+$0x9780] =	vst v2  }
0x8c: {  	s23 =	sadd.s32 $0x40, s23;
	[tilespmem:v1+s16+$0x0] =	vst.idx.add.f32.msk $0xffff, v2  }
0x8d: {  	s22 =	sadd.s32 s8, s22;
	s21 =	sadd.s32 $0x1, s21  }
0x8e: {  	s22 =	sshrl.u32 s22, $0x3;
	p0 =	sne.s32 s21, $0xA  }
.Ltmp3:
0x8f: {  	s22 =	sadd.s32 s4, s22;
	(pc) =	sbr.rel @p0 .LBB2_4-.Ltmp3, $4  }
0x90: {  	[hbm4b:s22+s2] =	stream.linear.scatter [tilespmem:s17], [sflag:$0x1], $0xFA0, $0x38;
	[tilespmem:$0x9800] =	vst v63  }
0x91: {  	_ =	swait.ge [sflag:s13], $0xFA0  }
0x92: {  	[sflag:s13] =	ssyncset.done $0x0  }
0x93: {  	[sflag:s13] =	ssyncadd.s32 $0xFFFFF060  }
0x94: {  	s19 =	sadd.s32 $0x1, s19  }
0x95: {  	p0 =	sne.s32 s19, s10  }
.Ltmp4:
0x96: {  	_ = 	snop;
	(pc) =	sbr.rel @p0 .LBB2_1-.Ltmp4, $4  }
0x97: {  	[hbm4b:s9+s11] =	stream.strided.scatter [tilespmem:s16], [sflag:$0x1], $0x2800, s18, s11, $0x38;
	[tilespmem:$0x9800] =	vst v63  }
0x98: {  	_ =	swait.ge [sflag:s13], $0x2800  }
0x99: {  	[sflag:s13] =	ssyncset.done $0x0  }
0x9a: {  	[sflag:s13] =	ssyncadd.s32 $0xFFFFD800  }
0x9b: {  	_ =	sfence.sel $0x180000  }
0x9c: {  	[bflag:$0x0] =	sbarrier.arrive $0xFFFF  }
0x9d: {  	p0 =	sne.s32 s1, $0x0;
	_ =	strace $0x90000047  }
0x9e: {  	s0 =	sadd.s32 @!p0 $0x100000, s0;
	[bflag:$0x2] =	sbarrier.arrive $0xFFFF  }
0x9f: {  	[sflag:s0] =	ssyncadd.tile.s32 @!p0 $0x1;
	_ =	shalt  }
.Lfunc_end2:
_tile_overlayer_lowered:
.L_overlay_start_2:
0xa0: {  	(tag) =	ssettag $0x2  }
0xa1: {  	s0 =	rddreg [dreg:$0x0];
	s2 =	stileid.u32  }
0xa2: {  	s1 =	rddreg [dreg:$0x1];
	p0 =	sne.s32 s2, $0x0  }
0xa3: {  	s3 =	rddreg [dreg:$0x2];
	[bflag:$0x3] =	sbarrier.arrive $0xFFFF;
	s2 =	simm.s32 @!p0 $0x1C01  }
0xa4: {  	[timem:s3], [sflag:s2] =	dma.local @!p0 [hbm:s0], s1  }
0xa5: {  	s0 =	simm.s32 @!p0 $0x1  }
0xa6: {  	_ =	swait.ge @!p0 [sflag:s0], s1  }
0xa7: {  	s1 =	ssub.s32 @!p0 $0x0, s1;
	[sflag:s0] =	ssyncset.done @!p0 $0x0  }
0xa8: {  	[sflag:s0] =	ssyncadd.s32 @!p0 s1  }
0xa9: {  	[bflag:$0x3] =	sbarrier.arrive $0xFFFF  }
0xaa: {  	_ =	shalt  }

// kernel: kernel.13.cloned.1.call-start
scs
__scs_entry_jumppad:
0x0: {  	(pc) =	sbr.rel $0x88, $3  }
0x1: {  	(tag) =	ssettag $0x0;
	lr =	simm.s32 $0x1  }
0x2: {  	[smem:$0x3F97] =	sst lr;
	_ =	strace $0xD0000000  }
0x3: {  	_ = 	snop  }
0x4: {  	_ = 	snop  }
0x5: {  	_ = 	snop  }
0x6: {  	_ = 	snop  }
0x7: {  	_ = 	snop  }
__scs_overlays_trampoline_lowered:
0x8: {  	[smem:$0x3FA6] =	sst s0  }
0x9: {  	[smem:$0x3FA7] =	sst s1  }
0xa: {  	[smem:$0x3FA8] =	sst s2  }
0xb: {  	[smem:$0x3FA9] =	sst s3  }
0xc: {  	[smem:$0x3FAA] =	sst s4  }
0xd: {  	[smem:$0x3FAB] =	sst s5  }
0xe: {  	[smem:$0x3FAC] =	sst s6  }
0xf: {  	[smem:$0x3FAD] =	sst s7  }
0x10: {  	[smem:$0x3FAE] =	sst s8  }
0x11: {  	[smem:$0x3FAF] =	sst s9;
	s0 =	simm.s32 @!p0 $0x0  }
0x12: {  	s1 =	sld [smem:$0x3F95];
	s0 =	simm.s32 @p0 $0x1  }
0x13: {  	[smem:$0x3FB0] =	sst s0;
	s0 =	simm.s32 @!p1 $0x0  }
0x14: {  	s2 =	sld [smem:$0x3F94];
	s0 =	simm.s32 @p1 $0x1  }
0x15: {  	[smem:$0x3FB1] =	sst s0;
	s0 =	simm.s32 @!p2 $0x0  }
0x16: {  	s3 =	sld [smem:$0x3FDB];
	s0 =	simm.s32 @p2 $0x1  }
0x17: {  	s4 =	simm.s32 $0x1BF5;
	[smem:$0x3FB3] =	sst s0  }
0x18: {  	s0 =	sld [smem:$0x3F96];
	_ =	swait.ge [sflag:s4], $0x0  }
0x19: {  	s7 =	sld [smem:$0x3F97]  }
0x1a: {  	s8 =	sadd.s32 $0xFFFFE003, lr  }
0x1b: {  	s9 =	sadd.s32 $0xFFFFFEF7, lr;
	s5 =	simm.s32 $0xFFFFFFFF;
	p2 =	slt.u32 s8, $0xFFFFF086  }
0x1c: {  	p1 =	slt.u32 s9, $0xF7A;
	s5 =	simm.s32 @!p2 $0x0  }
0x1d: {  	s5 =	simm.s32 @p1 $0x1;
	p0 =	seq.s32 s7, s2  }
0x1e: {  	s7 =	smul.u32 @!p0 $0xF7A, s2;
	p2 =	seq.s32 @!p0 s5, $0x0  }
0x1f: {  	s9 =	smul.u32 $0xF7A, s1;
	s8 =	simm.s32 @!p0 $0x1BF5;
	p2 =	por !p2, p0  }
0x20: {  	[sflag:s8] =	ssyncset.s32 @!p0 $0xFFFFF086;
	s6 =	sadd.s32 @!p0 s3, s7;
	s7 =	simm.s32 @!p0 $0x108  }
0x21: {  	s3 =	sadd.s32 s3, s9;
	s6 =	sadd.s32 @!p0 $0x88, s6;
	s7 =	simm.s32 @p2 $0x1082  }
0x22: {  	[simem:s7], [sflag:s8] =	dma.local @!p0 [hbm:s6], $0xF7A  }
0x23: {  	s9 =	sor.u32 $0xD0000000, s2;
	s6 =	simm.s32 $0x108;
	_ =	swait.ge @!p0 [sflag:s8], $0x0  }
0x24: {  	s3 =	sadd.s32 $0x88, s3;
	s6 =	simm.s32 @!p1 $0x1082;
	[sflag:s4] =	ssyncset.s32 $0xFFFFF086  }
0x25: {  	[simem:s6], [sflag:s4] =	dma.local [hbm:s3], $0xF7A  }
0x26: {  	[smem:$0x3F97] =	sst s1;
	(tag) =	ssettag s2;
	_ =	strace s9  }
0x27: {  	s1 =	sld [smem:$0x3FA7]  }
0x28: {  	s2 =	sld [smem:$0x3FA8]  }
0x29: {  	s4 =	sld [smem:$0x3FAA]  }
0x2a: {  	p0 =	seq.s32 s5, $0x0;
	s5 =	sld [smem:$0x3FAB]  }
0x2b: {  	s6 =	sld [smem:$0x3FAC]  }
0x2c: {  	s7 =	sld [smem:$0x3FAD]  }
0x2d: {  	s3 =	simm.s32 $0x108;
	s8 =	sld [smem:$0x3FAE]  }
0x2e: {  	s3 =	simm.s32 @!p0 $0x1082;
	s9 =	sld [smem:$0x3FAF]  }
0x2f: {  	lr =	sadd.s32 s0, s3;
	s0 =	sld [smem:$0x3FA6]  }
0x30: {  	s3 =	sld [smem:$0x3FA9]  }
0x31: {  	[smem:$0x3FB2] =	sst s10  }
0x32: {  	s10 =	sld [smem:$0x3FB0];
	_ =	sdelay $0x3  }
0x33: {  	p0 =	seq.s32 s10, $0x1;
	s10 =	sld [smem:$0x3FB2];
	_ =	sdelay $0x3  }
0x34: {  	[smem:$0x3FB2] =	sst s10  }
0x35: {  	s10 =	sld [smem:$0x3FB1];
	_ =	sdelay $0x3  }
0x36: {  	p1 =	seq.s32 s10, $0x1;
	s10 =	sld [smem:$0x3FB2];
	_ =	sdelay $0x3  }
0x37: {  	[smem:$0x3FB2] =	sst s10  }
0x38: {  	s10 =	sld [smem:$0x3FB3]  }
0x39: {  	_ = 	snop;
	(pc) =	sbr.ind lr, $3  }
0x3a: {  	_ = 	snop  }
0x3b: {  	_ = 	snop  }
0x3c: {  	p2 =	seq.s32 s10, $0x1;
	s10 =	sld [smem:$0x3FB2]  }
0x3d: {  	_ =	shalt  }
0x3e: {  	_ =	shalt  }
0x3f: {  	_ =	shalt  }
0x40: {  	_ =	shalt  }
0x41: {  	_ =	shalt  }
0x42: {  	_ =	shalt  }
0x43: {  	_ =	shalt  }
0x44: {  	_ =	shalt  }
0x45: {  	_ =	shalt  }
0x46: {  	_ =	shalt  }
0x47: {  	_ =	shalt  }
0x48: {  	_ =	shalt  }
0x49: {  	_ =	shalt  }
0x4a: {  	_ =	shalt  }
0x4b: {  	_ =	shalt  }
0x4c: {  	_ =	shalt  }
0x4d: {  	_ =	shalt  }
0x4e: {  	_ =	shalt  }
0x4f: {  	_ =	shalt  }
0x50: {  	_ =	shalt  }
0x51: {  	_ =	shalt  }
0x52: {  	_ =	shalt  }
0x53: {  	_ =	shalt  }
0x54: {  	_ =	shalt  }
0x55: {  	_ =	shalt  }
0x56: {  	_ =	shalt  }
0x57: {  	_ =	shalt  }
0x58: {  	_ =	shalt  }
0x59: {  	_ =	shalt  }
0x5a: {  	_ =	shalt  }
0x5b: {  	_ =	shalt  }
0x5c: {  	_ =	shalt  }
0x5d: {  	_ =	shalt  }
0x5e: {  	_ =	shalt  }
0x5f: {  	_ =	shalt  }
0x60: {  	_ =	shalt  }
0x61: {  	_ =	shalt  }
0x62: {  	_ =	shalt  }
0x63: {  	_ =	shalt  }
0x64: {  	_ =	shalt  }
0x65: {  	_ =	shalt  }
0x66: {  	_ =	shalt  }
0x67: {  	_ =	shalt  }
0x68: {  	_ =	shalt  }
0x69: {  	_ =	shalt  }
0x6a: {  	_ =	shalt  }
0x6b: {  	_ =	shalt  }
0x6c: {  	_ =	shalt  }
0x6d: {  	_ =	shalt  }
0x6e: {  	_ =	shalt  }
0x6f: {  	_ =	shalt  }
0x70: {  	_ =	shalt  }
0x71: {  	_ =	shalt  }
0x72: {  	_ =	shalt  }
0x73: {  	_ =	shalt  }
0x74: {  	_ =	shalt  }
0x75: {  	_ =	shalt  }
0x76: {  	_ =	shalt  }
0x77: {  	_ =	shalt  }
0x78: {  	_ =	shalt  }
0x79: {  	_ =	shalt  }
0x7a: {  	_ =	shalt  }
0x7b: {  	_ =	shalt  }
0x7c: {  	_ =	shalt  }
0x7d: {  	_ =	shalt  }
0x7e: {  	_ =	shalt  }
0x7f: {  	_ =	shalt  }
0x80: {  	_ =	shalt  }
0x81: {  	_ =	shalt  }
0x82: {  	_ =	shalt  }
0x83: {  	_ =	shalt  }
0x84: {  	_ =	shalt  }
0x85: {  	_ =	shalt  }
0x86: {  	_ =	shalt  }
0x87: {  	_ =	shalt  }
.Lfunc_end0:
.L_simem_size_0:
called_computation.1_lowered:
.L_overlay_start_0:
0x88: {  	s2 =	sld [smem:$0x3FD9]  }
0x89: {  	s3 =	sld [smem:$0x3FFE];
	_ =	sdelay $0x1  }
0x8a: {  	s1 =	srdreg.scid  }
0x8b: {  	s0 =	sand.u32 $0x1, s1  }
0x8c: {  	s16 =	sshll.u32 s0, $0xA;
	s2 =	sadd.s32 s3, s2  }
0x8d: {  	s2 =	sadd.s32 s2, s16  }
0x8e: {  	[smem:$0x3FBE] =	sst s2  }
0x8f: {  	_ = 	snop  }
0x90: {  	(tm) =	ssettm $0x1  }
0x91: {  	s17 =	sld [smem:$0x3FFB];
	_ =	sdelay $0x3  }
0x92: {  	_ =	strace s17  }
0x93: {  	s2 =	sld [smem:$0x3FFC];
	_ =	sdelay $0x3  }
0x94: {  	_ =	strace s2  }
0x95: {  	s2 =	sld [smem:$0x3FFD];
	_ =	sdelay $0x3  }
0x96: {  	_ =	strace s2  }
0x97: {  	_ =	strace $0x8FFFFFFF  }
0x98: {  	s18 =	sld [smem:$0x3FDB];
	_ =	sdelay $0x1  }
0x99: {  	s19 =	simm.s32 $_scs_section_size  }
0x9a: {  	s4 =	simm.s32 $_size__tile_overlayer_lowered;
	s5 =	simm.s32 $_tile_overlayer_lowered  }
0x9b: {  	s22 =	simm.s32 $0x1BFF;
	s21 =	sshll.u32 s5, $0x1;
	s2 =	sadd.s32 s19, s18  }
0x9c: {  	s6 =	simm.s32 $0x0;
	s20 =	sshll.u32 s4, $0x1;
	s4 =	sadd.s32 s21, s2  }
0x9d: {  	[timem:s6], [sflag:s22] =	dma.local [hbm:s4], s20  }
0x9e: {  	_ =	swait.ge [sflag:s22], s20  }
0x9f: {  	s3 =	ssub.s32 $0x0, s20;
	[sflag:s22] =	ssyncset.done $0x0  }
0xa0: {  	[sflag:s22] =	ssyncadd.s32 s3;
	_ =	sdelay $0x1  }
0xa1: {  	s23 =	simm.s32 $0x1B8B  }
0xa2: {  	_ =	swait.ge [sflag:s23], $0x1  }
0xa3: {  	[sflag:s23] =	ssyncset.done $0x0  }
0xa4: {  	s25 =	simm.s32 $0x1B8E;
	s24 =	sld [smem:$0x3FFE];
	[sflag:s23] =	ssyncadd.s32 $0xFFFFFFFF  }
0xa5: {  	s26 =	simm.s32 $execute0_lowered;
	[smem:$0x3FD2] =	sst s25  }
0xa6: {  	s4 =	sshll.u32 s26, $0x1;
	_ =	strace $0x80000049;
	[dreg:$0x1] =	wrdreg $0xFFFFFFFF  }
0xa7: {  	s28 =	simm.s32 $_size_execute0_lowered;
	s2 =	sadd.s32 s2, s4;
	[dreg:$0x0] =	wrdreg $0x0  }
0xa8: {  	s4 =	sshll.u32 s28, $0x1;
	[dreg:$0x2] =	wrdreg s2  }
0xa9: {  	[dreg:$0x3] =	wrdreg s4  }
0xaa: {  	[dreg:$0x4] =	wrdreg $0xC0  }
0xab: {  	_ =	task [dreg:s6], $0x5FFFF  }
0xac: {  	[dreg:$0x1] =	wrdreg $0xFFFFFFFF  }
0xad: {  	[dreg:$0x0] =	wrdreg $0x60  }
0xae: {  	[dreg:$0x2] =	wrdreg s24  }
0xaf: {  	[dreg:$0x3] =	wrdreg $0x9  }
0xb0: {  	_ =	task.clear_ibuf [dreg:s6], $0x4FFFF;
	_ =	strace $0x90000049  }
0xb1: {  	s29 =	simm.s32 $0x9;
	_ =	strace $0x8000004B  }
0xb2: {  	_ =	swait.ge [sflag:s29], $0x1  }
0xb3: {  	[sflag:s29] =	ssyncadd.s32 $0xFFFFFFFF  }
0xb4: {  	_ =	strace $0x9000004B  }
0xb5: {  	_ =	sfence  }
0xb6: {  	s30 =	sld [smem:$0x0];
	_ =	sdelay $0x2  }
0xb7: {  	s31 =	sshll.u32 s1, $0xD;
	s1 =	sshrl.u32 s1, $0x2  }
0xb8: {  	s3 =	sand.u32 $0x4000, s31;
	s1 =	sadd.s32 s1, s30  }
0xb9: {  	s0 =	sor.u32 s3, s0;
	s1 =	sshll.u32 s1, $0x11  }
0xba: {  	s0 =	sor.u32 s1, s0  }
0xbb: {  	s0 =	sadd.s32 $0x8F2B, s0  }
0xbc: {  	[sflag:s0] =	ssyncadd.remote.s32 $0x1  }
0xbd: {  	_ =	sfence.sel $0xFFFF  }
0xbe: {  	[dreg:$0x0] =	wrdreg $0xFFFFFFFF;
	(pc) =	sbr.abs _section_cstart, $3  }
0xbf: {  	[dreg:$0x1] =	wrdreg $0xFFFFFFFF  }
0xc0: {  	_ =	task.clear_ibuf [dreg:s6], $0x2FFFF;
	_ =	strace $0x9FFFFFFF  }
0xc1: {  	(tm) =	ssettm $0x7FFFFFFF  }
tec
execute0_lowered:
.L_overlay_start_1:
0x0: {  	(tag) =	ssettag $0x1  }
0x1: {  	s0 =	rddreg [dreg:$0x0];
	s1 =	simm.s32 $0x0;
	s2 =	srdreg.scid  }
0x2: {  	s11 =	stileid.u32;
	s28 =	simm.s32 $0x400;
	s29 =	simm.s32 $0x5  }
0x3: {  	s30 =	simm.s32 $0x2800;
	s31 =	simm.s32 $0xA000;
	[smem:$0x7FF] =	sst s1  }
0x4: {  	s3 =	sadd.s32 $0x3C00, s0;
	s6 =	sadd.s32 $0xDA00, s0;
	s2 =	sand.u32 $0x1, s2  }
0x5: {  	s4 =	sadd.s32 $0x60200, s0;
	s0 =	sadd.s32 $0x87400, s0;
	s8 =	smul.u32 $0x14000, s11  }
0x6: {  	s21 =	sshll.u32 s11, $0x1;
	s11 =	sshrl.u32 s11, $0x3;
	_ =	strace $0x8000004A  }
0x7: {  	s5 =	ssub.s32 $0x2, s2;
	s9 =	sshll.u32 s2, $0x9;
	s2 =	sor.u32 s21, s2  }
0x8: {  	s7 =	sshrl.u32 s5, $0x1;
	s22 =	sor.u32 s9, s8;
	s10 =	sor.u32 $0x80, s9  }
0x9: {  	s25 =	sor.u32 $0x100, s9;
	s15 =	sor.u32 $0x180, s9;
	s2 =	sor.u32 $0x20, s2  }
0xa: {  	s7 =	ssub.s32 s5, s7;
	s12 =	sshrl.u32 s22, $0x3;
	s13 =	sor.u32 s8, s10  }
0xb: {  	s5 =	smul.u32 $0x4E200, s11;
	s14 =	sor.u32 s8, s25;
	s8 =	sor.u32 s8, s15  }
0xc: {  	s16 =	sshrl.u32 s2, $0x1;
	s2 =	sshrl.u32 s2, $0x4;
	s23 =	sadd.s32 s6, s12  }
0xd: {  	s24 =	sshrl.u32 s13, $0x3;
	s12 =	sadd.s32 s0, s12;
	[dreg:$0x2] =	wrdreg s23  }
0xe: {  	s14 =	sshrl.u32 s14, $0x3;
	s13 =	sadd.s32 s6, s24;
	[dreg:$0x6] =	wrdreg s12  }
0xf: {  	s8 =	sshrl.u32 s8, $0x3;
	s17 =	sadd.s32 s6, s14;
	[dreg:$0x3] =	wrdreg s13  }
0x10: {  	s16 =	smul.u32 $0x14000, s16;
	s26 =	sadd.s32 s6, s8;
	[dreg:$0x4] =	wrdreg s17  }
0x11: {  	s11 =	sadd.s32 s0, s24;
	s18 =	sadd.s32 s0, s14;
	[dreg:$0x5] =	wrdreg s26  }
0x12: {  	s8 =	sadd.s32 s0, s8;
	s14 =	smul.u32 $0x4E200, s2;
	[dreg:$0x7] =	wrdreg s11  }
0x13: {  	s2 =	simm.s32 $0x1;
	s17 =	sshrl.u32 s5, $0x3;
	[dreg:$0x8] =	wrdreg s18  }
0x14: {  	s9 =	sor.u32 s9, s16;
	[dreg:$0x9] =	wrdreg s8;
	s21 =	sor.u32 s10, s16  }
0x15: {  	s22 =	sor.u32 s25, s16;
	s23 =	sor.u32 s15, s16;
	s15 =	simm.s32 $0x0  }
0x16: {  	s19 =	sshrl.u32 s9, $0x3;
	s8 =	sshrl.u32 s21, $0x3;
	s9 =	sshrl.u32 s22, $0x3  }
0x17: {  	s10 =	sshrl.u32 s23, $0x3;
	s26 =	sshrl.u32 s14, $0x3;
	s23 =	sadd.s32 s4, s17  }
0x18: {  	s20 =	sadd.s32 s6, s19;
	s24 =	sadd.s32 s6, s8;
	s25 =	sadd.s32 s6, s9  }
0x19: {  	s6 =	sadd.s32 s6, s10;
	s19 =	sadd.s32 s0, s19;
	[dreg:$0xa] =	wrdreg s20  }
0x1a: {  	s21 =	sadd.s32 s0, s9;
	s22 =	sadd.s32 s0, s10;
	[dreg:$0xb] =	wrdreg s24  }
0x1b: {  	s9 =	simm.s32 $0x5000;
	s10 =	simm.s32 $0x4;
	[dreg:$0xc] =	wrdreg s25  }
0x1c: {  	[dreg:$0xd] =	wrdreg s6;
	s20 =	sadd.s32 s0, s8;
	s24 =	sadd.s32 s4, s26  }
0x1d: {  	s25 =	smax.u32 s7, $0x1;
	s26 =	simm.s32 $0x80;
	s6 =	simm.s32 $0x3  }
0x1e: {  	v0 =	vimm.f32 $0.0e+00;
	s7 =	simm.s32 $0x15F80;
	s8 =	simm.s32 $0x19E80;
	s0 =	simm.s32 $0x2  }
.LBB2_1:
0x1f: {  	s11 =	rddreg [dreg:$0x2]  }
0x20: {  	[tilespmem:s1], [sflag:$0x5] =	stream.strided.gather [hbm4b:s11+s26], $0x2800, s28, s26, $0x38;
	[tilespmem:$0x1BE00] =	vst v63  }
0x21: {  	_ =	swait.ge [sflag:s29], $0x2800  }
0x22: {  	[sflag:s29] =	ssyncset.done $0x0  }
0x23: {  	s17 =	rddreg [dreg:$0x3];
	[sflag:s29] =	ssyncadd.s32 $0xFFFFD800  }
0x24: {  	[tilespmem:s30], [sflag:$0x5] =	stream.strided.gather [hbm4b:s17+s26], $0x2800, s28, s26, $0x38;
	[tilespmem:$0x1BE00] =	vst v63  }
0x25: {  	_ =	swait.ge [sflag:s29], $0x2800  }
0x26: {  	[sflag:s29] =	ssyncset.done $0x0  }
0x27: {  	[sflag:s29] =	ssyncadd.s32 $0xFFFFD800  }
0x28: {  	s18 =	sand.u32 $0x3FC0, s1;
	v3 =	vld [tilespmem:s1+$0x0]  }
0x29: {  	v6 =	vld [tilespmem:s18+$0x2800]  }
0x2a: {  	v2 =	vld [tilespmem:s1+$0x10]  }
0x2b: {  	v5 =	vld [tilespmem:s1+$0x2810]  }
0x2c: {  	v1 =	vld [tilespmem:s1+$0x20]  }
0x2d: {  	v4 =	vld [tilespmem:s1+$0x2820]  }
0x2e: {  	s11 =	simm.s32 $0x5020;
	v6 =	vpack.i.f32.bf16 v6, v3;
	v3 =	vld [tilespmem:s1+$0x30]  }
0x2f: {  	s12 =	simm.s32 $0x0;
	s13 =	simm.s32 $0x40;
	s16 =	simm.s32 $0x40;
	[tilespmem:s11+$0xFFFFFFE0] =	vst v6;
	v6 =	vld [tilespmem:s1+$0x2830]  }
.LBB2_2:
0x30: {  	v7 =	vld [tilespmem:s13+$0x0];
	s17 =	sand.u32 $0x3FC0, s16;
	s12 =	sadd.s32 $0x4, s12;
	v2 =	vpack.i.f32.bf16 v5, v2  }
0x31: {  	v8 =	vld [tilespmem:s17+$0x2800];
	p0 =	slt.u32 s12, $0x27C;
	[tilespmem:s11+$0xFFFFFFF0] =	vst v2  }
0x32: {  	v2 =	vld [tilespmem:s13+$0x10];
	v1 =	vpack.i.f32.bf16 v4, v1  }
.Ltmp0:
0x33: {  	v5 =	vld [tilespmem:s13+$0x2810];
	[tilespmem:s11+$0x0] =	vst v1;
	(pc) =	sbr.rel @p0 .LBB2_2-.Ltmp0, $4  }
0x34: {  	v1 =	vld [tilespmem:s13+$0x20];
	v3 =	vpack.i.f32.bf16 v6, v3  }
0x35: {  	v4 =	vld [tilespmem:s13+$0x2820];
	[tilespmem:s11+$0x10] =	vst v3  }
0x36: {  	s11 =	sadd.s32 $0x40, s11;
	v6 =	vpack.i.f32.bf16 v8, v7;
	v3 =	vld [tilespmem:s13+$0x30]  }
0x37: {  	s16 =	sadd.s32 $0x40, s16;
	[tilespmem:s11+$0xFFFFFFE0] =	vst v6;
	v6 =	vld [tilespmem:s13+$0x2830];
	s13 =	sadd.s32 $0x40, s13  }
0x38: {  	_ =	sdelay $0x1  }
0x39: {  	v2 =	vpack.i.f32.bf16 v5, v2  }
0x3a: {  	[tilespmem:s11+$0xFFFFFFF0] =	vst v2;
	v1 =	vpack.i.f32.bf16 v4, v1  }
0x3b: {  	[tilespmem:s11+$0x0] =	vst v1;
	v1 =	vpack.i.f32.bf16 v6, v3  }
0x3c: {  	[tilespmem:s11+$0x10] =	vst v1  }
0x3d: {  	s16 =	simm.s32 $0x0;
	s12 =	rddreg [dreg:$0x4]  }
0x3e: {  	[tilespmem:s16], [sflag:$0x5] =	stream.strided.gather [hbm4b:s12+s26], $0x2800, s28, s26, $0x38;
	[tilespmem:$0x1BE00] =	vst v63  }
0x3f: {  	_ =	swait.ge [sflag:s29], $0x2800  }
0x40: {  	[sflag:s29] =	ssyncset.done $0x0  }
0x41: {  	s17 =	rddreg [dreg:$0x5];
	[sflag:s29] =	ssyncadd.s32 $0xFFFFD800  }
0x42: {  	[tilespmem:s30], [sflag:$0x5] =	stream.strided.gather [hbm4b:s17+s26], $0x2800, s28, s26, $0x38;
	[tilespmem:$0x1BE00] =	vst v63  }
0x43: {  	_ =	swait.ge [sflag:s29], $0x2800  }
0x44: {  	[sflag:s29] =	ssyncset.done $0x0  }
0x45: {  	[sflag:s29] =	ssyncadd.s32 $0xFFFFD800  }
0x46: {  	s18 =	sand.u32 $0x3FC0, s16;
	v1 =	vld [tilespmem:s16+$0x0]  }
0x47: {  	v2 =	vld [tilespmem:s18+$0x2800]  }
0x48: {  	v3 =	vld [tilespmem:s16+$0x10]  }
0x49: {  	v4 =	vld [tilespmem:s16+$0x2810]  }
0x4a: {  	v5 =	vld [tilespmem:s16+$0x20]  }
0x4b: {  	v6 =	vld [tilespmem:s16+$0x2820]  }
0x4c: {  	v7 =	vld [tilespmem:s16+$0x30]  }
0x4d: {  	s11 =	simm.s32 $0x40;
	v8 =	vld [tilespmem:s16+$0x2830]  }
0x4e: {  	v9 =	vld [tilespmem:s11+$0x0];
	s16 =	sand.u32 $0x3FC0, s11  }
0x4f: {  	v10 =	vld [tilespmem:s16+$0x2800];
	_ =	sdelay $0x1  }
0x50: {  	v2 =	vpack.i.f32.bf16 v2, v1;
	v1 =	vld [tilespmem:s11+$0x10]  }
0x51: {  	s12 =	simm.s32 $0x7830;
	[tilespmem:s18+$0x7800] =	vst v2;
	v2 =	vpack.i.f32.bf16 v4, v3;
	v3 =	vld [tilespmem:s11+$0x2810]  }
0x52: {  	v4 =	vpack.i.f32.bf16 v6, v5;
	v5 =	vld [tilespmem:s11+$0x2820];
	[tilespmem:s12+$0xFFFFFFE0] =	vst v2  }
0x53: {  	v6 =	vpack.i.f32.bf16 v10, v9;
	v2 =	vld [tilespmem:s11+$0x20];
	[tilespmem:s12+$0xFFFFFFF0] =	vst v4  }
0x54: {  	v4 =	vpack.i.f32.bf16 v8, v7;
	[tilespmem:s16+$0x7800] =	vst v6;
	v6 =	vld [tilespmem:s11+$0x2830]  }
0x55: {  	s13 =	simm.s32 $0x4;
	s17 =	simm.s32 $0x80;
	s16 =	simm.s32 $0x80;
	[tilespmem:s12+$0x0] =	vst v4;
	v4 =	vld [tilespmem:s11+$0x30]  }
.LBB2_4:
0x56: {  	v7 =	vld [tilespmem:s17+$0x0];
	s18 =	sand.u32 $0x3FC0, s16;
	s13 =	sadd.s32 $0x4, s13;
	v1 =	vpack.i.f32.bf16 v3, v1;
	s12 =	sadd.s32 $0x40, s12  }
0x57: {  	v8 =	vld [tilespmem:s18+$0x2800];
	p0 =	slt.u32 s13, $0x27C;
	[tilespmem:s12+$0xFFFFFFE0] =	vst v1  }
0x58: {  	v1 =	vld [tilespmem:s17+$0x10];
	v2 =	vpack.i.f32.bf16 v5, v2  }
.Ltmp1:
0x59: {  	v3 =	vld [tilespmem:s17+$0x2810];
	[tilespmem:s12+$0xFFFFFFF0] =	vst v2;
	(pc) =	sbr.rel @p0 .LBB2_4-.Ltmp1, $4  }
0x5a: {  	v2 =	vld [tilespmem:s17+$0x20];
	v4 =	vpack.i.f32.bf16 v6, v4  }
0x5b: {  	v5 =	vld [tilespmem:s17+$0x2820];
	[tilespmem:s12+$0x0] =	vst v4  }
0x5c: {  	v6 =	vpack.i.f32.bf16 v8, v7;
	v4 =	vld [tilespmem:s17+$0x30]  }
0x5d: {  	s16 =	sadd.s32 $0x40, s16;
	[tilespmem:s18+$0x7800] =	vst v6;
	v6 =	vld [tilespmem:s17+$0x2830];
	s17 =	sadd.s32 $0x40, s17  }
0x5e: {  	_ =	sdelay $0x1  }
0x5f: {  	v1 =	vpack.i.f32.bf16 v3, v1;
	s12 =	sadd.s32 $0x40, s12  }
0x60: {  	[tilespmem:s12+$0xFFFFFFE0] =	vst v1;
	v1 =	vpack.i.f32.bf16 v5, v2  }
0x61: {  	[tilespmem:s12+$0xFFFFFFF0] =	vst v1;
	v1 =	vpack.i.f32.bf16 v6, v4  }
0x62: {  	[tilespmem:s12+$0x0] =	vst v1;
	s12 =	simm.s32 $0x0  }
.LBB2_6:
0x63: {  	p0 =	sne.s32 s11, $0x27FC0;
	[tilespmem:s12+$0xA000] =	vst v0;
	s12 =	smov.u32 s11;
	s11 =	sadd.s32 $0x40, s11  }
.Ltmp2:
0x64: {  	(pc) =	sbr.rel @p0 .LBB2_6-.Ltmp2, $2  }
0x65: {  	_ =	sdelay $0x2  }
0x66: {  	s12 =	sshra.s32 s12, $0x2  }
0x67: {  	[tilespmem:s12+$0xA000] =	vst v0;
	s11 =	simm.s32 $0x0;
	s17 =	simm.s32 $0x14000  }
0x68: {  	[tilespmem:s17], [sflag:$0x1] =	stream.linear.gather [hbm4b:s3+s11], $0x1F40, $0x38;
	[tilespmem:$0x1BE00] =	vst v63  }
0x69: {  	s18 =	simm.s32 $0x17F00  }
0x6a: {  	[tilespmem:s18], [sflag:$0x3] =	stream.linear.gather [hbm4b:s23+s11], $0x1F40, $0x38;
	[tilespmem:$0x1BE00] =	vst v63  }
.LBB2_8:
0x6b: {  	_ =	swait.ge [sflag:s2], $0x1F40  }
0x6c: {  	s12 =	smul.u32 $0x3E80, s11;
	[sflag:s2] =	ssyncset.done $0x0  }
0x6d: {  	[sflag:s2] =	ssyncadd.s32 $0xFFFFE0C0  }
0x6e: {  	s13 =	sadd.s32 $0x1F40, s12;
	_ =	swait.ge [sflag:s6], $0x1F40  }
0x6f: {  	s16 =	sshrl.u32 s13, $0x3;
	s13 =	sadd.s32 s5, s13;
	[sflag:s6] =	ssyncset.done $0x0  }
0x70: {  	s16 =	sadd.s32 s3, s16;
	s13 =	sshrl.u32 s13, $0x3;
	[sflag:s6] =	ssyncadd.s32 $0xFFFFE0C0  }
0x71: {  	[tilespmem:s7], [sflag:$0x2] =	stream.linear.gather [hbm4b:s16+s1], $0x1F40, $0x38;
	[tilespmem:$0x1BE00] =	vst v63  }
0x72: {  	s13 =	sadd.s32 s4, s13;
	s16 =	simm.s32 $0x14020  }
0x73: {  	[tilespmem:s8], [sflag:$0x4] =	stream.linear.gather [hbm4b:s13+s1], $0x1F40, $0x38;
	[tilespmem:$0x1BE00] =	vst v63  }
0x74: {  	v1 =	vld [tilespmem:s16+$0x10]  }
0x75: {  	v3 =	vld [tilespmem:s16+$0xFFFFFFE0];
	_ =	sdelay $0x3  }
0x76: {  	v2 =	vld [tilespmem:s16+$0xFFFFFFF0];
	v5 =	vshra.s32 v1, $0xF  }
0x77: {  	v4 =	vld [tilespmem:s16+$0x0];
	v8 =	vshra.s32 v3, $0xF;
	_ =	sdelay $0x1  }
0x78: {  	s17 =	simm.s32 $0x17F20  }
0x79: {  	v14 =	vld [tilespmem:s17+$0x10]  }
0x7a: {  	v7 =	vshra.s32 v2, $0xF;
	v9 =	vand.u32 $0x7FFF, v2;
	v2 =	vand.u32 $0x7F, v2;
	v6 =	vld.idx.msk [tilespmem:v5+s9+$0x0], $0xffff  }
0x7b: {  	v10 =	vshra.s32 v4, $0xF;
	v12 =	vand.u32 $0x7FFF, v4;
	v13 =	vand.u32 $0x7FFF, v1;
	v20 =	vld.idx.msk [tilespmem:v8+s9+$0x0], $0xffff  }
0x7c: {  	v21 =	vld [tilespmem:s17+$0xFFFFFFE0];
	v15 =	vand.u32 $0x7FFF, v3;
	v1 =	vand.u32 $0x7F, v1;
	v3 =	vand.u32 $0x7F, v3  }
0x7d: {  	v4 =	vand.u32 $0x7F, v4;
	v11 =	vadd.s32 $0x2800, v9;
	v18 =	vadd.s32 $0x2800, v13  }
0x7e: {  	v24 =	vld [tilespmem:s17+$0xFFFFFFF0];
	v16 =	vadd.s32 $0x2800, v12;
	v19 =	vadd.s32 $0x2800, v15;
	v18 =	vand.u32 $0xFF80, v18  }
0x7f: {  	v19 =	vand.u32 $0xFF80, v19;
	v18 =	vor.u32 v1, v18;
	v17 =	vld.idx.msk [tilespmem:v7+s9+$0x0], $0xffff;
	v23 =	vunpack.i.l.bf16.f32 v6  }
0x80: {  	v19 =	vor.u32 v3, v19;
	v22 =	vld.idx.msk [tilespmem:v10+s9+$0x0], $0xffff;
	v26 =	vunpack.i.l.bf16.f32 v20;
	v23 =	vmul.f32 v23, v14  }
0x81: {  	v5 =	vadd.s32 $0x2800, v5;
	v25 =	vunpack.i.u.bf16.f32 v6;
	v6 =	vld [tilespmem:s17+$0x0];
	v42 =	vmul.f32 v26, v21  }
0x82: {  	v8 =	vadd.s32 $0x2800, v8;
	v20 =	vunpack.i.u.bf16.f32 v20;
	v25 =	vmul.f32 v25, v14;
	[tilespmem:v13+s31+$0x0] =	vst.idx.add.f32.msk $0xffff, v23  }
0x83: {  	v11 =	vand.u32 $0xFF80, v11;
	v16 =	vand.u32 $0xFF80, v16;
	v20 =	vmul.f32 v20, v21;
	[tilespmem:v15+s31+$0x0] =	vst.idx.add.f32.msk $0xffff, v42  }
0x84: {  	v11 =	vor.u32 v2, v11;
	v16 =	vor.u32 v4, v16;
	[tilespmem:v18+s31+$0x0] =	vst.idx.add.f32.msk $0xffff, v25  }
0x85: {  	v7 =	vadd.s32 $0x2800, v7;
	v10 =	vadd.s32 $0x2800, v10;
	v18 =	vunpack.i.l.bf16.f32 v17;
	[tilespmem:v19+s31+$0x0] =	vst.idx.add.f32.msk $0xffff, v20  }
0x86: {  	v43 =	vunpack.i.l.bf16.f32 v22;
	v17 =	vunpack.i.u.bf16.f32 v17;
	v5 =	vld.idx.msk [tilespmem:v5+s9+$0x0], $0xffff;
	v18 =	vmul.f32 v18, v24  }
0x87: {  	v44 =	vunpack.i.u.bf16.f32 v22;
	v19 =	vadd.s32 $0x5000, v13;
	v17 =	vmul.f32 v17, v24;
	v8 =	vld.idx.msk [tilespmem:v8+s9+$0x0], $0xffff  }
0x88: {  	v13 =	vadd.s32 $0x7800, v13;
	v45 =	vmul.f32 v43, v6;
	[tilespmem:v9+s31+$0x0] =	vst.idx.add.f32.msk $0xffff, v18;
	v18 =	vand.u32 $0xFF80, v19  }
0x89: {  	v20 =	vmul.f32 v44, v6;
	v13 =	vand.u32 $0xFF80, v13;
	[tilespmem:v11+s31+$0x0] =	vst.idx.add.f32.msk $0xffff, v17;
	v11 =	vor.u32 v1, v18  }
0x8a: {  	v13 =	vor.u32 v1, v13;
	v19 =	vadd.s32 $0x5000, v15;
	[tilespmem:v12+s31+$0x0] =	vst.idx.add.f32.msk $0xffff, v45  }
0x8b: {  	v15 =	vadd.s32 $0x7800, v15;
	v17 =	vadd.s32 $0x5000, v9;
	[tilespmem:v16+s31+$0x0] =	vst.idx.add.f32.msk $0xffff, v20;
	v16 =	vunpack.i.l.bf16.f32 v5  }
0x8c: {  	v9 =	vadd.s32 $0x7800, v9;
	v18 =	vadd.s32 $0x5000, v12;
	v7 =	vld.idx.msk [tilespmem:v7+s9+$0x0], $0xffff;
	v16 =	vmul.f32 v16, v14  }
0x8d: {  	v12 =	vadd.s32 $0x7800, v12;
	v19 =	vand.u32 $0xFF80, v19;
	v15 =	vand.u32 $0xFF80, v15;
	v10 =	vld.idx.msk [tilespmem:v10+s9+$0x0], $0xffff  }
0x8e: {  	s18 =	simm.s32 $0x14060;
	v17 =	vand.u32 $0xFF80, v17;
	v9 =	vand.u32 $0xFF80, v9;
	v1 =	vand.u32 $0xFF80, v18;
	[tilespmem:v11+s31+$0x0] =	vst.idx.add.f32.msk $0xffff, v16  }
0x8f: {  	v5 =	vunpack.i.u.bf16.f32 v5;
	v9 =	vor.u32 v2, v9;
	v1 =	vor.u32 v4, v1;
	v16 =	vld [tilespmem:s18+$0x10]  }
0x90: {  	v5 =	vmul.f32 v5, v14;
	v14 =	vld [tilespmem:s18+$0xFFFFFFF0];
	v11 =	vand.u32 $0xFF80, v12;
	v12 =	vor.u32 v3, v19  }
0x91: {  	v18 =	vunpack.i.l.bf16.f32 v8;
	v3 =	vor.u32 v3, v15;
	v15 =	vor.u32 v2, v17;
	v17 =	vld [tilespmem:s18+$0x0]  }
0x92: {  	v2 =	vor.u32 v4, v11;
	v4 =	vunpack.i.u.bf16.f32 v8;
	v8 =	vld [tilespmem:s18+$0xFFFFFFE0];
	v11 =	vmul.f32 v18, v21  }
0x93: {  	s13 =	simm.s32 $0x17F60;
	[tilespmem:v13+s31+$0x0] =	vst.idx.add.f32.msk $0xffff, v5;
	v5 =	vunpack.i.u.bf16.f32 v7;
	v7 =	vunpack.i.l.bf16.f32 v7;
	v27 =	vunpack.i.u.bf16.f32 v10  }
0x94: {  	v49 =	vld [tilespmem:s13+$0x10];
	v10 =	vunpack.i.l.bf16.f32 v10;
	v7 =	vmul.f32 v7, v24;
	v13 =	vshra.s32 v16, $0xF  }
0x95: {  	v4 =	vmul.f32 v4, v21;
	v5 =	vmul.f32 v5, v24;
	[tilespmem:v12+s31+$0x0] =	vst.idx.add.f32.msk $0xffff, v11;
	v11 =	vshra.s32 v14, $0xF  }
0x96: {  	v18 =	vand.u32 $0x7F, v14;
	v12 =	vand.u32 $0x7FFF, v14;
	v19 =	vshra.s32 v17, $0xF;
	[tilespmem:v15+s31+$0x0] =	vst.idx.add.f32.msk $0xffff, v7  }
0x97: {  	v14 =	vand.u32 $0x7FFF, v17;
	v17 =	vand.u32 $0x7F, v17;
	v48 =	vand.u32 $0x7FFF, v16;
	[tilespmem:v3+s31+$0x0] =	vst.idx.add.f32.msk $0xffff, v4  }
0x98: {  	v4 =	vshra.s32 v8, $0xF;
	v7 =	vand.u32 $0x7FFF, v8;
	v15 =	vadd.s32 $0x2800, v14;
	[tilespmem:v9+s31+$0x0] =	vst.idx.add.f32.msk $0xffff, v5  }
0x99: {  	v16 =	vand.u32 $0x7F, v16;
	v5 =	vadd.s32 $0x2800, v7;
	v9 =	vand.u32 $0xFF80, v15;
	v15 =	vld.idx.msk [tilespmem:v13+s9+$0x0], $0xffff  }
0x9a: {  	v3 =	vadd.s32 $0x2800, v12;
	v8 =	vand.u32 $0x7F, v8;
	v5 =	vand.u32 $0xFF80, v5;
	v50 =	vld.idx.msk [tilespmem:v11+s9+$0x0], $0xffff  }
0x9b: {  	v33 =	vadd.s32 $0x5000, v12;
	v3 =	vand.u32 $0xFF80, v3;
	v46 =	vor.u32 v8, v5;
	v5 =	vld [tilespmem:s13+$0xFFFFFFF0]  }
0x9c: {  	v35 =	vadd.s32 $0x7800, v12;
	v47 =	vor.u32 v18, v3;
	v3 =	vadd.s32 $0x2800, v48  }
0x9d: {  	v53 =	vadd.s32 $0x5000, v14;
	v55 =	vadd.s32 $0x7800, v14;
	v3 =	vand.u32 $0xFF80, v3;
	v52 =	vld.idx.msk [tilespmem:v4+s9+$0x0], $0xffff  }
0x9e: {  	v51 =	vadd.s32 $0x2800, v4;
	v28 =	vor.u32 v16, v3;
	v4 =	vld [tilespmem:s13+$0xFFFFFFE0];
	v3 =	vunpack.i.l.bf16.f32 v15  }
0x9f: {  	v29 =	vld.idx.msk [tilespmem:v19+s9+$0x0], $0xffff;
	v13 =	vadd.s32 $0x2800, v13;
	v24 =	vunpack.i.l.bf16.f32 v50;
	v32 =	vmul.f32 v3, v49  }
0xa0: {  	v56 =	vadd.s32 $0x7800, v48;
	v15 =	vunpack.i.u.bf16.f32 v15;
	v3 =	vld [tilespmem:s13+$0x0];
	v24 =	vmul.f32 v24, v5  }
0xa1: {  	v30 =	vadd.s32 $0x5000, v7;
	v31 =	vadd.s32 $0x7800, v7;
	v15 =	vmul.f32 v15, v49;
	[tilespmem:v48+s31+$0x0] =	vst.idx.add.f32.msk $0xffff, v32  }
0xa2: {  	v59 =	vand.u32 $0xFF80, v33;
	v9 =	vor.u32 v17, v9;
	v36 =	vunpack.i.l.bf16.f32 v52;
	[tilespmem:v12+s31+$0x0] =	vst.idx.add.f32.msk $0xffff, v24  }
0xa3: {  	v11 =	vadd.s32 $0x2800, v11;
	v34 =	vunpack.i.u.bf16.f32 v50;
	v36 =	vmul.f32 v36, v4;
	[tilespmem:v28+s31+$0x0] =	vst.idx.add.f32.msk $0xffff, v15  }
0xa4: {  	v54 =	vunpack.i.l.bf16.f32 v29;
	v26 =	vunpack.i.u.bf16.f32 v52;
	v34 =	vmul.f32 v34, v5;
	v13 =	vld.idx.msk [tilespmem:v13+s9+$0x0], $0xffff  }
0xa5: {  	v26 =	vmul.f32 v26, v4;
	v15 =	vunpack.i.u.bf16.f32 v29;
	[tilespmem:v7+s31+$0x0] =	vst.idx.add.f32.msk $0xffff, v36;
	v7 =	vadd.s32 $0x5000, v48  }
0xa6: {  	[tilespmem:v47+s31+$0x0] =	vst.idx.add.f32.msk $0xffff, v34;
	v12 =	vand.u32 $0xFF80, v7;
	v7 =	vmul.f32 v10, v6;
	v28 =	vmul.f32 v54, v3  }
0xa7: {  	[tilespmem:v46+s31+$0x0] =	vst.idx.add.f32.msk $0xffff, v26;
	v15 =	vmul.f32 v15, v3;
	v10 =	vor.u32 v16, v12;
	v12 =	vand.u32 $0xFF80, v56  }
0xa8: {  	v60 =	vand.u32 $0xFF80, v35;
	v61 =	vand.u32 $0xFF80, v53;
	v58 =	vor.u32 v16, v12;
	[tilespmem:v14+s31+$0x0] =	vst.idx.add.f32.msk $0xffff, v28  }
0xa9: {  	v30 =	vand.u32 $0xFF80, v30;
	v57 =	vand.u32 $0xFF80, v31;
	[tilespmem:v9+s31+$0x0] =	vst.idx.add.f32.msk $0xffff, v15;
	v9 =	vunpack.i.l.bf16.f32 v13  }
0xaa: {  	v6 =	vmul.f32 v27, v6;
	v16 =	vld.idx.msk [tilespmem:v11+s9+$0x0], $0xffff;
	v13 =	vunpack.i.u.bf16.f32 v13;
	v9 =	vmul.f32 v9, v49  }
0xab: {  	v12 =	vor.u32 v8, v57;
	v11 =	vor.u32 v18, v60;
	v15 =	vld.idx.msk [tilespmem:v51+s9+$0x0], $0xffff;
	v62 =	vmul.f32 v13, v49  }
0xac: {  	v63 =	vand.u32 $0xFF80, v55;
	v14 =	vor.u32 v8, v30;
	v13 =	vor.u32 v18, v59;
	[tilespmem:v10+s31+$0x0] =	vst.idx.add.f32.msk $0xffff, v9  }
0xad: {  	s16 =	simm.s32 $0x4;
	s17 =	simm.s32 $0x140A0;
	v8 =	vadd.s32 $0x2800, v19;
	v10 =	vor.u32 v17, v61;
	v9 =	vor.u32 v17, v63;
	[tilespmem:v58+s31+$0x0] =	vst.idx.add.f32.msk $0xffff, v62  }
.LBB2_9:
0xae: {  	v17 =	vld [tilespmem:s17+$0x10]  }
0xaf: {  	v18 =	vld [tilespmem:s17+$0xFFFFFFF0]  }
0xb0: {  	s16 =	sadd.s32 $0x4, s16;
	v20 =	vunpack.i.u.bf16.f32 v15;
	v15 =	vunpack.i.l.bf16.f32 v15;
	v19 =	vld [tilespmem:s17+$0x0]  }
0xb1: {  	p0 =	slt.u32 s16, $0x1F0;
	v15 =	vmul.f32 v15, v4;
	v22 =	vunpack.i.u.bf16.f32 v16;
	v16 =	vunpack.i.l.bf16.f32 v16;
	v21 =	vld [tilespmem:s17+$0xFFFFFFE0]  }
0xb2: {  	v4 =	vmul.f32 v20, v4;
	v16 =	vmul.f32 v16, v5;
	v20 =	vld.idx.msk [tilespmem:v8+s9+$0x0], $0xffff  }
0xb3: {  	v5 =	vmul.f32 v22, v5;
	v23 =	vshra.s32 v17, $0xF;
	[tilespmem:v14+s31+$0x0] =	vst.idx.add.f32.msk $0xffff, v15  }
0xb4: {  	v8 =	vshra.s32 v18, $0xF;
	v14 =	vand.u32 $0x7FFF, v18;
	v18 =	vand.u32 $0x7F, v18;
	[tilespmem:v12+s31+$0x0] =	vst.idx.add.f32.msk $0xffff, v4  }
0xb5: {  	v4 =	vadd.s32 $0x2800, v14;
	v12 =	vshra.s32 v19, $0xF;
	v15 =	vand.u32 $0x7FFF, v19;
	[tilespmem:v13+s31+$0x0] =	vst.idx.add.f32.msk $0xffff, v16  }
0xb6: {  	v13 =	vshra.s32 v21, $0xF;
	v16 =	vand.u32 $0x7FFF, v21;
	v22 =	vadd.s32 $0x2800, v15;
	[tilespmem:v11+s31+$0x0] =	vst.idx.add.f32.msk $0xffff, v5  }
0xb7: {  	v4 =	vand.u32 $0xFF80, v4;
	v5 =	vadd.s32 $0x2800, v16;
	v11 =	vand.u32 $0xFF80, v22;
	[tilespmem:v1+s31+$0x0] =	vst.idx.add.f32.msk $0xffff, v7;
	v1 =	vmovc v10  }
0xb8: {  	v19 =	vand.u32 $0x7F, v19;
	v10 =	vand.u32 $0x7F, v21;
	v5 =	vand.u32 $0xFF80, v5;
	v7 =	vld.idx.msk [tilespmem:v23+s9+$0x0], $0xffff  }
0xb9: {  	s13 =	sadd.s32 $0x40, s13;
	v24 =	vor.u32 v18, v4;
	v11 =	vor.u32 v19, v11;
	v21 =	vor.u32 v10, v5;
	v22 =	vld.idx.msk [tilespmem:v8+s9+$0x0], $0xffff  }
0xba: {  	v27 =	vand.u32 $0x7FFF, v17;
	v26 =	vadd.s32 $0x2800, v8;
	v25 =	vadd.s32 $0x2800, v13;
	v28 =	vld [tilespmem:s13+$0x10]  }
0xbb: {  	v4 =	vadd.s32 $0x2800, v27;
	v29 =	vunpack.i.u.bf16.f32 v20;
	v8 =	vadd.s32 $0x2800, v12;
	v13 =	vld.idx.msk [tilespmem:v13+s9+$0x0], $0xffff  }
0xbc: {  	v17 =	vand.u32 $0x7F, v17;
	v20 =	vunpack.i.l.bf16.f32 v20;
	v5 =	vand.u32 $0xFF80, v4;
	v12 =	vld.idx.msk [tilespmem:v12+s9+$0x0], $0xffff  }
0xbd: {  	v30 =	vadd.s32 $0x5000, v16;
	v31 =	vadd.s32 $0x7800, v16;
	v32 =	vor.u32 v17, v5;
	v4 =	vld [tilespmem:s13+$0xFFFFFFE0]  }
0xbe: {  	v33 =	vadd.s32 $0x5000, v14;
	v23 =	vadd.s32 $0x2800, v23;
	v34 =	vunpack.i.l.bf16.f32 v7;
	v5 =	vld [tilespmem:s13+$0xFFFFFFF0]  }
0xbf: {  	v7 =	vunpack.i.u.bf16.f32 v7;
	v35 =	vunpack.i.u.bf16.f32 v22;
	v36 =	vld [tilespmem:s13+$0x0];
	v34 =	vmul.f32 v34, v28  }
0xc0: {  	v37 =	vadd.s32 $0x7800, v14;
	v22 =	vunpack.i.l.bf16.f32 v22;
	v7 =	vmul.f32 v7, v28;
	[tilespmem:v2+s31+$0x0] =	vst.idx.add.f32.msk $0xffff, v6;
	v2 =	vmovc v9  }
0xc1: {  	v6 =	vunpack.i.u.bf16.f32 v13;
	v9 =	vunpack.i.l.bf16.f32 v13;
	v13 =	vadd.s32 $0x5000, v15;
	[tilespmem:v27+s31+$0x0] =	vst.idx.add.f32.msk $0xffff, v34  }
0xc2: {  	v34 =	vunpack.i.u.bf16.f32 v12;
	v12 =	vunpack.i.l.bf16.f32 v12;
	v9 =	vmul.f32 v9, v4;
	[tilespmem:v32+s31+$0x0] =	vst.idx.add.f32.msk $0xffff, v7  }
0xc3: {  	v6 =	vmul.f32 v6, v4;
	v32 =	vadd.s32 $0x7800, v15;
	v22 =	vmul.f32 v22, v5;
	v23 =	vld.idx.msk [tilespmem:v23+s9+$0x0], $0xffff  }
0xc4: {  	[tilespmem:v16+s31+$0x0] =	vst.idx.add.f32.msk $0xffff, v9;
	v9 =	vand.u32 $0xFF80, v30;
	v16 =	vmul.f32 v35, v5;
	v12 =	vmul.f32 v12, v36  }
0xc5: {  	v7 =	vmul.f32 v20, v3;
	[tilespmem:v21+s31+$0x0] =	vst.idx.add.f32.msk $0xffff, v6;
	v21 =	vmul.f32 v34, v36;
	v6 =	vadd.s32 $0x5000, v27  }
0xc6: {  	v20 =	vadd.s32 $0x7800, v27;
	[tilespmem:v14+s31+$0x0] =	vst.idx.add.f32.msk $0xffff, v22;
	v14 =	vand.u32 $0xFF80, v6;
	v6 =	vmul.f32 v29, v3;
	v3 =	vmovc v36  }
0xc7: {  	v22 =	vand.u32 $0xFF80, v31;
	[tilespmem:v24+s31+$0x0] =	vst.idx.add.f32.msk $0xffff, v16;
	v24 =	vor.u32 v17, v14;
	v14 =	vand.u32 $0xFF80, v20  }
0xc8: {  	v27 =	vand.u32 $0xFF80, v37;
	v20 =	vand.u32 $0xFF80, v33;
	[tilespmem:v15+s31+$0x0] =	vst.idx.add.f32.msk $0xffff, v12;
	v17 =	vor.u32 v17, v14  }
.Ltmp3:
0xc9: {  	v29 =	vand.u32 $0xFF80, v32;
	[tilespmem:v11+s31+$0x0] =	vst.idx.add.f32.msk $0xffff, v21;
	v21 =	vand.u32 $0xFF80, v13;
	v11 =	vunpack.i.l.bf16.f32 v23;
	(pc) =	sbr.rel @p0 .LBB2_9-.Ltmp3, $4  }
0xca: {  	v14 =	vor.u32 v10, v9;
	v9 =	vunpack.i.u.bf16.f32 v23;
	v15 =	vld.idx.msk [tilespmem:v25+s9+$0x0], $0xffff;
	v23 =	vmul.f32 v11, v28  }
0xcb: {  	v12 =	vor.u32 v10, v22;
	v13 =	vor.u32 v18, v20;
	v20 =	vmul.f32 v9, v28;
	v16 =	vld.idx.msk [tilespmem:v26+s9+$0x0], $0xffff  }
0xcc: {  	v11 =	vor.u32 v18, v27;
	v10 =	vor.u32 v19, v21;
	[tilespmem:v24+s31+$0x0] =	vst.idx.add.f32.msk $0xffff, v23  }
0xcd: {  	s17 =	sadd.s32 $0x40, s17;
	v9 =	vor.u32 v19, v29;
	[tilespmem:v17+s31+$0x0] =	vst.idx.add.f32.msk $0xffff, v20  }
0xce: {  	_ =	sdelay $0x3  }
0xcf: {  	v8 =	vld.idx.msk [tilespmem:v8+s9+$0x0], $0xffff  }
0xd0: {  	v17 =	vunpack.i.l.bf16.f32 v15  }
0xd1: {  	[tilespmem:v1+s31+$0x0] =	vst.idx.add.f32.msk $0xffff, v7;
	v15 =	vunpack.i.u.bf16.f32 v15;
	v17 =	vmul.f32 v17, v4  }
0xd2: {  	[tilespmem:v2+s31+$0x0] =	vst.idx.add.f32.msk $0xffff, v6;
	v18 =	vunpack.i.l.bf16.f32 v16;
	v4 =	vmul.f32 v15, v4  }
0xd3: {  	v15 =	vunpack.i.u.bf16.f32 v16;
	v16 =	vmul.f32 v18, v5;
	[tilespmem:v14+s31+$0x0] =	vst.idx.add.f32.msk $0xffff, v17  }
0xd4: {  	v5 =	vmul.f32 v15, v5;
	[tilespmem:v12+s31+$0x0] =	vst.idx.add.f32.msk $0xffff, v4;
	v4 =	vunpack.i.l.bf16.f32 v8  }
0xd5: {  	[tilespmem:v13+s31+$0x0] =	vst.idx.add.f32.msk $0xffff, v16;
	v1 =	vunpack.i.u.bf16.f32 v8;
	v4 =	vmul.f32 v4, v3  }
0xd6: {  	[tilespmem:v11+s31+$0x0] =	vst.idx.add.f32.msk $0xffff, v5;
	v1 =	vmul.f32 v1, v3  }
0xd7: {  	[tilespmem:v10+s31+$0x0] =	vst.idx.add.f32.msk $0xffff, v4  }
0xd8: {  	[tilespmem:v9+s31+$0x0] =	vst.idx.add.f32.msk $0xffff, v1  }
0xd9: {  	_ =	swait.ge [sflag:s0], $0x1F40  }
0xda: {  	p0 =	seq.s32 s11, $0x13;
	[sflag:s0] =	ssyncset.done $0x0  }
0xdb: {  	s12 =	sadd.s32 @!p0 $0x3E80, s12;
	[sflag:s0] =	ssyncadd.s32 $0xFFFFE0C0  }
0xdc: {  	s16 =	simm.s32 @!p0 $0x0;
	s17 =	simm.s32 @!p0 $0x14000;
	_ =	swait.ge [sflag:s10], $0x1F40  }
0xdd: {  	s13 =	sshrl.u32 @!p0 s12, $0x3;
	s12 =	sadd.s32 @!p0 s5, s12;
	[sflag:s10] =	ssyncset.done $0x0  }
0xde: {  	s13 =	sadd.s32 @!p0 s3, s13;
	s12 =	sshrl.u32 @!p0 s12, $0x3;
	[sflag:s10] =	ssyncadd.s32 $0xFFFFE0C0  }
0xdf: {  	[tilespmem:s17], [sflag:$0x1] =	stream.linear.gather @!p0 [hbm4b:s13+s16], $0x1F40, $0x38;
	[tilespmem:$0x1BE00] =	vst v63  }
0xe0: {  	s12 =	sadd.s32 @!p0 s4, s12;
	s13 =	simm.s32 @!p0 $0x17F00  }
0xe1: {  	[tilespmem:s13], [sflag:$0x3] =	stream.linear.gather @!p0 [hbm4b:s12+s16], $0x1F40, $0x38;
	[tilespmem:$0x1BE00] =	vst v63  }
0xe2: {  	s16 =	simm.s32 $0x15FA0  }
0xe3: {  	v1 =	vld [tilespmem:s16+$0x10]  }
0xe4: {  	v3 =	vld [tilespmem:s16+$0xFFFFFFE0];
	_ =	sdelay $0x3  }
0xe5: {  	v2 =	vld [tilespmem:s16+$0xFFFFFFF0];
	v5 =	vshra.s32 v1, $0xF  }
0xe6: {  	v4 =	vld [tilespmem:s16+$0x0];
	v8 =	vshra.s32 v3, $0xF;
	_ =	sdelay $0x1  }
0xe7: {  	s17 =	simm.s32 $0x19EA0  }
0xe8: {  	v14 =	vld [tilespmem:s17+$0x10]  }
0xe9: {  	v7 =	vshra.s32 v2, $0xF;
	v9 =	vand.u32 $0x7FFF, v2;
	v2 =	vand.u32 $0x7F, v2;
	v6 =	vld.idx.msk [tilespmem:v5+s9+$0x0], $0xffff  }
0xea: {  	v10 =	vshra.s32 v4, $0xF;
	v12 =	vand.u32 $0x7FFF, v4;
	v13 =	vand.u32 $0x7FFF, v1;
	v20 =	vld.idx.msk [tilespmem:v8+s9+$0x0], $0xffff  }
0xeb: {  	v21 =	vld [tilespmem:s17+$0xFFFFFFE0];
	v15 =	vand.u32 $0x7FFF, v3;
	v1 =	vand.u32 $0x7F, v1;
	v3 =	vand.u32 $0x7F, v3  }
0xec: {  	v4 =	vand.u32 $0x7F, v4;
	v11 =	vadd.s32 $0x2800, v9;
	v18 =	vadd.s32 $0x2800, v13  }
0xed: {  	v24 =	vld [tilespmem:s17+$0xFFFFFFF0];
	v16 =	vadd.s32 $0x2800, v12;
	v19 =	vadd.s32 $0x2800, v15;
	v18 =	vand.u32 $0xFF80, v18  }
0xee: {  	v19 =	vand.u32 $0xFF80, v19;
	v18 =	vor.u32 v1, v18;
	v17 =	vld.idx.msk [tilespmem:v7+s9+$0x0], $0xffff;
	v23 =	vunpack.i.l.bf16.f32 v6  }
0xef: {  	v19 =	vor.u32 v3, v19;
	v22 =	vld.idx.msk [tilespmem:v10+s9+$0x0], $0xffff;
	v26 =	vunpack.i.l.bf16.f32 v20;
	v23 =	vmul.f32 v23, v14  }
0xf0: {  	v5 =	vadd.s32 $0x2800, v5;
	v25 =	vunpack.i.u.bf16.f32 v6;
	v6 =	vld [tilespmem:s17+$0x0];
	v42 =	vmul.f32 v26, v21  }
0xf1: {  	v8 =	vadd.s32 $0x2800, v8;
	v20 =	vunpack.i.u.bf16.f32 v20;
	v25 =	vmul.f32 v25, v14;
	[tilespmem:v13+s31+$0x0] =	vst.idx.add.f32.msk $0xffff, v23  }
0xf2: {  	v11 =	vand.u32 $0xFF80, v11;
	v16 =	vand.u32 $0xFF80, v16;
	v20 =	vmul.f32 v20, v21;
	[tilespmem:v15+s31+$0x0] =	vst.idx.add.f32.msk $0xffff, v42  }
0xf3: {  	v11 =	vor.u32 v2, v11;
	v16 =	vor.u32 v4, v16;
	[tilespmem:v18+s31+$0x0] =	vst.idx.add.f32.msk $0xffff, v25  }
0xf4: {  	v7 =	vadd.s32 $0x2800, v7;
	v10 =	vadd.s32 $0x2800, v10;
	v18 =	vunpack.i.l.bf16.f32 v17;
	[tilespmem:v19+s31+$0x0] =	vst.idx.add.f32.msk $0xffff, v20  }
0xf5: {  	v43 =	vunpack.i.l.bf16.f32 v22;
	v17 =	vunpack.i.u.bf16.f32 v17;
	v5 =	vld.idx.msk [tilespmem:v5+s9+$0x0], $0xffff;
	v18 =	vmul.f32 v18, v24  }
0xf6: {  	v44 =	vunpack.i.u.bf16.f32 v22;
	v19 =	vadd.s32 $0x5000, v13;
	v17 =	vmul.f32 v17, v24;
	v8 =	vld.idx.msk [tilespmem:v8+s9+$0x0], $0xffff  }
0xf7: {  	v13 =	vadd.s32 $0x7800, v13;
	v45 =	vmul.f32 v43, v6;
	[tilespmem:v9+s31+$0x0] =	vst.idx.add.f32.msk $0xffff, v18;
	v18 =	vand.u32 $0xFF80, v19  }
0xf8: {  	v20 =	vmul.f32 v44, v6;
	v13 =	vand.u32 $0xFF80, v13;
	[tilespmem:v11+s31+$0x0] =	vst.idx.add.f32.msk $0xffff, v17;
	v11 =	vor.u32 v1, v18  }
0xf9: {  	v13 =	vor.u32 v1, v13;
	v19 =	vadd.s32 $0x5000, v15;
	[tilespmem:v12+s31+$0x0] =	vst.idx.add.f32.msk $0xffff, v45  }
0xfa: {  	v15 =	vadd.s32 $0x7800, v15;
	v17 =	vadd.s32 $0x5000, v9;
	[tilespmem:v16+s31+$0x0] =	vst.idx.add.f32.msk $0xffff, v20;
	v16 =	vunpack.i.l.bf16.f32 v5  }
0xfb: {  	v9 =	vadd.s32 $0x7800, v9;
	v18 =	vadd.s32 $0x5000, v12;
	v7 =	vld.idx.msk [tilespmem:v7+s9+$0x0], $0xffff;
	v16 =	vmul.f32 v16, v14  }
0xfc: {  	v12 =	vadd.s32 $0x7800, v12;
	v19 =	vand.u32 $0xFF80, v19;
	v15 =	vand.u32 $0xFF80, v15;
	v10 =	vld.idx.msk [tilespmem:v10+s9+$0x0], $0xffff  }
0xfd: {  	s18 =	simm.s32 $0x15FE0;
	v17 =	vand.u32 $0xFF80, v17;
	v9 =	vand.u32 $0xFF80, v9;
	v1 =	vand.u32 $0xFF80, v18;
	[tilespmem:v11+s31+$0x0] =	vst.idx.add.f32.msk $0xffff, v16  }
0xfe: {  	v5 =	vunpack.i.u.bf16.f32 v5;
	v9 =	vor.u32 v2, v9;
	v1 =	vor.u32 v4, v1;
	v16 =	vld [tilespmem:s18+$0x10]  }
0xff: {  	v5 =	vmul.f32 v5, v14;
	v14 =	vld [tilespmem:s18+$0xFFFFFFF0];
	v11 =	vand.u32 $0xFF80, v12;
	v12 =	vor.u32 v3, v19  }
0x100: {  	v18 =	vunpack.i.l.bf16.f32 v8;
	v3 =	vor.u32 v3, v15;
	v15 =	vor.u32 v2, v17;
	v17 =	vld [tilespmem:s18+$0x0]  }
0x101: {  	v2 =	vor.u32 v4, v11;
	v4 =	vunpack.i.u.bf16.f32 v8;
	v8 =	vld [tilespmem:s18+$0xFFFFFFE0];
	v11 =	vmul.f32 v18, v21  }
0x102: {  	s12 =	simm.s32 $0x19EE0;
	[tilespmem:v13+s31+$0x0] =	vst.idx.add.f32.msk $0xffff, v5;
	v5 =	vunpack.i.u.bf16.f32 v7;
	v7 =	vunpack.i.l.bf16.f32 v7;
	v27 =	vunpack.i.u.bf16.f32 v10  }
0x103: {  	v49 =	vld [tilespmem:s12+$0x10];
	v10 =	vunpack.i.l.bf16.f32 v10;
	v7 =	vmul.f32 v7, v24;
	v13 =	vshra.s32 v16, $0xF  }
0x104: {  	v4 =	vmul.f32 v4, v21;
	v5 =	vmul.f32 v5, v24;
	[tilespmem:v12+s31+$0x0] =	vst.idx.add.f32.msk $0xffff, v11;
	v11 =	vshra.s32 v14, $0xF  }
0x105: {  	v18 =	vand.u32 $0x7F, v14;
	v12 =	vand.u32 $0x7FFF, v14;
	v19 =	vshra.s32 v17, $0xF;
	[tilespmem:v15+s31+$0x0] =	vst.idx.add.f32.msk $0xffff, v7  }
0x106: {  	v14 =	vand.u32 $0x7FFF, v17;
	v17 =	vand.u32 $0x7F, v17;
	v48 =	vand.u32 $0x7FFF, v16;
	[tilespmem:v3+s31+$0x0] =	vst.idx.add.f32.msk $0xffff, v4  }
0x107: {  	v4 =	vshra.s32 v8, $0xF;
	v7 =	vand.u32 $0x7FFF, v8;
	v15 =	vadd.s32 $0x2800, v14;
	[tilespmem:v9+s31+$0x0] =	vst.idx.add.f32.msk $0xffff, v5  }
0x108: {  	v16 =	vand.u32 $0x7F, v16;
	v5 =	vadd.s32 $0x2800, v7;
	v9 =	vand.u32 $0xFF80, v15;
	v15 =	vld.idx.msk [tilespmem:v13+s9+$0x0], $0xffff  }
0x109: {  	v3 =	vadd.s32 $0x2800, v12;
	v8 =	vand.u32 $0x7F, v8;
	v5 =	vand.u32 $0xFF80, v5;
	v50 =	vld.idx.msk [tilespmem:v11+s9+$0x0], $0xffff  }
0x10a: {  	v33 =	vadd.s32 $0x5000, v12;
	v3 =	vand.u32 $0xFF80, v3;
	v46 =	vor.u32 v8, v5;
	v5 =	vld [tilespmem:s12+$0xFFFFFFF0]  }
0x10b: {  	v35 =	vadd.s32 $0x7800, v12;
	v47 =	vor.u32 v18, v3;
	v3 =	vadd.s32 $0x2800, v48  }
0x10c: {  	v53 =	vadd.s32 $0x5000, v14;
	v55 =	vadd.s32 $0x7800, v14;
	v3 =	vand.u32 $0xFF80, v3;
	v52 =	vld.idx.msk [tilespmem:v4+s9+$0x0], $0xffff  }
0x10d: {  	v51 =	vadd.s32 $0x2800, v4;
	v28 =	vor.u32 v16, v3;
	v4 =	vld [tilespmem:s12+$0xFFFFFFE0];
	v3 =	vunpack.i.l.bf16.f32 v15  }
0x10e: {  	v29 =	vld.idx.msk [tilespmem:v19+s9+$0x0], $0xffff;
	v13 =	vadd.s32 $0x2800, v13;
	v24 =	vunpack.i.l.bf16.f32 v50;
	v32 =	vmul.f32 v3, v49  }
0x10f: {  	v56 =	vadd.s32 $0x7800, v48;
	v15 =	vunpack.i.u.bf16.f32 v15;
	v3 =	vld [tilespmem:s12+$0x0];
	v24 =	vmul.f32 v24, v5  }
0x110: {  	v30 =	vadd.s32 $0x5000, v7;
	v31 =	vadd.s32 $0x7800, v7;
	v15 =	vmul.f32 v15, v49;
	[tilespmem:v48+s31+$0x0] =	vst.idx.add.f32.msk $0xffff, v32  }
0x111: {  	v59 =	vand.u32 $0xFF80, v33;
	v9 =	vor.u32 v17, v9;
	v36 =	vunpack.i.l.bf16.f32 v52;
	[tilespmem:v12+s31+$0x0] =	vst.idx.add.f32.msk $0xffff, v24  }
0x112: {  	v11 =	vadd.s32 $0x2800, v11;
	v34 =	vunpack.i.u.bf16.f32 v50;
	v36 =	vmul.f32 v36, v4;
	[tilespmem:v28+s31+$0x0] =	vst.idx.add.f32.msk $0xffff, v15  }
0x113: {  	v54 =	vunpack.i.l.bf16.f32 v29;
	v26 =	vunpack.i.u.bf16.f32 v52;
	v34 =	vmul.f32 v34, v5;
	v13 =	vld.idx.msk [tilespmem:v13+s9+$0x0], $0xffff  }
0x114: {  	v26 =	vmul.f32 v26, v4;
	v15 =	vunpack.i.u.bf16.f32 v29;
	[tilespmem:v7+s31+$0x0] =	vst.idx.add.f32.msk $0xffff, v36;
	v7 =	vadd.s32 $0x5000, v48  }
0x115: {  	[tilespmem:v47+s31+$0x0] =	vst.idx.add.f32.msk $0xffff, v34;
	v12 =	vand.u32 $0xFF80, v7;
	v7 =	vmul.f32 v10, v6;
	v28 =	vmul.f32 v54, v3  }
0x116: {  	[tilespmem:v46+s31+$0x0] =	vst.idx.add.f32.msk $0xffff, v26;
	v15 =	vmul.f32 v15, v3;
	v10 =	vor.u32 v16, v12;
	v12 =	vand.u32 $0xFF80, v56  }
0x117: {  	v60 =	vand.u32 $0xFF80, v35;
	v61 =	vand.u32 $0xFF80, v53;
	v58 =	vor.u32 v16, v12;
	[tilespmem:v14+s31+$0x0] =	vst.idx.add.f32.msk $0xffff, v28  }
0x118: {  	v30 =	vand.u32 $0xFF80, v30;
	v57 =	vand.u32 $0xFF80, v31;
	[tilespmem:v9+s31+$0x0] =	vst.idx.add.f32.msk $0xffff, v15;
	v9 =	vunpack.i.l.bf16.f32 v13  }
0x119: {  	v6 =	vmul.f32 v27, v6;
	v16 =	vld.idx.msk [tilespmem:v11+s9+$0x0], $0xffff;
	v13 =	vunpack.i.u.bf16.f32 v13;
	v9 =	vmul.f32 v9, v49  }
0x11a: {  	v12 =	vor.u32 v8, v57;
	v11 =	vor.u32 v18, v60;
	v15 =	vld.idx.msk [tilespmem:v51+s9+$0x0], $0xffff;
	v62 =	vmul.f32 v13, v49  }
0x11b: {  	v63 =	vand.u32 $0xFF80, v55;
	v14 =	vor.u32 v8, v30;
	v13 =	vor.u32 v18, v59;
	[tilespmem:v10+s31+$0x0] =	vst.idx.add.f32.msk $0xffff, v9  }
0x11c: {  	s13 =	simm.s32 $0x4;
	s16 =	simm.s32 $0x16020;
	v8 =	vadd.s32 $0x2800, v19;
	v10 =	vor.u32 v17, v61;
	v9 =	vor.u32 v17, v63;
	[tilespmem:v58+s31+$0x0] =	vst.idx.add.f32.msk $0xffff, v62  }
.LBB2_11:
0x11d: {  	v17 =	vld [tilespmem:s16+$0x10]  }
0x11e: {  	v18 =	vld [tilespmem:s16+$0xFFFFFFF0]  }
0x11f: {  	s13 =	sadd.s32 $0x4, s13;
	v20 =	vunpack.i.u.bf16.f32 v15;
	v15 =	vunpack.i.l.bf16.f32 v15;
	v19 =	vld [tilespmem:s16+$0x0]  }
0x120: {  	p0 =	slt.u32 s13, $0x1F0;
	v15 =	vmul.f32 v15, v4;
	v22 =	vunpack.i.u.bf16.f32 v16;
	v16 =	vunpack.i.l.bf16.f32 v16;
	v21 =	vld [tilespmem:s16+$0xFFFFFFE0]  }
0x121: {  	v4 =	vmul.f32 v20, v4;
	v16 =	vmul.f32 v16, v5;
	v20 =	vld.idx.msk [tilespmem:v8+s9+$0x0], $0xffff  }
0x122: {  	v5 =	vmul.f32 v22, v5;
	v23 =	vshra.s32 v17, $0xF;
	[tilespmem:v14+s31+$0x0] =	vst.idx.add.f32.msk $0xffff, v15  }
0x123: {  	v8 =	vshra.s32 v18, $0xF;
	v14 =	vand.u32 $0x7FFF, v18;
	v18 =	vand.u32 $0x7F, v18;
	[tilespmem:v12+s31+$0x0] =	vst.idx.add.f32.msk $0xffff, v4  }
0x124: {  	v4 =	vadd.s32 $0x2800, v14;
	v12 =	vshra.s32 v19, $0xF;
	v15 =	vand.u32 $0x7FFF, v19;
	[tilespmem:v13+s31+$0x0] =	vst.idx.add.f32.msk $0xffff, v16  }
0x125: {  	v13 =	vshra.s32 v21, $0xF;
	v16 =	vand.u32 $0x7FFF, v21;
	v22 =	vadd.s32 $0x2800, v15;
	[tilespmem:v11+s31+$0x0] =	vst.idx.add.f32.msk $0xffff, v5  }
0x126: {  	v4 =	vand.u32 $0xFF80, v4;
	v5 =	vadd.s32 $0x2800, v16;
	v11 =	vand.u32 $0xFF80, v22;
	[tilespmem:v1+s31+$0x0] =	vst.idx.add.f32.msk $0xffff, v7;
	v1 =	vmovc v10  }
0x127: {  	v19 =	vand.u32 $0x7F, v19;
	v10 =	vand.u32 $0x7F, v21;
	v5 =	vand.u32 $0xFF80, v5;
	v7 =	vld.idx.msk [tilespmem:v23+s9+$0x0], $0xffff  }
0x128: {  	s12 =	sadd.s32 $0x40, s12;
	v24 =	vor.u32 v18, v4;
	v11 =	vor.u32 v19, v11;
	v21 =	vor.u32 v10, v5;
	v22 =	vld.idx.msk [tilespmem:v8+s9+$0x0], $0xffff  }
0x129: {  	v27 =	vand.u32 $0x7FFF, v17;
	v26 =	vadd.s32 $0x2800, v8;
	v25 =	vadd.s32 $0x2800, v13;
	v28 =	vld [tilespmem:s12+$0x10]  }
0x12a: {  	v4 =	vadd.s32 $0x2800, v27;
	v29 =	vunpack.i.u.bf16.f32 v20;
	v8 =	vadd.s32 $0x2800, v12;
	v13 =	vld.idx.msk [tilespmem:v13+s9+$0x0], $0xffff  }
0x12b: {  	v17 =	vand.u32 $0x7F, v17;
	v20 =	vunpack.i.l.bf16.f32 v20;
	v5 =	vand.u32 $0xFF80, v4;
	v12 =	vld.idx.msk [tilespmem:v12+s9+$0x0], $0xffff  }
0x12c: {  	v30 =	vadd.s32 $0x5000, v16;
	v31 =	vadd.s32 $0x7800, v16;
	v32 =	vor.u32 v17, v5;
	v4 =	vld [tilespmem:s12+$0xFFFFFFE0]  }
0x12d: {  	v33 =	vadd.s32 $0x5000, v14;
	v23 =	vadd.s32 $0x2800, v23;
	v34 =	vunpack.i.l.bf16.f32 v7;
	v5 =	vld [tilespmem:s12+$0xFFFFFFF0]  }
0x12e: {  	v7 =	vunpack.i.u.bf16.f32 v7;
	v35 =	vunpack.i.u.bf16.f32 v22;
	v36 =	vld [tilespmem:s12+$0x0];
	v34 =	vmul.f32 v34, v28  }
0x12f: {  	v37 =	vadd.s32 $0x7800, v14;
	v22 =	vunpack.i.l.bf16.f32 v22;
	v7 =	vmul.f32 v7, v28;
	[tilespmem:v2+s31+$0x0] =	vst.idx.add.f32.msk $0xffff, v6;
	v2 =	vmovc v9  }
0x130: {  	v6 =	vunpack.i.u.bf16.f32 v13;
	v9 =	vunpack.i.l.bf16.f32 v13;
	v13 =	vadd.s32 $0x5000, v15;
	[tilespmem:v27+s31+$0x0] =	vst.idx.add.f32.msk $0xffff, v34  }
0x131: {  	v34 =	vunpack.i.u.bf16.f32 v12;
	v12 =	vunpack.i.l.bf16.f32 v12;
	v9 =	vmul.f32 v9, v4;
	[tilespmem:v32+s31+$0x0] =	vst.idx.add.f32.msk $0xffff, v7  }
0x132: {  	v6 =	vmul.f32 v6, v4;
	v32 =	vadd.s32 $0x7800, v15;
	v22 =	vmul.f32 v22, v5;
	v23 =	vld.idx.msk [tilespmem:v23+s9+$0x0], $0xffff  }
0x133: {  	[tilespmem:v16+s31+$0x0] =	vst.idx.add.f32.msk $0xffff, v9;
	v9 =	vand.u32 $0xFF80, v30;
	v16 =	vmul.f32 v35, v5;
	v12 =	vmul.f32 v12, v36  }
0x134: {  	v7 =	vmul.f32 v20, v3;
	[tilespmem:v21+s31+$0x0] =	vst.idx.add.f32.msk $0xffff, v6;
	v21 =	vmul.f32 v34, v36;
	v6 =	vadd.s32 $0x5000, v27  }
0x135: {  	v20 =	vadd.s32 $0x7800, v27;
	[tilespmem:v14+s31+$0x0] =	vst.idx.add.f32.msk $0xffff, v22;
	v14 =	vand.u32 $0xFF80, v6;
	v6 =	vmul.f32 v29, v3;
	v3 =	vmovc v36  }
0x136: {  	v22 =	vand.u32 $0xFF80, v31;
	[tilespmem:v24+s31+$0x0] =	vst.idx.add.f32.msk $0xffff, v16;
	v24 =	vor.u32 v17, v14;
	v14 =	vand.u32 $0xFF80, v20  }
0x137: {  	v27 =	vand.u32 $0xFF80, v37;
	v20 =	vand.u32 $0xFF80, v33;
	[tilespmem:v15+s31+$0x0] =	vst.idx.add.f32.msk $0xffff, v12;
	v17 =	vor.u32 v17, v14  }
.Ltmp4:
0x138: {  	v29 =	vand.u32 $0xFF80, v32;
	[tilespmem:v11+s31+$0x0] =	vst.idx.add.f32.msk $0xffff, v21;
	v21 =	vand.u32 $0xFF80, v13;
	v11 =	vunpack.i.l.bf16.f32 v23;
	(pc) =	sbr.rel @p0 .LBB2_11-.Ltmp4, $4  }
0x139: {  	v14 =	vor.u32 v10, v9;
	v9 =	vunpack.i.u.bf16.f32 v23;
	v15 =	vld.idx.msk [tilespmem:v25+s9+$0x0], $0xffff;
	v23 =	vmul.f32 v11, v28  }
0x13a: {  	v12 =	vor.u32 v10, v22;
	v13 =	vor.u32 v18, v20;
	v20 =	vmul.f32 v9, v28;
	v16 =	vld.idx.msk [tilespmem:v26+s9+$0x0], $0xffff  }
0x13b: {  	v11 =	vor.u32 v18, v27;
	v10 =	vor.u32 v19, v21;
	[tilespmem:v24+s31+$0x0] =	vst.idx.add.f32.msk $0xffff, v23  }
0x13c: {  	s16 =	sadd.s32 $0x40, s16;
	v9 =	vor.u32 v19, v29;
	[tilespmem:v17+s31+$0x0] =	vst.idx.add.f32.msk $0xffff, v20  }
0x13d: {  	_ =	sdelay $0x3  }
0x13e: {  	v8 =	vld.idx.msk [tilespmem:v8+s9+$0x0], $0xffff  }
0x13f: {  	v17 =	vunpack.i.l.bf16.f32 v15  }
0x140: {  	[tilespmem:v1+s31+$0x0] =	vst.idx.add.f32.msk $0xffff, v7;
	v58 =	vunpack.i.u.bf16.f32 v15;
	v17 =	vmul.f32 v17, v4  }
0x141: {  	s11 =	sadd.s32 $0x1, s11;
	[tilespmem:v2+s31+$0x0] =	vst.idx.add.f32.msk $0xffff, v6;
	v18 =	vunpack.i.l.bf16.f32 v16;
	v59 =	vmul.f32 v58, v4  }
0x142: {  	p0 =	sne.s32 s11, $0x14;
	v60 =	vunpack.i.u.bf16.f32 v16;
	v61 =	vmul.f32 v18, v5;
	[tilespmem:v14+s31+$0x0] =	vst.idx.add.f32.msk $0xffff, v17  }
.Ltmp5:
0x143: {  	v62 =	vmul.f32 v60, v5;
	[tilespmem:v12+s31+$0x0] =	vst.idx.add.f32.msk $0xffff, v59;
	v63 =	vunpack.i.l.bf16.f32 v8;
	(pc) =	sbr.rel @p0 .LBB2_8-.Ltmp5, $4  }
0x144: {  	[tilespmem:v13+s31+$0x0] =	vst.idx.add.f32.msk $0xffff, v61;
	v1 =	vunpack.i.u.bf16.f32 v8;
	v4 =	vmul.f32 v63, v3  }
0x145: {  	[tilespmem:v11+s31+$0x0] =	vst.idx.add.f32.msk $0xffff, v62;
	v1 =	vmul.f32 v1, v3  }
0x146: {  	[tilespmem:v10+s31+$0x0] =	vst.idx.add.f32.msk $0xffff, v4  }
0x147: {  	[tilespmem:v9+s31+$0x0] =	vst.idx.add.f32.msk $0xffff, v1  }
0x148: {  	s11 =	rddreg [dreg:$0x6]  }
0x149: {  	[hbm4b:s11+s26] =	stream.strided.scatter [tilespmem:s31], [sflag:$0x5], $0x2800, s28, s26, $0x38;
	[tilespmem:$0x1BE00] =	vst v63  }
0x14a: {  	_ =	swait.ge [sflag:s29], $0x2800  }
0x14b: {  	[sflag:s29] =	ssyncset.done $0x0  }
0x14c: {  	s12 =	simm.s32 $0xC800;
	s16 =	rddreg [dreg:$0x7];
	[sflag:s29] =	ssyncadd.s32 $0xFFFFD800  }
0x14d: {  	[hbm4b:s16+s26] =	stream.strided.scatter [tilespmem:s12], [sflag:$0x5], $0x2800, s28, s26, $0x38;
	[tilespmem:$0x1BE00] =	vst v63  }
0x14e: {  	_ =	swait.ge [sflag:s29], $0x2800  }
0x14f: {  	[sflag:s29] =	ssyncset.done $0x0  }
0x150: {  	s18 =	simm.s32 $0xF000;
	s17 =	rddreg [dreg:$0x8];
	[sflag:s29] =	ssyncadd.s32 $0xFFFFD800  }
0x151: {  	[hbm4b:s17+s26] =	stream.strided.scatter [tilespmem:s18], [sflag:$0x5], $0x2800, s28, s26, $0x38;
	[tilespmem:$0x1BE00] =	vst v63  }
0x152: {  	_ =	swait.ge [sflag:s29], $0x2800  }
0x153: {  	[sflag:s29] =	ssyncset.done $0x0  }
0x154: {  	s13 =	simm.s32 $0x11800;
	s12 =	rddreg [dreg:$0x9];
	[sflag:s29] =	ssyncadd.s32 $0xFFFFD800  }
0x155: {  	[hbm4b:s12+s26] =	stream.strided.scatter [tilespmem:s13], [sflag:$0x5], $0x2800, s28, s26, $0x38;
	[tilespmem:$0x1BE00] =	vst v63  }
0x156: {  	_ =	swait.ge [sflag:s29], $0x2800  }
0x157: {  	[sflag:s29] =	ssyncset.done $0x0  }
0x158: {  	s13 =	simm.s32 $0x0;
	s16 =	rddreg [dreg:$0xa];
	[sflag:s29] =	ssyncadd.s32 $0xFFFFD800  }
0x159: {  	[tilespmem:s13], [sflag:$0x5] =	stream.strided.gather [hbm4b:s16+s26], $0x2800, s28, s26, $0x38;
	[tilespmem:$0x1BE00] =	vst v63  }
0x15a: {  	_ =	swait.ge [sflag:s29], $0x2800  }
0x15b: {  	[sflag:s29] =	ssyncset.done $0x0  }
0x15c: {  	s17 =	rddreg [dreg:$0xb];
	[sflag:s29] =	ssyncadd.s32 $0xFFFFD800  }
0x15d: {  	[tilespmem:s30], [sflag:$0x5] =	stream.strided.gather [hbm4b:s17+s26], $0x2800, s28, s26, $0x38;
	[tilespmem:$0x1BE00] =	vst v63  }
0x15e: {  	_ =	swait.ge [sflag:s29], $0x2800  }
0x15f: {  	[sflag:s29] =	ssyncset.done $0x0  }
0x160: {  	[sflag:s29] =	ssyncadd.s32 $0xFFFFD800  }
0x161: {  	s18 =	sand.u32 $0x3FC0, s13;
	v3 =	vld [tilespmem:s13+$0x0]  }
0x162: {  	v6 =	vld [tilespmem:s18+$0x2800]  }
0x163: {  	v2 =	vld [tilespmem:s13+$0x10]  }
0x164: {  	v5 =	vld [tilespmem:s13+$0x2810]  }
0x165: {  	v1 =	vld [tilespmem:s13+$0x20]  }
0x166: {  	v4 =	vld [tilespmem:s13+$0x2820]  }
0x167: {  	s11 =	simm.s32 $0x5020;
	v6 =	vpack.i.f32.bf16 v6, v3;
	v3 =	vld [tilespmem:s13+$0x30]  }
0x168: {  	s12 =	simm.s32 $0x0;
	s16 =	simm.s32 $0x40;
	[tilespmem:s11+$0xFFFFFFE0] =	vst v6;
	v6 =	vld [tilespmem:s13+$0x2830];
	s13 =	simm.s32 $0x40  }
.LBB2_14:
0x169: {  	v7 =	vld [tilespmem:s13+$0x0];
	s17 =	sand.u32 $0x3FC0, s16;
	s12 =	sadd.s32 $0x4, s12;
	v2 =	vpack.i.f32.bf16 v5, v2  }
0x16a: {  	v8 =	vld [tilespmem:s17+$0x2800];
	p0 =	slt.u32 s12, $0x27C;
	[tilespmem:s11+$0xFFFFFFF0] =	vst v2  }
0x16b: {  	v2 =	vld [tilespmem:s13+$0x10];
	v1 =	vpack.i.f32.bf16 v4, v1  }
.Ltmp6:
0x16c: {  	v5 =	vld [tilespmem:s13+$0x2810];
	[tilespmem:s11+$0x0] =	vst v1;
	(pc) =	sbr.rel @p0 .LBB2_14-.Ltmp6, $4  }
0x16d: {  	v1 =	vld [tilespmem:s13+$0x20];
	v3 =	vpack.i.f32.bf16 v6, v3  }
0x16e: {  	v4 =	vld [tilespmem:s13+$0x2820];
	[tilespmem:s11+$0x10] =	vst v3  }
0x16f: {  	s11 =	sadd.s32 $0x40, s11;
	v6 =	vpack.i.f32.bf16 v8, v7;
	v3 =	vld [tilespmem:s13+$0x30]  }
0x170: {  	s16 =	sadd.s32 $0x40, s16;
	[tilespmem:s11+$0xFFFFFFE0] =	vst v6;
	v6 =	vld [tilespmem:s13+$0x2830];
	s13 =	sadd.s32 $0x40, s13  }
0x171: {  	_ =	sdelay $0x1  }
0x172: {  	v2 =	vpack.i.f32.bf16 v5, v2  }
0x173: {  	[tilespmem:s11+$0xFFFFFFF0] =	vst v2;
	v1 =	vpack.i.f32.bf16 v4, v1  }
0x174: {  	[tilespmem:s11+$0x0] =	vst v1;
	v1 =	vpack.i.f32.bf16 v6, v3  }
0x175: {  	[tilespmem:s11+$0x10] =	vst v1  }
0x176: {  	s16 =	simm.s32 $0x0;
	s12 =	rddreg [dreg:$0xc]  }
0x177: {  	[tilespmem:s16], [sflag:$0x5] =	stream.strided.gather [hbm4b:s12+s26], $0x2800, s28, s26, $0x38;
	[tilespmem:$0x1BE00] =	vst v63  }
0x178: {  	_ =	swait.ge [sflag:s29], $0x2800  }
0x179: {  	[sflag:s29] =	ssyncset.done $0x0  }
0x17a: {  	s17 =	rddreg [dreg:$0xd];
	[sflag:s29] =	ssyncadd.s32 $0xFFFFD800  }
0x17b: {  	[tilespmem:s30], [sflag:$0x5] =	stream.strided.gather [hbm4b:s17+s26], $0x2800, s28, s26, $0x38;
	[tilespmem:$0x1BE00] =	vst v63  }
0x17c: {  	_ =	swait.ge [sflag:s29], $0x2800  }
0x17d: {  	[sflag:s29] =	ssyncset.done $0x0  }
0x17e: {  	[sflag:s29] =	ssyncadd.s32 $0xFFFFD800  }
0x17f: {  	s18 =	sand.u32 $0x3FC0, s16;
	v1 =	vld [tilespmem:s16+$0x0]  }
0x180: {  	v2 =	vld [tilespmem:s18+$0x2800]  }
0x181: {  	v3 =	vld [tilespmem:s16+$0x10]  }
0x182: {  	v4 =	vld [tilespmem:s16+$0x2810]  }
0x183: {  	v5 =	vld [tilespmem:s16+$0x20]  }
0x184: {  	v6 =	vld [tilespmem:s16+$0x2820]  }
0x185: {  	v7 =	vld [tilespmem:s16+$0x30]  }
0x186: {  	s11 =	simm.s32 $0x40;
	v8 =	vld [tilespmem:s16+$0x2830]  }
0x187: {  	v9 =	vld [tilespmem:s11+$0x0];
	s16 =	sand.u32 $0x3FC0, s11  }
0x188: {  	v10 =	vld [tilespmem:s16+$0x2800];
	_ =	sdelay $0x1  }
0x189: {  	v2 =	vpack.i.f32.bf16 v2, v1;
	v1 =	vld [tilespmem:s11+$0x10]  }
0x18a: {  	s12 =	simm.s32 $0x7830;
	[tilespmem:s18+$0x7800] =	vst v2;
	v2 =	vpack.i.f32.bf16 v4, v3;
	v3 =	vld [tilespmem:s11+$0x2810]  }
0x18b: {  	v4 =	vpack.i.f32.bf16 v6, v5;
	v5 =	vld [tilespmem:s11+$0x2820];
	[tilespmem:s12+$0xFFFFFFE0] =	vst v2  }
0x18c: {  	v6 =	vpack.i.f32.bf16 v10, v9;
	v2 =	vld [tilespmem:s11+$0x20];
	[tilespmem:s12+$0xFFFFFFF0] =	vst v4  }
0x18d: {  	v4 =	vpack.i.f32.bf16 v8, v7;
	[tilespmem:s16+$0x7800] =	vst v6;
	v6 =	vld [tilespmem:s11+$0x2830]  }
0x18e: {  	s13 =	simm.s32 $0x4;
	s17 =	simm.s32 $0x80;
	s16 =	simm.s32 $0x80;
	[tilespmem:s12+$0x0] =	vst v4;
	v4 =	vld [tilespmem:s11+$0x30]  }
.LBB2_16:
0x18f: {  	v7 =	vld [tilespmem:s17+$0x0];
	s18 =	sand.u32 $0x3FC0, s16;
	s13 =	sadd.s32 $0x4, s13;
	v1 =	vpack.i.f32.bf16 v3, v1;
	s12 =	sadd.s32 $0x40, s12  }
0x190: {  	v8 =	vld [tilespmem:s18+$0x2800];
	p0 =	slt.u32 s13, $0x27C;
	[tilespmem:s12+$0xFFFFFFE0] =	vst v1  }
0x191: {  	v1 =	vld [tilespmem:s17+$0x10];
	v2 =	vpack.i.f32.bf16 v5, v2  }
.Ltmp7:
0x192: {  	v3 =	vld [tilespmem:s17+$0x2810];
	[tilespmem:s12+$0xFFFFFFF0] =	vst v2;
	(pc) =	sbr.rel @p0 .LBB2_16-.Ltmp7, $4  }
0x193: {  	v2 =	vld [tilespmem:s17+$0x20];
	v4 =	vpack.i.f32.bf16 v6, v4  }
0x194: {  	v5 =	vld [tilespmem:s17+$0x2820];
	[tilespmem:s12+$0x0] =	vst v4  }
0x195: {  	v6 =	vpack.i.f32.bf16 v8, v7;
	v4 =	vld [tilespmem:s17+$0x30]  }
0x196: {  	s16 =	sadd.s32 $0x40, s16;
	[tilespmem:s18+$0x7800] =	vst v6;
	v6 =	vld [tilespmem:s17+$0x2830];
	s17 =	sadd.s32 $0x40, s17  }
0x197: {  	_ =	sdelay $0x1  }
0x198: {  	v1 =	vpack.i.f32.bf16 v3, v1;
	s12 =	sadd.s32 $0x40, s12  }
0x199: {  	[tilespmem:s12+$0xFFFFFFE0] =	vst v1;
	v1 =	vpack.i.f32.bf16 v5, v2  }
0x19a: {  	[tilespmem:s12+$0xFFFFFFF0] =	vst v1;
	v1 =	vpack.i.f32.bf16 v6, v4  }
0x19b: {  	[tilespmem:s12+$0x0] =	vst v1;
	s12 =	simm.s32 $0x0  }
.LBB2_18:
0x19c: {  	p0 =	sne.s32 s11, $0x27FC0;
	[tilespmem:s12+$0xA000] =	vst v0;
	s12 =	smov.u32 s11;
	s11 =	sadd.s32 $0x40, s11  }
.Ltmp8:
0x19d: {  	(pc) =	sbr.rel @p0 .LBB2_18-.Ltmp8, $2  }
0x19e: {  	_ =	sdelay $0x2  }
0x19f: {  	s12 =	sshra.s32 s12, $0x2  }
0x1a0: {  	[tilespmem:s12+$0xA000] =	vst v0;
	s11 =	simm.s32 $0x0;
	s17 =	simm.s32 $0x14000  }
0x1a1: {  	[tilespmem:s17], [sflag:$0x1] =	stream.linear.gather [hbm4b:s3+s11], $0x1F40, $0x38;
	[tilespmem:$0x1BE00] =	vst v63  }
0x1a2: {  	s18 =	simm.s32 $0x17F00  }
0x1a3: {  	[tilespmem:s18], [sflag:$0x3] =	stream.linear.gather [hbm4b:s24+s11], $0x1F40, $0x38;
	[tilespmem:$0x1BE00] =	vst v63  }
.LBB2_20:
0x1a4: {  	_ =	swait.ge [sflag:s2], $0x1F40  }
0x1a5: {  	s12 =	smul.u32 $0x3E80, s11;
	[sflag:s2] =	ssyncset.done $0x0  }
0x1a6: {  	[sflag:s2] =	ssyncadd.s32 $0xFFFFE0C0  }
0x1a7: {  	s13 =	sadd.s32 $0x1F40, s12;
	_ =	swait.ge [sflag:s6], $0x1F40  }
0x1a8: {  	s16 =	sshrl.u32 s13, $0x3;
	s13 =	sadd.s32 s14, s13;
	[sflag:s6] =	ssyncset.done $0x0  }
0x1a9: {  	s16 =	sadd.s32 s3, s16;
	s13 =	sshrl.u32 s13, $0x3;
	[sflag:s6] =	ssyncadd.s32 $0xFFFFE0C0  }
0x1aa: {  	[tilespmem:s7], [sflag:$0x2] =	stream.linear.gather [hbm4b:s16+s1], $0x1F40, $0x38;
	[tilespmem:$0x1BE00] =	vst v63  }
0x1ab: {  	s13 =	sadd.s32 s4, s13;
	s16 =	simm.s32 $0x14020  }
0x1ac: {  	[tilespmem:s8], [sflag:$0x4] =	stream.linear.gather [hbm4b:s13+s1], $0x1F40, $0x38;
	[tilespmem:$0x1BE00] =	vst v63  }
0x1ad: {  	v1 =	vld [tilespmem:s16+$0x10]  }
0x1ae: {  	v3 =	vld [tilespmem:s16+$0xFFFFFFE0];
	_ =	sdelay $0x3  }
0x1af: {  	v2 =	vld [tilespmem:s16+$0xFFFFFFF0];
	v5 =	vshra.s32 v1, $0xF  }
0x1b0: {  	v4 =	vld [tilespmem:s16+$0x0];
	v8 =	vshra.s32 v3, $0xF;
	_ =	sdelay $0x1  }
0x1b1: {  	s17 =	simm.s32 $0x17F20  }
0x1b2: {  	v14 =	vld [tilespmem:s17+$0x10]  }
0x1b3: {  	v7 =	vshra.s32 v2, $0xF;
	v9 =	vand.u32 $0x7FFF, v2;
	v2 =	vand.u32 $0x7F, v2;
	v6 =	vld.idx.msk [tilespmem:v5+s9+$0x0], $0xffff  }
0x1b4: {  	v10 =	vshra.s32 v4, $0xF;
	v12 =	vand.u32 $0x7FFF, v4;
	v13 =	vand.u32 $0x7FFF, v1;
	v20 =	vld.idx.msk [tilespmem:v8+s9+$0x0], $0xffff  }
0x1b5: {  	v21 =	vld [tilespmem:s17+$0xFFFFFFE0];
	v15 =	vand.u32 $0x7FFF, v3;
	v1 =	vand.u32 $0x7F, v1;
	v3 =	vand.u32 $0x7F, v3  }
0x1b6: {  	v4 =	vand.u32 $0x7F, v4;
	v11 =	vadd.s32 $0x2800, v9;
	v18 =	vadd.s32 $0x2800, v13  }
0x1b7: {  	v24 =	vld [tilespmem:s17+$0xFFFFFFF0];
	v16 =	vadd.s32 $0x2800, v12;
	v19 =	vadd.s32 $0x2800, v15;
	v18 =	vand.u32 $0xFF80, v18  }
0x1b8: {  	v19 =	vand.u32 $0xFF80, v19;
	v18 =	vor.u32 v1, v18;
	v17 =	vld.idx.msk [tilespmem:v7+s9+$0x0], $0xffff;
	v23 =	vunpack.i.l.bf16.f32 v6  }
0x1b9: {  	v19 =	vor.u32 v3, v19;
	v22 =	vld.idx.msk [tilespmem:v10+s9+$0x0], $0xffff;
	v26 =	vunpack.i.l.bf16.f32 v20;
	v23 =	vmul.f32 v23, v14  }
0x1ba: {  	v5 =	vadd.s32 $0x2800, v5;
	v25 =	vunpack.i.u.bf16.f32 v6;
	v6 =	vld [tilespmem:s17+$0x0];
	v42 =	vmul.f32 v26, v21  }
0x1bb: {  	v8 =	vadd.s32 $0x2800, v8;
	v20 =	vunpack.i.u.bf16.f32 v20;
	v25 =	vmul.f32 v25, v14;
	[tilespmem:v13+s31+$0x0] =	vst.idx.add.f32.msk $0xffff, v23  }
0x1bc: {  	v11 =	vand.u32 $0xFF80, v11;
	v16 =	vand.u32 $0xFF80, v16;
	v20 =	vmul.f32 v20, v21;
	[tilespmem:v15+s31+$0x0] =	vst.idx.add.f32.msk $0xffff, v42  }
0x1bd: {  	v11 =	vor.u32 v2, v11;
	v16 =	vor.u32 v4, v16;
	[tilespmem:v18+s31+$0x0] =	vst.idx.add.f32.msk $0xffff, v25  }
0x1be: {  	v7 =	vadd.s32 $0x2800, v7;
	v10 =	vadd.s32 $0x2800, v10;
	v18 =	vunpack.i.l.bf16.f32 v17;
	[tilespmem:v19+s31+$0x0] =	vst.idx.add.f32.msk $0xffff, v20  }
0x1bf: {  	v43 =	vunpack.i.l.bf16.f32 v22;
	v17 =	vunpack.i.u.bf16.f32 v17;
	v5 =	vld.idx.msk [tilespmem:v5+s9+$0x0], $0xffff;
	v18 =	vmul.f32 v18, v24  }
0x1c0: {  	v44 =	vunpack.i.u.bf16.f32 v22;
	v19 =	vadd.s32 $0x5000, v13;
	v17 =	vmul.f32 v17, v24;
	v8 =	vld.idx.msk [tilespmem:v8+s9+$0x0], $0xffff  }
0x1c1: {  	v13 =	vadd.s32 $0x7800, v13;
	v45 =	vmul.f32 v43, v6;
	[tilespmem:v9+s31+$0x0] =	vst.idx.add.f32.msk $0xffff, v18;
	v18 =	vand.u32 $0xFF80, v19  }
0x1c2: {  	v20 =	vmul.f32 v44, v6;
	v13 =	vand.u32 $0xFF80, v13;
	[tilespmem:v11+s31+$0x0] =	vst.idx.add.f32.msk $0xffff, v17;
	v11 =	vor.u32 v1, v18  }
0x1c3: {  	v13 =	vor.u32 v1, v13;
	v19 =	vadd.s32 $0x5000, v15;
	[tilespmem:v12+s31+$0x0] =	vst.idx.add.f32.msk $0xffff, v45  }
0x1c4: {  	v15 =	vadd.s32 $0x7800, v15;
	v17 =	vadd.s32 $0x5000, v9;
	[tilespmem:v16+s31+$0x0] =	vst.idx.add.f32.msk $0xffff, v20;
	v16 =	vunpack.i.l.bf16.f32 v5  }
0x1c5: {  	v9 =	vadd.s32 $0x7800, v9;
	v18 =	vadd.s32 $0x5000, v12;
	v7 =	vld.idx.msk [tilespmem:v7+s9+$0x0], $0xffff;
	v16 =	vmul.f32 v16, v14  }
0x1c6: {  	v12 =	vadd.s32 $0x7800, v12;
	v19 =	vand.u32 $0xFF80, v19;
	v15 =	vand.u32 $0xFF80, v15;
	v10 =	vld.idx.msk [tilespmem:v10+s9+$0x0], $0xffff  }
0x1c7: {  	s18 =	simm.s32 $0x14060;
	v17 =	vand.u32 $0xFF80, v17;
	v9 =	vand.u32 $0xFF80, v9;
	v1 =	vand.u32 $0xFF80, v18;
	[tilespmem:v11+s31+$0x0] =	vst.idx.add.f32.msk $0xffff, v16  }
0x1c8: {  	v5 =	vunpack.i.u.bf16.f32 v5;
	v9 =	vor.u32 v2, v9;
	v1 =	vor.u32 v4, v1;
	v16 =	vld [tilespmem:s18+$0x10]  }
0x1c9: {  	v5 =	vmul.f32 v5, v14;
	v14 =	vld [tilespmem:s18+$0xFFFFFFF0];
	v11 =	vand.u32 $0xFF80, v12;
	v12 =	vor.u32 v3, v19  }
0x1ca: {  	v18 =	vunpack.i.l.bf16.f32 v8;
	v3 =	vor.u32 v3, v15;
	v15 =	vor.u32 v2, v17;
	v17 =	vld [tilespmem:s18+$0x0]  }
0x1cb: {  	v2 =	vor.u32 v4, v11;
	v4 =	vunpack.i.u.bf16.f32 v8;
	v8 =	vld [tilespmem:s18+$0xFFFFFFE0];
	v11 =	vmul.f32 v18, v21  }
0x1cc: {  	s13 =	simm.s32 $0x17F60;
	[tilespmem:v13+s31+$0x0] =	vst.idx.add.f32.msk $0xffff, v5;
	v5 =	vunpack.i.u.bf16.f32 v7;
	v7 =	vunpack.i.l.bf16.f32 v7;
	v27 =	vunpack.i.u.bf16.f32 v10  }
0x1cd: {  	v49 =	vld [tilespmem:s13+$0x10];
	v10 =	vunpack.i.l.bf16.f32 v10;
	v7 =	vmul.f32 v7, v24;
	v13 =	vshra.s32 v16, $0xF  }
0x1ce: {  	v4 =	vmul.f32 v4, v21;
	v5 =	vmul.f32 v5, v24;
	[tilespmem:v12+s31+$0x0] =	vst.idx.add.f32.msk $0xffff, v11;
	v11 =	vshra.s32 v14, $0xF  }
0x1cf: {  	v18 =	vand.u32 $0x7F, v14;
	v12 =	vand.u32 $0x7FFF, v14;
	v19 =	vshra.s32 v17, $0xF;
	[tilespmem:v15+s31+$0x0] =	vst.idx.add.f32.msk $0xffff, v7  }
0x1d0: {  	v14 =	vand.u32 $0x7FFF, v17;
	v17 =	vand.u32 $0x7F, v17;
	v48 =	vand.u32 $0x7FFF, v16;
	[tilespmem:v3+s31+$0x0] =	vst.idx.add.f32.msk $0xffff, v4  }
0x1d1: {  	v4 =	vshra.s32 v8, $0xF;
	v7 =	vand.u32 $0x7FFF, v8;
	v15 =	vadd.s32 $0x2800, v14;
	[tilespmem:v9+s31+$0x0] =	vst.idx.add.f32.msk $0xffff, v5  }
0x1d2: {  	v16 =	vand.u32 $0x7F, v16;
	v5 =	vadd.s32 $0x2800, v7;
	v9 =	vand.u32 $0xFF80, v15;
	v15 =	vld.idx.msk [tilespmem:v13+s9+$0x0], $0xffff  }
0x1d3: {  	v3 =	vadd.s32 $0x2800, v12;
	v8 =	vand.u32 $0x7F, v8;
	v5 =	vand.u32 $0xFF80, v5;
	v50 =	vld.idx.msk [tilespmem:v11+s9+$0x0], $0xffff  }
0x1d4: {  	v33 =	vadd.s32 $0x5000, v12;
	v3 =	vand.u32 $0xFF80, v3;
	v46 =	vor.u32 v8, v5;
	v5 =	vld [tilespmem:s13+$0xFFFFFFF0]  }
0x1d5: {  	v35 =	vadd.s32 $0x7800, v12;
	v47 =	vor.u32 v18, v3;
	v3 =	vadd.s32 $0x2800, v48  }
0x1d6: {  	v53 =	vadd.s32 $0x5000, v14;
	v55 =	vadd.s32 $0x7800, v14;
	v3 =	vand.u32 $0xFF80, v3;
	v52 =	vld.idx.msk [tilespmem:v4+s9+$0x0], $0xffff  }
0x1d7: {  	v51 =	vadd.s32 $0x2800, v4;
	v28 =	vor.u32 v16, v3;
	v4 =	vld [tilespmem:s13+$0xFFFFFFE0];
	v3 =	vunpack.i.l.bf16.f32 v15  }
0x1d8: {  	v29 =	vld.idx.msk [tilespmem:v19+s9+$0x0], $0xffff;
	v13 =	vadd.s32 $0x2800, v13;
	v24 =	vunpack.i.l.bf16.f32 v50;
	v32 =	vmul.f32 v3, v49  }
0x1d9: {  	v56 =	vadd.s32 $0x7800, v48;
	v15 =	vunpack.i.u.bf16.f32 v15;
	v3 =	vld [tilespmem:s13+$0x0];
	v24 =	vmul.f32 v24, v5  }
0x1da: {  	v30 =	vadd.s32 $0x5000, v7;
	v31 =	vadd.s32 $0x7800, v7;
	v15 =	vmul.f32 v15, v49;
	[tilespmem:v48+s31+$0x0] =	vst.idx.add.f32.msk $0xffff, v32  }
0x1db: {  	v59 =	vand.u32 $0xFF80, v33;
	v9 =	vor.u32 v17, v9;
	v36 =	vunpack.i.l.bf16.f32 v52;
	[tilespmem:v12+s31+$0x0] =	vst.idx.add.f32.msk $0xffff, v24  }
0x1dc: {  	v11 =	vadd.s32 $0x2800, v11;
	v34 =	vunpack.i.u.bf16.f32 v50;
	v36 =	vmul.f32 v36, v4;
	[tilespmem:v28+s31+$0x0] =	vst.idx.add.f32.msk $0xffff, v15  }
0x1dd: {  	v54 =	vunpack.i.l.bf16.f32 v29;
	v26 =	vunpack.i.u.bf16.f32 v52;
	v34 =	vmul.f32 v34, v5;
	v13 =	vld.idx.msk [tilespmem:v13+s9+$0x0], $0xffff  }
0x1de: {  	v26 =	vmul.f32 v26, v4;
	v15 =	vunpack.i.u.bf16.f32 v29;
	[tilespmem:v7+s31+$0x0] =	vst.idx.add.f32.msk $0xffff, v36;
	v7 =	vadd.s32 $0x5000, v48  }
0x1df: {  	[tilespmem:v47+s31+$0x0] =	vst.idx.add.f32.msk $0xffff, v34;
	v12 =	vand.u32 $0xFF80, v7;
	v7 =	vmul.f32 v10, v6;
	v28 =	vmul.f32 v54, v3  }
0x1e0: {  	[tilespmem:v46+s31+$0x0] =	vst.idx.add.f32.msk $0xffff, v26;
	v15 =	vmul.f32 v15, v3;
	v10 =	vor.u32 v16, v12;
	v12 =	vand.u32 $0xFF80, v56  }
0x1e1: {  	v60 =	vand.u32 $0xFF80, v35;
	v61 =	vand.u32 $0xFF80, v53;
	v58 =	vor.u32 v16, v12;
	[tilespmem:v14+s31+$0x0] =	vst.idx.add.f32.msk $0xffff, v28  }
0x1e2: {  	v30 =	vand.u32 $0xFF80, v30;
	v57 =	vand.u32 $0xFF80, v31;
	[tilespmem:v9+s31+$0x0] =	vst.idx.add.f32.msk $0xffff, v15;
	v9 =	vunpack.i.l.bf16.f32 v13  }
0x1e3: {  	v6 =	vmul.f32 v27, v6;
	v16 =	vld.idx.msk [tilespmem:v11+s9+$0x0], $0xffff;
	v13 =	vunpack.i.u.bf16.f32 v13;
	v9 =	vmul.f32 v9, v49  }
0x1e4: {  	v12 =	vor.u32 v8, v57;
	v11 =	vor.u32 v18, v60;
	v15 =	vld.idx.msk [tilespmem:v51+s9+$0x0], $0xffff;
	v62 =	vmul.f32 v13, v49  }
0x1e5: {  	v63 =	vand.u32 $0xFF80, v55;
	v14 =	vor.u32 v8, v30;
	v13 =	vor.u32 v18, v59;
	[tilespmem:v10+s31+$0x0] =	vst.idx.add.f32.msk $0xffff, v9  }
0x1e6: {  	s16 =	simm.s32 $0x4;
	s17 =	simm.s32 $0x140A0;
	v8 =	vadd.s32 $0x2800, v19;
	v10 =	vor.u32 v17, v61;
	v9 =	vor.u32 v17, v63;
	[tilespmem:v58+s31+$0x0] =	vst.idx.add.f32.msk $0xffff, v62  }
.LBB2_21:
0x1e7: {  	v17 =	vld [tilespmem:s17+$0x10]  }
0x1e8: {  	v18 =	vld [tilespmem:s17+$0xFFFFFFF0]  }
0x1e9: {  	s16 =	sadd.s32 $0x4, s16;
	v20 =	vunpack.i.u.bf16.f32 v15;
	v15 =	vunpack.i.l.bf16.f32 v15;
	v19 =	vld [tilespmem:s17+$0x0]  }
0x1ea: {  	p0 =	slt.u32 s16, $0x1F0;
	v15 =	vmul.f32 v15, v4;
	v22 =	vunpack.i.u.bf16.f32 v16;
	v16 =	vunpack.i.l.bf16.f32 v16;
	v21 =	vld [tilespmem:s17+$0xFFFFFFE0]  }
0x1eb: {  	v4 =	vmul.f32 v20, v4;
	v16 =	vmul.f32 v16, v5;
	v20 =	vld.idx.msk [tilespmem:v8+s9+$0x0], $0xffff  }
0x1ec: {  	v5 =	vmul.f32 v22, v5;
	v23 =	vshra.s32 v17, $0xF;
	[tilespmem:v14+s31+$0x0] =	vst.idx.add.f32.msk $0xffff, v15  }
0x1ed: {  	v8 =	vshra.s32 v18, $0xF;
	v14 =	vand.u32 $0x7FFF, v18;
	v18 =	vand.u32 $0x7F, v18;
	[tilespmem:v12+s31+$0x0] =	vst.idx.add.f32.msk $0xffff, v4  }
0x1ee: {  	v4 =	vadd.s32 $0x2800, v14;
	v12 =	vshra.s32 v19, $0xF;
	v15 =	vand.u32 $0x7FFF, v19;
	[tilespmem:v13+s31+$0x0] =	vst.idx.add.f32.msk $0xffff, v16  }
0x1ef: {  	v13 =	vshra.s32 v21, $0xF;
	v16 =	vand.u32 $0x7FFF, v21;
	v22 =	vadd.s32 $0x2800, v15;
	[tilespmem:v11+s31+$0x0] =	vst.idx.add.f32.msk $0xffff, v5  }
0x1f0: {  	v4 =	vand.u32 $0xFF80, v4;
	v5 =	vadd.s32 $0x2800, v16;
	v11 =	vand.u32 $0xFF80, v22;
	[tilespmem:v1+s31+$0x0] =	vst.idx.add.f32.msk $0xffff, v7;
	v1 =	vmovc v10  }
0x1f1: {  	v19 =	vand.u32 $0x7F, v19;
	v10 =	vand.u32 $0x7F, v21;
	v5 =	vand.u32 $0xFF80, v5;
	v7 =	vld.idx.msk [tilespmem:v23+s9+$0x0], $0xffff  }
0x1f2: {  	s13 =	sadd.s32 $0x40, s13;
	v24 =	vor.u32 v18, v4;
	v11 =	vor.u32 v19, v11;
	v21 =	vor.u32 v10, v5;
	v22 =	vld.idx.msk [tilespmem:v8+s9+$0x0], $0xffff  }
0x1f3: {  	v27 =	vand.u32 $0x7FFF, v17;
	v26 =	vadd.s32 $0x2800, v8;
	v25 =	vadd.s32 $0x2800, v13;
	v28 =	vld [tilespmem:s13+$0x10]  }
0x1f4: {  	v4 =	vadd.s32 $0x2800, v27;
	v29 =	vunpack.i.u.bf16.f32 v20;
	v8 =	vadd.s32 $0x2800, v12;
	v13 =	vld.idx.msk [tilespmem:v13+s9+$0x0], $0xffff  }
0x1f5: {  	v17 =	vand.u32 $0x7F, v17;
	v20 =	vunpack.i.l.bf16.f32 v20;
	v5 =	vand.u32 $0xFF80, v4;
	v12 =	vld.idx.msk [tilespmem:v12+s9+$0x0], $0xffff  }
0x1f6: {  	v30 =	vadd.s32 $0x5000, v16;
	v31 =	vadd.s32 $0x7800, v16;
	v32 =	vor.u32 v17, v5;
	v4 =	vld [tilespmem:s13+$0xFFFFFFE0]  }
0x1f7: {  	v33 =	vadd.s32 $0x5000, v14;
	v23 =	vadd.s32 $0x2800, v23;
	v34 =	vunpack.i.l.bf16.f32 v7;
	v5 =	vld [tilespmem:s13+$0xFFFFFFF0]  }
0x1f8: {  	v7 =	vunpack.i.u.bf16.f32 v7;
	v35 =	vunpack.i.u.bf16.f32 v22;
	v36 =	vld [tilespmem:s13+$0x0];
	v34 =	vmul.f32 v34, v28  }
0x1f9: {  	v37 =	vadd.s32 $0x7800, v14;
	v22 =	vunpack.i.l.bf16.f32 v22;
	v7 =	vmul.f32 v7, v28;
	[tilespmem:v2+s31+$0x0] =	vst.idx.add.f32.msk $0xffff, v6;
	v2 =	vmovc v9  }
0x1fa: {  	v6 =	vunpack.i.u.bf16.f32 v13;
	v9 =	vunpack.i.l.bf16.f32 v13;
	v13 =	vadd.s32 $0x5000, v15;
	[tilespmem:v27+s31+$0x0] =	vst.idx.add.f32.msk $0xffff, v34  }
0x1fb: {  	v34 =	vunpack.i.u.bf16.f32 v12;
	v12 =	vunpack.i.l.bf16.f32 v12;
	v9 =	vmul.f32 v9, v4;
	[tilespmem:v32+s31+$0x0] =	vst.idx.add.f32.msk $0xffff, v7  }
0x1fc: {  	v6 =	vmul.f32 v6, v4;
	v32 =	vadd.s32 $0x7800, v15;
	v22 =	vmul.f32 v22, v5;
	v23 =	vld.idx.msk [tilespmem:v23+s9+$0x0], $0xffff  }
0x1fd: {  	[tilespmem:v16+s31+$0x0] =	vst.idx.add.f32.msk $0xffff, v9;
	v9 =	vand.u32 $0xFF80, v30;
	v16 =	vmul.f32 v35, v5;
	v12 =	vmul.f32 v12, v36  }
0x1fe: {  	v7 =	vmul.f32 v20, v3;
	[tilespmem:v21+s31+$0x0] =	vst.idx.add.f32.msk $0xffff, v6;
	v21 =	vmul.f32 v34, v36;
	v6 =	vadd.s32 $0x5000, v27  }
0x1ff: {  	v20 =	vadd.s32 $0x7800, v27;
	[tilespmem:v14+s31+$0x0] =	vst.idx.add.f32.msk $0xffff, v22;
	v14 =	vand.u32 $0xFF80, v6;
	v6 =	vmul.f32 v29, v3;
	v3 =	vmovc v36  }
0x200: {  	v22 =	vand.u32 $0xFF80, v31;
	[tilespmem:v24+s31+$0x0] =	vst.idx.add.f32.msk $0xffff, v16;
	v24 =	vor.u32 v17, v14;
	v14 =	vand.u32 $0xFF80, v20  }
0x201: {  	v27 =	vand.u32 $0xFF80, v37;
	v20 =	vand.u32 $0xFF80, v33;
	[tilespmem:v15+s31+$0x0] =	vst.idx.add.f32.msk $0xffff, v12;
	v17 =	vor.u32 v17, v14  }
.Ltmp9:
0x202: {  	v29 =	vand.u32 $0xFF80, v32;
	[tilespmem:v11+s31+$0x0] =	vst.idx.add.f32.msk $0xffff, v21;
	v21 =	vand.u32 $0xFF80, v13;
	v11 =	vunpack.i.l.bf16.f32 v23;
	(pc) =	sbr.rel @p0 .LBB2_21-.Ltmp9, $4  }
0x203: {  	v14 =	vor.u32 v10, v9;
	v9 =	vunpack.i.u.bf16.f32 v23;
	v15 =	vld.idx.msk [tilespmem:v25+s9+$0x0], $0xffff;
	v23 =	vmul.f32 v11, v28  }
0x204: {  	v12 =	vor.u32 v10, v22;
	v13 =	vor.u32 v18, v20;
	v20 =	vmul.f32 v9, v28;
	v16 =	vld.idx.msk [tilespmem:v26+s9+$0x0], $0xffff  }
0x205: {  	v11 =	vor.u32 v18, v27;
	v10 =	vor.u32 v19, v21;
	[tilespmem:v24+s31+$0x0] =	vst.idx.add.f32.msk $0xffff, v23  }
0x206: {  	s17 =	sadd.s32 $0x40, s17;
	v9 =	vor.u32 v19, v29;
	[tilespmem:v17+s31+$0x0] =	vst.idx.add.f32.msk $0xffff, v20  }
0x207: {  	_ =	sdelay $0x3  }
0x208: {  	v8 =	vld.idx.msk [tilespmem:v8+s9+$0x0], $0xffff  }
0x209: {  	v17 =	vunpack.i.l.bf16.f32 v15  }
0x20a: {  	[tilespmem:v1+s31+$0x0] =	vst.idx.add.f32.msk $0xffff, v7;
	v15 =	vunpack.i.u.bf16.f32 v15;
	v17 =	vmul.f32 v17, v4  }
0x20b: {  	[tilespmem:v2+s31+$0x0] =	vst.idx.add.f32.msk $0xffff, v6;
	v18 =	vunpack.i.l.bf16.f32 v16;
	v4 =	vmul.f32 v15, v4  }
0x20c: {  	v15 =	vunpack.i.u.bf16.f32 v16;
	v16 =	vmul.f32 v18, v5;
	[tilespmem:v14+s31+$0x0] =	vst.idx.add.f32.msk $0xffff, v17  }
0x20d: {  	v5 =	vmul.f32 v15, v5;
	[tilespmem:v12+s31+$0x0] =	vst.idx.add.f32.msk $0xffff, v4;
	v4 =	vunpack.i.l.bf16.f32 v8  }
0x20e: {  	[tilespmem:v13+s31+$0x0] =	vst.idx.add.f32.msk $0xffff, v16;
	v1 =	vunpack.i.u.bf16.f32 v8;
	v4 =	vmul.f32 v4, v3  }
0x20f: {  	[tilespmem:v11+s31+$0x0] =	vst.idx.add.f32.msk $0xffff, v5;
	v1 =	vmul.f32 v1, v3  }
0x210: {  	[tilespmem:v10+s31+$0x0] =	vst.idx.add.f32.msk $0xffff, v4  }
0x211: {  	[tilespmem:v9+s31+$0x0] =	vst.idx.add.f32.msk $0xffff, v1  }
0x212: {  	_ =	swait.ge [sflag:s0], $0x1F40  }
0x213: {  	p0 =	seq.s32 s11, $0x13;
	[sflag:s0] =	ssyncset.done $0x0  }
0x214: {  	s12 =	sadd.s32 @!p0 $0x3E80, s12;
	[sflag:s0] =	ssyncadd.s32 $0xFFFFE0C0  }
0x215: {  	s16 =	simm.s32 @!p0 $0x0;
	s17 =	simm.s32 @!p0 $0x14000;
	_ =	swait.ge [sflag:s10], $0x1F40  }
0x216: {  	s13 =	sshrl.u32 @!p0 s12, $0x3;
	s12 =	sadd.s32 @!p0 s14, s12;
	[sflag:s10] =	ssyncset.done $0x0  }
0x217: {  	s13 =	sadd.s32 @!p0 s3, s13;
	s12 =	sshrl.u32 @!p0 s12, $0x3;
	[sflag:s10] =	ssyncadd.s32 $0xFFFFE0C0  }
0x218: {  	[tilespmem:s17], [sflag:$0x1] =	stream.linear.gather @!p0 [hbm4b:s13+s16], $0x1F40, $0x38;
	[tilespmem:$0x1BE00] =	vst v63  }
0x219: {  	s12 =	sadd.s32 @!p0 s4, s12;
	s13 =	simm.s32 @!p0 $0x17F00  }
0x21a: {  	[tilespmem:s13], [sflag:$0x3] =	stream.linear.gather @!p0 [hbm4b:s12+s16], $0x1F40, $0x38;
	[tilespmem:$0x1BE00] =	vst v63  }
0x21b: {  	s16 =	simm.s32 $0x15FA0  }
0x21c: {  	v1 =	vld [tilespmem:s16+$0x10]  }
0x21d: {  	v3 =	vld [tilespmem:s16+$0xFFFFFFE0];
	_ =	sdelay $0x3  }
0x21e: {  	v2 =	vld [tilespmem:s16+$0xFFFFFFF0];
	v5 =	vshra.s32 v1, $0xF  }
0x21f: {  	v4 =	vld [tilespmem:s16+$0x0];
	v8 =	vshra.s32 v3, $0xF;
	_ =	sdelay $0x1  }
0x220: {  	s17 =	simm.s32 $0x19EA0  }
0x221: {  	v14 =	vld [tilespmem:s17+$0x10]  }
0x222: {  	v7 =	vshra.s32 v2, $0xF;
	v9 =	vand.u32 $0x7FFF, v2;
	v2 =	vand.u32 $0x7F, v2;
	v6 =	vld.idx.msk [tilespmem:v5+s9+$0x0], $0xffff  }
0x223: {  	v10 =	vshra.s32 v4, $0xF;
	v12 =	vand.u32 $0x7FFF, v4;
	v13 =	vand.u32 $0x7FFF, v1;
	v20 =	vld.idx.msk [tilespmem:v8+s9+$0x0], $0xffff  }
0x224: {  	v21 =	vld [tilespmem:s17+$0xFFFFFFE0];
	v15 =	vand.u32 $0x7FFF, v3;
	v1 =	vand.u32 $0x7F, v1;
	v3 =	vand.u32 $0x7F, v3  }
0x225: {  	v4 =	vand.u32 $0x7F, v4;
	v11 =	vadd.s32 $0x2800, v9;
	v18 =	vadd.s32 $0x2800, v13  }
0x226: {  	v24 =	vld [tilespmem:s17+$0xFFFFFFF0];
	v16 =	vadd.s32 $0x2800, v12;
	v19 =	vadd.s32 $0x2800, v15;
	v18 =	vand.u32 $0xFF80, v18  }
0x227: {  	v19 =	vand.u32 $0xFF80, v19;
	v18 =	vor.u32 v1, v18;
	v17 =	vld.idx.msk [tilespmem:v7+s9+$0x0], $0xffff;
	v23 =	vunpack.i.l.bf16.f32 v6  }
0x228: {  	v19 =	vor.u32 v3, v19;
	v22 =	vld.idx.msk [tilespmem:v10+s9+$0x0], $0xffff;
	v26 =	vunpack.i.l.bf16.f32 v20;
	v23 =	vmul.f32 v23, v14  }
0x229: {  	v5 =	vadd.s32 $0x2800, v5;
	v25 =	vunpack.i.u.bf16.f32 v6;
	v6 =	vld [tilespmem:s17+$0x0];
	v42 =	vmul.f32 v26, v21  }
0x22a: {  	v8 =	vadd.s32 $0x2800, v8;
	v20 =	vunpack.i.u.bf16.f32 v20;
	v25 =	vmul.f32 v25, v14;
	[tilespmem:v13+s31+$0x0] =	vst.idx.add.f32.msk $0xffff, v23  }
0x22b: {  	v11 =	vand.u32 $0xFF80, v11;
	v16 =	vand.u32 $0xFF80, v16;
	v20 =	vmul.f32 v20, v21;
	[tilespmem:v15+s31+$0x0] =	vst.idx.add.f32.msk $0xffff, v42  }
0x22c: {  	v11 =	vor.u32 v2, v11;
	v16 =	vor.u32 v4, v16;
	[tilespmem:v18+s31+$0x0] =	vst.idx.add.f32.msk $0xffff, v25  }
0x22d: {  	v7 =	vadd.s32 $0x2800, v7;
	v10 =	vadd.s32 $0x2800, v10;
	v18 =	vunpack.i.l.bf16.f32 v17;
	[tilespmem:v19+s31+$0x0] =	vst.idx.add.f32.msk $0xffff, v20  }
0x22e: {  	v43 =	vunpack.i.l.bf16.f32 v22;
	v17 =	vunpack.i.u.bf16.f32 v17;
	v5 =	vld.idx.msk [tilespmem:v5+s9+$0x0], $0xffff;
	v18 =	vmul.f32 v18, v24  }
0x22f: {  	v44 =	vunpack.i.u.bf16.f32 v22;
	v19 =	vadd.s32 $0x5000, v13;
	v17 =	vmul.f32 v17, v24;
	v8 =	vld.idx.msk [tilespmem:v8+s9+$0x0], $0xffff  }
0x230: {  	v13 =	vadd.s32 $0x7800, v13;
	v45 =	vmul.f32 v43, v6;
	[tilespmem:v9+s31+$0x0] =	vst.idx.add.f32.msk $0xffff, v18;
	v18 =	vand.u32 $0xFF80, v19  }
0x231: {  	v20 =	vmul.f32 v44, v6;
	v13 =	vand.u32 $0xFF80, v13;
	[tilespmem:v11+s31+$0x0] =	vst.idx.add.f32.msk $0xffff, v17;
	v11 =	vor.u32 v1, v18  }
0x232: {  	v13 =	vor.u32 v1, v13;
	v19 =	vadd.s32 $0x5000, v15;
	[tilespmem:v12+s31+$0x0] =	vst.idx.add.f32.msk $0xffff, v45  }
0x233: {  	v15 =	vadd.s32 $0x7800, v15;
	v17 =	vadd.s32 $0x5000, v9;
	[tilespmem:v16+s31+$0x0] =	vst.idx.add.f32.msk $0xffff, v20;
	v16 =	vunpack.i.l.bf16.f32 v5  }
0x234: {  	v9 =	vadd.s32 $0x7800, v9;
	v18 =	vadd.s32 $0x5000, v12;
	v7 =	vld.idx.msk [tilespmem:v7+s9+$0x0], $0xffff;
	v16 =	vmul.f32 v16, v14  }
0x235: {  	v12 =	vadd.s32 $0x7800, v12;
	v19 =	vand.u32 $0xFF80, v19;
	v15 =	vand.u32 $0xFF80, v15;
	v10 =	vld.idx.msk [tilespmem:v10+s9+$0x0], $0xffff  }
0x236: {  	s18 =	simm.s32 $0x15FE0;
	v17 =	vand.u32 $0xFF80, v17;
	v9 =	vand.u32 $0xFF80, v9;
	v1 =	vand.u32 $0xFF80, v18;
	[tilespmem:v11+s31+$0x0] =	vst.idx.add.f32.msk $0xffff, v16  }
0x237: {  	v5 =	vunpack.i.u.bf16.f32 v5;
	v9 =	vor.u32 v2, v9;
	v1 =	vor.u32 v4, v1;
	v16 =	vld [tilespmem:s18+$0x10]  }
0x238: {  	v5 =	vmul.f32 v5, v14;
	v14 =	vld [tilespmem:s18+$0xFFFFFFF0];
	v11 =	vand.u32 $0xFF80, v12;
	v12 =	vor.u32 v3, v19  }
0x239: {  	v18 =	vunpack.i.l.bf16.f32 v8;
	v3 =	vor.u32 v3, v15;
	v15 =	vor.u32 v2, v17;
	v17 =	vld [tilespmem:s18+$0x0]  }
0x23a: {  	v2 =	vor.u32 v4, v11;
	v4 =	vunpack.i.u.bf16.f32 v8;
	v8 =	vld [tilespmem:s18+$0xFFFFFFE0];
	v11 =	vmul.f32 v18, v21  }
0x23b: {  	s12 =	simm.s32 $0x19EE0;
	[tilespmem:v13+s31+$0x0] =	vst.idx.add.f32.msk $0xffff, v5;
	v5 =	vunpack.i.u.bf16.f32 v7;
	v7 =	vunpack.i.l.bf16.f32 v7;
	v27 =	vunpack.i.u.bf16.f32 v10  }
0x23c: {  	v49 =	vld [tilespmem:s12+$0x10];
	v10 =	vunpack.i.l.bf16.f32 v10;
	v7 =	vmul.f32 v7, v24;
	v13 =	vshra.s32 v16, $0xF  }
0x23d: {  	v4 =	vmul.f32 v4, v21;
	v5 =	vmul.f32 v5, v24;
	[tilespmem:v12+s31+$0x0] =	vst.idx.add.f32.msk $0xffff, v11;
	v11 =	vshra.s32 v14, $0xF  }
0x23e: {  	v18 =	vand.u32 $0x7F, v14;
	v12 =	vand.u32 $0x7FFF, v14;
	v19 =	vshra.s32 v17, $0xF;
	[tilespmem:v15+s31+$0x0] =	vst.idx.add.f32.msk $0xffff, v7  }
0x23f: {  	v14 =	vand.u32 $0x7FFF, v17;
	v17 =	vand.u32 $0x7F, v17;
	v48 =	vand.u32 $0x7FFF, v16;
	[tilespmem:v3+s31+$0x0] =	vst.idx.add.f32.msk $0xffff, v4  }
0x240: {  	v4 =	vshra.s32 v8, $0xF;
	v7 =	vand.u32 $0x7FFF, v8;
	v15 =	vadd.s32 $0x2800, v14;
	[tilespmem:v9+s31+$0x0] =	vst.idx.add.f32.msk $0xffff, v5  }
0x241: {  	v16 =	vand.u32 $0x7F, v16;
	v5 =	vadd.s32 $0x2800, v7;
	v9 =	vand.u32 $0xFF80, v15;
	v15 =	vld.idx.msk [tilespmem:v13+s9+$0x0], $0xffff  }
0x242: {  	v3 =	vadd.s32 $0x2800, v12;
	v8 =	vand.u32 $0x7F, v8;
	v5 =	vand.u32 $0xFF80, v5;
	v50 =	vld.idx.msk [tilespmem:v11+s9+$0x0], $0xffff  }
0x243: {  	v33 =	vadd.s32 $0x5000, v12;
	v3 =	vand.u32 $0xFF80, v3;
	v46 =	vor.u32 v8, v5;
	v5 =	vld [tilespmem:s12+$0xFFFFFFF0]  }
0x244: {  	v35 =	vadd.s32 $0x7800, v12;
	v47 =	vor.u32 v18, v3;
	v3 =	vadd.s32 $0x2800, v48  }
0x245: {  	v53 =	vadd.s32 $0x5000, v14;
	v55 =	vadd.s32 $0x7800, v14;
	v3 =	vand.u32 $0xFF80, v3;
	v52 =	vld.idx.msk [tilespmem:v4+s9+$0x0], $0xffff  }
0x246: {  	v51 =	vadd.s32 $0x2800, v4;
	v28 =	vor.u32 v16, v3;
	v4 =	vld [tilespmem:s12+$0xFFFFFFE0];
	v3 =	vunpack.i.l.bf16.f32 v15  }
0x247: {  	v29 =	vld.idx.msk [tilespmem:v19+s9+$0x0], $0xffff;
	v13 =	vadd.s32 $0x2800, v13;
	v24 =	vunpack.i.l.bf16.f32 v50;
	v32 =	vmul.f32 v3, v49  }
0x248: {  	v56 =	vadd.s32 $0x7800, v48;
	v15 =	vunpack.i.u.bf16.f32 v15;
	v3 =	vld [tilespmem:s12+$0x0];
	v24 =	vmul.f32 v24, v5  }
0x249: {  	v30 =	vadd.s32 $0x5000, v7;
	v31 =	vadd.s32 $0x7800, v7;
	v15 =	vmul.f32 v15, v49;
	[tilespmem:v48+s31+$0x0] =	vst.idx.add.f32.msk $0xffff, v32  }
0x24a: {  	v59 =	vand.u32 $0xFF80, v33;
	v9 =	vor.u32 v17, v9;
	v36 =	vunpack.i.l.bf16.f32 v52;
	[tilespmem:v12+s31+$0x0] =	vst.idx.add.f32.msk $0xffff, v24  }
0x24b: {  	v11 =	vadd.s32 $0x2800, v11;
	v34 =	vunpack.i.u.bf16.f32 v50;
	v36 =	vmul.f32 v36, v4;
	[tilespmem:v28+s31+$0x0] =	vst.idx.add.f32.msk $0xffff, v15  }
0x24c: {  	v54 =	vunpack.i.l.bf16.f32 v29;
	v26 =	vunpack.i.u.bf16.f32 v52;
	v34 =	vmul.f32 v34, v5;
	v13 =	vld.idx.msk [tilespmem:v13+s9+$0x0], $0xffff  }
0x24d: {  	v26 =	vmul.f32 v26, v4;
	v15 =	vunpack.i.u.bf16.f32 v29;
	[tilespmem:v7+s31+$0x0] =	vst.idx.add.f32.msk $0xffff, v36;
	v7 =	vadd.s32 $0x5000, v48  }
0x24e: {  	[tilespmem:v47+s31+$0x0] =	vst.idx.add.f32.msk $0xffff, v34;
	v12 =	vand.u32 $0xFF80, v7;
	v7 =	vmul.f32 v10, v6;
	v28 =	vmul.f32 v54, v3  }
0x24f: {  	[tilespmem:v46+s31+$0x0] =	vst.idx.add.f32.msk $0xffff, v26;
	v15 =	vmul.f32 v15, v3;
	v10 =	vor.u32 v16, v12;
	v12 =	vand.u32 $0xFF80, v56  }
0x250: {  	v60 =	vand.u32 $0xFF80, v35;
	v61 =	vand.u32 $0xFF80, v53;
	v58 =	vor.u32 v16, v12;
	[tilespmem:v14+s31+$0x0] =	vst.idx.add.f32.msk $0xffff, v28  }
0x251: {  	v30 =	vand.u32 $0xFF80, v30;
	v57 =	vand.u32 $0xFF80, v31;
	[tilespmem:v9+s31+$0x0] =	vst.idx.add.f32.msk $0xffff, v15;
	v9 =	vunpack.i.l.bf16.f32 v13  }
0x252: {  	v6 =	vmul.f32 v27, v6;
	v16 =	vld.idx.msk [tilespmem:v11+s9+$0x0], $0xffff;
	v13 =	vunpack.i.u.bf16.f32 v13;
	v9 =	vmul.f32 v9, v49  }
0x253: {  	v12 =	vor.u32 v8, v57;
	v11 =	vor.u32 v18, v60;
	v15 =	vld.idx.msk [tilespmem:v51+s9+$0x0], $0xffff;
	v62 =	vmul.f32 v13, v49  }
0x254: {  	v63 =	vand.u32 $0xFF80, v55;
	v14 =	vor.u32 v8, v30;
	v13 =	vor.u32 v18, v59;
	[tilespmem:v10+s31+$0x0] =	vst.idx.add.f32.msk $0xffff, v9  }
0x255: {  	s13 =	simm.s32 $0x4;
	s16 =	simm.s32 $0x16020;
	v8 =	vadd.s32 $0x2800, v19;
	v10 =	vor.u32 v17, v61;
	v9 =	vor.u32 v17, v63;
	[tilespmem:v58+s31+$0x0] =	vst.idx.add.f32.msk $0xffff, v62  }
.LBB2_23:
0x256: {  	v17 =	vld [tilespmem:s16+$0x10]  }
0x257: {  	v18 =	vld [tilespmem:s16+$0xFFFFFFF0]  }
0x258: {  	s13 =	sadd.s32 $0x4, s13;
	v20 =	vunpack.i.u.bf16.f32 v15;
	v15 =	vunpack.i.l.bf16.f32 v15;
	v19 =	vld [tilespmem:s16+$0x0]  }
0x259: {  	p0 =	slt.u32 s13, $0x1F0;
	v15 =	vmul.f32 v15, v4;
	v22 =	vunpack.i.u.bf16.f32 v16;
	v16 =	vunpack.i.l.bf16.f32 v16;
	v21 =	vld [tilespmem:s16+$0xFFFFFFE0]  }
0x25a: {  	v4 =	vmul.f32 v20, v4;
	v16 =	vmul.f32 v16, v5;
	v20 =	vld.idx.msk [tilespmem:v8+s9+$0x0], $0xffff  }
0x25b: {  	v5 =	vmul.f32 v22, v5;
	v23 =	vshra.s32 v17, $0xF;
	[tilespmem:v14+s31+$0x0] =	vst.idx.add.f32.msk $0xffff, v15  }
0x25c: {  	v8 =	vshra.s32 v18, $0xF;
	v14 =	vand.u32 $0x7FFF, v18;
	v18 =	vand.u32 $0x7F, v18;
	[tilespmem:v12+s31+$0x0] =	vst.idx.add.f32.msk $0xffff, v4  }
0x25d: {  	v4 =	vadd.s32 $0x2800, v14;
	v12 =	vshra.s32 v19, $0xF;
	v15 =	vand.u32 $0x7FFF, v19;
	[tilespmem:v13+s31+$0x0] =	vst.idx.add.f32.msk $0xffff, v16  }
0x25e: {  	v13 =	vshra.s32 v21, $0xF;
	v16 =	vand.u32 $0x7FFF, v21;
	v22 =	vadd.s32 $0x2800, v15;
	[tilespmem:v11+s31+$0x0] =	vst.idx.add.f32.msk $0xffff, v5  }
0x25f: {  	v4 =	vand.u32 $0xFF80, v4;
	v5 =	vadd.s32 $0x2800, v16;
	v11 =	vand.u32 $0xFF80, v22;
	[tilespmem:v1+s31+$0x0] =	vst.idx.add.f32.msk $0xffff, v7;
	v1 =	vmovc v10  }
0x260: {  	v19 =	vand.u32 $0x7F, v19;
	v10 =	vand.u32 $0x7F, v21;
	v5 =	vand.u32 $0xFF80, v5;
	v7 =	vld.idx.msk [tilespmem:v23+s9+$0x0], $0xffff  }
0x261: {  	s12 =	sadd.s32 $0x40, s12;
	v24 =	vor.u32 v18, v4;
	v11 =	vor.u32 v19, v11;
	v21 =	vor.u32 v10, v5;
	v22 =	vld.idx.msk [tilespmem:v8+s9+$0x0], $0xffff  }
0x262: {  	v27 =	vand.u32 $0x7FFF, v17;
	v26 =	vadd.s32 $0x2800, v8;
	v25 =	vadd.s32 $0x2800, v13;
	v28 =	vld [tilespmem:s12+$0x10]  }
0x263: {  	v4 =	vadd.s32 $0x2800, v27;
	v29 =	vunpack.i.u.bf16.f32 v20;
	v8 =	vadd.s32 $0x2800, v12;
	v13 =	vld.idx.msk [tilespmem:v13+s9+$0x0], $0xffff  }
0x264: {  	v17 =	vand.u32 $0x7F, v17;
	v20 =	vunpack.i.l.bf16.f32 v20;
	v5 =	vand.u32 $0xFF80, v4;
	v12 =	vld.idx.msk [tilespmem:v12+s9+$0x0], $0xffff  }
0x265: {  	v30 =	vadd.s32 $0x5000, v16;
	v31 =	vadd.s32 $0x7800, v16;
	v32 =	vor.u32 v17, v5;
	v4 =	vld [tilespmem:s12+$0xFFFFFFE0]  }
0x266: {  	v33 =	vadd.s32 $0x5000, v14;
	v23 =	vadd.s32 $0x2800, v23;
	v34 =	vunpack.i.l.bf16.f32 v7;
	v5 =	vld [tilespmem:s12+$0xFFFFFFF0]  }
0x267: {  	v7 =	vunpack.i.u.bf16.f32 v7;
	v35 =	vunpack.i.u.bf16.f32 v22;
	v36 =	vld [tilespmem:s12+$0x0];
	v34 =	vmul.f32 v34, v28  }
0x268: {  	v37 =	vadd.s32 $0x7800, v14;
	v22 =	vunpack.i.l.bf16.f32 v22;
	v7 =	vmul.f32 v7, v28;
	[tilespmem:v2+s31+$0x0] =	vst.idx.add.f32.msk $0xffff, v6;
	v2 =	vmovc v9  }
0x269: {  	v6 =	vunpack.i.u.bf16.f32 v13;
	v9 =	vunpack.i.l.bf16.f32 v13;
	v13 =	vadd.s32 $0x5000, v15;
	[tilespmem:v27+s31+$0x0] =	vst.idx.add.f32.msk $0xffff, v34  }
0x26a: {  	v34 =	vunpack.i.u.bf16.f32 v12;
	v12 =	vunpack.i.l.bf16.f32 v12;
	v9 =	vmul.f32 v9, v4;
	[tilespmem:v32+s31+$0x0] =	vst.idx.add.f32.msk $0xffff, v7  }
0x26b: {  	v6 =	vmul.f32 v6, v4;
	v32 =	vadd.s32 $0x7800, v15;
	v22 =	vmul.f32 v22, v5;
	v23 =	vld.idx.msk [tilespmem:v23+s9+$0x0], $0xffff  }
0x26c: {  	[tilespmem:v16+s31+$0x0] =	vst.idx.add.f32.msk $0xffff, v9;
	v9 =	vand.u32 $0xFF80, v30;
	v16 =	vmul.f32 v35, v5;
	v12 =	vmul.f32 v12, v36  }
0x26d: {  	v7 =	vmul.f32 v20, v3;
	[tilespmem:v21+s31+$0x0] =	vst.idx.add.f32.msk $0xffff, v6;
	v21 =	vmul.f32 v34, v36;
	v6 =	vadd.s32 $0x5000, v27  }
0x26e: {  	v20 =	vadd.s32 $0x7800, v27;
	[tilespmem:v14+s31+$0x0] =	vst.idx.add.f32.msk $0xffff, v22;
	v14 =	vand.u32 $0xFF80, v6;
	v6 =	vmul.f32 v29, v3;
	v3 =	vmovc v36  }
0x26f: {  	v22 =	vand.u32 $0xFF80, v31;
	[tilespmem:v24+s31+$0x0] =	vst.idx.add.f32.msk $0xffff, v16;
	v24 =	vor.u32 v17, v14;
	v14 =	vand.u32 $0xFF80, v20  }
0x270: {  	v27 =	vand.u32 $0xFF80, v37;
	v20 =	vand.u32 $0xFF80, v33;
	[tilespmem:v15+s31+$0x0] =	vst.idx.add.f32.msk $0xffff, v12;
	v17 =	vor.u32 v17, v14  }
.Ltmp10:
0x271: {  	v29 =	vand.u32 $0xFF80, v32;
	[tilespmem:v11+s31+$0x0] =	vst.idx.add.f32.msk $0xffff, v21;
	v21 =	vand.u32 $0xFF80, v13;
	v11 =	vunpack.i.l.bf16.f32 v23;
	(pc) =	sbr.rel @p0 .LBB2_23-.Ltmp10, $4  }
0x272: {  	v14 =	vor.u32 v10, v9;
	v9 =	vunpack.i.u.bf16.f32 v23;
	v15 =	vld.idx.msk [tilespmem:v25+s9+$0x0], $0xffff;
	v23 =	vmul.f32 v11, v28  }
0x273: {  	v12 =	vor.u32 v10, v22;
	v13 =	vor.u32 v18, v20;
	v20 =	vmul.f32 v9, v28;
	v16 =	vld.idx.msk [tilespmem:v26+s9+$0x0], $0xffff  }
0x274: {  	v11 =	vor.u32 v18, v27;
	v10 =	vor.u32 v19, v21;
	[tilespmem:v24+s31+$0x0] =	vst.idx.add.f32.msk $0xffff, v23  }
0x275: {  	s16 =	sadd.s32 $0x40, s16;
	v9 =	vor.u32 v19, v29;
	[tilespmem:v17+s31+$0x0] =	vst.idx.add.f32.msk $0xffff, v20  }
0x276: {  	_ =	sdelay $0x3  }
0x277: {  	v8 =	vld.idx.msk [tilespmem:v8+s9+$0x0], $0xffff  }
0x278: {  	v17 =	vunpack.i.l.bf16.f32 v15  }
0x279: {  	[tilespmem:v1+s31+$0x0] =	vst.idx.add.f32.msk $0xffff, v7;
	v58 =	vunpack.i.u.bf16.f32 v15;
	v17 =	vmul.f32 v17, v4  }
0x27a: {  	s11 =	sadd.s32 $0x1, s11;
	[tilespmem:v2+s31+$0x0] =	vst.idx.add.f32.msk $0xffff, v6;
	v18 =	vunpack.i.l.bf16.f32 v16;
	v59 =	vmul.f32 v58, v4  }
0x27b: {  	p0 =	sne.s32 s11, $0x14;
	v60 =	vunpack.i.u.bf16.f32 v16;
	v61 =	vmul.f32 v18, v5;
	[tilespmem:v14+s31+$0x0] =	vst.idx.add.f32.msk $0xffff, v17  }
.Ltmp11:
0x27c: {  	v62 =	vmul.f32 v60, v5;
	[tilespmem:v12+s31+$0x0] =	vst.idx.add.f32.msk $0xffff, v59;
	v63 =	vunpack.i.l.bf16.f32 v8;
	(pc) =	sbr.rel @p0 .LBB2_20-.Ltmp11, $4  }
0x27d: {  	[tilespmem:v13+s31+$0x0] =	vst.idx.add.f32.msk $0xffff, v61;
	v1 =	vunpack.i.u.bf16.f32 v8;
	v4 =	vmul.f32 v63, v3  }
0x27e: {  	[tilespmem:v11+s31+$0x0] =	vst.idx.add.f32.msk $0xffff, v62;
	v1 =	vmul.f32 v1, v3  }
0x27f: {  	[tilespmem:v10+s31+$0x0] =	vst.idx.add.f32.msk $0xffff, v4  }
0x280: {  	[tilespmem:v9+s31+$0x0] =	vst.idx.add.f32.msk $0xffff, v1  }
0x281: {  	[hbm4b:s19+s26] =	stream.strided.scatter [tilespmem:s31], [sflag:$0x5], $0x2800, s28, s26, $0x38;
	[tilespmem:$0x1BE00] =	vst v63  }
0x282: {  	_ =	swait.ge [sflag:s29], $0x2800  }
0x283: {  	[sflag:s29] =	ssyncset.done $0x0  }
0x284: {  	s11 =	simm.s32 $0xC800;
	[sflag:s29] =	ssyncadd.s32 $0xFFFFD800  }
0x285: {  	[hbm4b:s20+s26] =	stream.strided.scatter [tilespmem:s11], [sflag:$0x5], $0x2800, s28, s26, $0x38;
	[tilespmem:$0x1BE00] =	vst v63  }
0x286: {  	_ =	swait.ge [sflag:s29], $0x2800  }
0x287: {  	[sflag:s29] =	ssyncset.done $0x0  }
0x288: {  	s17 =	simm.s32 $0xF000;
	[sflag:s29] =	ssyncadd.s32 $0xFFFFD800  }
0x289: {  	[hbm4b:s21+s26] =	stream.strided.scatter [tilespmem:s17], [sflag:$0x5], $0x2800, s28, s26, $0x38;
	[tilespmem:$0x1BE00] =	vst v63  }
0x28a: {  	s15 =	sadd.s32 $0x1, s15;
	_ =	swait.ge [sflag:s29], $0x2800  }
0x28b: {  	p0 =	sne.s32 s15, s25;
	[sflag:s29] =	ssyncset.done $0x0  }
.Ltmp12:
0x28c: {  	s18 =	simm.s32 $0x11800;
	[sflag:s29] =	ssyncadd.s32 $0xFFFFD800;
	(pc) =	sbr.rel @p0 .LBB2_1-.Ltmp12, $4  }
0x28d: {  	[hbm4b:s22+s26] =	stream.strided.scatter [tilespmem:s18], [sflag:$0x5], $0x2800, s28, s26, $0x38;
	[tilespmem:$0x1BE00] =	vst v63  }
0x28e: {  	_ =	swait.ge [sflag:s29], $0x2800  }
0x28f: {  	[sflag:s29] =	ssyncset.done $0x0  }
0x290: {  	[sflag:s29] =	ssyncadd.s32 $0xFFFFD800  }
0x291: {  	_ =	sfence.sel $0x180000  }
0x292: {  	[bflag:$0x0] =	sbarrier.arrive $0xFFFF  }
0x293: {  	_ =	strace $0x9000004A  }
0x294: {  	s0 =	stileid.u32;
	[bflag:$0x2] =	sbarrier.arrive $0xFFFF  }
0x295: {  	p0 =	sne.s32 s0, $0x0;
	s0 =	rddreg [dreg:$0x1]  }
0x296: {  	s0 =	sadd.s32 @!p0 $0x100000, s0  }
0x297: {  	[sflag:s0] =	ssyncadd.tile.s32 @!p0 $0x1;
	_ =	shalt  }
.Lfunc_end2:
_tile_overlayer_lowered:
.L_overlay_start_2:
0x298: {  	(tag) =	ssettag $0x2  }
0x299: {  	s0 =	rddreg [dreg:$0x0];
	s2 =	stileid.u32  }
0x29a: {  	s1 =	rddreg [dreg:$0x1];
	p0 =	sne.s32 s2, $0x0  }
0x29b: {  	s3 =	rddreg [dreg:$0x2];
	[bflag:$0x3] =	sbarrier.arrive $0xFFFF;
	s2 =	simm.s32 @!p0 $0x1C05  }
0x29c: {  	[timem:s3], [sflag:s2] =	dma.local @!p0 [hbm:s0], s1  }
0x29d: {  	s0 =	simm.s32 @!p0 $0x5  }
0x29e: {  	_ =	swait.ge @!p0 [sflag:s0], s1  }
0x29f: {  	s1 =	ssub.s32 @!p0 $0x0, s1;
	[sflag:s0] =	ssyncset.done @!p0 $0x0  }
0x2a0: {  	[sflag:s0] =	ssyncadd.s32 @!p0 s1  }
0x2a1: {  	[bflag:$0x3] =	sbarrier.arrive $0xFFFF  }
0x2a2: {  	_ =	shalt  }

// kernel: kernel.16.cloned.1.call-start
scs
__scs_entry_jumppad:
0x0: {  	(pc) =	sbr.rel $0x88, $3  }
0x1: {  	(tag) =	ssettag $0x0;
	lr =	simm.s32 $0x1  }
0x2: {  	[smem:$0x3F97] =	sst lr;
	_ =	strace $0xD0000000  }
0x3: {  	_ = 	snop  }
0x4: {  	_ = 	snop  }
0x5: {  	_ = 	snop  }
0x6: {  	_ = 	snop  }
0x7: {  	_ = 	snop  }
__scs_overlays_trampoline_lowered:
0x8: {  	[smem:$0x3FA6] =	sst s0  }
0x9: {  	[smem:$0x3FA7] =	sst s1  }
0xa: {  	[smem:$0x3FA8] =	sst s2  }
0xb: {  	[smem:$0x3FA9] =	sst s3  }
0xc: {  	[smem:$0x3FAA] =	sst s4  }
0xd: {  	[smem:$0x3FAB] =	sst s5  }
0xe: {  	[smem:$0x3FAC] =	sst s6  }
0xf: {  	[smem:$0x3FAD] =	sst s7  }
0x10: {  	[smem:$0x3FAE] =	sst s8  }
0x11: {  	[smem:$0x3FAF] =	sst s9;
	s0 =	simm.s32 @!p0 $0x0  }
0x12: {  	s1 =	sld [smem:$0x3F95];
	s0 =	simm.s32 @p0 $0x1  }
0x13: {  	[smem:$0x3FB0] =	sst s0;
	s0 =	simm.s32 @!p1 $0x0  }
0x14: {  	s2 =	sld [smem:$0x3F94];
	s0 =	simm.s32 @p1 $0x1  }
0x15: {  	[smem:$0x3FB1] =	sst s0;
	s0 =	simm.s32 @!p2 $0x0  }
0x16: {  	s3 =	sld [smem:$0x3FDB];
	s0 =	simm.s32 @p2 $0x1  }
0x17: {  	s4 =	simm.s32 $0x1BF5;
	[smem:$0x3FB3] =	sst s0  }
0x18: {  	s0 =	sld [smem:$0x3F96];
	_ =	swait.ge [sflag:s4], $0x0  }
0x19: {  	s7 =	sld [smem:$0x3F97]  }
0x1a: {  	s8 =	sadd.s32 $0xFFFFE003, lr  }
0x1b: {  	s9 =	sadd.s32 $0xFFFFFEF7, lr;
	s5 =	simm.s32 $0xFFFFFFFF;
	p2 =	slt.u32 s8, $0xFFFFF086  }
0x1c: {  	p1 =	slt.u32 s9, $0xF7A;
	s5 =	simm.s32 @!p2 $0x0  }
0x1d: {  	s5 =	simm.s32 @p1 $0x1;
	p0 =	seq.s32 s7, s2  }
0x1e: {  	s7 =	smul.u32 @!p0 $0xF7A, s2;
	p2 =	seq.s32 @!p0 s5, $0x0  }
0x1f: {  	s9 =	smul.u32 $0xF7A, s1;
	s8 =	simm.s32 @!p0 $0x1BF5;
	p2 =	por !p2, p0  }
0x20: {  	[sflag:s8] =	ssyncset.s32 @!p0 $0xFFFFF086;
	s6 =	sadd.s32 @!p0 s3, s7;
	s7 =	simm.s32 @!p0 $0x108  }
0x21: {  	s3 =	sadd.s32 s3, s9;
	s6 =	sadd.s32 @!p0 $0x88, s6;
	s7 =	simm.s32 @p2 $0x1082  }
0x22: {  	[simem:s7], [sflag:s8] =	dma.local @!p0 [hbm:s6], $0xF7A  }
0x23: {  	s9 =	sor.u32 $0xD0000000, s2;
	s6 =	simm.s32 $0x108;
	_ =	swait.ge @!p0 [sflag:s8], $0x0  }
0x24: {  	s3 =	sadd.s32 $0x88, s3;
	s6 =	simm.s32 @!p1 $0x1082;
	[sflag:s4] =	ssyncset.s32 $0xFFFFF086  }
0x25: {  	[simem:s6], [sflag:s4] =	dma.local [hbm:s3], $0xF7A  }
0x26: {  	[smem:$0x3F97] =	sst s1;
	(tag) =	ssettag s2;
	_ =	strace s9  }
0x27: {  	s1 =	sld [smem:$0x3FA7]  }
0x28: {  	s2 =	sld [smem:$0x3FA8]  }
0x29: {  	s4 =	sld [smem:$0x3FAA]  }
0x2a: {  	p0 =	seq.s32 s5, $0x0;
	s5 =	sld [smem:$0x3FAB]  }
0x2b: {  	s6 =	sld [smem:$0x3FAC]  }
0x2c: {  	s7 =	sld [smem:$0x3FAD]  }
0x2d: {  	s3 =	simm.s32 $0x108;
	s8 =	sld [smem:$0x3FAE]  }
0x2e: {  	s3 =	simm.s32 @!p0 $0x1082;
	s9 =	sld [smem:$0x3FAF]  }
0x2f: {  	lr =	sadd.s32 s0, s3;
	s0 =	sld [smem:$0x3FA6]  }
0x30: {  	s3 =	sld [smem:$0x3FA9]  }
0x31: {  	[smem:$0x3FB2] =	sst s10  }
0x32: {  	s10 =	sld [smem:$0x3FB0];
	_ =	sdelay $0x3  }
0x33: {  	p0 =	seq.s32 s10, $0x1;
	s10 =	sld [smem:$0x3FB2];
	_ =	sdelay $0x3  }
0x34: {  	[smem:$0x3FB2] =	sst s10  }
0x35: {  	s10 =	sld [smem:$0x3FB1];
	_ =	sdelay $0x3  }
0x36: {  	p1 =	seq.s32 s10, $0x1;
	s10 =	sld [smem:$0x3FB2];
	_ =	sdelay $0x3  }
0x37: {  	[smem:$0x3FB2] =	sst s10  }
0x38: {  	s10 =	sld [smem:$0x3FB3]  }
0x39: {  	_ = 	snop;
	(pc) =	sbr.ind lr, $3  }
0x3a: {  	_ = 	snop  }
0x3b: {  	_ = 	snop  }
0x3c: {  	p2 =	seq.s32 s10, $0x1;
	s10 =	sld [smem:$0x3FB2]  }
0x3d: {  	_ =	shalt  }
0x3e: {  	_ =	shalt  }
0x3f: {  	_ =	shalt  }
0x40: {  	_ =	shalt  }
0x41: {  	_ =	shalt  }
0x42: {  	_ =	shalt  }
0x43: {  	_ =	shalt  }
0x44: {  	_ =	shalt  }
0x45: {  	_ =	shalt  }
0x46: {  	_ =	shalt  }
0x47: {  	_ =	shalt  }
0x48: {  	_ =	shalt  }
0x49: {  	_ =	shalt  }
0x4a: {  	_ =	shalt  }
0x4b: {  	_ =	shalt  }
0x4c: {  	_ =	shalt  }
0x4d: {  	_ =	shalt  }
0x4e: {  	_ =	shalt  }
0x4f: {  	_ =	shalt  }
0x50: {  	_ =	shalt  }
0x51: {  	_ =	shalt  }
0x52: {  	_ =	shalt  }
0x53: {  	_ =	shalt  }
0x54: {  	_ =	shalt  }
0x55: {  	_ =	shalt  }
0x56: {  	_ =	shalt  }
0x57: {  	_ =	shalt  }
0x58: {  	_ =	shalt  }
0x59: {  	_ =	shalt  }
0x5a: {  	_ =	shalt  }
0x5b: {  	_ =	shalt  }
0x5c: {  	_ =	shalt  }
0x5d: {  	_ =	shalt  }
0x5e: {  	_ =	shalt  }
0x5f: {  	_ =	shalt  }
0x60: {  	_ =	shalt  }
0x61: {  	_ =	shalt  }
0x62: {  	_ =	shalt  }
0x63: {  	_ =	shalt  }
0x64: {  	_ =	shalt  }
0x65: {  	_ =	shalt  }
0x66: {  	_ =	shalt  }
0x67: {  	_ =	shalt  }
0x68: {  	_ =	shalt  }
0x69: {  	_ =	shalt  }
0x6a: {  	_ =	shalt  }
0x6b: {  	_ =	shalt  }
0x6c: {  	_ =	shalt  }
0x6d: {  	_ =	shalt  }
0x6e: {  	_ =	shalt  }
0x6f: {  	_ =	shalt  }
0x70: {  	_ =	shalt  }
0x71: {  	_ =	shalt  }
0x72: {  	_ =	shalt  }
0x73: {  	_ =	shalt  }
0x74: {  	_ =	shalt  }
0x75: {  	_ =	shalt  }
0x76: {  	_ =	shalt  }
0x77: {  	_ =	shalt  }
0x78: {  	_ =	shalt  }
0x79: {  	_ =	shalt  }
0x7a: {  	_ =	shalt  }
0x7b: {  	_ =	shalt  }
0x7c: {  	_ =	shalt  }
0x7d: {  	_ =	shalt  }
0x7e: {  	_ =	shalt  }
0x7f: {  	_ =	shalt  }
0x80: {  	_ =	shalt  }
0x81: {  	_ =	shalt  }
0x82: {  	_ =	shalt  }
0x83: {  	_ =	shalt  }
0x84: {  	_ =	shalt  }
0x85: {  	_ =	shalt  }
0x86: {  	_ =	shalt  }
0x87: {  	_ =	shalt  }
.Lfunc_end0:
.L_simem_size_0:
called_computation.2_lowered:
.L_overlay_start_0:
0x88: {  	s2 =	sld [smem:$0x3FD9]  }
0x89: {  	s3 =	sld [smem:$0x3FFE];
	_ =	sdelay $0x1  }
0x8a: {  	s1 =	srdreg.scid  }
0x8b: {  	s0 =	sand.u32 $0x1, s1  }
0x8c: {  	s17 =	sshll.u32 s0, $0xA;
	s2 =	sadd.s32 s3, s2  }
0x8d: {  	s2 =	sadd.s32 s2, s17  }
0x8e: {  	[smem:$0x3FBE] =	sst s2  }
0x8f: {  	_ = 	snop  }
0x90: {  	s2 =	sld [smem:$0x3FD0];
	(tm) =	ssettm $0x1  }
0x91: {  	s18 =	sld [smem:$0x3FFB];
	_ =	sdelay $0x3  }
0x92: {  	_ =	strace s18  }
0x93: {  	s3 =	sld [smem:$0x3FFC];
	_ =	sdelay $0x3  }
0x94: {  	_ =	strace s3  }
0x95: {  	s3 =	sld [smem:$0x3FFD];
	_ =	sdelay $0x3  }
0x96: {  	_ =	strace s3  }
0x97: {  	_ =	strace $0x8FFFFFFF  }
0x98: {  	s19 =	sld [smem:$0x3FDB];
	_ =	sdelay $0x1  }
0x99: {  	s4 =	simm.s32 $_scs_section_size  }
0x9a: {  	s5 =	simm.s32 $_size__tile_overlayer_lowered;
	s6 =	simm.s32 $_tile_overlayer_lowered  }
0x9b: {  	s22 =	simm.s32 $0x1BFF;
	s21 =	sshll.u32 s6, $0x1;
	s3 =	sadd.s32 s4, s19  }
0x9c: {  	s7 =	simm.s32 $0x0;
	s20 =	sshll.u32 s5, $0x1;
	s5 =	sadd.s32 s21, s3  }
0x9d: {  	[timem:s7], [sflag:s22] =	dma.local [hbm:s5], s20  }
0x9e: {  	_ =	swait.ge [sflag:s22], s20  }
0x9f: {  	s4 =	ssub.s32 $0x0, s20;
	[sflag:s22] =	ssyncset.done $0x0  }
0xa0: {  	[sflag:s22] =	ssyncadd.s32 s4;
	_ =	sdelay $0x1  }
0xa1: {  	s23 =	simm.s32 $0x1B8B  }
0xa2: {  	_ =	swait.ge [sflag:s23], $0x1  }
0xa3: {  	[sflag:s23] =	ssyncset.done $0x0  }
0xa4: {  	s25 =	simm.s32 $0x1B8E;
	s24 =	sld [smem:$0x3FFE];
	[sflag:s23] =	ssyncadd.s32 $0xFFFFFFFF  }
0xa5: {  	s26 =	simm.s32 $execute0_lowered;
	[smem:$0x3FD2] =	sst s25  }
0xa6: {  	s5 =	sshll.u32 s26, $0x1;
	_ =	strace $0x8000004C;
	[dreg:$0x1] =	wrdreg $0xFFFFFFFF  }
0xa7: {  	s28 =	simm.s32 $_size_execute0_lowered;
	s3 =	sadd.s32 s3, s5;
	[dreg:$0x0] =	wrdreg $0x0  }
0xa8: {  	s5 =	sshll.u32 s28, $0x1;
	[dreg:$0x2] =	wrdreg s3  }
0xa9: {  	[dreg:$0x3] =	wrdreg s5  }
0xaa: {  	[dreg:$0x4] =	wrdreg $0xC0  }
0xab: {  	_ =	task [dreg:s7], $0x5FFFF  }
0xac: {  	[dreg:$0x1] =	wrdreg $0xFFFFFFFF  }
0xad: {  	[dreg:$0x0] =	wrdreg $0x60  }
0xae: {  	[dreg:$0x2] =	wrdreg s24  }
0xaf: {  	[dreg:$0x3] =	wrdreg s2  }
0xb0: {  	[dreg:$0x4] =	wrdreg $0x9  }
0xb1: {  	_ =	task.clear_ibuf [dreg:s7], $0x5FFFF;
	_ =	strace $0x9000004C  }
0xb2: {  	s29 =	simm.s32 $0x9;
	_ =	strace $0x8000004E  }
0xb3: {  	_ =	swait.ge [sflag:s29], $0x1  }
0xb4: {  	[sflag:s29] =	ssyncadd.s32 $0xFFFFFFFF  }
0xb5: {  	_ =	strace $0x9000004E  }
0xb6: {  	_ =	sfence  }
0xb7: {  	s30 =	sld [smem:$0x0];
	_ =	sdelay $0x2  }
0xb8: {  	s31 =	sshll.u32 s1, $0xD;
	s1 =	sshrl.u32 s1, $0x2  }
0xb9: {  	s3 =	sand.u32 $0x4000, s31;
	s1 =	sadd.s32 s1, s30  }
0xba: {  	s0 =	sor.u32 s3, s0;
	s1 =	sshll.u32 s1, $0x11  }
0xbb: {  	s0 =	sor.u32 s1, s0  }
0xbc: {  	s0 =	sadd.s32 $0x8F2B, s0  }
0xbd: {  	[sflag:s0] =	ssyncadd.remote.s32 $0x1  }
0xbe: {  	_ =	sfence.sel $0xFFFF  }
0xbf: {  	[dreg:$0x0] =	wrdreg $0xFFFFFFFF;
	(pc) =	sbr.abs _section_cstart, $3  }
0xc0: {  	[dreg:$0x1] =	wrdreg $0xFFFFFFFF  }
0xc1: {  	_ =	task.clear_ibuf [dreg:s7], $0x2FFFF;
	_ =	strace $0x9FFFFFFF  }
0xc2: {  	(tm) =	ssettm $0x7FFFFFFF  }
0xc3: {  	_ =	shalt  }
tec
execute0_lowered:
.L_overlay_start_1:
0x0: {  	(tag) =	ssettag $0x1  }
0x1: {  	s6 =	rddreg [dreg:$0x0]  }
0x2: {  	s8 =	rddreg [dreg:$0x1]  }
0x3: {  	s0 =	rddreg [dreg:$0x2]  }
0x4: {  	s3 =	srdreg.scid;
	s1 =	stileid.u32  }
0x5: {  	s2 =	simm.s32 $0x0;
	s12 =	simm.s32 $0x7800;
	s13 =	simm.s32 $0x5000  }
0x6: {  	s14 =	simm.s32 $0x8000;
	s15 =	simm.s32 $0x80;
	s16 =	simm.s32 $0x400  }
0x7: {  	s17 =	simm.s32 $0x0;
	s7 =	sand.u32 $0x1, s3;
	s29 =	sshll.u32 s1, $0x1  }
0x8: {  	[smem:$0x7FF] =	sst s2;
	s30 =	sshrl.u32 s1, $0x2;
	s3 =	sadd.s32 $0x3C00, s6  }
0x9: {  	s4 =	sadd.s32 $0xDA00, s6;
	s9 =	sor.u32 s7, s29;
	_ =	strace $0x8000004D  }
0xa: {  	s10 =	smul.u32 $0x14000, s30;
	s7 =	ssub.s32 $0x2, s7;
	s5 =	sshll.u32 s9, $0x7  }
0xb: {  	s31 =	sshrl.u32 s7, $0x1;
	s11 =	sand.u32 $0x380, s5;
	s5 =	sadd.s32 $0xE000, s6  }
0xc: {  	s6 =	sadd.s32 $0x1D600, s6;
	s10 =	sor.u32 s10, s11;
	s11 =	ssub.s32 s7, s31  }
0xd: {  	s7 =	smul.u32 $0x2710, s9;
	s10 =	sshrl.u32 s10, $0x3;
	s9 =	smax.u32 s11, $0x1  }
0xe: {  	v0 =	vimm.f32 $0.0e+00;
	s11 =	simm.s32 $0x2800;
	s8 =	sadd.s32 s8, s10;
	s10 =	simm.s32 $0x1  }
.LBB2_1:
0xf: {  	[tilespmem:s2], [sflag:$0x1] =	stream.linear.gather [hbm4b:s4+s2], $0x2800, $0x38;
	[tilespmem:$0x8800] =	vst v63  }
0x10: {  	_ =	swait.ge [sflag:s10], $0x2800  }
0x11: {  	[sflag:s10] =	ssyncset.done $0x0  }
0x12: {  	[sflag:s10] =	ssyncadd.s32 $0xFFFFD800  }
0x13: {  	[tilespmem:s11], [sflag:$0x1] =	stream.linear.gather [hbm4b:s5+s2], $0x2800, $0x38;
	[tilespmem:$0x8800] =	vst v63  }
0x14: {  	_ =	swait.ge [sflag:s10], $0x2800  }
0x15: {  	[sflag:s10] =	ssyncset.done $0x0  }
0x16: {  	s18 =	simm.s32 $0x0;
	[sflag:s10] =	ssyncadd.s32 $0xFFFFD800  }
.LBB2_2:
0x17: {  	p0 =	sne.s32 s18, $0x9FC0  }
.Ltmp0:
0x18: {  	_ = 	snop;
	(pc) =	sbr.rel @p0 .LBB2_2-.Ltmp0, $3  }
0x19: {  	_ =	sdelay $0x1  }
0x1a: {  	s19 =	sshra.s32 s18, $0x2  }
0x1b: {  	s18 =	sadd.s32 $0x40, s18;
	[tilespmem:s19+$0x5000] =	vst v0  }
0x1c: {  	s18 =	simm.s32 $0x0  }
.LBB2_4:
0x1d: {  	s19 =	smul.u32 $0x7D0, s18;
	_ =	sdelay $0x1  }
0x1e: {  	s19 =	sadd.s32 s7, s19  }
0x1f: {  	s19 =	sshrl.u32 s19, $0x3  }
0x20: {  	s20 =	sadd.s32 s3, s19  }
0x21: {  	[tilespmem:s12], [sflag:$0x1] =	stream.linear.gather [hbm4b:s20+s2], $0x7D0, $0x38;
	[tilespmem:$0x8800] =	vst v63  }
0x22: {  	_ =	swait.ge [sflag:s10], $0x7D0  }
0x23: {  	[sflag:s10] =	ssyncset.done $0x0  }
0x24: {  	s30 =	simm.s32 $0x7820;
	[sflag:s10] =	ssyncadd.s32 $0xFFFFF830  }
0x25: {  	v1 =	vld [tilespmem:s30+$0xFFFFFFE0];
	_ =	sdelay $0x3  }
0x26: {  	v2 =	vld [tilespmem:s30+$0x10]  }
0x27: {  	v4 =	vld [tilespmem:s30+$0xFFFFFFF0];
	v3 =	vshra.s32 v1, $0xF  }
0x28: {  	v7 =	vand.u32 $0x7FFF, v1;
	_ =	sdelay $0x1  }
0x29: {  	s31 =	simm.s32 $0x7860;
	v8 =	vld [tilespmem:s30+$0x0]  }
0x2a: {  	v10 =	vld [tilespmem:s31+$0xFFFFFFE0];
	v9 =	vshra.s32 v2, $0xF  }
0x2b: {  	v11 =	vshra.s32 v4, $0xF;
	v3 =	vld.idx.msk [tilespmem:v3+s2+$0x0], $0xffff  }
0x2c: {  	v5 =	vand.u32 $0x7FFF, v2;
	v12 =	vld.idx.msk [tilespmem:v7+s11+$0x0], $0xffff  }
0x2d: {  	v13 =	vld [tilespmem:s31+$0x10];
	v6 =	vand.u32 $0x7FFF, v4  }
0x2e: {  	v15 =	vld [tilespmem:s31+$0xFFFFFFF0]  }
0x2f: {  	v1 =	vand.u32 $0x7FFF, v8;
	v4 =	vld.idx.msk [tilespmem:v9+s2+$0x0], $0xffff  }
0x30: {  	v2 =	vand.u32 $0x7FFF, v10;
	v11 =	vld.idx.msk [tilespmem:v11+s2+$0x0], $0xffff  }
0x31: {  	v8 =	vshra.s32 v8, $0xF;
	v3 =	vadd.f32 v12, v3;
	v12 =	vld.idx.msk [tilespmem:v5+s11+$0x0], $0xffff  }
0x32: {  	v9 =	vshra.s32 v10, $0xF;
	v17 =	vld.idx.msk [tilespmem:v6+s11+$0x0], $0xffff  }
0x33: {  	v16 =	vld [tilespmem:s31+$0x0];
	v14 =	vmul.f32 $2.000000030e-01, v3  }
0x34: {  	v10 =	vld.idx.msk [tilespmem:v1+s11+$0x0], $0xffff;
	vm0 =	vgt.f32 v3, $0.0e+00  }
0x35: {  	v19 =	vld.idx.msk [tilespmem:v2+s11+$0x0], $0xffff;
	v3 =	vsel vm0, v3, v14  }
0x36: {  	v21 =	vshra.s32 v15, $0xF;
	v14 =	vld.idx.msk [tilespmem:v8+s2+$0x0], $0xffff;
	v3 =	vmul.f32 $1.442695020e+00, v3;
	v12 =	vadd.f32 v12, v4  }
0x37: {  	s22 =	simm.s32 $0x78A0;
	v20 =	vshra.s32 v13, $0xF;
	v18 =	vld.idx.msk [tilespmem:v9+s2+$0x0], $0xffff;
	v4 =	vand.u32 $0x7FFF, v13;
	v13 =	vadd.f32 v17, v11  }
0x38: {  	v22 =	vld [tilespmem:s22+$0xFFFFFFE0];
	(erf) = vpow2.f32 v3;
	v17 =	vmul.f32 $2.000000030e-01, v12  }
0x39: {  	v8 =	vand.u32 $0x7FFF, v15;
	vm13 =	vgt.f32 v12, $0.0e+00;
	v23 =	vmul.f32 $2.000000030e-01, v13  }
0x3a: {  	v9 =	vld [tilespmem:s22+$0x0];
	v3 =	vand.u32 $0x7FFF, v16;
	vm1 =	vgt.f32 v13, $0.0e+00;
	v12 =	vsel vm13, v12, v17  }
0x3b: {  	v15 =	vld.idx.msk [tilespmem:v21+s2+$0x0], $0xffff;
	v10 =	vadd.f32 v10, v14;
	v13 =	vsel vm1, v13, v23;
	v12 =	vmul.f32 $1.442695020e+00, v12  }
0x3c: {  	v18 =	vadd.f32 v19, v18;
	v14 =	vld.idx.msk [tilespmem:v20+s2+$0x0], $0xffff;
	v20 =	vmul.f32 $1.442695020e+00, v13  }
0x3d: {  	v24 =	vshra.s32 v22, $0xF;
	v11 =	vld [tilespmem:s22+$0x10];
	v19 =	vmul.f32 $2.000000030e-01, v10;
	(erf) = vpow2.f32 v12  }
0x3e: {  	v21 =	vmul.f32 $2.000000030e-01, v18;
	v17 =	vld.idx.msk [tilespmem:v4+s11+$0x0], $0xffff;
	vm14 =	vgt.f32 v10, $0.0e+00;
	(erf) = vpow2.f32 v20  }
0x3f: {  	vm15 =	vgt.f32 v18, $0.0e+00;
	v13 =	vld.idx.msk [tilespmem:v3+s11+$0x0], $0xffff;
	v10 =	vsel vm14, v10, v19  }
0x40: {  	v12 =	vshra.s32 v16, $0xF;
	v16 =	vsel vm15, v18, v21;
	v21 =	vld [tilespmem:s22+$0xFFFFFFF0];
	v23 =	vmul.f32 $1.442695020e+00, v10  }
0x41: {  	s20 =	simm.s32 $0x8020;
	v19 =	vld.idx.msk [tilespmem:v8+s11+$0x0], $0xffff;
	v20 =	vpop (erf)  }
0x42: {  	s23 =	simm.s32 $0x8;
	s21 =	simm.s32 $0x8020;
	v18 =	vmul.f32 $1.442695020e+00, v16;
	v16 =	vld.idx.msk [tilespmem:v24+s2+$0x0], $0xffff;
	v10 =	vand.u32 $0x7FFF, v22;
	(erf) = vpow2.f32 v23;
	[tilespmem:s20+$0xFFFFFFE0] =	vst v20  }
.LBB2_5:
0x43: {  	s23 =	sadd.s32 $0x4, s23;
	[tilespmem:v7+s13+$0x0] =	vst.idx.add.f32.msk $0xffff, v20;
	s20 =	sadd.s32 $0x40, s20;
	v7 =	vmov v2;
	v2 =	vmov v10  }
0x44: {  	v20 =	vshra.s32 v11, $0xF;
	v22 =	vand.u32 $0x7FFF, v11;
	p0 =	slt.u32 s23, $0x78;
	v10 =	vld.idx.msk [tilespmem:v10+s11+$0x0], $0xffff  }
0x45: {  	v23 =	vand.u32 $0x7FFF, v9;
	s22 =	sadd.s32 $0x40, s22;
	v14 =	vadd.f32 v17, v14;
	v24 =	vld.idx.msk [tilespmem:v12+s2+$0x0], $0xffff;
	v12 =	vshra.s32 v9, $0xF  }
0x46: {  	v15 =	vadd.f32 v19, v15;
	v25 =	vld [tilespmem:s22+$0xFFFFFFE0];
	v17 =	vshra.s32 v21, $0xF;
	v21 =	vand.u32 $0x7FFF, v21;
	v19 =	vpop (erf)  }
0x47: {  	v9 =	vld [tilespmem:s22+$0x0];
	(erf) = vpow2.f32 v18;
	[tilespmem:s21+$0x10] =	vst v19;
	v18 =	vpop (erf)  }
0x48: {  	v27 =	vmul.f32 $2.000000030e-01, v14;
	v26 =	vmul.f32 $2.000000030e-01, v15;
	v11 =	vld [tilespmem:s22+$0x10];
	[tilespmem:s21+$0xFFFFFFF0] =	vst v18  }
0x49: {  	vm1 =	vgt.f32 v14, $0.0e+00;
	vm0 =	vgt.f32 v15, $0.0e+00;
	[tilespmem:v5+s13+$0x0] =	vst.idx.add.f32.msk $0xffff, v19;
	v5 =	vmovc v4;
	v4 =	vmov v22  }
0x4a: {  	v15 =	vsel vm0, v15, v26;
	v22 =	vsel vm1, v14, v27;
	[tilespmem:v6+s13+$0x0] =	vst.idx.add.f32.msk $0xffff, v18;
	v6 =	vmov v8  }
0x4b: {  	v18 =	vmul.f32 $1.442695020e+00, v15;
	v14 =	vld.idx.msk [tilespmem:v20+s2+$0x0], $0xffff;
	v20 =	vadd.f32 v13, v24;
	v13 =	vmul.f32 $1.442695020e+00, v22;
	v19 =	vpop (erf)  }
0x4c: {  	v16 =	vadd.f32 v10, v16;
	v8 =	vmov v21;
	v22 =	vshra.s32 v25, $0xF;
	v15 =	vld.idx.msk [tilespmem:v17+s2+$0x0], $0xffff;
	[tilespmem:s21+$0x0] =	vst v19;
	s21 =	smov.u32 s20  }
0x4d: {  	vm0 =	vgt.f32 v20, $0.0e+00;
	v24 =	vmul.f32 $2.000000030e-01, v20;
	(erf) = vpow2.f32 v13;
	[tilespmem:v1+s13+$0x0] =	vst.idx.add.f32.msk $0xffff, v19;
	v1 =	vmovc v3;
	v3 =	vmovc v23  }
.Ltmp1:
0x4e: {  	v19 =	vmul.f32 $2.000000030e-01, v16;
	v17 =	vld.idx.msk [tilespmem:v4+s11+$0x0], $0xffff;
	(erf) = vpow2.f32 v18;
	(pc) =	sbr.rel @p0 .LBB2_5-.Ltmp1, $4  }
0x4f: {  	v10 =	vand.u32 $0x7FFF, v25;
	vm1 =	vgt.f32 v16, $0.0e+00;
	v13 =	vld.idx.msk [tilespmem:v23+s11+$0x0], $0xffff;
	v18 =	vsel vm0, v20, v24  }
0x50: {  	v16 =	vsel vm1, v16, v19;
	v19 =	vld.idx.msk [tilespmem:v21+s11+$0x0], $0xffff;
	v23 =	vmul.f32 $1.442695020e+00, v18;
	v20 =	vpop (erf)  }
0x51: {  	v18 =	vmul.f32 $1.442695020e+00, v16;
	v21 =	vld [tilespmem:s22+$0xFFFFFFF0];
	[tilespmem:s20+$0xFFFFFFE0] =	vst v20  }
0x52: {  	v16 =	vld.idx.msk [tilespmem:v22+s2+$0x0], $0xffff;
	(erf) = vpow2.f32 v23  }
0x53: {  	_ =	sdelay $0x1  }
0x54: {  	v22 =	vshra.s32 v11, $0xF  }
0x55: {  	v44 =	vand.u32 $0x7FFF, v11  }
0x56: {  	v12 =	vld.idx.msk [tilespmem:v12+s2+$0x0], $0xffff;
	v23 =	vshra.s32 v21, $0xF  }
0x57: {  	v14 =	vadd.f32 v17, v14;
	v45 =	vand.u32 $0x7FFF, v21  }
0x58: {  	v46 =	vld.idx.msk [tilespmem:v10+s11+$0x0], $0xffff;
	v47 =	vand.u32 $0x7FFF, v9  }
0x59: {  	v48 =	vshra.s32 v9, $0xF;
	v15 =	vadd.f32 v19, v15;
	v24 =	vmul.f32 $2.000000030e-01, v14;
	v22 =	vld.idx.msk [tilespmem:v22+s2+$0x0], $0xffff  }
0x5a: {  	vm0 =	vgt.f32 v14, $0.0e+00;
	v49 =	vld.idx.msk [tilespmem:v44+s11+$0x0], $0xffff  }
0x5b: {  	v25 =	vmul.f32 $2.000000030e-01, v15;
	v14 =	vsel vm0, v14, v24;
	v12 =	vadd.f32 v13, v12;
	v23 =	vld.idx.msk [tilespmem:v23+s2+$0x0], $0xffff  }
0x5c: {  	(erf) = vpow2.f32 v18;
	vm10 =	vgt.f32 v15, $0.0e+00;
	v50 =	vmul.f32 $1.442695020e+00, v14;
	v51 =	vld.idx.msk [tilespmem:v45+s11+$0x0], $0xffff  }
0x5d: {  	v16 =	vadd.f32 v46, v16;
	v53 =	vld.idx.msk [tilespmem:v47+s11+$0x0], $0xffff;
	v15 =	vsel vm10, v15, v25;
	v52 =	vmul.f32 $2.000000030e-01, v12  }
0x5e: {  	v9 =	vld.idx.msk [tilespmem:v48+s2+$0x0], $0xffff;
	v15 =	vmul.f32 $1.442695020e+00, v15;
	(erf) = vpow2.f32 v50;
	vm11 =	vgt.f32 v12, $0.0e+00  }
0x5f: {  	[tilespmem:v7+s13+$0x0] =	vst.idx.add.f32.msk $0xffff, v20;
	v54 =	vpop (erf);
	v21 =	vmul.f32 $2.000000030e-01, v16;
	v55 =	vsel vm11, v12, v52;
	v56 =	vadd.f32 v49, v22  }
0x60: {  	[tilespmem:s21+$0x10] =	vst v54;
	v57 =	vpop (erf);
	vm1 =	vgt.f32 v16, $0.0e+00;
	(erf) = vpow2.f32 v15;
	v7 =	vmul.f32 $1.442695020e+00, v55  }
0x61: {  	[tilespmem:s21+$0xFFFFFFF0] =	vst v57;
	v16 =	vsel vm1, v16, v21;
	v58 =	vmul.f32 $2.000000030e-01, v56;
	v14 =	vadd.f32 v51, v23  }
0x62: {  	[tilespmem:v5+s13+$0x0] =	vst.idx.add.f32.msk $0xffff, v54;
	v16 =	vmul.f32 $1.442695020e+00, v16;
	(erf) = vpow2.f32 v7;
	vm12 =	vgt.f32 v56, $0.0e+00  }
0x63: {  	[tilespmem:v6+s13+$0x0] =	vst.idx.add.f32.msk $0xffff, v57;
	v60 =	vpop (erf);
	v9 =	vadd.f32 v53, v9;
	v61 =	vsel vm12, v56, v58;
	v59 =	vmul.f32 $2.000000030e-01, v14  }
0x64: {  	[tilespmem:s21+$0x0] =	vst v60;
	(erf) = vpow2.f32 v16;
	vm13 =	vgt.f32 v14, $0.0e+00;
	v7 =	vmul.f32 $1.442695020e+00, v61  }
0x65: {  	s20 =	sadd.s32 $0x40, s20;
	[tilespmem:v1+s13+$0x0] =	vst.idx.add.f32.msk $0xffff, v60;
	v1 =	vpop (erf);
	v62 =	vmul.f32 $2.000000030e-01, v9;
	v5 =	vsel vm13, v14, v59  }
0x66: {  	[tilespmem:s20+$0xFFFFFFE0] =	vst v1;
	vm14 =	vgt.f32 v9, $0.0e+00;
	(erf) = vpow2.f32 v7;
	v5 =	vmul.f32 $1.442695020e+00, v5  }
0x67: {  	[tilespmem:v2+s13+$0x0] =	vst.idx.add.f32.msk $0xffff, v1;
	v2 =	vsel vm14, v9, v62;
	v1 =	vpop (erf)  }
0x68: {  	v2 =	vmul.f32 $1.442695020e+00, v2;
	[tilespmem:s20+$0x10] =	vst v1;
	(erf) = vpow2.f32 v5  }
0x69: {  	v63 =	vpop (erf);
	[tilespmem:v4+s13+$0x0] =	vst.idx.add.f32.msk $0xffff, v1  }
0x6a: {  	[tilespmem:s20+$0xFFFFFFF0] =	vst v63;
	(erf) = vpow2.f32 v2  }
0x6b: {  	[tilespmem:v8+s13+$0x0] =	vst.idx.add.f32.msk $0xffff, v63;
	v1 =	vpop (erf)  }
0x6c: {  	[tilespmem:s20+$0x0] =	vst v1  }
0x6d: {  	v2 =	vpop (erf);
	s20 =	sadd.s32 $0x40, s20;
	[tilespmem:v3+s13+$0x0] =	vst.idx.add.f32.msk $0xffff, v1  }
0x6e: {  	[tilespmem:s20+$0xFFFFFFE0] =	vst v2  }
0x6f: {  	[tilespmem:v10+s13+$0x0] =	vst.idx.add.f32.msk $0xffff, v2;
	v1 =	vpop (erf)  }
0x70: {  	[tilespmem:s20+$0x10] =	vst v1  }
0x71: {  	[tilespmem:v44+s13+$0x0] =	vst.idx.add.f32.msk $0xffff, v1;
	v2 =	vpop (erf)  }
0x72: {  	[tilespmem:s20+$0xFFFFFFF0] =	vst v2  }
0x73: {  	v1 =	vpop (erf);
	[tilespmem:v45+s13+$0x0] =	vst.idx.add.f32.msk $0xffff, v2  }
0x74: {  	[tilespmem:s20+$0x0] =	vst v1  }
0x75: {  	[tilespmem:v47+s13+$0x0] =	vst.idx.add.f32.msk $0xffff, v1  }
0x76: {  	v1 =	vld [tilespmem:$0x7FC0];
	_ =	sdelay $0x4  }
0x77: {  	v2 =	vshra.s32 v1, $0xF  }
0x78: {  	v1 =	vand.u32 $0x7FFF, v1;
	_ =	sdelay $0x3  }
0x79: {  	v2 =	vld.idx.msk [tilespmem:v2+s2+$0x0], $0xffff  }
0x7a: {  	v3 =	vld.idx.msk [tilespmem:v1+s11+$0x0], $0xffff;
	_ =	sdelay $0x4  }
0x7b: {  	v2 =	vadd.f32 v3, v2;
	_ =	sdelay $0x1  }
0x7c: {  	v3 =	vmul.f32 $2.000000030e-01, v2  }
0x7d: {  	vm15 =	vgt.f32 v2, $0.0e+00  }
0x7e: {  	v2 =	vsel vm15, v2, v3  }
0x7f: {  	v2 =	vmul.f32 $1.442695020e+00, v2;
	_ =	sdelay $0x1  }
0x80: {  	(erf) = vpow2.f32 v2;
	_ =	sdelay $0x8  }
0x81: {  	s18 =	sadd.s32 $0x1, s18;
	v2 =	vpop (erf)  }
0x82: {  	p0 =	sne.s32 s18, $0x5;
	[tilespmem:$0x87C0] =	vst v2  }
.Ltmp2:
0x83: {  	s19 =	sadd.s32 s6, s19;
	[tilespmem:v1+s13+$0x0] =	vst.idx.add.f32.msk $0xffff, v2;
	(pc) =	sbr.rel @p0 .LBB2_4-.Ltmp2, $4  }
0x84: {  	[hbm4b:s19+s2] =	stream.linear.scatter [tilespmem:s14], [sflag:$0x1], $0x7D0, $0x38;
	[tilespmem:$0x8800] =	vst v63  }
0x85: {  	_ =	swait.ge [sflag:s10], $0x7D0  }
0x86: {  	[sflag:s10] =	ssyncset.done $0x0  }
0x87: {  	[sflag:s10] =	ssyncadd.s32 $0xFFFFF830  }
0x88: {  	s17 =	sadd.s32 $0x1, s17  }
0x89: {  	p0 =	sne.s32 s17, s9  }
.Ltmp3:
0x8a: {  	_ = 	snop;
	(pc) =	sbr.rel @p0 .LBB2_1-.Ltmp3, $4  }
0x8b: {  	[hbm4b:s8+s15] =	stream.strided.scatter [tilespmem:s13], [sflag:$0x1], $0x2800, s16, s15, $0x38;
	[tilespmem:$0x8800] =	vst v63  }
0x8c: {  	_ =	swait.ge [sflag:s10], $0x2800  }
0x8d: {  	[sflag:s10] =	ssyncset.done $0x0  }
0x8e: {  	[sflag:s10] =	ssyncadd.s32 $0xFFFFD800  }
0x8f: {  	_ =	sfence.sel $0x180000  }
0x90: {  	[bflag:$0x0] =	sbarrier.arrive $0xFFFF  }
0x91: {  	p0 =	sne.s32 s1, $0x0;
	_ =	strace $0x9000004D  }
0x92: {  	s0 =	sadd.s32 @!p0 $0x100000, s0;
	[bflag:$0x2] =	sbarrier.arrive $0xFFFF  }
0x93: {  	[sflag:s0] =	ssyncadd.tile.s32 @!p0 $0x1;
	_ =	shalt  }
.Lfunc_end2:
_tile_overlayer_lowered:
.L_overlay_start_2:
0x94: {  	(tag) =	ssettag $0x2  }
0x95: {  	s0 =	rddreg [dreg:$0x0];
	s2 =	stileid.u32  }
0x96: {  	s1 =	rddreg [dreg:$0x1];
	p0 =	sne.s32 s2, $0x0  }
0x97: {  	s3 =	rddreg [dreg:$0x2];
	[bflag:$0x3] =	sbarrier.arrive $0xFFFF;
	s2 =	simm.s32 @!p0 $0x1C01  }
0x98: {  	[timem:s3], [sflag:s2] =	dma.local @!p0 [hbm:s0], s1  }
0x99: {  	s0 =	simm.s32 @!p0 $0x1  }
0x9a: {  	_ =	swait.ge @!p0 [sflag:s0], s1  }
0x9b: {  	s1 =	ssub.s32 @!p0 $0x0, s1;
	[sflag:s0] =	ssyncset.done @!p0 $0x0  }
0x9c: {  	[sflag:s0] =	ssyncadd.s32 @!p0 s1  }
0x9d: {  	[bflag:$0x3] =	sbarrier.arrive $0xFFFF  }
0x9e: {  	_ =	shalt  }

// kernel: kernel.19.cloned.1.call-start
scs
__scs_entry_jumppad:
0x0: {  	(pc) =	sbr.rel $0x88, $3  }
0x1: {  	(tag) =	ssettag $0x0;
	lr =	simm.s32 $0x1  }
0x2: {  	[smem:$0x3F97] =	sst lr;
	_ =	strace $0xD0000000  }
0x3: {  	_ = 	snop  }
0x4: {  	_ = 	snop  }
0x5: {  	_ = 	snop  }
0x6: {  	_ = 	snop  }
0x7: {  	_ = 	snop  }
__scs_overlays_trampoline_lowered:
0x8: {  	[smem:$0x3FA6] =	sst s0  }
0x9: {  	[smem:$0x3FA7] =	sst s1  }
0xa: {  	[smem:$0x3FA8] =	sst s2  }
0xb: {  	[smem:$0x3FA9] =	sst s3  }
0xc: {  	[smem:$0x3FAA] =	sst s4  }
0xd: {  	[smem:$0x3FAB] =	sst s5  }
0xe: {  	[smem:$0x3FAC] =	sst s6  }
0xf: {  	[smem:$0x3FAD] =	sst s7  }
0x10: {  	[smem:$0x3FAE] =	sst s8  }
0x11: {  	[smem:$0x3FAF] =	sst s9;
	s0 =	simm.s32 @!p0 $0x0  }
0x12: {  	s1 =	sld [smem:$0x3F95];
	s0 =	simm.s32 @p0 $0x1  }
0x13: {  	[smem:$0x3FB0] =	sst s0;
	s0 =	simm.s32 @!p1 $0x0  }
0x14: {  	s2 =	sld [smem:$0x3F94];
	s0 =	simm.s32 @p1 $0x1  }
0x15: {  	[smem:$0x3FB1] =	sst s0;
	s0 =	simm.s32 @!p2 $0x0  }
0x16: {  	s3 =	sld [smem:$0x3FDB];
	s0 =	simm.s32 @p2 $0x1  }
0x17: {  	s4 =	simm.s32 $0x1BF5;
	[smem:$0x3FB3] =	sst s0  }
0x18: {  	s0 =	sld [smem:$0x3F96];
	_ =	swait.ge [sflag:s4], $0x0  }
0x19: {  	s7 =	sld [smem:$0x3F97]  }
0x1a: {  	s8 =	sadd.s32 $0xFFFFE003, lr  }
0x1b: {  	s9 =	sadd.s32 $0xFFFFFEF7, lr;
	s5 =	simm.s32 $0xFFFFFFFF;
	p2 =	slt.u32 s8, $0xFFFFF086  }
0x1c: {  	p1 =	slt.u32 s9, $0xF7A;
	s5 =	simm.s32 @!p2 $0x0  }
0x1d: {  	s5 =	simm.s32 @p1 $0x1;
	p0 =	seq.s32 s7, s2  }
0x1e: {  	s7 =	smul.u32 @!p0 $0xF7A, s2;
	p2 =	seq.s32 @!p0 s5, $0x0  }
0x1f: {  	s9 =	smul.u32 $0xF7A, s1;
	s8 =	simm.s32 @!p0 $0x1BF5;
	p2 =	por !p2, p0  }
0x20: {  	[sflag:s8] =	ssyncset.s32 @!p0 $0xFFFFF086;
	s6 =	sadd.s32 @!p0 s3, s7;
	s7 =	simm.s32 @!p0 $0x108  }
0x21: {  	s3 =	sadd.s32 s3, s9;
	s6 =	sadd.s32 @!p0 $0x88, s6;
	s7 =	simm.s32 @p2 $0x1082  }
0x22: {  	[simem:s7], [sflag:s8] =	dma.local @!p0 [hbm:s6], $0xF7A  }
0x23: {  	s9 =	sor.u32 $0xD0000000, s2;
	s6 =	simm.s32 $0x108;
	_ =	swait.ge @!p0 [sflag:s8], $0x0  }
0x24: {  	s3 =	sadd.s32 $0x88, s3;
	s6 =	simm.s32 @!p1 $0x1082;
	[sflag:s4] =	ssyncset.s32 $0xFFFFF086  }
0x25: {  	[simem:s6], [sflag:s4] =	dma.local [hbm:s3], $0xF7A  }
0x26: {  	[smem:$0x3F97] =	sst s1;
	(tag) =	ssettag s2;
	_ =	strace s9  }
0x27: {  	s1 =	sld [smem:$0x3FA7]  }
0x28: {  	s2 =	sld [smem:$0x3FA8]  }
0x29: {  	s4 =	sld [smem:$0x3FAA]  }
0x2a: {  	p0 =	seq.s32 s5, $0x0;
	s5 =	sld [smem:$0x3FAB]  }
0x2b: {  	s6 =	sld [smem:$0x3FAC]  }
0x2c: {  	s7 =	sld [smem:$0x3FAD]  }
0x2d: {  	s3 =	simm.s32 $0x108;
	s8 =	sld [smem:$0x3FAE]  }
0x2e: {  	s3 =	simm.s32 @!p0 $0x1082;
	s9 =	sld [smem:$0x3FAF]  }
0x2f: {  	lr =	sadd.s32 s0, s3;
	s0 =	sld [smem:$0x3FA6]  }
0x30: {  	s3 =	sld [smem:$0x3FA9]  }
0x31: {  	[smem:$0x3FB2] =	sst s10  }
0x32: {  	s10 =	sld [smem:$0x3FB0];
	_ =	sdelay $0x3  }
0x33: {  	p0 =	seq.s32 s10, $0x1;
	s10 =	sld [smem:$0x3FB2];
	_ =	sdelay $0x3  }
0x34: {  	[smem:$0x3FB2] =	sst s10  }
0x35: {  	s10 =	sld [smem:$0x3FB1];
	_ =	sdelay $0x3  }
0x36: {  	p1 =	seq.s32 s10, $0x1;
	s10 =	sld [smem:$0x3FB2];
	_ =	sdelay $0x3  }
0x37: {  	[smem:$0x3FB2] =	sst s10  }
0x38: {  	s10 =	sld [smem:$0x3FB3]  }
0x39: {  	_ = 	snop;
	(pc) =	sbr.ind lr, $3  }
0x3a: {  	_ = 	snop  }
0x3b: {  	_ = 	snop  }
0x3c: {  	p2 =	seq.s32 s10, $0x1;
	s10 =	sld [smem:$0x3FB2]  }
0x3d: {  	_ =	shalt  }
0x3e: {  	_ =	shalt  }
0x3f: {  	_ =	shalt  }
0x40: {  	_ =	shalt  }
0x41: {  	_ =	shalt  }
0x42: {  	_ =	shalt  }
0x43: {  	_ =	shalt  }
0x44: {  	_ =	shalt  }
0x45: {  	_ =	shalt  }
0x46: {  	_ =	shalt  }
0x47: {  	_ =	shalt  }
0x48: {  	_ =	shalt  }
0x49: {  	_ =	shalt  }
0x4a: {  	_ =	shalt  }
0x4b: {  	_ =	shalt  }
0x4c: {  	_ =	shalt  }
0x4d: {  	_ =	shalt  }
0x4e: {  	_ =	shalt  }
0x4f: {  	_ =	shalt  }
0x50: {  	_ =	shalt  }
0x51: {  	_ =	shalt  }
0x52: {  	_ =	shalt  }
0x53: {  	_ =	shalt  }
0x54: {  	_ =	shalt  }
0x55: {  	_ =	shalt  }
0x56: {  	_ =	shalt  }
0x57: {  	_ =	shalt  }
0x58: {  	_ =	shalt  }
0x59: {  	_ =	shalt  }
0x5a: {  	_ =	shalt  }
0x5b: {  	_ =	shalt  }
0x5c: {  	_ =	shalt  }
0x5d: {  	_ =	shalt  }
0x5e: {  	_ =	shalt  }
0x5f: {  	_ =	shalt  }
0x60: {  	_ =	shalt  }
0x61: {  	_ =	shalt  }
0x62: {  	_ =	shalt  }
0x63: {  	_ =	shalt  }
0x64: {  	_ =	shalt  }
0x65: {  	_ =	shalt  }
0x66: {  	_ =	shalt  }
0x67: {  	_ =	shalt  }
0x68: {  	_ =	shalt  }
0x69: {  	_ =	shalt  }
0x6a: {  	_ =	shalt  }
0x6b: {  	_ =	shalt  }
0x6c: {  	_ =	shalt  }
0x6d: {  	_ =	shalt  }
0x6e: {  	_ =	shalt  }
0x6f: {  	_ =	shalt  }
0x70: {  	_ =	shalt  }
0x71: {  	_ =	shalt  }
0x72: {  	_ =	shalt  }
0x73: {  	_ =	shalt  }
0x74: {  	_ =	shalt  }
0x75: {  	_ =	shalt  }
0x76: {  	_ =	shalt  }
0x77: {  	_ =	shalt  }
0x78: {  	_ =	shalt  }
0x79: {  	_ =	shalt  }
0x7a: {  	_ =	shalt  }
0x7b: {  	_ =	shalt  }
0x7c: {  	_ =	shalt  }
0x7d: {  	_ =	shalt  }
0x7e: {  	_ =	shalt  }
0x7f: {  	_ =	shalt  }
0x80: {  	_ =	shalt  }
0x81: {  	_ =	shalt  }
0x82: {  	_ =	shalt  }
0x83: {  	_ =	shalt  }
0x84: {  	_ =	shalt  }
0x85: {  	_ =	shalt  }
0x86: {  	_ =	shalt  }
0x87: {  	_ =	shalt  }
.Lfunc_end0:
.L_simem_size_0:
called_computation.3_lowered:
.L_overlay_start_0:
0x88: {  	s2 =	sld [smem:$0x3FD9]  }
0x89: {  	s3 =	sld [smem:$0x3FFE];
	_ =	sdelay $0x1  }
0x8a: {  	s1 =	srdreg.scid  }
0x8b: {  	s0 =	sand.u32 $0x1, s1  }
0x8c: {  	s16 =	sshll.u32 s0, $0xA;
	s2 =	sadd.s32 s3, s2  }
0x8d: {  	s2 =	sadd.s32 s2, s16  }
0x8e: {  	[smem:$0x3FBE] =	sst s2  }
0x8f: {  	_ = 	snop  }
0x90: {  	(tm) =	ssettm $0x1  }
0x91: {  	s17 =	sld [smem:$0x3FFB];
	_ =	sdelay $0x3  }
0x92: {  	_ =	strace s17  }
0x93: {  	s2 =	sld [smem:$0x3FFC];
	_ =	sdelay $0x3  }
0x94: {  	_ =	strace s2  }
0x95: {  	s2 =	sld [smem:$0x3FFD];
	_ =	sdelay $0x3  }
0x96: {  	_ =	strace s2  }
0x97: {  	_ =	strace $0x8FFFFFFF  }
0x98: {  	s18 =	sld [smem:$0x3FDB];
	_ =	sdelay $0x1  }
0x99: {  	s19 =	simm.s32 $_scs_section_size  }
0x9a: {  	s4 =	simm.s32 $_size__tile_overlayer_lowered;
	s5 =	simm.s32 $_tile_overlayer_lowered  }
0x9b: {  	s22 =	simm.s32 $0x1BFF;
	s21 =	sshll.u32 s5, $0x1;
	s2 =	sadd.s32 s19, s18  }
0x9c: {  	s6 =	simm.s32 $0x0;
	s20 =	sshll.u32 s4, $0x1;
	s4 =	sadd.s32 s21, s2  }
0x9d: {  	[timem:s6], [sflag:s22] =	dma.local [hbm:s4], s20  }
0x9e: {  	_ =	swait.ge [sflag:s22], s20  }
0x9f: {  	s3 =	ssub.s32 $0x0, s20;
	[sflag:s22] =	ssyncset.done $0x0  }
0xa0: {  	[sflag:s22] =	ssyncadd.s32 s3;
	_ =	sdelay $0x1  }
0xa1: {  	s23 =	simm.s32 $0x1B8B  }
0xa2: {  	_ =	swait.ge [sflag:s23], $0x1  }
0xa3: {  	[sflag:s23] =	ssyncset.done $0x0  }
0xa4: {  	s25 =	simm.s32 $0x1B8E;
	s24 =	sld [smem:$0x3FFE];
	[sflag:s23] =	ssyncadd.s32 $0xFFFFFFFF  }
0xa5: {  	s26 =	simm.s32 $execute0_lowered;
	[smem:$0x3FD2] =	sst s25  }
0xa6: {  	s4 =	sshll.u32 s26, $0x1;
	_ =	strace $0x8000004F;
	[dreg:$0x1] =	wrdreg $0xFFFFFFFF  }
0xa7: {  	s28 =	simm.s32 $_size_execute0_lowered;
	s2 =	sadd.s32 s2, s4;
	[dreg:$0x0] =	wrdreg $0x0  }
0xa8: {  	s4 =	sshll.u32 s28, $0x1;
	[dreg:$0x2] =	wrdreg s2  }
0xa9: {  	[dreg:$0x3] =	wrdreg s4  }
0xaa: {  	[dreg:$0x4] =	wrdreg $0xC0  }
0xab: {  	_ =	task [dreg:s6], $0x5FFFF  }
0xac: {  	[dreg:$0x1] =	wrdreg $0xFFFFFFFF  }
0xad: {  	[dreg:$0x0] =	wrdreg $0x60  }
0xae: {  	[dreg:$0x2] =	wrdreg s24  }
0xaf: {  	[dreg:$0x3] =	wrdreg $0x9  }
0xb0: {  	_ =	task.clear_ibuf [dreg:s6], $0x4FFFF;
	_ =	strace $0x9000004F  }
0xb1: {  	s29 =	simm.s32 $0x9;
	_ =	strace $0x80000051  }
0xb2: {  	_ =	swait.ge [sflag:s29], $0x1  }
0xb3: {  	[sflag:s29] =	ssyncadd.s32 $0xFFFFFFFF  }
0xb4: {  	_ =	strace $0x90000051  }
0xb5: {  	_ =	sfence  }
0xb6: {  	s30 =	sld [smem:$0x0];
	_ =	sdelay $0x2  }
0xb7: {  	s31 =	sshll.u32 s1, $0xD;
	s1 =	sshrl.u32 s1, $0x2  }
0xb8: {  	s3 =	sand.u32 $0x4000, s31;
	s1 =	sadd.s32 s1, s30  }
0xb9: {  	s0 =	sor.u32 s3, s0;
	s1 =	sshll.u32 s1, $0x11  }
0xba: {  	s0 =	sor.u32 s1, s0  }
0xbb: {  	s0 =	sadd.s32 $0x8F2B, s0  }
0xbc: {  	[sflag:s0] =	ssyncadd.remote.s32 $0x1  }
0xbd: {  	_ =	sfence.sel $0xFFFF  }
0xbe: {  	[dreg:$0x0] =	wrdreg $0xFFFFFFFF;
	(pc) =	sbr.abs _section_cstart, $3  }
0xbf: {  	[dreg:$0x1] =	wrdreg $0xFFFFFFFF  }
0xc0: {  	_ =	task.clear_ibuf [dreg:s6], $0x2FFFF;
	_ =	strace $0x9FFFFFFF  }
0xc1: {  	(tm) =	ssettm $0x7FFFFFFF  }
tec
execute0_lowered:
.L_overlay_start_1:
0x0: {  	(tag) =	ssettag $0x1  }
0x1: {  	s1 =	stileid.u32  }
0x2: {  	p0 =	sgt.u32 s1, $0xB  }
.Ltmp0:
0x3: {  	_ = 	snop;
	(pc) =	sbr.rel @p0 .LBB2_13-.Ltmp0, $4  }
0x4: {  	_ = 	snop  }
0x5: {  	s5 =	rddreg [dreg:$0x0];
	s2 =	simm.s32 $0x0  }
0x6: {  	[smem:$0x7FF] =	sst s2  }
0x7: {  	s0 =	rddreg [dreg:$0x1];
	_ =	strace $0x80000050  }
0x8: {  	s3 =	srdreg.scid;
	s30 =	sshrl.u32 s1, $0x1;
	s4 =	sshll.u32 s1, $0x9  }
0x9: {  	s8 =	sadd.s32 $0xE600, s5;
	s11 =	sadd.s32 $0x27400, s5;
	s13 =	simm.s32 $0x2800  }
0xa: {  	s14 =	simm.s32 $0xC800;
	s15 =	simm.s32 $0x14500;
	s16 =	simm.s32 $0x1  }
0xb: {  	s17 =	simm.s32 $0x3;
	s18 =	simm.s32 $0x10680;
	s19 =	simm.s32 $0x18380  }
0xc: {  	s20 =	simm.s32 $0x5000;
	s21 =	simm.s32 $0x7800;
	s22 =	simm.s32 $0x2  }
0xd: {  	s23 =	simm.s32 $0x4;
	s24 =	simm.s32 $0xA000;
	s6 =	sand.u32 $0x1, s3  }
0xe: {  	s3 =	smul.u32 $0x14000, s30;
	s4 =	sand.u32 $0x200, s4;
	s7 =	sshll.u32 s6, $0x8  }
0xf: {  	s25 =	simm.s32 $0x0;
	s10 =	ssub.s32 $0x2, s6;
	s4 =	sor.u32 s7, s4  }
0x10: {  	s12 =	sshrl.u32 s10, $0x1;
	s4 =	sor.u32 s3, s4;
	s3 =	sadd.s32 $0x3C00, s5  }
0x11: {  	s10 =	ssub.s32 s10, s12;
	s12 =	simm.s32 $0x5;
	s9 =	sshrl.u32 s4, $0x3  }
0x12: {  	s4 =	sadd.s32 $0x1D600, s5;
	s31 =	sor.u32 $0x10, s9;
	s6 =	sadd.s32 s11, s9  }
0x13: {  	s5 =	sadd.s32 s8, s31;
	s7 =	sadd.s32 s11, s31;
	s8 =	sadd.s32 s8, s9  }
0x14: {  	v0 =	vimm.f32 $0.0e+00;
	s9 =	smax.u32 s10, $0x1;
	s10 =	simm.s32 $0x80;
	s11 =	simm.s32 $0x400  }
.LBB2_2:
0x15: {  	s29 =	simm.s32 $0x0  }
0x16: {  	[tilespmem:s29], [sflag:$0x5] =	stream.strided.gather [hbm4b:s8+s10], $0x2800, s11, s10, $0x38;
	[tilespmem:$0x1C200] =	vst v63  }
0x17: {  	_ =	swait.ge [sflag:s12], $0x2800  }
0x18: {  	[sflag:s12] =	ssyncset.done $0x0  }
0x19: {  	[sflag:s12] =	ssyncadd.s32 $0xFFFFD800  }
0x1a: {  	[tilespmem:s13], [sflag:$0x5] =	stream.strided.gather [hbm4b:s5+s10], $0x2800, s11, s10, $0x38;
	[tilespmem:$0x1C200] =	vst v63  }
0x1b: {  	_ =	swait.ge [sflag:s12], $0x2800  }
0x1c: {  	[sflag:s12] =	ssyncset.done $0x0  }
0x1d: {  	[sflag:s12] =	ssyncadd.s32 $0xFFFFD800  }
0x1e: {  	s26 =	sand.u32 $0x3FC0, s29;
	v3 =	vld [tilespmem:s29+$0x0]  }
0x1f: {  	v6 =	vld [tilespmem:s26+$0x2800]  }
0x20: {  	v2 =	vld [tilespmem:s29+$0x10]  }
0x21: {  	v5 =	vld [tilespmem:s29+$0x2810]  }
0x22: {  	v1 =	vld [tilespmem:s29+$0x20]  }
0x23: {  	v4 =	vld [tilespmem:s29+$0x2820]  }
0x24: {  	s26 =	simm.s32 $0x5020;
	v6 =	vpack.i.f32.bf16 v6, v3;
	v3 =	vld [tilespmem:s29+$0x30]  }
0x25: {  	s28 =	simm.s32 $0x0;
	s30 =	simm.s32 $0x40;
	[tilespmem:s26+$0xFFFFFFE0] =	vst v6;
	v6 =	vld [tilespmem:s29+$0x2830];
	s29 =	simm.s32 $0x40  }
.LBB2_3:
0x26: {  	v7 =	vld [tilespmem:s29+$0x0];
	s31 =	sand.u32 $0x3FC0, s30;
	s28 =	sadd.s32 $0x4, s28;
	v2 =	vpack.i.f32.bf16 v5, v2  }
0x27: {  	v8 =	vld [tilespmem:s31+$0x2800];
	p0 =	slt.u32 s28, $0x27C;
	[tilespmem:s26+$0xFFFFFFF0] =	vst v2  }
0x28: {  	v2 =	vld [tilespmem:s29+$0x10];
	v1 =	vpack.i.f32.bf16 v4, v1  }
.Ltmp1:
0x29: {  	v5 =	vld [tilespmem:s29+$0x2810];
	[tilespmem:s26+$0x0] =	vst v1;
	(pc) =	sbr.rel @p0 .LBB2_3-.Ltmp1, $4  }
0x2a: {  	v1 =	vld [tilespmem:s29+$0x20];
	v3 =	vpack.i.f32.bf16 v6, v3  }
0x2b: {  	v4 =	vld [tilespmem:s29+$0x2820];
	[tilespmem:s26+$0x10] =	vst v3  }
0x2c: {  	s26 =	sadd.s32 $0x40, s26;
	v6 =	vpack.i.f32.bf16 v8, v7;
	v3 =	vld [tilespmem:s29+$0x30]  }
0x2d: {  	s30 =	sadd.s32 $0x40, s30;
	[tilespmem:s26+$0xFFFFFFE0] =	vst v6;
	v6 =	vld [tilespmem:s29+$0x2830];
	s29 =	sadd.s32 $0x40, s29  }
0x2e: {  	_ =	sdelay $0x1  }
0x2f: {  	v2 =	vpack.i.f32.bf16 v5, v2  }
0x30: {  	[tilespmem:s26+$0xFFFFFFF0] =	vst v2;
	v1 =	vpack.i.f32.bf16 v4, v1  }
0x31: {  	[tilespmem:s26+$0x0] =	vst v1;
	v1 =	vpack.i.f32.bf16 v6, v3  }
0x32: {  	s28 =	simm.s32 $0x0;
	[tilespmem:s26+$0x10] =	vst v1;
	s26 =	simm.s32 $0x40  }
.LBB2_5:
0x33: {  	p0 =	sne.s32 s26, $0x13FC0;
	[tilespmem:s28+$0x7800] =	vst v0;
	s28 =	smov.u32 s26;
	s26 =	sadd.s32 $0x40, s26  }
.Ltmp2:
0x34: {  	(pc) =	sbr.rel @p0 .LBB2_5-.Ltmp2, $2  }
0x35: {  	_ =	sdelay $0x2  }
0x36: {  	s28 =	sshra.s32 s28, $0x2  }
0x37: {  	[tilespmem:s28+$0x7800] =	vst v0;
	s26 =	simm.s32 $0x0  }
0x38: {  	[tilespmem:s14], [sflag:$0x1] =	stream.linear.gather [hbm4b:s3+s26], $0x3E80, $0x38;
	[tilespmem:$0x1C200] =	vst v63  }
0x39: {  	_ = 	snop  }
0x3a: {  	[tilespmem:s15], [sflag:$0x3] =	stream.linear.gather [hbm4b:s4+s26], $0x3E80, $0x38;
	[tilespmem:$0x1C200] =	vst v63  }
.LBB2_7:
0x3b: {  	_ =	swait.ge [sflag:s16], $0x3E80  }
0x3c: {  	s28 =	smul.u32 $0x7D00, s26;
	[sflag:s16] =	ssyncset.done $0x0  }
0x3d: {  	[sflag:s16] =	ssyncadd.s32 $0xFFFFC180  }
0x3e: {  	s29 =	sshrl.u32 s28, $0x3;
	_ =	swait.ge [sflag:s17], $0x3E80  }
0x3f: {  	s29 =	sadd.s32 $0x7D0, s29;
	[sflag:s17] =	ssyncset.done $0x0  }
0x40: {  	s30 =	sadd.s32 s3, s29;
	[sflag:s17] =	ssyncadd.s32 $0xFFFFC180  }
0x41: {  	[tilespmem:s18], [sflag:$0x2] =	stream.linear.gather [hbm4b:s30+s2], $0x3E80, $0x38;
	[tilespmem:$0x1C200] =	vst v63  }
0x42: {  	s29 =	sadd.s32 s4, s29  }
0x43: {  	[tilespmem:s19], [sflag:$0x4] =	stream.linear.gather [hbm4b:s29+s2], $0x3E80, $0x38;
	[tilespmem:$0x1C200] =	vst v63  }
0x44: {  	s29 =	simm.s32 $0xC820  }
0x45: {  	v6 =	vld [tilespmem:s29+$0x10]  }
0x46: {  	v1 =	vld [tilespmem:s29+$0xFFFFFFF0];
	_ =	sdelay $0x1  }
0x47: {  	v4 =	vld [tilespmem:s29+$0xFFFFFFE0]  }
0x48: {  	v5 =	vld [tilespmem:s29+$0x0]  }
0x49: {  	v2 =	vshra.s32 v6, $0xF  }
0x4a: {  	v3 =	vshra.s32 v1, $0xF;
	_ =	sdelay $0x1  }
0x4b: {  	s29 =	simm.s32 $0x14520;
	v7 =	vshra.s32 v4, $0xF  }
0x4c: {  	v14 =	vld [tilespmem:s29+$0x10];
	v9 =	vshra.s32 v5, $0xF  }
0x4d: {  	v17 =	vld.idx.msk [tilespmem:v2+s20+$0x0], $0xffff  }
0x4e: {  	v8 =	vld.idx.msk [tilespmem:v3+s20+$0x0], $0xffff  }
0x4f: {  	v11 =	vld [tilespmem:s29+$0xFFFFFFE0];
	v16 =	vand.u32 $0x7FFF, v6  }
0x50: {  	v15 =	vadd.s32 $0x2800, v16;
	v2 =	vand.u32 $0x7FFF, v1;
	v12 =	vld.idx.msk [tilespmem:v7+s20+$0x0], $0xffff  }
0x51: {  	v1 =	vand.u32 $0x7FFF, v5;
	v7 =	vld.idx.msk [tilespmem:v9+s20+$0x0], $0xffff;
	v5 =	vand.u32 $0x7FFF, v4;
	v3 =	vadd.s32 $0x2800, v2  }
0x52: {  	v10 =	vld [tilespmem:s29+$0xFFFFFFF0];
	v4 =	vadd.s32 $0x2800, v1;
	v6 =	vadd.s32 $0x2800, v5;
	v19 =	vunpack.i.l.bf16.f32 v17  }
0x53: {  	s31 =	simm.s32 $0xC860;
	s30 =	simm.s32 $0x0;
	v9 =	vld [tilespmem:s29+$0x0];
	v13 =	vunpack.i.u.bf16.f32 v8;
	v18 =	vunpack.i.u.bf16.f32 v17;
	v17 =	vmul.f32 v19, v14  }
.LBB2_8:
0x54: {  	v19 =	vld [tilespmem:s31+$0x10];
	v8 =	vunpack.i.l.bf16.f32 v8;
	v14 =	vmul.f32 v18, v14  }
0x55: {  	v18 =	vunpack.i.u.bf16.f32 v12;
	v12 =	vunpack.i.l.bf16.f32 v12;
	[tilespmem:v16+s21+$0x0] =	vst.idx.add.f32.msk $0xffff, v17  }
0x56: {  	v16 =	vunpack.i.u.bf16.f32 v7;
	v7 =	vunpack.i.l.bf16.f32 v7;
	v12 =	vmul.f32 v12, v11;
	[tilespmem:v15+s21+$0x0] =	vst.idx.add.f32.msk $0xffff, v14  }
0x57: {  	s30 =	sadd.s32 $0x4, s30;
	v11 =	vmul.f32 v18, v11;
	v14 =	vld [tilespmem:s31+$0xFFFFFFF0];
	v8 =	vmul.f32 v8, v10  }
0x58: {  	p0 =	slt.u32 s30, $0x3E4;
	v10 =	vmul.f32 v13, v10;
	v15 =	vld [tilespmem:s31+$0x0];
	v7 =	vmul.f32 v7, v9  }
0x59: {  	v9 =	vmul.f32 v16, v9;
	v13 =	vld [tilespmem:s31+$0xFFFFFFE0]  }
0x5a: {  	[tilespmem:v5+s21+$0x0] =	vst.idx.add.f32.msk $0xffff, v12  }
0x5b: {  	v12 =	vshra.s32 v19, $0xF;
	[tilespmem:v6+s21+$0x0] =	vst.idx.add.f32.msk $0xffff, v11  }
0x5c: {  	v11 =	vshra.s32 v14, $0xF;
	[tilespmem:v2+s21+$0x0] =	vst.idx.add.f32.msk $0xffff, v8;
	v2 =	vand.u32 $0x7FFF, v14  }
0x5d: {  	v16 =	vshra.s32 v15, $0xF;
	v6 =	vand.u32 $0x7FFF, v15;
	[tilespmem:v3+s21+$0x0] =	vst.idx.add.f32.msk $0xffff, v10;
	v3 =	vadd.s32 $0x2800, v2  }
0x5e: {  	v10 =	vshra.s32 v13, $0xF;
	v5 =	vand.u32 $0x7FFF, v13;
	v8 =	vadd.s32 $0x2800, v6;
	[tilespmem:v1+s21+$0x0] =	vst.idx.add.f32.msk $0xffff, v7;
	v1 =	vmovc v6  }
0x5f: {  	v6 =	vadd.s32 $0x2800, v5;
	[tilespmem:v4+s21+$0x0] =	vst.idx.add.f32.msk $0xffff, v9;
	v4 =	vmov v8  }
0x60: {  	v17 =	vld.idx.msk [tilespmem:v12+s20+$0x0], $0xffff  }
0x61: {  	s29 =	sadd.s32 $0x40, s29;
	v8 =	vld.idx.msk [tilespmem:v11+s20+$0x0], $0xffff  }
0x62: {  	v14 =	vld [tilespmem:s29+$0x10]  }
.Ltmp3:
0x63: {  	v12 =	vld.idx.msk [tilespmem:v10+s20+$0x0], $0xffff;
	(pc) =	sbr.rel @p0 .LBB2_8-.Ltmp3, $4  }
0x64: {  	v7 =	vld.idx.msk [tilespmem:v16+s20+$0x0], $0xffff;
	v16 =	vand.u32 $0x7FFF, v19  }
0x65: {  	v11 =	vld [tilespmem:s29+$0xFFFFFFE0];
	v15 =	vadd.s32 $0x2800, v16  }
0x66: {  	v19 =	vunpack.i.l.bf16.f32 v17;
	v10 =	vld [tilespmem:s29+$0xFFFFFFF0]  }
0x67: {  	s31 =	sadd.s32 $0x40, s31;
	v18 =	vunpack.i.u.bf16.f32 v17;
	v13 =	vunpack.i.u.bf16.f32 v8;
	v9 =	vld [tilespmem:s29+$0x0];
	v17 =	vmul.f32 v19, v14  }
0x68: {  	_ =	sdelay $0x2  }
0x69: {  	v14 =	vmul.f32 v18, v14;
	v18 =	vunpack.i.l.bf16.f32 v12  }
0x6a: {  	v12 =	vunpack.i.u.bf16.f32 v12;
	[tilespmem:v16+s21+$0x0] =	vst.idx.add.f32.msk $0xffff, v17;
	v16 =	vmul.f32 v18, v11  }
0x6b: {  	v8 =	vunpack.i.l.bf16.f32 v8;
	[tilespmem:v15+s21+$0x0] =	vst.idx.add.f32.msk $0xffff, v14;
	v11 =	vmul.f32 v12, v11  }
0x6c: {  	v8 =	vmul.f32 v8, v10;
	[tilespmem:v5+s21+$0x0] =	vst.idx.add.f32.msk $0xffff, v16  }
0x6d: {  	v10 =	vmul.f32 v13, v10;
	v5 =	vunpack.i.l.bf16.f32 v7;
	[tilespmem:v6+s21+$0x0] =	vst.idx.add.f32.msk $0xffff, v11  }
0x6e: {  	v6 =	vunpack.i.u.bf16.f32 v7;
	v5 =	vmul.f32 v5, v9;
	[tilespmem:v2+s21+$0x0] =	vst.idx.add.f32.msk $0xffff, v8  }
0x6f: {  	v2 =	vmul.f32 v6, v9;
	[tilespmem:v3+s21+$0x0] =	vst.idx.add.f32.msk $0xffff, v10  }
0x70: {  	[tilespmem:v1+s21+$0x0] =	vst.idx.add.f32.msk $0xffff, v5  }
0x71: {  	[tilespmem:v4+s21+$0x0] =	vst.idx.add.f32.msk $0xffff, v2  }
0x72: {  	_ =	swait.ge [sflag:s22], $0x3E80  }
0x73: {  	[sflag:s22] =	ssyncset.done $0x0  }
0x74: {  	p0 =	seq.s32 s26, $0x9;
	[sflag:s22] =	ssyncadd.s32 $0xFFFFC180  }
0x75: {  	s28 =	sshrl.u32 @!p0 s28, $0x3;
	_ =	swait.ge [sflag:s23], $0x3E80  }
0x76: {  	s30 =	simm.s32 @!p0 $0x0;
	s28 =	sadd.s32 @!p0 $0xFA0, s28;
	[sflag:s23] =	ssyncset.done $0x0  }
0x77: {  	s31 =	simm.s32 @!p0 $0xC800;
	s29 =	sadd.s32 @!p0 s3, s28;
	[sflag:s23] =	ssyncadd.s32 $0xFFFFC180  }
0x78: {  	[tilespmem:s31], [sflag:$0x1] =	stream.linear.gather @!p0 [hbm4b:s29+s30], $0x3E80, $0x38;
	[tilespmem:$0x1C200] =	vst v63  }
0x79: {  	s28 =	sadd.s32 @!p0 s4, s28;
	s29 =	simm.s32 @!p0 $0x14500  }
0x7a: {  	[tilespmem:s29], [sflag:$0x3] =	stream.linear.gather @!p0 [hbm4b:s28+s30], $0x3E80, $0x38;
	[tilespmem:$0x1C200] =	vst v63  }
0x7b: {  	s28 =	simm.s32 $0x106A0  }
0x7c: {  	v6 =	vld [tilespmem:s28+$0x10]  }
0x7d: {  	v1 =	vld [tilespmem:s28+$0xFFFFFFF0];
	_ =	sdelay $0x1  }
0x7e: {  	v2 =	vld [tilespmem:s28+$0xFFFFFFE0]  }
0x7f: {  	v5 =	vld [tilespmem:s28+$0x0]  }
0x80: {  	v3 =	vshra.s32 v6, $0xF  }
0x81: {  	v4 =	vshra.s32 v1, $0xF;
	_ =	sdelay $0x1  }
0x82: {  	s28 =	simm.s32 $0x183A0;
	v7 =	vshra.s32 v2, $0xF  }
0x83: {  	v14 =	vld [tilespmem:s28+$0x10];
	v9 =	vshra.s32 v5, $0xF  }
0x84: {  	v17 =	vld.idx.msk [tilespmem:v3+s20+$0x0], $0xffff  }
0x85: {  	v8 =	vld.idx.msk [tilespmem:v4+s20+$0x0], $0xffff  }
0x86: {  	v11 =	vld [tilespmem:s28+$0xFFFFFFE0];
	v16 =	vand.u32 $0x7FFF, v6  }
0x87: {  	v15 =	vadd.s32 $0x2800, v16;
	v3 =	vand.u32 $0x7FFF, v1;
	v12 =	vld.idx.msk [tilespmem:v7+s20+$0x0], $0xffff  }
0x88: {  	v1 =	vand.u32 $0x7FFF, v5;
	v7 =	vld.idx.msk [tilespmem:v9+s20+$0x0], $0xffff;
	v5 =	vand.u32 $0x7FFF, v2;
	v4 =	vadd.s32 $0x2800, v3  }
0x89: {  	v10 =	vld [tilespmem:s28+$0xFFFFFFF0];
	v2 =	vadd.s32 $0x2800, v1;
	v6 =	vadd.s32 $0x2800, v5;
	v19 =	vunpack.i.l.bf16.f32 v17  }
0x8a: {  	s29 =	simm.s32 $0x0;
	s30 =	simm.s32 $0x106E0;
	v9 =	vld [tilespmem:s28+$0x0];
	v13 =	vunpack.i.u.bf16.f32 v8;
	v18 =	vunpack.i.u.bf16.f32 v17;
	v17 =	vmul.f32 v19, v14  }
.LBB2_10:
0x8b: {  	v19 =	vld [tilespmem:s30+$0x10];
	v8 =	vunpack.i.l.bf16.f32 v8;
	v14 =	vmul.f32 v18, v14  }
0x8c: {  	v18 =	vunpack.i.u.bf16.f32 v12;
	v12 =	vunpack.i.l.bf16.f32 v12;
	[tilespmem:v16+s21+$0x0] =	vst.idx.add.f32.msk $0xffff, v17  }
0x8d: {  	v16 =	vunpack.i.u.bf16.f32 v7;
	v7 =	vunpack.i.l.bf16.f32 v7;
	v12 =	vmul.f32 v12, v11;
	[tilespmem:v15+s21+$0x0] =	vst.idx.add.f32.msk $0xffff, v14  }
0x8e: {  	s29 =	sadd.s32 $0x4, s29;
	v11 =	vmul.f32 v18, v11;
	v14 =	vld [tilespmem:s30+$0xFFFFFFF0];
	v8 =	vmul.f32 v8, v10  }
0x8f: {  	p0 =	slt.u32 s29, $0x3E4;
	v10 =	vmul.f32 v13, v10;
	v15 =	vld [tilespmem:s30+$0x0];
	v7 =	vmul.f32 v7, v9  }
0x90: {  	v9 =	vmul.f32 v16, v9;
	v13 =	vld [tilespmem:s30+$0xFFFFFFE0]  }
0x91: {  	[tilespmem:v5+s21+$0x0] =	vst.idx.add.f32.msk $0xffff, v12  }
0x92: {  	v12 =	vshra.s32 v19, $0xF;
	[tilespmem:v6+s21+$0x0] =	vst.idx.add.f32.msk $0xffff, v11  }
0x93: {  	v11 =	vshra.s32 v14, $0xF;
	[tilespmem:v3+s21+$0x0] =	vst.idx.add.f32.msk $0xffff, v8;
	v3 =	vand.u32 $0x7FFF, v14  }
0x94: {  	v16 =	vshra.s32 v15, $0xF;
	v6 =	vand.u32 $0x7FFF, v15;
	[tilespmem:v4+s21+$0x0] =	vst.idx.add.f32.msk $0xffff, v10;
	v4 =	vadd.s32 $0x2800, v3  }
0x95: {  	v10 =	vshra.s32 v13, $0xF;
	v5 =	vand.u32 $0x7FFF, v13;
	v8 =	vadd.s32 $0x2800, v6;
	[tilespmem:v1+s21+$0x0] =	vst.idx.add.f32.msk $0xffff, v7;
	v1 =	vmovc v6  }
0x96: {  	v6 =	vadd.s32 $0x2800, v5;
	[tilespmem:v2+s21+$0x0] =	vst.idx.add.f32.msk $0xffff, v9;
	v2 =	vmov v8  }
0x97: {  	v17 =	vld.idx.msk [tilespmem:v12+s20+$0x0], $0xffff  }
0x98: {  	s28 =	sadd.s32 $0x40, s28;
	v8 =	vld.idx.msk [tilespmem:v11+s20+$0x0], $0xffff  }
0x99: {  	v14 =	vld [tilespmem:s28+$0x10]  }
.Ltmp4:
0x9a: {  	v12 =	vld.idx.msk [tilespmem:v10+s20+$0x0], $0xffff;
	(pc) =	sbr.rel @p0 .LBB2_10-.Ltmp4, $4  }
0x9b: {  	v7 =	vld.idx.msk [tilespmem:v16+s20+$0x0], $0xffff;
	v16 =	vand.u32 $0x7FFF, v19  }
0x9c: {  	v11 =	vld [tilespmem:s28+$0xFFFFFFE0];
	v15 =	vadd.s32 $0x2800, v16  }
0x9d: {  	v19 =	vunpack.i.l.bf16.f32 v17;
	v10 =	vld [tilespmem:s28+$0xFFFFFFF0]  }
0x9e: {  	s30 =	sadd.s32 $0x40, s30;
	v18 =	vunpack.i.u.bf16.f32 v17;
	v13 =	vunpack.i.u.bf16.f32 v8;
	v9 =	vld [tilespmem:s28+$0x0];
	v17 =	vmul.f32 v19, v14  }
0x9f: {  	_ =	sdelay $0x2  }
0xa0: {  	v14 =	vmul.f32 v18, v14;
	v57 =	vunpack.i.l.bf16.f32 v12  }
0xa1: {  	v58 =	vunpack.i.u.bf16.f32 v12;
	[tilespmem:v16+s21+$0x0] =	vst.idx.add.f32.msk $0xffff, v17;
	v59 =	vmul.f32 v57, v11  }
0xa2: {  	v8 =	vunpack.i.l.bf16.f32 v8;
	s26 =	sadd.s32 $0x1, s26;
	[tilespmem:v15+s21+$0x0] =	vst.idx.add.f32.msk $0xffff, v14;
	v60 =	vmul.f32 v58, v11  }
0xa3: {  	p0 =	sne.s32 s26, $0xA;
	v8 =	vmul.f32 v8, v10;
	[tilespmem:v5+s21+$0x0] =	vst.idx.add.f32.msk $0xffff, v59  }
.Ltmp5:
0xa4: {  	v61 =	vunpack.i.l.bf16.f32 v7;
	v62 =	vmul.f32 v13, v10;
	[tilespmem:v6+s21+$0x0] =	vst.idx.add.f32.msk $0xffff, v60;
	(pc) =	sbr.rel @p0 .LBB2_7-.Ltmp5, $4  }
0xa5: {  	v63 =	vunpack.i.u.bf16.f32 v7;
	v5 =	vmul.f32 v61, v9;
	[tilespmem:v3+s21+$0x0] =	vst.idx.add.f32.msk $0xffff, v8  }
0xa6: {  	v3 =	vmul.f32 v63, v9;
	[tilespmem:v4+s21+$0x0] =	vst.idx.add.f32.msk $0xffff, v62  }
0xa7: {  	[tilespmem:v1+s21+$0x0] =	vst.idx.add.f32.msk $0xffff, v5  }
0xa8: {  	[tilespmem:v2+s21+$0x0] =	vst.idx.add.f32.msk $0xffff, v3  }
0xa9: {  	[hbm4b:s6+s10] =	stream.strided.scatter [tilespmem:s21], [sflag:$0x5], $0x2800, s11, s10, $0x38;
	[tilespmem:$0x1C200] =	vst v63  }
0xaa: {  	s25 =	sadd.s32 $0x1, s25;
	_ =	swait.ge [sflag:s12], $0x2800  }
0xab: {  	p0 =	sne.s32 s25, s9;
	[sflag:s12] =	ssyncset.done $0x0  }
.Ltmp6:
0xac: {  	[sflag:s12] =	ssyncadd.s32 $0xFFFFD800;
	(pc) =	sbr.rel @p0 .LBB2_2-.Ltmp6, $4  }
0xad: {  	[hbm4b:s7+s10] =	stream.strided.scatter [tilespmem:s24], [sflag:$0x5], $0x2800, s11, s10, $0x38;
	[tilespmem:$0x1C200] =	vst v63  }
0xae: {  	_ =	swait.ge [sflag:s12], $0x2800  }
0xaf: {  	[sflag:s12] =	ssyncset.done $0x0  }
0xb0: {  	[sflag:s12] =	ssyncadd.s32 $0xFFFFD800  }
.LBB2_13:
0xb1: {  	_ =	sfence.sel $0x180000  }
0xb2: {  	[bflag:$0x0] =	sbarrier.arrive $0xFFFF  }
0xb3: {  	p0 =	sne.s32 s1, $0x0;
	_ =	strace $0x90000050  }
0xb4: {  	s0 =	sadd.s32 @!p0 $0x100000, s0;
	[bflag:$0x2] =	sbarrier.arrive $0xFFFF  }
0xb5: {  	[sflag:s0] =	ssyncadd.tile.s32 @!p0 $0x1;
	_ =	shalt  }
.Lfunc_end2:
_tile_overlayer_lowered:
.L_overlay_start_2:
0xb6: {  	(tag) =	ssettag $0x2  }
0xb7: {  	s0 =	rddreg [dreg:$0x0];
	s2 =	stileid.u32  }
0xb8: {  	s1 =	rddreg [dreg:$0x1];
	p0 =	sne.s32 s2, $0x0  }
0xb9: {  	s3 =	rddreg [dreg:$0x2];
	[bflag:$0x3] =	sbarrier.arrive $0xFFFF;
	s2 =	simm.s32 @!p0 $0x1C05  }
0xba: {  	[timem:s3], [sflag:s2] =	dma.local @!p0 [hbm:s0], s1  }
0xbb: {  	s0 =	simm.s32 @!p0 $0x5  }
0xbc: {  	_ =	swait.ge @!p0 [sflag:s0], s1  }
0xbd: {  	s1 =	ssub.s32 @!p0 $0x0, s1;
	[sflag:s0] =	ssyncset.done @!p0 $0x0  }
0xbe: {  	[sflag:s0] =	ssyncadd.s32 @!p0 s1  }
0xbf: {  	[bflag:$0x3] =	sbarrier.arrive $0xFFFF  }
0xc0: {  	_ =	shalt  }

</sc_bundles>
